<compile_context>
chip_gen: v7x
topology: tpu7x:2x2x1
jax: 0.10.2.dev20260603
libtpu: 0.0.44.dev20260713+nightly
codegen_flags: <defaults>
</compile_context>

<pallas_src>
import jax
import jax.numpy as jnp
from jax import lax
from jax.experimental import pallas as pl
from jax.experimental.pallas import tpu as pltpu
from jax.experimental.pallas import tpu_sc as plsc

VOCAB = 50257
D = 128
NC = 2
NS = 16
NW = NC * NS

B = 16384 * 200
CH = 128
NCHUNK = B // CH
CPW = NCHUNK // NW
IK = 80
NGROUP = CPW // IK
NBUF = 5
LA = 2


def _body(tok_hbm, tab_hbm, out_hbm,
          idx0, idx1, r0, r1, r2, r3, r4,
          g0, g1, g2, g3, g4, s0, s1, s2, s3, s4, i0, i1):
    rows = (r0, r1, r2, r3, r4)
    idxb = (idx0, idx1)
    gsem = (g0, g1, g2, g3, g4)
    ssem = (s0, s1, s2, s3, s4)
    isem = (i0, i1)

    wid = lax.axis_index("s") * NC + lax.axis_index("c")
    chunk0 = wid * CPW

    def gwait(b):
        pltpu.make_async_copy(tab_hbm.at[pl.ds(0, CH)], rows[b], gsem[b]).wait()

    def swait(b):
        pltpu.make_async_copy(rows[b], out_hbm.at[pl.ds(0, CH)], ssem[b]).wait()

    def gstart(b, ib, row):
        pltpu.async_copy(tab_hbm.at[ib.at[row]], rows[b], gsem[b])

    def sstart(b, gchunk):
        pltpu.async_copy(rows[b], out_hbm.at[pl.ds(gchunk * CH, CH)], ssem[b])

    pltpu.sync_copy(tok_hbm.at[pl.ds(chunk0, IK)], idxb[0])

    for G in range(NGROUP):
        ib = idxb[G % 2]
        gc0 = chunk0 + G * IK
        if G > 0:
            pltpu.make_async_copy(tok_hbm.at[pl.ds(0, IK)], ib, isem[G % 2]).wait()
        if G + 1 < NGROUP:
            pltpu.async_copy(tok_hbm.at[pl.ds(gc0 + IK, IK)],
                             idxb[(G + 1) % 2], isem[(G + 1) % 2])

        for b in range(LA):
            if G > 0:
                swait(b)
            gstart(b, ib, b)

        def step(s, carry):
            for b in range(NBUF):
                g = s * NBUF + b
                f = g + LA
                fb = (b + LA) % NBUF

                if G == 0:
                    @pl.when(jnp.logical_and(f < IK, f >= NBUF))
                    def _():
                        swait(fb)
                        gstart(fb, ib, f)

                    @pl.when(f < NBUF)
                    def _():
                        gstart(fb, ib, f)
                else:
                    @pl.when(f < IK)
                    def _():
                        swait(fb)
                        gstart(fb, ib, f)

                gwait(b)
                sstart(b, gc0 + g)
            return carry

        lax.fori_loop(0, IK // NBUF, step, 0)

    for b in range(NBUF):
        swait(b)


@jax.jit
def _embed(tokens2d, table):
    kern = pl.kernel(
        _body,
        out_type=jax.ShapeDtypeStruct((B, D), jnp.float32),
        mesh=plsc.VectorSubcoreMesh(
            core_axis_name="c", subcore_axis_name="s",
            num_cores=NC, num_subcores=NS),
        scratch_types=[
            pltpu.VMEM((IK, CH), jnp.int32),
            pltpu.VMEM((IK, CH), jnp.int32),
        ] + [pltpu.VMEM((CH, D), jnp.float32)] * 5
          + [pltpu.SemaphoreType.DMA] * 12,
    )
    return kern(tokens2d, table)


def kernel(tokens, table):
    tokens2d = tokens.reshape(NCHUNK, CH).astype(jnp.int32)
    out = _embed(tokens2d, table)
    return out.reshape(tokens.shape + (D,))

# --- scband reference (transcript-rebuilt; emitter-appended) ---
"""Pipeline reference for scband-embedding-model-64561948393544 (READ-ONLY COPY).

The authoritative reference and input builder live on the scoring server;
editing this copy changes nothing except your own understanding.
"""

import jax, jax.numpy as jnp
import numpy as np

VOCAB = 50257
EMBED_DIM = 128

def setup_inputs(seed: int = 0) -> dict:
    key = jax.random.key(seed)
    k1, k2 = jax.random.split(key)
    tokens = jax.random.randint(k1, (16384, 200), 0, VOCAB, dtype=jnp.int64 if jax.config.jax_enable_x64 else jnp.int32)
    table = jax.random.normal(k2, (VOCAB, EMBED_DIM), dtype=jnp.float32)
    return {"tokens": tokens, "table": table}

def reference(tokens, table):
    # nn.Embedding forward: row gather from the embedding table
    return jnp.take(table, tokens, axis=0)

if __name__ == "__main__":
    import jax
    _d = setup_inputs()
    print(jax.jit(kernel)(*tuple(_d.values())))

</pallas_src>

<mosaic_0001>
#map = affine_map<(d0, d1) -> (0, 0)>
module attributes {stable_mosaic.version = 14 : i64} {
  func.func @_body(%arg0: i32, %arg1: i32, %arg2: memref<25600x128xi32, #tpu.memory_space<hbm>>, %arg3: memref<50257x128xf32, #tpu.memory_space<hbm>>, %arg4: memref<3276800x128xf32, #tpu.memory_space<hbm>>, %arg5: memref<80x128xi32, #tpu.memory_space<vmem>>, %arg6: memref<80x128xi32, #tpu.memory_space<vmem>>, %arg7: memref<128x128xf32, #tpu.memory_space<vmem>>, %arg8: memref<128x128xf32, #tpu.memory_space<vmem>>, %arg9: memref<128x128xf32, #tpu.memory_space<vmem>>, %arg10: memref<128x128xf32, #tpu.memory_space<vmem>>, %arg11: memref<128x128xf32, #tpu.memory_space<vmem>>, %arg12: memref<!tpu.dma_semaphore, #tpu.memory_space<semaphore_mem>>, %arg13: memref<!tpu.dma_semaphore, #tpu.memory_space<semaphore_mem>>, %arg14: memref<!tpu.dma_semaphore, #tpu.memory_space<semaphore_mem>>, %arg15: memref<!tpu.dma_semaphore, #tpu.memory_space<semaphore_mem>>, %arg16: memref<!tpu.dma_semaphore, #tpu.memory_space<semaphore_mem>>, %arg17: memref<!tpu.dma_semaphore, #tpu.memory_space<semaphore_mem>>, %arg18: memref<!tpu.dma_semaphore, #tpu.memory_space<semaphore_mem>>, %arg19: memref<!tpu.dma_semaphore, #tpu.memory_space<semaphore_mem>>, %arg20: memref<!tpu.dma_semaphore, #tpu.memory_space<semaphore_mem>>, %arg21: memref<!tpu.dma_semaphore, #tpu.memory_space<semaphore_mem>>, %arg22: memref<!tpu.dma_semaphore, #tpu.memory_space<semaphore_mem>>, %arg23: memref<!tpu.dma_semaphore, #tpu.memory_space<semaphore_mem>>) attributes {dimension_semantics = [#tpu.dimension_semantics<core_parallel>, #tpu.dimension_semantics<subcore_parallel>], iteration_bounds = array<i64: 2, 16>, scalar_prefetch = 0 : i64, scratch_operands = 19 : i64, tpu.core_type = #tpu.core_type<sc_vector_subcore>, window_params = [{transform_indices = #map}, {transform_indices = #map}, {transform_indices = #map}]} {
    %mul3A = arith.constant 2 : i32
    %mul3A_0 = arith.muli %arg1, %mul3A : i32
    %add3A = arith.addi %mul3A_0, %arg0 : i32
    %mul3A_1 = arith.constant 800 : i32
    %mul3A_2 = arith.muli %add3A, %mul3A_1 : i32
    "tpu.region"() ({
      %run_scoped3A = tpu.sem_alloc : memref<!tpu.dma_semaphore, #tpu.memory_space<semaphore_mem>>
      %dma_start3A_466 = arith.constant 0 : i32
      %dma_start3A_467 = tpu.memref_slice %arg2[%mul3A_2, %dma_start3A_466] : memref<25600x128xi32, #tpu.memory_space<hbm>> -> memref<80x128xi32, #tpu.memory_space<hbm>>
      %dma_start3A_468 = arith.constant 0 : i32
      %dma_start3A_469 = tpu.memref_slice %arg2[%mul3A_2, %dma_start3A_468] : memref<25600x128xi32, #tpu.memory_space<hbm>> -> memref<80x128xi32, #tpu.memory_space<hbm>>
      tpu.enqueue_dma source(%dma_start3A_469 : memref<80x128xi32, #tpu.memory_space<hbm>>) target(%arg5 : memref<80x128xi32, #tpu.memory_space<vmem>>) target_semaphore(%run_scoped3A : memref<!tpu.dma_semaphore, #tpu.memory_space<semaphore_mem>>)
      %dma_wait3A_470 = arith.constant 0 : i32
      %dma_wait3A_471 = tpu.memref_slice %arg2[%mul3A_2, %dma_wait3A_470] : memref<25600x128xi32, #tpu.memory_space<hbm>> -> memref<80x128xi32, #tpu.memory_space<hbm>>
      %dma_wait3A_472 = arith.constant 0 : i32
      %dma_wait3A_473 = tpu.memref_slice %arg2[%mul3A_2, %dma_wait3A_472] : memref<25600x128xi32, #tpu.memory_space<hbm>> -> memref<80x128xi32, #tpu.memory_space<hbm>>
      tpu.wait_dma2 semaphore(%run_scoped3A : memref<!tpu.dma_semaphore, #tpu.memory_space<semaphore_mem>>) src(%dma_wait3A_473 : memref<80x128xi32, #tpu.memory_space<hbm>>) dst(%arg5 : memref<80x128xi32, #tpu.memory_space<vmem>>)
      tpu.yield
    }) : () -> ()
    %add3A_3 = arith.constant 0 : i32
    %add3A_4 = arith.addi %mul3A_2, %add3A_3 : i32
    %add3A_5 = arith.constant 80 : i32
    %add3A_6 = arith.addi %add3A_4, %add3A_5 : i32
    %dma_start3A = arith.constant 0 : i32
    %dma_start3A_7 = tpu.memref_slice %arg2[%add3A_6, %dma_start3A] : memref<25600x128xi32, #tpu.memory_space<hbm>> -> memref<80x128xi32, #tpu.memory_space<hbm>>
    %dma_start3A_8 = arith.constant 0 : i32
    %dma_start3A_9 = tpu.memref_slice %arg2[%add3A_6, %dma_start3A_8] : memref<25600x128xi32, #tpu.memory_space<hbm>> -> memref<80x128xi32, #tpu.memory_space<hbm>>
    tpu.enqueue_dma source(%dma_start3A_9 : memref<80x128xi32, #tpu.memory_space<hbm>>) target(%arg6 : memref<80x128xi32, #tpu.memory_space<vmem>>) target_semaphore(%arg23 : memref<!tpu.dma_semaphore, #tpu.memory_space<semaphore_mem>>)
    %dma_start3A_10 = arith.constant 0 : i32
    %dma_start3A_11 = arith.constant 0 : i32
    %dma_start3A_12 = tpu.memref_slice %arg5[%dma_start3A_10, %dma_start3A_11] : memref<80x128xi32, #tpu.memory_space<vmem>> -> memref<1x128xi32, #tpu.memory_space<vmem>>
    %dma_start3A_13 = tpu.memref_squeeze %dma_start3A_12 : memref<1x128xi32, #tpu.memory_space<vmem>> -> memref<128xi32, #tpu.memory_space<vmem>>
    %dma_start3A_14 = arith.constant 0 : i32
    %dma_start3A_15 = arith.constant 0 : i32
    %dma_start3A_16 = tpu.memref_slice %arg3[%dma_start3A_14, %dma_start3A_15] : memref<50257x128xf32, #tpu.memory_space<hbm>> -> memref<50257x128xf32, #tpu.memory_space<hbm>>
    tpu.enqueue_indirect_dma source(%dma_start3A_16 : memref<50257x128xf32, #tpu.memory_space<hbm>>) target(%arg7 : memref<128x128xf32, #tpu.memory_space<vmem>>) offsets(%dma_start3A_13 : memref<128xi32, #tpu.memory_space<vmem>>) semaphore(%arg12 : memref<!tpu.dma_semaphore, #tpu.memory_space<semaphore_mem>>)
    %dma_start3A_17 = arith.constant 1 : i32
    %dma_start3A_18 = arith.constant 0 : i32
    %dma_start3A_19 = tpu.memref_slice %arg5[%dma_start3A_17, %dma_start3A_18] : memref<80x128xi32, #tpu.memory_space<vmem>> -> memref<1x128xi32, #tpu.memory_space<vmem>>
    %dma_start3A_20 = tpu.memref_squeeze %dma_start3A_19 : memref<1x128xi32, #tpu.memory_space<vmem>> -> memref<128xi32, #tpu.memory_space<vmem>>
    %dma_start3A_21 = arith.constant 0 : i32
    %dma_start3A_22 = arith.constant 0 : i32
    %dma_start3A_23 = tpu.memref_slice %arg3[%dma_start3A_21, %dma_start3A_22] : memref<50257x128xf32, #tpu.memory_space<hbm>> -> memref<50257x128xf32, #tpu.memory_space<hbm>>
    tpu.enqueue_indirect_dma source(%dma_start3A_23 : memref<50257x128xf32, #tpu.memory_space<hbm>>) target(%arg8 : memref<128x128xf32, #tpu.memory_space<vmem>>) offsets(%dma_start3A_20 : memref<128xi32, #tpu.memory_space<vmem>>) semaphore(%arg13 : memref<!tpu.dma_semaphore, #tpu.memory_space<semaphore_mem>>)
    %scan3A = arith.constant 0 : i32
    %scan3A_24 = arith.constant 0 : i32
    %scan3A_25 = arith.constant 16 : i32
    %scan3A_26 = arith.addi %scan3A_24, %scan3A_25 : i32
    %scan3A_27 = arith.constant 1 : i32
    scf.for %scan3A_466 = %scan3A_24 to %scan3A_26 step %scan3A_27  : i32 {
      %mul3A_467 = arith.constant 5 : i32
      %mul3A_468 = arith.muli %scan3A_466, %mul3A_467 : i32
      %add3A_469 = arith.constant 0 : i32
      %add3A_470 = arith.addi %mul3A_468, %add3A_469 : i32
      %add3A_471 = arith.constant 2 : i32
      %add3A_472 = arith.addi %add3A_470, %add3A_471 : i32
      %lt3A = arith.constant 80 : i32
      %lt3A_473 = arith.cmpi slt, %add3A_472, %lt3A : i32
      %ge3A = arith.constant 5 : i32
      %ge3A_474 = arith.cmpi sge, %add3A_472, %ge3A : i32
      %and3A = arith.andi %lt3A_473, %ge3A_474 : i1
      %convert_element_type3A = arith.extui %and3A : i1 to i32
      %cond3A = arith.constant 0 : i32
      %cond3A_475 = arith.cmpi ne, %convert_element_type3A, %cond3A : i32
      scf.if %cond3A_475 {
        %dma_wait3A_622 = arith.constant 0 : i32
        %dma_wait3A_623 = arith.constant 0 : i32
        %dma_wait3A_624 = tpu.memref_slice %arg4[%dma_wait3A_622, %dma_wait3A_623] : memref<3276800x128xf32, #tpu.memory_space<hbm>> -> memref<128x128xf32, #tpu.memory_space<hbm>>
        %dma_wait3A_625 = arith.constant 0 : i32
        %dma_wait3A_626 = arith.constant 0 : i32
        %dma_wait3A_627 = tpu.memref_slice %arg4[%dma_wait3A_625, %dma_wait3A_626] : memref<3276800x128xf32, #tpu.memory_space<hbm>> -> memref<128x128xf32, #tpu.memory_space<hbm>>
        tpu.wait_dma2 semaphore(%arg19 : memref<!tpu.dma_semaphore, #tpu.memory_space<semaphore_mem>>) src(%arg9 : memref<128x128xf32, #tpu.memory_space<vmem>>) dst(%dma_wait3A_627 : memref<128x128xf32, #tpu.memory_space<hbm>>)
        %dma_start3A_628 = arith.constant 0 : i32
        %dma_start3A_629 = tpu.memref_slice %arg5[%add3A_472, %dma_start3A_628] : memref<80x128xi32, #tpu.memory_space<vmem>> -> memref<1x128xi32, #tpu.memory_space<vmem>>
        %dma_start3A_630 = tpu.memref_squeeze %dma_start3A_629 : memref<1x128xi32, #tpu.memory_space<vmem>> -> memref<128xi32, #tpu.memory_space<vmem>>
        %dma_start3A_631 = arith.constant 0 : i32
        %dma_start3A_632 = arith.constant 0 : i32
        %dma_start3A_633 = tpu.memref_slice %arg3[%dma_start3A_631, %dma_start3A_632] : memref<50257x128xf32, #tpu.memory_space<hbm>> -> memref<50257x128xf32, #tpu.memory_space<hbm>>
        tpu.enqueue_indirect_dma source(%dma_start3A_633 : memref<50257x128xf32, #tpu.memory_space<hbm>>) target(%arg9 : memref<128x128xf32, #tpu.memory_space<vmem>>) offsets(%dma_start3A_630 : memref<128xi32, #tpu.memory_space<vmem>>) semaphore(%arg14 : memref<!tpu.dma_semaphore, #tpu.memory_space<semaphore_mem>>)
      } else {
      }
      %lt3A_476 = arith.constant 5 : i32
      %lt3A_477 = arith.cmpi slt, %add3A_472, %lt3A_476 : i32
      %convert_element_type3A_478 = arith.extui %lt3A_477 : i1 to i32
      %cond3A_479 = arith.constant 0 : i32
      %cond3A_480 = arith.cmpi ne, %convert_element_type3A_478, %cond3A_479 : i32
      scf.if %cond3A_480 {
        %dma_start3A_622 = arith.constant 0 : i32
        %dma_start3A_623 = tpu.memref_slice %arg5[%add3A_472, %dma_start3A_622] : memref<80x128xi32, #tpu.memory_space<vmem>> -> memref<1x128xi32, #tpu.memory_space<vmem>>
        %dma_start3A_624 = tpu.memref_squeeze %dma_start3A_623 : memref<1x128xi32, #tpu.memory_space<vmem>> -> memref<128xi32, #tpu.memory_space<vmem>>
        %dma_start3A_625 = arith.constant 0 : i32
        %dma_start3A_626 = arith.constant 0 : i32
        %dma_start3A_627 = tpu.memref_slice %arg3[%dma_start3A_625, %dma_start3A_626] : memref<50257x128xf32, #tpu.memory_space<hbm>> -> memref<50257x128xf32, #tpu.memory_space<hbm>>
        tpu.enqueue_indirect_dma source(%dma_start3A_627 : memref<50257x128xf32, #tpu.memory_space<hbm>>) target(%arg9 : memref<128x128xf32, #tpu.memory_space<vmem>>) offsets(%dma_start3A_624 : memref<128xi32, #tpu.memory_space<vmem>>) semaphore(%arg14 : memref<!tpu.dma_semaphore, #tpu.memory_space<semaphore_mem>>)
      } else {
      }
      %dma_wait3A_481 = arith.constant 0 : i32
      %dma_wait3A_482 = arith.constant 0 : i32
      %dma_wait3A_483 = tpu.memref_slice %arg3[%dma_wait3A_481, %dma_wait3A_482] : memref<50257x128xf32, #tpu.memory_space<hbm>> -> memref<128x128xf32, #tpu.memory_space<hbm>>
      %dma_wait3A_484 = arith.constant 0 : i32
      %dma_wait3A_485 = arith.constant 0 : i32
      %dma_wait3A_486 = tpu.memref_slice %arg3[%dma_wait3A_484, %dma_wait3A_485] : memref<50257x128xf32, #tpu.memory_space<hbm>> -> memref<128x128xf32, #tpu.memory_space<hbm>>
      tpu.wait_dma2 semaphore(%arg12 : memref<!tpu.dma_semaphore, #tpu.memory_space<semaphore_mem>>) src(%dma_wait3A_486 : memref<128x128xf32, #tpu.memory_space<hbm>>) dst(%arg7 : memref<128x128xf32, #tpu.memory_space<vmem>>)
      %add3A_487 = arith.addi %add3A_4, %add3A_470 : i32
      %mul3A_488 = arith.constant 128 : i32
      %mul3A_489 = arith.muli %add3A_487, %mul3A_488 : i32
      %dma_start3A_490 = arith.constant 0 : i32
      %dma_start3A_491 = tpu.memref_slice %arg4[%mul3A_489, %dma_start3A_490] : memref<3276800x128xf32, #tpu.memory_space<hbm>> -> memref<128x128xf32, #tpu.memory_space<hbm>>
      %dma_start3A_492 = arith.constant 0 : i32
      %dma_start3A_493 = tpu.memref_slice %arg4[%mul3A_489, %dma_start3A_492] : memref<3276800x128xf32, #tpu.memory_space<hbm>> -> memref<128x128xf32, #tpu.memory_space<hbm>>
      tpu.enqueue_dma source(%arg7 : memref<128x128xf32, #tpu.memory_space<vmem>>) target(%dma_start3A_493 : memref<128x128xf32, #tpu.memory_space<hbm>>) target_semaphore(%arg17 : memref<!tpu.dma_semaphore, #tpu.memory_space<semaphore_mem>>)
      %mul3A_494 = arith.constant 5 : i32
      %mul3A_495 = arith.muli %scan3A_466, %mul3A_494 : i32
      %add3A_496 = arith.constant 1 : i32
      %add3A_497 = arith.addi %mul3A_495, %add3A_496 : i32
      %add3A_498 = arith.constant 2 : i32
      %add3A_499 = arith.addi %add3A_497, %add3A_498 : i32
      %lt3A_500 = arith.constant 80 : i32
      %lt3A_501 = arith.cmpi slt, %add3A_499, %lt3A_500 : i32
      %ge3A_502 = arith.constant 5 : i32
      %ge3A_503 = arith.cmpi sge, %add3A_499, %ge3A_502 : i32
      %and3A_504 = arith.andi %lt3A_501, %ge3A_503 : i1
      %convert_element_type3A_505 = arith.extui %and3A_504 : i1 to i32
      %cond3A_506 = arith.constant 0 : i32
      %cond3A_507 = arith.cmpi ne, %convert_element_type3A_505, %cond3A_506 : i32
      scf.if %cond3A_507 {
        %dma_wait3A_622 = arith.constant 0 : i32
        %dma_wait3A_623 = arith.constant 0 : i32
        %dma_wait3A_624 = tpu.memref_slice %arg4[%dma_wait3A_622, %dma_wait3A_623] : memref<3276800x128xf32, #tpu.memory_space<hbm>> -> memref<128x128xf32, #tpu.memory_space<hbm>>
        %dma_wait3A_625 = arith.constant 0 : i32
        %dma_wait3A_626 = arith.constant 0 : i32
        %dma_wait3A_627 = tpu.memref_slice %arg4[%dma_wait3A_625, %dma_wait3A_626] : memref<3276800x128xf32, #tpu.memory_space<hbm>> -> memref<128x128xf32, #tpu.memory_space<hbm>>
        tpu.wait_dma2 semaphore(%arg20 : memref<!tpu.dma_semaphore, #tpu.memory_space<semaphore_mem>>) src(%arg10 : memref<128x128xf32, #tpu.memory_space<vmem>>) dst(%dma_wait3A_627 : memref<128x128xf32, #tpu.memory_space<hbm>>)
        %dma_start3A_628 = arith.constant 0 : i32
        %dma_start3A_629 = tpu.memref_slice %arg5[%add3A_499, %dma_start3A_628] : memref<80x128xi32, #tpu.memory_space<vmem>> -> memref<1x128xi32, #tpu.memory_space<vmem>>
        %dma_start3A_630 = tpu.memref_squeeze %dma_start3A_629 : memref<1x128xi32, #tpu.memory_space<vmem>> -> memref<128xi32, #tpu.memory_space<vmem>>
        %dma_start3A_631 = arith.constant 0 : i32
        %dma_start3A_632 = arith.constant 0 : i32
        %dma_start3A_633 = tpu.memref_slice %arg3[%dma_start3A_631, %dma_start3A_632] : memref<50257x128xf32, #tpu.memory_space<hbm>> -> memref<50257x128xf32, #tpu.memory_space<hbm>>
        tpu.enqueue_indirect_dma source(%dma_start3A_633 : memref<50257x128xf32, #tpu.memory_space<hbm>>) target(%arg10 : memref<128x128xf32, #tpu.memory_space<vmem>>) offsets(%dma_start3A_630 : memref<128xi32, #tpu.memory_space<vmem>>) semaphore(%arg15 : memref<!tpu.dma_semaphore, #tpu.memory_space<semaphore_mem>>)
      } else {
      }
      %lt3A_508 = arith.constant 5 : i32
      %lt3A_509 = arith.cmpi slt, %add3A_499, %lt3A_508 : i32
      %convert_element_type3A_510 = arith.extui %lt3A_509 : i1 to i32
      %cond3A_511 = arith.constant 0 : i32
      %cond3A_512 = arith.cmpi ne, %convert_element_type3A_510, %cond3A_511 : i32
      scf.if %cond3A_512 {
        %dma_start3A_622 = arith.constant 0 : i32
        %dma_start3A_623 = tpu.memref_slice %arg5[%add3A_499, %dma_start3A_622] : memref<80x128xi32, #tpu.memory_space<vmem>> -> memref<1x128xi32, #tpu.memory_space<vmem>>
        %dma_start3A_624 = tpu.memref_squeeze %dma_start3A_623 : memref<1x128xi32, #tpu.memory_space<vmem>> -> memref<128xi32, #tpu.memory_space<vmem>>
        %dma_start3A_625 = arith.constant 0 : i32
        %dma_start3A_626 = arith.constant 0 : i32
        %dma_start3A_627 = tpu.memref_slice %arg3[%dma_start3A_625, %dma_start3A_626] : memref<50257x128xf32, #tpu.memory_space<hbm>> -> memref<50257x128xf32, #tpu.memory_space<hbm>>
        tpu.enqueue_indirect_dma source(%dma_start3A_627 : memref<50257x128xf32, #tpu.memory_space<hbm>>) target(%arg10 : memref<128x128xf32, #tpu.memory_space<vmem>>) offsets(%dma_start3A_624 : memref<128xi32, #tpu.memory_space<vmem>>) semaphore(%arg15 : memref<!tpu.dma_semaphore, #tpu.memory_space<semaphore_mem>>)
      } else {
      }
      %dma_wait3A_513 = arith.constant 0 : i32
      %dma_wait3A_514 = arith.constant 0 : i32
      %dma_wait3A_515 = tpu.memref_slice %arg3[%dma_wait3A_513, %dma_wait3A_514] : memref<50257x128xf32, #tpu.memory_space<hbm>> -> memref<128x128xf32, #tpu.memory_space<hbm>>
      %dma_wait3A_516 = arith.constant 0 : i32
      %dma_wait3A_517 = arith.constant 0 : i32
      %dma_wait3A_518 = tpu.memref_slice %arg3[%dma_wait3A_516, %dma_wait3A_517] : memref<50257x128xf32, #tpu.memory_space<hbm>> -> memref<128x128xf32, #tpu.memory_space<hbm>>
      tpu.wait_dma2 semaphore(%arg13 : memref<!tpu.dma_semaphore, #tpu.memory_space<semaphore_mem>>) src(%dma_wait3A_518 : memref<128x128xf32, #tpu.memory_space<hbm>>) dst(%arg8 : memref<128x128xf32, #tpu.memory_space<vmem>>)
      %add3A_519 = arith.addi %add3A_4, %add3A_497 : i32
      %mul3A_520 = arith.constant 128 : i32
      %mul3A_521 = arith.muli %add3A_519, %mul3A_520 : i32
      %dma_start3A_522 = arith.constant 0 : i32
      %dma_start3A_523 = tpu.memref_slice %arg4[%mul3A_521, %dma_start3A_522] : memref<3276800x128xf32, #tpu.memory_space<hbm>> -> memref<128x128xf32, #tpu.memory_space<hbm>>
      %dma_start3A_524 = arith.constant 0 : i32
      %dma_start3A_525 = tpu.memref_slice %arg4[%mul3A_521, %dma_start3A_524] : memref<3276800x128xf32, #tpu.memory_space<hbm>> -> memref<128x128xf32, #tpu.memory_space<hbm>>
      tpu.enqueue_dma source(%arg8 : memref<128x128xf32, #tpu.memory_space<vmem>>) target(%dma_start3A_525 : memref<128x128xf32, #tpu.memory_space<hbm>>) target_semaphore(%arg18 : memref<!tpu.dma_semaphore, #tpu.memory_space<semaphore_mem>>)
      %mul3A_526 = arith.constant 5 : i32
      %mul3A_527 = arith.muli %scan3A_466, %mul3A_526 : i32
      %add3A_528 = arith.constant 2 : i32
      %add3A_529 = arith.addi %mul3A_527, %add3A_528 : i32
      %add3A_530 = arith.constant 2 : i32
      %add3A_531 = arith.addi %add3A_529, %add3A_530 : i32
      %lt3A_532 = arith.constant 80 : i32
      %lt3A_533 = arith.cmpi slt, %add3A_531, %lt3A_532 : i32
      %ge3A_534 = arith.constant 5 : i32
      %ge3A_535 = arith.cmpi sge, %add3A_531, %ge3A_534 : i32
      %and3A_536 = arith.andi %lt3A_533, %ge3A_535 : i1
      %convert_element_type3A_537 = arith.extui %and3A_536 : i1 to i32
      %cond3A_538 = arith.constant 0 : i32
      %cond3A_539 = arith.cmpi ne, %convert_element_type3A_537, %cond3A_538 : i32
      scf.if %cond3A_539 {
        %dma_wait3A_622 = arith.constant 0 : i32
        %dma_wait3A_623 = arith.constant 0 : i32
        %dma_wait3A_624 = tpu.memref_slice %arg4[%dma_wait3A_622, %dma_wait3A_623] : memref<3276800x128xf32, #tpu.memory_space<hbm>> -> memref<128x128xf32, #tpu.memory_space<hbm>>
        %dma_wait3A_625 = arith.constant 0 : i32
        %dma_wait3A_626 = arith.constant 0 : i32
        %dma_wait3A_627 = tpu.memref_slice %arg4[%dma_wait3A_625, %dma_wait3A_626] : memref<3276800x128xf32, #tpu.memory_space<hbm>> -> memref<128x128xf32, #tpu.memory_space<hbm>>
        tpu.wait_dma2 semaphore(%arg21 : memref<!tpu.dma_semaphore, #tpu.memory_space<semaphore_mem>>) src(%arg11 : memref<128x128xf32, #tpu.memory_space<vmem>>) dst(%dma_wait3A_627 : memref<128x128xf32, #tpu.memory_space<hbm>>)
        %dma_start3A_628 = arith.constant 0 : i32
        %dma_start3A_629 = tpu.memref_slice %arg5[%add3A_531, %dma_start3A_628] : memref<80x128xi32, #tpu.memory_space<vmem>> -> memref<1x128xi32, #tpu.memory_space<vmem>>
        %dma_start3A_630 = tpu.memref_squeeze %dma_start3A_629 : memref<1x128xi32, #tpu.memory_space<vmem>> -> memref<128xi32, #tpu.memory_space<vmem>>
        %dma_start3A_631 = arith.constant 0 : i32
        %dma_start3A_632 = arith.constant 0 : i32
        %dma_start3A_633 = tpu.memref_slice %arg3[%dma_start3A_631, %dma_start3A_632] : memref<50257x128xf32, #tpu.memory_space<hbm>> -> memref<50257x128xf32, #tpu.memory_space<hbm>>
        tpu.enqueue_indirect_dma source(%dma_start3A_633 : memref<50257x128xf32, #tpu.memory_space<hbm>>) target(%arg11 : memref<128x128xf32, #tpu.memory_space<vmem>>) offsets(%dma_start3A_630 : memref<128xi32, #tpu.memory_space<vmem>>) semaphore(%arg16 : memref<!tpu.dma_semaphore, #tpu.memory_space<semaphore_mem>>)
      } else {
      }
      %lt3A_540 = arith.constant 5 : i32
      %lt3A_541 = arith.cmpi slt, %add3A_531, %lt3A_540 : i32
      %convert_element_type3A_542 = arith.extui %lt3A_541 : i1 to i32
      %cond3A_543 = arith.constant 0 : i32
      %cond3A_544 = arith.cmpi ne, %convert_element_type3A_542, %cond3A_543 : i32
      scf.if %cond3A_544 {
        %dma_start3A_622 = arith.constant 0 : i32
        %dma_start3A_623 = tpu.memref_slice %arg5[%add3A_531, %dma_start3A_622] : memref<80x128xi32, #tpu.memory_space<vmem>> -> memref<1x128xi32, #tpu.memory_space<vmem>>
        %dma_start3A_624 = tpu.memref_squeeze %dma_start3A_623 : memref<1x128xi32, #tpu.memory_space<vmem>> -> memref<128xi32, #tpu.memory_space<vmem>>
        %dma_start3A_625 = arith.constant 0 : i32
        %dma_start3A_626 = arith.constant 0 : i32
        %dma_start3A_627 = tpu.memref_slice %arg3[%dma_start3A_625, %dma_start3A_626] : memref<50257x128xf32, #tpu.memory_space<hbm>> -> memref<50257x128xf32, #tpu.memory_space<hbm>>
        tpu.enqueue_indirect_dma source(%dma_start3A_627 : memref<50257x128xf32, #tpu.memory_space<hbm>>) target(%arg11 : memref<128x128xf32, #tpu.memory_space<vmem>>) offsets(%dma_start3A_624 : memref<128xi32, #tpu.memory_space<vmem>>) semaphore(%arg16 : memref<!tpu.dma_semaphore, #tpu.memory_space<semaphore_mem>>)
      } else {
      }
      %dma_wait3A_545 = arith.constant 0 : i32
      %dma_wait3A_546 = arith.constant 0 : i32
      %dma_wait3A_547 = tpu.memref_slice %arg3[%dma_wait3A_545, %dma_wait3A_546] : memref<50257x128xf32, #tpu.memory_space<hbm>> -> memref<128x128xf32, #tpu.memory_space<hbm>>
      %dma_wait3A_548 = arith.constant 0 : i32
      %dma_wait3A_549 = arith.constant 0 : i32
      %dma_wait3A_550 = tpu.memref_slice %arg3[%dma_wait3A_548, %dma_wait3A_549] : memref<50257x128xf32, #tpu.memory_space<hbm>> -> memref<128x128xf32, #tpu.memory_space<hbm>>
      tpu.wait_dma2 semaphore(%arg14 : memref<!tpu.dma_semaphore, #tpu.memory_space<semaphore_mem>>) src(%dma_wait3A_550 : memref<128x128xf32, #tpu.memory_space<hbm>>) dst(%arg9 : memref<128x128xf32, #tpu.memory_space<vmem>>)
      %add3A_551 = arith.addi %add3A_4, %add3A_529 : i32
      %mul3A_552 = arith.constant 128 : i32
      %mul3A_553 = arith.muli %add3A_551, %mul3A_552 : i32
      %dma_start3A_554 = arith.constant 0 : i32
      %dma_start3A_555 = tpu.memref_slice %arg4[%mul3A_553, %dma_start3A_554] : memref<3276800x128xf32, #tpu.memory_space<hbm>> -> memref<128x128xf32, #tpu.memory_space<hbm>>
      %dma_start3A_556 = arith.constant 0 : i32
      %dma_start3A_557 = tpu.memref_slice %arg4[%mul3A_553, %dma_start3A_556] : memref<3276800x128xf32, #tpu.memory_space<hbm>> -> memref<128x128xf32, #tpu.memory_space<hbm>>
      tpu.enqueue_dma source(%arg9 : memref<128x128xf32, #tpu.memory_space<vmem>>) target(%dma_start3A_557 : memref<128x128xf32, #tpu.memory_space<hbm>>) target_semaphore(%arg19 : memref<!tpu.dma_semaphore, #tpu.memory_space<semaphore_mem>>)
      %mul3A_558 = arith.constant 5 : i32
      %mul3A_559 = arith.muli %scan3A_466, %mul3A_558 : i32
      %add3A_560 = arith.constant 3 : i32
      %add3A_561 = arith.addi %mul3A_559, %add3A_560 : i32
      %add3A_562 = arith.constant 2 : i32
      %add3A_563 = arith.addi %add3A_561, %add3A_562 : i32
      %lt3A_564 = arith.constant 80 : i32
      %lt3A_565 = arith.cmpi slt, %add3A_563, %lt3A_564 : i32
      %ge3A_566 = arith.constant 5 : i32
      %ge3A_567 = arith.cmpi sge, %add3A_563, %ge3A_566 : i32
      %and3A_568 = arith.andi %lt3A_565, %ge3A_567 : i1
      %convert_element_type3A_569 = arith.extui %and3A_568 : i1 to i32
      %cond3A_570 = arith.constant 0 : i32
      %cond3A_571 = arith.cmpi ne, %convert_element_type3A_569, %cond3A_570 : i32
      scf.if %cond3A_571 {
        %dma_wait3A_622 = arith.constant 0 : i32
        %dma_wait3A_623 = arith.constant 0 : i32
        %dma_wait3A_624 = tpu.memref_slice %arg4[%dma_wait3A_622, %dma_wait3A_623] : memref<3276800x128xf32, #tpu.memory_space<hbm>> -> memref<128x128xf32, #tpu.memory_space<hbm>>
        %dma_wait3A_625 = arith.constant 0 : i32
        %dma_wait3A_626 = arith.constant 0 : i32
        %dma_wait3A_627 = tpu.memref_slice %arg4[%dma_wait3A_625, %dma_wait3A_626] : memref<3276800x128xf32, #tpu.memory_space<hbm>> -> memref<128x128xf32, #tpu.memory_space<hbm>>
        tpu.wait_dma2 semaphore(%arg17 : memref<!tpu.dma_semaphore, #tpu.memory_space<semaphore_mem>>) src(%arg7 : memref<128x128xf32, #tpu.memory_space<vmem>>) dst(%dma_wait3A_627 : memref<128x128xf32, #tpu.memory_space<hbm>>)
        %dma_start3A_628 = arith.constant 0 : i32
        %dma_start3A_629 = tpu.memref_slice %arg5[%add3A_563, %dma_start3A_628] : memref<80x128xi32, #tpu.memory_space<vmem>> -> memref<1x128xi32, #tpu.memory_space<vmem>>
        %dma_start3A_630 = tpu.memref_squeeze %dma_start3A_629 : memref<1x128xi32, #tpu.memory_space<vmem>> -> memref<128xi32, #tpu.memory_space<vmem>>
        %dma_start3A_631 = arith.constant 0 : i32
        %dma_start3A_632 = arith.constant 0 : i32
        %dma_start3A_633 = tpu.memref_slice %arg3[%dma_start3A_631, %dma_start3A_632] : memref<50257x128xf32, #tpu.memory_space<hbm>> -> memref<50257x128xf32, #tpu.memory_space<hbm>>
        tpu.enqueue_indirect_dma source(%dma_start3A_633 : memref<50257x128xf32, #tpu.memory_space<hbm>>) target(%arg7 : memref<128x128xf32, #tpu.memory_space<vmem>>) offsets(%dma_start3A_630 : memref<128xi32, #tpu.memory_space<vmem>>) semaphore(%arg12 : memref<!tpu.dma_semaphore, #tpu.memory_space<semaphore_mem>>)
      } else {
      }
      %lt3A_572 = arith.constant 5 : i32
      %lt3A_573 = arith.cmpi slt, %add3A_563, %lt3A_572 : i32
      %convert_element_type3A_574 = arith.extui %lt3A_573 : i1 to i32
      %cond3A_575 = arith.constant 0 : i32
      %cond3A_576 = arith.cmpi ne, %convert_element_type3A_574, %cond3A_575 : i32
      scf.if %cond3A_576 {
        %dma_start3A_622 = arith.constant 0 : i32
        %dma_start3A_623 = tpu.memref_slice %arg5[%add3A_563, %dma_start3A_622] : memref<80x128xi32, #tpu.memory_space<vmem>> -> memref<1x128xi32, #tpu.memory_space<vmem>>
        %dma_start3A_624 = tpu.memref_squeeze %dma_start3A_623 : memref<1x128xi32, #tpu.memory_space<vmem>> -> memref<128xi32, #tpu.memory_space<vmem>>
        %dma_start3A_625 = arith.constant 0 : i32
        %dma_start3A_626 = arith.constant 0 : i32
        %dma_start3A_627 = tpu.memref_slice %arg3[%dma_start3A_625, %dma_start3A_626] : memref<50257x128xf32, #tpu.memory_space<hbm>> -> memref<50257x128xf32, #tpu.memory_space<hbm>>
        tpu.enqueue_indirect_dma source(%dma_start3A_627 : memref<50257x128xf32, #tpu.memory_space<hbm>>) target(%arg7 : memref<128x128xf32, #tpu.memory_space<vmem>>) offsets(%dma_start3A_624 : memref<128xi32, #tpu.memory_space<vmem>>) semaphore(%arg12 : memref<!tpu.dma_semaphore, #tpu.memory_space<semaphore_mem>>)
      } else {
      }
      %dma_wait3A_577 = arith.constant 0 : i32
      %dma_wait3A_578 = arith.constant 0 : i32
      %dma_wait3A_579 = tpu.memref_slice %arg3[%dma_wait3A_577, %dma_wait3A_578] : memref<50257x128xf32, #tpu.memory_space<hbm>> -> memref<128x128xf32, #tpu.memory_space<hbm>>
      %dma_wait3A_580 = arith.constant 0 : i32
      %dma_wait3A_581 = arith.constant 0 : i32
      %dma_wait3A_582 = tpu.memref_slice %arg3[%dma_wait3A_580, %dma_wait3A_581] : memref<50257x128xf32, #tpu.memory_space<hbm>> -> memref<128x128xf32, #tpu.memory_space<hbm>>
      tpu.wait_dma2 semaphore(%arg15 : memref<!tpu.dma_semaphore, #tpu.memory_space<semaphore_mem>>) src(%dma_wait3A_582 : memref<128x128xf32, #tpu.memory_space<hbm>>) dst(%arg10 : memref<128x128xf32, #tpu.memory_space<vmem>>)
      %add3A_583 = arith.addi %add3A_4, %add3A_561 : i32
      %mul3A_584 = arith.constant 128 : i32
      %mul3A_585 = arith.muli %add3A_583, %mul3A_584 : i32
      %dma_start3A_586 = arith.constant 0 : i32
      %dma_start3A_587 = tpu.memref_slice %arg4[%mul3A_585, %dma_start3A_586] : memref<3276800x128xf32, #tpu.memory_space<hbm>> -> memref<128x128xf32, #tpu.memory_space<hbm>>
      %dma_start3A_588 = arith.constant 0 : i32
      %dma_start3A_589 = tpu.memref_slice %arg4[%mul3A_585, %dma_start3A_588] : memref<3276800x128xf32, #tpu.memory_space<hbm>> -> memref<128x128xf32, #tpu.memory_space<hbm>>
      tpu.enqueue_dma source(%arg10 : memref<128x128xf32, #tpu.memory_space<vmem>>) target(%dma_start3A_589 : memref<128x128xf32, #tpu.memory_space<hbm>>) target_semaphore(%arg20 : memref<!tpu.dma_semaphore, #tpu.memory_space<semaphore_mem>>)
      %mul3A_590 = arith.constant 5 : i32
      %mul3A_591 = arith.muli %scan3A_466, %mul3A_590 : i32
      %add3A_592 = arith.constant 4 : i32
      %add3A_593 = arith.addi %mul3A_591, %add3A_592 : i32
      %add3A_594 = arith.constant 2 : i32
      %add3A_595 = arith.addi %add3A_593, %add3A_594 : i32
      %lt3A_596 = arith.constant 80 : i32
      %lt3A_597 = arith.cmpi slt, %add3A_595, %lt3A_596 : i32
      %ge3A_598 = arith.constant 5 : i32
      %ge3A_599 = arith.cmpi sge, %add3A_595, %ge3A_598 : i32
      %and3A_600 = arith.andi %lt3A_597, %ge3A_599 : i1
      %convert_element_type3A_601 = arith.extui %and3A_600 : i1 to i32
      %cond3A_602 = arith.constant 0 : i32
      %cond3A_603 = arith.cmpi ne, %convert_element_type3A_601, %cond3A_602 : i32
      scf.if %cond3A_603 {
        %dma_wait3A_622 = arith.constant 0 : i32
        %dma_wait3A_623 = arith.constant 0 : i32
        %dma_wait3A_624 = tpu.memref_slice %arg4[%dma_wait3A_622, %dma_wait3A_623] : memref<3276800x128xf32, #tpu.memory_space<hbm>> -> memref<128x128xf32, #tpu.memory_space<hbm>>
        %dma_wait3A_625 = arith.constant 0 : i32
        %dma_wait3A_626 = arith.constant 0 : i32
        %dma_wait3A_627 = tpu.memref_slice %arg4[%dma_wait3A_625, %dma_wait3A_626] : memref<3276800x128xf32, #tpu.memory_space<hbm>> -> memref<128x128xf32, #tpu.memory_space<hbm>>
        tpu.wait_dma2 semaphore(%arg18 : memref<!tpu.dma_semaphore, #tpu.memory_space<semaphore_mem>>) src(%arg8 : memref<128x128xf32, #tpu.memory_space<vmem>>) dst(%dma_wait3A_627 : memref<128x128xf32, #tpu.memory_space<hbm>>)
        %dma_start3A_628 = arith.constant 0 : i32
        %dma_start3A_629 = tpu.memref_slice %arg5[%add3A_595, %dma_start3A_628] : memref<80x128xi32, #tpu.memory_space<vmem>> -> memref<1x128xi32, #tpu.memory_space<vmem>>
        %dma_start3A_630 = tpu.memref_squeeze %dma_start3A_629 : memref<1x128xi32, #tpu.memory_space<vmem>> -> memref<128xi32, #tpu.memory_space<vmem>>
        %dma_start3A_631 = arith.constant 0 : i32
        %dma_start3A_632 = arith.constant 0 : i32
        %dma_start3A_633 = tpu.memref_slice %arg3[%dma_start3A_631, %dma_start3A_632] : memref<50257x128xf32, #tpu.memory_space<hbm>> -> memref<50257x128xf32, #tpu.memory_space<hbm>>
        tpu.enqueue_indirect_dma source(%dma_start3A_633 : memref<50257x128xf32, #tpu.memory_space<hbm>>) target(%arg8 : memref<128x128xf32, #tpu.memory_space<vmem>>) offsets(%dma_start3A_630 : memref<128xi32, #tpu.memory_space<vmem>>) semaphore(%arg13 : memref<!tpu.dma_semaphore, #tpu.memory_space<semaphore_mem>>)
      } else {
      }
      %lt3A_604 = arith.constant 5 : i32
      %lt3A_605 = arith.cmpi slt, %add3A_595, %lt3A_604 : i32
      %convert_element_type3A_606 = arith.extui %lt3A_605 : i1 to i32
      %cond3A_607 = arith.constant 0 : i32
      %cond3A_608 = arith.cmpi ne, %convert_element_type3A_606, %cond3A_607 : i32
      scf.if %cond3A_608 {
        %dma_start3A_622 = arith.constant 0 : i32
        %dma_start3A_623 = tpu.memref_slice %arg5[%add3A_595, %dma_start3A_622] : memref<80x128xi32, #tpu.memory_space<vmem>> -> memref<1x128xi32, #tpu.memory_space<vmem>>
        %dma_start3A_624 = tpu.memref_squeeze %dma_start3A_623 : memref<1x128xi32, #tpu.memory_space<vmem>> -> memref<128xi32, #tpu.memory_space<vmem>>
        %dma_start3A_625 = arith.constant 0 : i32
        %dma_start3A_626 = arith.constant 0 : i32
        %dma_start3A_627 = tpu.memref_slice %arg3[%dma_start3A_625, %dma_start3A_626] : memref<50257x128xf32, #tpu.memory_space<hbm>> -> memref<50257x128xf32, #tpu.memory_space<hbm>>
        tpu.enqueue_indirect_dma source(%dma_start3A_627 : memref<50257x128xf32, #tpu.memory_space<hbm>>) target(%arg8 : memref<128x128xf32, #tpu.memory_space<vmem>>) offsets(%dma_start3A_624 : memref<128xi32, #tpu.memory_space<vmem>>) semaphore(%arg13 : memref<!tpu.dma_semaphore, #tpu.memory_space<semaphore_mem>>)
      } else {
      }
      %dma_wait3A_609 = arith.constant 0 : i32
      %dma_wait3A_610 = arith.constant 0 : i32
      %dma_wait3A_611 = tpu.memref_slice %arg3[%dma_wait3A_609, %dma_wait3A_610] : memref<50257x128xf32, #tpu.memory_space<hbm>> -> memref<128x128xf32, #tpu.memory_space<hbm>>
      %dma_wait3A_612 = arith.constant 0 : i32
      %dma_wait3A_613 = arith.constant 0 : i32
      %dma_wait3A_614 = tpu.memref_slice %arg3[%dma_wait3A_612, %dma_wait3A_613] : memref<50257x128xf32, #tpu.memory_space<hbm>> -> memref<128x128xf32, #tpu.memory_space<hbm>>
      tpu.wait_dma2 semaphore(%arg16 : memref<!tpu.dma_semaphore, #tpu.memory_space<semaphore_mem>>) src(%dma_wait3A_614 : memref<128x128xf32, #tpu.memory_space<hbm>>) dst(%arg11 : memref<128x128xf32, #tpu.memory_space<vmem>>)
      %add3A_615 = arith.addi %add3A_4, %add3A_593 : i32
      %mul3A_616 = arith.constant 128 : i32
      %mul3A_617 = arith.muli %add3A_615, %mul3A_616 : i32
      %dma_start3A_618 = arith.constant 0 : i32
      %dma_start3A_619 = tpu.memref_slice %arg4[%mul3A_617, %dma_start3A_618] : memref<3276800x128xf32, #tpu.memory_space<hbm>> -> memref<128x128xf32, #tpu.memory_space<hbm>>
      %dma_start3A_620 = arith.constant 0 : i32
      %dma_start3A_621 = tpu.memref_slice %arg4[%mul3A_617, %dma_start3A_620] : memref<3276800x128xf32, #tpu.memory_space<hbm>> -> memref<128x128xf32, #tpu.memory_space<hbm>>
      tpu.enqueue_dma source(%arg11 : memref<128x128xf32, #tpu.memory_space<vmem>>) target(%dma_start3A_621 : memref<128x128xf32, #tpu.memory_space<hbm>>) target_semaphore(%arg21 : memref<!tpu.dma_semaphore, #tpu.memory_space<semaphore_mem>>)
    }
    %scan3A_28 = arith.constant 16 : i32
    %add3A_29 = arith.constant 80 : i32
    %add3A_30 = arith.addi %mul3A_2, %add3A_29 : i32
    %dma_wait3A = arith.constant 0 : i32
    %dma_wait3A_31 = arith.constant 0 : i32
    %dma_wait3A_32 = tpu.memref_slice %arg2[%dma_wait3A, %dma_wait3A_31] : memref<25600x128xi32, #tpu.memory_space<hbm>> -> memref<80x128xi32, #tpu.memory_space<hbm>>
    %dma_wait3A_33 = arith.constant 0 : i32
    %dma_wait3A_34 = arith.constant 0 : i32
    %dma_wait3A_35 = tpu.memref_slice %arg2[%dma_wait3A_33, %dma_wait3A_34] : memref<25600x128xi32, #tpu.memory_space<hbm>> -> memref<80x128xi32, #tpu.memory_space<hbm>>
    tpu.wait_dma2 semaphore(%arg23 : memref<!tpu.dma_semaphore, #tpu.memory_space<semaphore_mem>>) src(%dma_wait3A_35 : memref<80x128xi32, #tpu.memory_space<hbm>>) dst(%arg6 : memref<80x128xi32, #tpu.memory_space<vmem>>)
    %add3A_36 = arith.constant 80 : i32
    %add3A_37 = arith.addi %add3A_30, %add3A_36 : i32
    %dma_start3A_38 = arith.constant 0 : i32
    %dma_start3A_39 = tpu.memref_slice %arg2[%add3A_37, %dma_start3A_38] : memref<25600x128xi32, #tpu.memory_space<hbm>> -> memref<80x128xi32, #tpu.memory_space<hbm>>
    %dma_start3A_40 = arith.constant 0 : i32
    %dma_start3A_41 = tpu.memref_slice %arg2[%add3A_37, %dma_start3A_40] : memref<25600x128xi32, #tpu.memory_space<hbm>> -> memref<80x128xi32, #tpu.memory_space<hbm>>
    tpu.enqueue_dma source(%dma_start3A_41 : memref<80x128xi32, #tpu.memory_space<hbm>>) target(%arg5 : memref<80x128xi32, #tpu.memory_space<vmem>>) target_semaphore(%arg22 : memref<!tpu.dma_semaphore, #tpu.memory_space<semaphore_mem>>)
    %dma_wait3A_42 = arith.constant 0 : i32
    %dma_wait3A_43 = arith.constant 0 : i32
    %dma_wait3A_44 = tpu.memref_slice %arg4[%dma_wait3A_42, %dma_wait3A_43] : memref<3276800x128xf32, #tpu.memory_space<hbm>> -> memref<128x128xf32, #tpu.memory_space<hbm>>
    %dma_wait3A_45 = arith.constant 0 : i32
    %dma_wait3A_46 = arith.constant 0 : i32
    %dma_wait3A_47 = tpu.memref_slice %arg4[%dma_wait3A_45, %dma_wait3A_46] : memref<3276800x128xf32, #tpu.memory_space<hbm>> -> memref<128x128xf32, #tpu.memory_space<hbm>>
    tpu.wait_dma2 semaphore(%arg17 : memref<!tpu.dma_semaphore, #tpu.memory_space<semaphore_mem>>) src(%arg7 : memref<128x128xf32, #tpu.memory_space<vmem>>) dst(%dma_wait3A_47 : memref<128x128xf32, #tpu.memory_space<hbm>>)
    %dma_start3A_48 = arith.constant 0 : i32
    %dma_start3A_49 = arith.constant 0 : i32
    %dma_start3A_50 = tpu.memref_slice %arg6[%dma_start3A_48, %dma_start3A_49] : memref<80x128xi32, #tpu.memory_space<vmem>> -> memref<1x128xi32, #tpu.memory_space<vmem>>
    %dma_start3A_51 = tpu.memref_squeeze %dma_start3A_50 : memref<1x128xi32, #tpu.memory_space<vmem>> -> memref<128xi32, #tpu.memory_space<vmem>>
    %dma_start3A_52 = arith.constant 0 : i32
    %dma_start3A_53 = arith.constant 0 : i32
    %dma_start3A_54 = tpu.memref_slice %arg3[%dma_start3A_52, %dma_start3A_53] : memref<50257x128xf32, #tpu.memory_space<hbm>> -> memref<50257x128xf32, #tpu.memory_space<hbm>>
    tpu.enqueue_indirect_dma source(%dma_start3A_54 : memref<50257x128xf32, #tpu.memory_space<hbm>>) target(%arg7 : memref<128x128xf32, #tpu.memory_space<vmem>>) offsets(%dma_start3A_51 : memref<128xi32, #tpu.memory_space<vmem>>) semaphore(%arg12 : memref<!tpu.dma_semaphore, #tpu.memory_space<semaphore_mem>>)
    %dma_wait3A_55 = arith.constant 0 : i32
    %dma_wait3A_56 = arith.constant 0 : i32
    %dma_wait3A_57 = tpu.memref_slice %arg4[%dma_wait3A_55, %dma_wait3A_56] : memref<3276800x128xf32, #tpu.memory_space<hbm>> -> memref<128x128xf32, #tpu.memory_space<hbm>>
    %dma_wait3A_58 = arith.constant 0 : i32
    %dma_wait3A_59 = arith.constant 0 : i32
    %dma_wait3A_60 = tpu.memref_slice %arg4[%dma_wait3A_58, %dma_wait3A_59] : memref<3276800x128xf32, #tpu.memory_space<hbm>> -> memref<128x128xf32, #tpu.memory_space<hbm>>
    tpu.wait_dma2 semaphore(%arg18 : memref<!tpu.dma_semaphore, #tpu.memory_space<semaphore_mem>>) src(%arg8 : memref<128x128xf32, #tpu.memory_space<vmem>>) dst(%dma_wait3A_60 : memref<128x128xf32, #tpu.memory_space<hbm>>)
    %dma_start3A_61 = arith.constant 1 : i32
    %dma_start3A_62 = arith.constant 0 : i32
    %dma_start3A_63 = tpu.memref_slice %arg6[%dma_start3A_61, %dma_start3A_62] : memref<80x128xi32, #tpu.memory_space<vmem>> -> memref<1x128xi32, #tpu.memory_space<vmem>>
    %dma_start3A_64 = tpu.memref_squeeze %dma_start3A_63 : memref<1x128xi32, #tpu.memory_space<vmem>> -> memref<128xi32, #tpu.memory_space<vmem>>
    %dma_start3A_65 = arith.constant 0 : i32
    %dma_start3A_66 = arith.constant 0 : i32
    %dma_start3A_67 = tpu.memref_slice %arg3[%dma_start3A_65, %dma_start3A_66] : memref<50257x128xf32, #tpu.memory_space<hbm>> -> memref<50257x128xf32, #tpu.memory_space<hbm>>
    tpu.enqueue_indirect_dma source(%dma_start3A_67 : memref<50257x128xf32, #tpu.memory_space<hbm>>) target(%arg8 : memref<128x128xf32, #tpu.memory_space<vmem>>) offsets(%dma_start3A_64 : memref<128xi32, #tpu.memory_space<vmem>>) semaphore(%arg13 : memref<!tpu.dma_semaphore, #tpu.memory_space<semaphore_mem>>)
    %scan3A_68 = arith.constant 0 : i32
    %scan3A_69 = arith.constant 0 : i32
    %scan3A_70 = arith.constant 16 : i32
    %scan3A_71 = arith.addi %scan3A_69, %scan3A_70 : i32
    %scan3A_72 = arith.constant 1 : i32
    scf.for %scan3A_466 = %scan3A_69 to %scan3A_71 step %scan3A_72  : i32 {
      %mul3A_467 = arith.constant 5 : i32
      %mul3A_468 = arith.muli %scan3A_466, %mul3A_467 : i32
      %add3A_469 = arith.constant 0 : i32
      %add3A_470 = arith.addi %mul3A_468, %add3A_469 : i32
      %add3A_471 = arith.constant 2 : i32
      %add3A_472 = arith.addi %add3A_470, %add3A_471 : i32
      %lt3A = arith.constant 80 : i32
      %lt3A_473 = arith.cmpi slt, %add3A_472, %lt3A : i32
      %convert_element_type3A = arith.extui %lt3A_473 : i1 to i32
      %cond3A = arith.constant 0 : i32
      %cond3A_474 = arith.cmpi ne, %convert_element_type3A, %cond3A : i32
      scf.if %cond3A_474 {
        %dma_wait3A_584 = arith.constant 0 : i32
        %dma_wait3A_585 = arith.constant 0 : i32
        %dma_wait3A_586 = tpu.memref_slice %arg4[%dma_wait3A_584, %dma_wait3A_585] : memref<3276800x128xf32, #tpu.memory_space<hbm>> -> memref<128x128xf32, #tpu.memory_space<hbm>>
        %dma_wait3A_587 = arith.constant 0 : i32
        %dma_wait3A_588 = arith.constant 0 : i32
        %dma_wait3A_589 = tpu.memref_slice %arg4[%dma_wait3A_587, %dma_wait3A_588] : memref<3276800x128xf32, #tpu.memory_space<hbm>> -> memref<128x128xf32, #tpu.memory_space<hbm>>
        tpu.wait_dma2 semaphore(%arg19 : memref<!tpu.dma_semaphore, #tpu.memory_space<semaphore_mem>>) src(%arg9 : memref<128x128xf32, #tpu.memory_space<vmem>>) dst(%dma_wait3A_589 : memref<128x128xf32, #tpu.memory_space<hbm>>)
        %dma_start3A_590 = arith.constant 0 : i32
        %dma_start3A_591 = tpu.memref_slice %arg6[%add3A_472, %dma_start3A_590] : memref<80x128xi32, #tpu.memory_space<vmem>> -> memref<1x128xi32, #tpu.memory_space<vmem>>
        %dma_start3A_592 = tpu.memref_squeeze %dma_start3A_591 : memref<1x128xi32, #tpu.memory_space<vmem>> -> memref<128xi32, #tpu.memory_space<vmem>>
        %dma_start3A_593 = arith.constant 0 : i32
        %dma_start3A_594 = arith.constant 0 : i32
        %dma_start3A_595 = tpu.memref_slice %arg3[%dma_start3A_593, %dma_start3A_594] : memref<50257x128xf32, #tpu.memory_space<hbm>> -> memref<50257x128xf32, #tpu.memory_space<hbm>>
        tpu.enqueue_indirect_dma source(%dma_start3A_595 : memref<50257x128xf32, #tpu.memory_space<hbm>>) target(%arg9 : memref<128x128xf32, #tpu.memory_space<vmem>>) offsets(%dma_start3A_592 : memref<128xi32, #tpu.memory_space<vmem>>) semaphore(%arg14 : memref<!tpu.dma_semaphore, #tpu.memory_space<semaphore_mem>>)
      } else {
      }
      %dma_wait3A_475 = arith.constant 0 : i32
      %dma_wait3A_476 = arith.constant 0 : i32
      %dma_wait3A_477 = tpu.memref_slice %arg3[%dma_wait3A_475, %dma_wait3A_476] : memref<50257x128xf32, #tpu.memory_space<hbm>> -> memref<128x128xf32, #tpu.memory_space<hbm>>
      %dma_wait3A_478 = arith.constant 0 : i32
      %dma_wait3A_479 = arith.constant 0 : i32
      %dma_wait3A_480 = tpu.memref_slice %arg3[%dma_wait3A_478, %dma_wait3A_479] : memref<50257x128xf32, #tpu.memory_space<hbm>> -> memref<128x128xf32, #tpu.memory_space<hbm>>
      tpu.wait_dma2 semaphore(%arg12 : memref<!tpu.dma_semaphore, #tpu.memory_space<semaphore_mem>>) src(%dma_wait3A_480 : memref<128x128xf32, #tpu.memory_space<hbm>>) dst(%arg7 : memref<128x128xf32, #tpu.memory_space<vmem>>)
      %add3A_481 = arith.addi %add3A_30, %add3A_470 : i32
      %mul3A_482 = arith.constant 128 : i32
      %mul3A_483 = arith.muli %add3A_481, %mul3A_482 : i32
      %dma_start3A_484 = arith.constant 0 : i32
      %dma_start3A_485 = tpu.memref_slice %arg4[%mul3A_483, %dma_start3A_484] : memref<3276800x128xf32, #tpu.memory_space<hbm>> -> memref<128x128xf32, #tpu.memory_space<hbm>>
      %dma_start3A_486 = arith.constant 0 : i32
      %dma_start3A_487 = tpu.memref_slice %arg4[%mul3A_483, %dma_start3A_486] : memref<3276800x128xf32, #tpu.memory_space<hbm>> -> memref<128x128xf32, #tpu.memory_space<hbm>>
      tpu.enqueue_dma source(%arg7 : memref<128x128xf32, #tpu.memory_space<vmem>>) target(%dma_start3A_487 : memref<128x128xf32, #tpu.memory_space<hbm>>) target_semaphore(%arg17 : memref<!tpu.dma_semaphore, #tpu.memory_space<semaphore_mem>>)
      %mul3A_488 = arith.constant 5 : i32
      %mul3A_489 = arith.muli %scan3A_466, %mul3A_488 : i32
      %add3A_490 = arith.constant 1 : i32
      %add3A_491 = arith.addi %mul3A_489, %add3A_490 : i32
      %add3A_492 = arith.constant 2 : i32
      %add3A_493 = arith.addi %add3A_491, %add3A_492 : i32
      %lt3A_494 = arith.constant 80 : i32
      %lt3A_495 = arith.cmpi slt, %add3A_493, %lt3A_494 : i32
      %convert_element_type3A_496 = arith.extui %lt3A_495 : i1 to i32
      %cond3A_497 = arith.constant 0 : i32
      %cond3A_498 = arith.cmpi ne, %convert_element_type3A_496, %cond3A_497 : i32
      scf.if %cond3A_498 {
        %dma_wait3A_584 = arith.constant 0 : i32
        %dma_wait3A_585 = arith.constant 0 : i32
        %dma_wait3A_586 = tpu.memref_slice %arg4[%dma_wait3A_584, %dma_wait3A_585] : memref<3276800x128xf32, #tpu.memory_space<hbm>> -> memref<128x128xf32, #tpu.memory_space<hbm>>
        %dma_wait3A_587 = arith.constant 0 : i32
        %dma_wait3A_588 = arith.constant 0 : i32
        %dma_wait3A_589 = tpu.memref_slice %arg4[%dma_wait3A_587, %dma_wait3A_588] : memref<3276800x128xf32, #tpu.memory_space<hbm>> -> memref<128x128xf32, #tpu.memory_space<hbm>>
        tpu.wait_dma2 semaphore(%arg20 : memref<!tpu.dma_semaphore, #tpu.memory_space<semaphore_mem>>) src(%arg10 : memref<128x128xf32, #tpu.memory_space<vmem>>) dst(%dma_wait3A_589 : memref<128x128xf32, #tpu.memory_space<hbm>>)
        %dma_start3A_590 = arith.constant 0 : i32
        %dma_start3A_591 = tpu.memref_slice %arg6[%add3A_493, %dma_start3A_590] : memref<80x128xi32, #tpu.memory_space<vmem>> -> memref<1x128xi32, #tpu.memory_space<vmem>>
        %dma_start3A_592 = tpu.memref_squeeze %dma_start3A_591 : memref<1x128xi32, #tpu.memory_space<vmem>> -> memref<128xi32, #tpu.memory_space<vmem>>
        %dma_start3A_593 = arith.constant 0 : i32
        %dma_start3A_594 = arith.constant 0 : i32
        %dma_start3A_595 = tpu.memref_slice %arg3[%dma_start3A_593, %dma_start3A_594] : memref<50257x128xf32, #tpu.memory_space<hbm>> -> memref<50257x128xf32, #tpu.memory_space<hbm>>
        tpu.enqueue_indirect_dma source(%dma_start3A_595 : memref<50257x128xf32, #tpu.memory_space<hbm>>) target(%arg10 : memref<128x128xf32, #tpu.memory_space<vmem>>) offsets(%dma_start3A_592 : memref<128xi32, #tpu.memory_space<vmem>>) semaphore(%arg15 : memref<!tpu.dma_semaphore, #tpu.memory_space<semaphore_mem>>)
      } else {
      }
      %dma_wait3A_499 = arith.constant 0 : i32
      %dma_wait3A_500 = arith.constant 0 : i32
      %dma_wait3A_501 = tpu.memref_slice %arg3[%dma_wait3A_499, %dma_wait3A_500] : memref<50257x128xf32, #tpu.memory_space<hbm>> -> memref<128x128xf32, #tpu.memory_space<hbm>>
      %dma_wait3A_502 = arith.constant 0 : i32
      %dma_wait3A_503 = arith.constant 0 : i32
      %dma_wait3A_504 = tpu.memref_slice %arg3[%dma_wait3A_502, %dma_wait3A_503] : memref<50257x128xf32, #tpu.memory_space<hbm>> -> memref<128x128xf32, #tpu.memory_space<hbm>>
      tpu.wait_dma2 semaphore(%arg13 : memref<!tpu.dma_semaphore, #tpu.memory_space<semaphore_mem>>) src(%dma_wait3A_504 : memref<128x128xf32, #tpu.memory_space<hbm>>) dst(%arg8 : memref<128x128xf32, #tpu.memory_space<vmem>>)
      %add3A_505 = arith.addi %add3A_30, %add3A_491 : i32
      %mul3A_506 = arith.constant 128 : i32
      %mul3A_507 = arith.muli %add3A_505, %mul3A_506 : i32
      %dma_start3A_508 = arith.constant 0 : i32
      %dma_start3A_509 = tpu.memref_slice %arg4[%mul3A_507, %dma_start3A_508] : memref<3276800x128xf32, #tpu.memory_space<hbm>> -> memref<128x128xf32, #tpu.memory_space<hbm>>
      %dma_start3A_510 = arith.constant 0 : i32
      %dma_start3A_511 = tpu.memref_slice %arg4[%mul3A_507, %dma_start3A_510] : memref<3276800x128xf32, #tpu.memory_space<hbm>> -> memref<128x128xf32, #tpu.memory_space<hbm>>
      tpu.enqueue_dma source(%arg8 : memref<128x128xf32, #tpu.memory_space<vmem>>) target(%dma_start3A_511 : memref<128x128xf32, #tpu.memory_space<hbm>>) target_semaphore(%arg18 : memref<!tpu.dma_semaphore, #tpu.memory_space<semaphore_mem>>)
      %mul3A_512 = arith.constant 5 : i32
      %mul3A_513 = arith.muli %scan3A_466, %mul3A_512 : i32
      %add3A_514 = arith.constant 2 : i32
      %add3A_515 = arith.addi %mul3A_513, %add3A_514 : i32
      %add3A_516 = arith.constant 2 : i32
      %add3A_517 = arith.addi %add3A_515, %add3A_516 : i32
      %lt3A_518 = arith.constant 80 : i32
      %lt3A_519 = arith.cmpi slt, %add3A_517, %lt3A_518 : i32
      %convert_element_type3A_520 = arith.extui %lt3A_519 : i1 to i32
      %cond3A_521 = arith.constant 0 : i32
      %cond3A_522 = arith.cmpi ne, %convert_element_type3A_520, %cond3A_521 : i32
      scf.if %cond3A_522 {
        %dma_wait3A_584 = arith.constant 0 : i32
        %dma_wait3A_585 = arith.constant 0 : i32
        %dma_wait3A_586 = tpu.memref_slice %arg4[%dma_wait3A_584, %dma_wait3A_585] : memref<3276800x128xf32, #tpu.memory_space<hbm>> -> memref<128x128xf32, #tpu.memory_space<hbm>>
        %dma_wait3A_587 = arith.constant 0 : i32
        %dma_wait3A_588 = arith.constant 0 : i32
        %dma_wait3A_589 = tpu.memref_slice %arg4[%dma_wait3A_587, %dma_wait3A_588] : memref<3276800x128xf32, #tpu.memory_space<hbm>> -> memref<128x128xf32, #tpu.memory_space<hbm>>
        tpu.wait_dma2 semaphore(%arg21 : memref<!tpu.dma_semaphore, #tpu.memory_space<semaphore_mem>>) src(%arg11 : memref<128x128xf32, #tpu.memory_space<vmem>>) dst(%dma_wait3A_589 : memref<128x128xf32, #tpu.memory_space<hbm>>)
        %dma_start3A_590 = arith.constant 0 : i32
        %dma_start3A_591 = tpu.memref_slice %arg6[%add3A_517, %dma_start3A_590] : memref<80x128xi32, #tpu.memory_space<vmem>> -> memref<1x128xi32, #tpu.memory_space<vmem>>
        %dma_start3A_592 = tpu.memref_squeeze %dma_start3A_591 : memref<1x128xi32, #tpu.memory_space<vmem>> -> memref<128xi32, #tpu.memory_space<vmem>>
        %dma_start3A_593 = arith.constant 0 : i32
        %dma_start3A_594 = arith.constant 0 : i32
        %dma_start3A_595 = tpu.memref_slice %arg3[%dma_start3A_593, %dma_start3A_594] : memref<50257x128xf32, #tpu.memory_space<hbm>> -> memref<50257x128xf32, #tpu.memory_space<hbm>>
        tpu.enqueue_indirect_dma source(%dma_start3A_595 : memref<50257x128xf32, #tpu.memory_space<hbm>>) target(%arg11 : memref<128x128xf32, #tpu.memory_space<vmem>>) offsets(%dma_start3A_592 : memref<128xi32, #tpu.memory_space<vmem>>) semaphore(%arg16 : memref<!tpu.dma_semaphore, #tpu.memory_space<semaphore_mem>>)
      } else {
      }
      %dma_wait3A_523 = arith.constant 0 : i32
      %dma_wait3A_524 = arith.constant 0 : i32
      %dma_wait3A_525 = tpu.memref_slice %arg3[%dma_wait3A_523, %dma_wait3A_524] : memref<50257x128xf32, #tpu.memory_space<hbm>> -> memref<128x128xf32, #tpu.memory_space<hbm>>
      %dma_wait3A_526 = arith.constant 0 : i32
      %dma_wait3A_527 = arith.constant 0 : i32
      %dma_wait3A_528 = tpu.memref_slice %arg3[%dma_wait3A_526, %dma_wait3A_527] : memref<50257x128xf32, #tpu.memory_space<hbm>> -> memref<128x128xf32, #tpu.memory_space<hbm>>
      tpu.wait_dma2 semaphore(%arg14 : memref<!tpu.dma_semaphore, #tpu.memory_space<semaphore_mem>>) src(%dma_wait3A_528 : memref<128x128xf32, #tpu.memory_space<hbm>>) dst(%arg9 : memref<128x128xf32, #tpu.memory_space<vmem>>)
      %add3A_529 = arith.addi %add3A_30, %add3A_515 : i32
      %mul3A_530 = arith.constant 128 : i32
      %mul3A_531 = arith.muli %add3A_529, %mul3A_530 : i32
      %dma_start3A_532 = arith.constant 0 : i32
      %dma_start3A_533 = tpu.memref_slice %arg4[%mul3A_531, %dma_start3A_532] : memref<3276800x128xf32, #tpu.memory_space<hbm>> -> memref<128x128xf32, #tpu.memory_space<hbm>>
      %dma_start3A_534 = arith.constant 0 : i32
      %dma_start3A_535 = tpu.memref_slice %arg4[%mul3A_531, %dma_start3A_534] : memref<3276800x128xf32, #tpu.memory_space<hbm>> -> memref<128x128xf32, #tpu.memory_space<hbm>>
      tpu.enqueue_dma source(%arg9 : memref<128x128xf32, #tpu.memory_space<vmem>>) target(%dma_start3A_535 : memref<128x128xf32, #tpu.memory_space<hbm>>) target_semaphore(%arg19 : memref<!tpu.dma_semaphore, #tpu.memory_space<semaphore_mem>>)
      %mul3A_536 = arith.constant 5 : i32
      %mul3A_537 = arith.muli %scan3A_466, %mul3A_536 : i32
      %add3A_538 = arith.constant 3 : i32
      %add3A_539 = arith.addi %mul3A_537, %add3A_538 : i32
      %add3A_540 = arith.constant 2 : i32
      %add3A_541 = arith.addi %add3A_539, %add3A_540 : i32
      %lt3A_542 = arith.constant 80 : i32
      %lt3A_543 = arith.cmpi slt, %add3A_541, %lt3A_542 : i32
      %convert_element_type3A_544 = arith.extui %lt3A_543 : i1 to i32
      %cond3A_545 = arith.constant 0 : i32
      %cond3A_546 = arith.cmpi ne, %convert_element_type3A_544, %cond3A_545 : i32
      scf.if %cond3A_546 {
        %dma_wait3A_584 = arith.constant 0 : i32
        %dma_wait3A_585 = arith.constant 0 : i32
        %dma_wait3A_586 = tpu.memref_slice %arg4[%dma_wait3A_584, %dma_wait3A_585] : memref<3276800x128xf32, #tpu.memory_space<hbm>> -> memref<128x128xf32, #tpu.memory_space<hbm>>
        %dma_wait3A_587 = arith.constant 0 : i32
        %dma_wait3A_588 = arith.constant 0 : i32
        %dma_wait3A_589 = tpu.memref_slice %arg4[%dma_wait3A_587, %dma_wait3A_588] : memref<3276800x128xf32, #tpu.memory_space<hbm>> -> memref<128x128xf32, #tpu.memory_space<hbm>>
        tpu.wait_dma2 semaphore(%arg17 : memref<!tpu.dma_semaphore, #tpu.memory_space<semaphore_mem>>) src(%arg7 : memref<128x128xf32, #tpu.memory_space<vmem>>) dst(%dma_wait3A_589 : memref<128x128xf32, #tpu.memory_space<hbm>>)
        %dma_start3A_590 = arith.constant 0 : i32
        %dma_start3A_591 = tpu.memref_slice %arg6[%add3A_541, %dma_start3A_590] : memref<80x128xi32, #tpu.memory_space<vmem>> -> memref<1x128xi32, #tpu.memory_space<vmem>>
        %dma_start3A_592 = tpu.memref_squeeze %dma_start3A_591 : memref<1x128xi32, #tpu.memory_space<vmem>> -> memref<128xi32, #tpu.memory_space<vmem>>
        %dma_start3A_593 = arith.constant 0 : i32
        %dma_start3A_594 = arith.constant 0 : i32
        %dma_start3A_595 = tpu.memref_slice %arg3[%dma_start3A_593, %dma_start3A_594] : memref<50257x128xf32, #tpu.memory_space<hbm>> -> memref<50257x128xf32, #tpu.memory_space<hbm>>
        tpu.enqueue_indirect_dma source(%dma_start3A_595 : memref<50257x128xf32, #tpu.memory_space<hbm>>) target(%arg7 : memref<128x128xf32, #tpu.memory_space<vmem>>) offsets(%dma_start3A_592 : memref<128xi32, #tpu.memory_space<vmem>>) semaphore(%arg12 : memref<!tpu.dma_semaphore, #tpu.memory_space<semaphore_mem>>)
      } else {
      }
      %dma_wait3A_547 = arith.constant 0 : i32
      %dma_wait3A_548 = arith.constant 0 : i32
      %dma_wait3A_549 = tpu.memref_slice %arg3[%dma_wait3A_547, %dma_wait3A_548] : memref<50257x128xf32, #tpu.memory_space<hbm>> -> memref<128x128xf32, #tpu.memory_space<hbm>>
      %dma_wait3A_550 = arith.constant 0 : i32
      %dma_wait3A_551 = arith.constant 0 : i32
      %dma_wait3A_552 = tpu.memref_slice %arg3[%dma_wait3A_550, %dma_wait3A_551] : memref<50257x128xf32, #tpu.memory_space<hbm>> -> memref<128x128xf32, #tpu.memory_space<hbm>>
      tpu.wait_dma2 semaphore(%arg15 : memref<!tpu.dma_semaphore, #tpu.memory_space<semaphore_mem>>) src(%dma_wait3A_552 : memref<128x128xf32, #tpu.memory_space<hbm>>) dst(%arg10 : memref<128x128xf32, #tpu.memory_space<vmem>>)
      %add3A_553 = arith.addi %add3A_30, %add3A_539 : i32
      %mul3A_554 = arith.constant 128 : i32
      %mul3A_555 = arith.muli %add3A_553, %mul3A_554 : i32
      %dma_start3A_556 = arith.constant 0 : i32
      %dma_start3A_557 = tpu.memref_slice %arg4[%mul3A_555, %dma_start3A_556] : memref<3276800x128xf32, #tpu.memory_space<hbm>> -> memref<128x128xf32, #tpu.memory_space<hbm>>
      %dma_start3A_558 = arith.constant 0 : i32
      %dma_start3A_559 = tpu.memref_slice %arg4[%mul3A_555, %dma_start3A_558] : memref<3276800x128xf32, #tpu.memory_space<hbm>> -> memref<128x128xf32, #tpu.memory_space<hbm>>
      tpu.enqueue_dma source(%arg10 : memref<128x128xf32, #tpu.memory_space<vmem>>) target(%dma_start3A_559 : memref<128x128xf32, #tpu.memory_space<hbm>>) target_semaphore(%arg20 : memref<!tpu.dma_semaphore, #tpu.memory_space<semaphore_mem>>)
      %mul3A_560 = arith.constant 5 : i32
      %mul3A_561 = arith.muli %scan3A_466, %mul3A_560 : i32
      %add3A_562 = arith.constant 4 : i32
      %add3A_563 = arith.addi %mul3A_561, %add3A_562 : i32
      %add3A_564 = arith.constant 2 : i32
      %add3A_565 = arith.addi %add3A_563, %add3A_564 : i32
      %lt3A_566 = arith.constant 80 : i32
      %lt3A_567 = arith.cmpi slt, %add3A_565, %lt3A_566 : i32
      %convert_element_type3A_568 = arith.extui %lt3A_567 : i1 to i32
      %cond3A_569 = arith.constant 0 : i32
      %cond3A_570 = arith.cmpi ne, %convert_element_type3A_568, %cond3A_569 : i32
      scf.if %cond3A_570 {
        %dma_wait3A_584 = arith.constant 0 : i32
        %dma_wait3A_585 = arith.constant 0 : i32
        %dma_wait3A_586 = tpu.memref_slice %arg4[%dma_wait3A_584, %dma_wait3A_585] : memref<3276800x128xf32, #tpu.memory_space<hbm>> -> memref<128x128xf32, #tpu.memory_space<hbm>>
        %dma_wait3A_587 = arith.constant 0 : i32
        %dma_wait3A_588 = arith.constant 0 : i32
        %dma_wait3A_589 = tpu.memref_slice %arg4[%dma_wait3A_587, %dma_wait3A_588] : memref<3276800x128xf32, #tpu.memory_space<hbm>> -> memref<128x128xf32, #tpu.memory_space<hbm>>
        tpu.wait_dma2 semaphore(%arg18 : memref<!tpu.dma_semaphore, #tpu.memory_space<semaphore_mem>>) src(%arg8 : memref<128x128xf32, #tpu.memory_space<vmem>>) dst(%dma_wait3A_589 : memref<128x128xf32, #tpu.memory_space<hbm>>)
        %dma_start3A_590 = arith.constant 0 : i32
        %dma_start3A_591 = tpu.memref_slice %arg6[%add3A_565, %dma_start3A_590] : memref<80x128xi32, #tpu.memory_space<vmem>> -> memref<1x128xi32, #tpu.memory_space<vmem>>
        %dma_start3A_592 = tpu.memref_squeeze %dma_start3A_591 : memref<1x128xi32, #tpu.memory_space<vmem>> -> memref<128xi32, #tpu.memory_space<vmem>>
        %dma_start3A_593 = arith.constant 0 : i32
        %dma_start3A_594 = arith.constant 0 : i32
        %dma_start3A_595 = tpu.memref_slice %arg3[%dma_start3A_593, %dma_start3A_594] : memref<50257x128xf32, #tpu.memory_space<hbm>> -> memref<50257x128xf32, #tpu.memory_space<hbm>>
        tpu.enqueue_indirect_dma source(%dma_start3A_595 : memref<50257x128xf32, #tpu.memory_space<hbm>>) target(%arg8 : memref<128x128xf32, #tpu.memory_space<vmem>>) offsets(%dma_start3A_592 : memref<128xi32, #tpu.memory_space<vmem>>) semaphore(%arg13 : memref<!tpu.dma_semaphore, #tpu.memory_space<semaphore_mem>>)
      } else {
      }
      %dma_wait3A_571 = arith.constant 0 : i32
      %dma_wait3A_572 = arith.constant 0 : i32
      %dma_wait3A_573 = tpu.memref_slice %arg3[%dma_wait3A_571, %dma_wait3A_572] : memref<50257x128xf32, #tpu.memory_space<hbm>> -> memref<128x128xf32, #tpu.memory_space<hbm>>
      %dma_wait3A_574 = arith.constant 0 : i32
      %dma_wait3A_575 = arith.constant 0 : i32
      %dma_wait3A_576 = tpu.memref_slice %arg3[%dma_wait3A_574, %dma_wait3A_575] : memref<50257x128xf32, #tpu.memory_space<hbm>> -> memref<128x128xf32, #tpu.memory_space<hbm>>
      tpu.wait_dma2 semaphore(%arg16 : memref<!tpu.dma_semaphore, #tpu.memory_space<semaphore_mem>>) src(%dma_wait3A_576 : memref<128x128xf32, #tpu.memory_space<hbm>>) dst(%arg11 : memref<128x128xf32, #tpu.memory_space<vmem>>)
      %add3A_577 = arith.addi %add3A_30, %add3A_563 : i32
      %mul3A_578 = arith.constant 128 : i32
      %mul3A_579 = arith.muli %add3A_577, %mul3A_578 : i32
      %dma_start3A_580 = arith.constant 0 : i32
      %dma_start3A_581 = tpu.memref_slice %arg4[%mul3A_579, %dma_start3A_580] : memref<3276800x128xf32, #tpu.memory_space<hbm>> -> memref<128x128xf32, #tpu.memory_space<hbm>>
      %dma_start3A_582 = arith.constant 0 : i32
      %dma_start3A_583 = tpu.memref_slice %arg4[%mul3A_579, %dma_start3A_582] : memref<3276800x128xf32, #tpu.memory_space<hbm>> -> memref<128x128xf32, #tpu.memory_space<hbm>>
      tpu.enqueue_dma source(%arg11 : memref<128x128xf32, #tpu.memory_space<vmem>>) target(%dma_start3A_583 : memref<128x128xf32, #tpu.memory_space<hbm>>) target_semaphore(%arg21 : memref<!tpu.dma_semaphore, #tpu.memory_space<semaphore_mem>>)
    }
    %scan3A_73 = arith.constant 16 : i32
    %add3A_74 = arith.constant 160 : i32
    %add3A_75 = arith.addi %mul3A_2, %add3A_74 : i32
    %dma_wait3A_76 = arith.constant 0 : i32
    %dma_wait3A_77 = arith.constant 0 : i32
    %dma_wait3A_78 = tpu.memref_slice %arg2[%dma_wait3A_76, %dma_wait3A_77] : memref<25600x128xi32, #tpu.memory_space<hbm>> -> memref<80x128xi32, #tpu.memory_space<hbm>>
    %dma_wait3A_79 = arith.constant 0 : i32
    %dma_wait3A_80 = arith.constant 0 : i32
    %dma_wait3A_81 = tpu.memref_slice %arg2[%dma_wait3A_79, %dma_wait3A_80] : memref<25600x128xi32, #tpu.memory_space<hbm>> -> memref<80x128xi32, #tpu.memory_space<hbm>>
    tpu.wait_dma2 semaphore(%arg22 : memref<!tpu.dma_semaphore, #tpu.memory_space<semaphore_mem>>) src(%dma_wait3A_81 : memref<80x128xi32, #tpu.memory_space<hbm>>) dst(%arg5 : memref<80x128xi32, #tpu.memory_space<vmem>>)
    %add3A_82 = arith.constant 80 : i32
    %add3A_83 = arith.addi %add3A_75, %add3A_82 : i32
    %dma_start3A_84 = arith.constant 0 : i32
    %dma_start3A_85 = tpu.memref_slice %arg2[%add3A_83, %dma_start3A_84] : memref<25600x128xi32, #tpu.memory_space<hbm>> -> memref<80x128xi32, #tpu.memory_space<hbm>>
    %dma_start3A_86 = arith.constant 0 : i32
    %dma_start3A_87 = tpu.memref_slice %arg2[%add3A_83, %dma_start3A_86] : memref<25600x128xi32, #tpu.memory_space<hbm>> -> memref<80x128xi32, #tpu.memory_space<hbm>>
    tpu.enqueue_dma source(%dma_start3A_87 : memref<80x128xi32, #tpu.memory_space<hbm>>) target(%arg6 : memref<80x128xi32, #tpu.memory_space<vmem>>) target_semaphore(%arg23 : memref<!tpu.dma_semaphore, #tpu.memory_space<semaphore_mem>>)
    %dma_wait3A_88 = arith.constant 0 : i32
    %dma_wait3A_89 = arith.constant 0 : i32
    %dma_wait3A_90 = tpu.memref_slice %arg4[%dma_wait3A_88, %dma_wait3A_89] : memref<3276800x128xf32, #tpu.memory_space<hbm>> -> memref<128x128xf32, #tpu.memory_space<hbm>>
    %dma_wait3A_91 = arith.constant 0 : i32
    %dma_wait3A_92 = arith.constant 0 : i32
    %dma_wait3A_93 = tpu.memref_slice %arg4[%dma_wait3A_91, %dma_wait3A_92] : memref<3276800x128xf32, #tpu.memory_space<hbm>> -> memref<128x128xf32, #tpu.memory_space<hbm>>
    tpu.wait_dma2 semaphore(%arg17 : memref<!tpu.dma_semaphore, #tpu.memory_space<semaphore_mem>>) src(%arg7 : memref<128x128xf32, #tpu.memory_space<vmem>>) dst(%dma_wait3A_93 : memref<128x128xf32, #tpu.memory_space<hbm>>)
    %dma_start3A_94 = arith.constant 0 : i32
    %dma_start3A_95 = arith.constant 0 : i32
    %dma_start3A_96 = tpu.memref_slice %arg5[%dma_start3A_94, %dma_start3A_95] : memref<80x128xi32, #tpu.memory_space<vmem>> -> memref<1x128xi32, #tpu.memory_space<vmem>>
    %dma_start3A_97 = tpu.memref_squeeze %dma_start3A_96 : memref<1x128xi32, #tpu.memory_space<vmem>> -> memref<128xi32, #tpu.memory_space<vmem>>
    %dma_start3A_98 = arith.constant 0 : i32
    %dma_start3A_99 = arith.constant 0 : i32
    %dma_start3A_100 = tpu.memref_slice %arg3[%dma_start3A_98, %dma_start3A_99] : memref<50257x128xf32, #tpu.memory_space<hbm>> -> memref<50257x128xf32, #tpu.memory_space<hbm>>
    tpu.enqueue_indirect_dma source(%dma_start3A_100 : memref<50257x128xf32, #tpu.memory_space<hbm>>) target(%arg7 : memref<128x128xf32, #tpu.memory_space<vmem>>) offsets(%dma_start3A_97 : memref<128xi32, #tpu.memory_space<vmem>>) semaphore(%arg12 : memref<!tpu.dma_semaphore, #tpu.memory_space<semaphore_mem>>)
    %dma_wait3A_101 = arith.constant 0 : i32
    %dma_wait3A_102 = arith.constant 0 : i32
    %dma_wait3A_103 = tpu.memref_slice %arg4[%dma_wait3A_101, %dma_wait3A_102] : memref<3276800x128xf32, #tpu.memory_space<hbm>> -> memref<128x128xf32, #tpu.memory_space<hbm>>
    %dma_wait3A_104 = arith.constant 0 : i32
    %dma_wait3A_105 = arith.constant 0 : i32
    %dma_wait3A_106 = tpu.memref_slice %arg4[%dma_wait3A_104, %dma_wait3A_105] : memref<3276800x128xf32, #tpu.memory_space<hbm>> -> memref<128x128xf32, #tpu.memory_space<hbm>>
    tpu.wait_dma2 semaphore(%arg18 : memref<!tpu.dma_semaphore, #tpu.memory_space<semaphore_mem>>) src(%arg8 : memref<128x128xf32, #tpu.memory_space<vmem>>) dst(%dma_wait3A_106 : memref<128x128xf32, #tpu.memory_space<hbm>>)
    %dma_start3A_107 = arith.constant 1 : i32
    %dma_start3A_108 = arith.constant 0 : i32
    %dma_start3A_109 = tpu.memref_slice %arg5[%dma_start3A_107, %dma_start3A_108] : memref<80x128xi32, #tpu.memory_space<vmem>> -> memref<1x128xi32, #tpu.memory_space<vmem>>
    %dma_start3A_110 = tpu.memref_squeeze %dma_start3A_109 : memref<1x128xi32, #tpu.memory_space<vmem>> -> memref<128xi32, #tpu.memory_space<vmem>>
    %dma_start3A_111 = arith.constant 0 : i32
    %dma_start3A_112 = arith.constant 0 : i32
    %dma_start3A_113 = tpu.memref_slice %arg3[%dma_start3A_111, %dma_start3A_112] : memref<50257x128xf32, #tpu.memory_space<hbm>> -> memref<50257x128xf32, #tpu.memory_space<hbm>>
    tpu.enqueue_indirect_dma source(%dma_start3A_113 : memref<50257x128xf32, #tpu.memory_space<hbm>>) target(%arg8 : memref<128x128xf32, #tpu.memory_space<vmem>>) offsets(%dma_start3A_110 : memref<128xi32, #tpu.memory_space<vmem>>) semaphore(%arg13 : memref<!tpu.dma_semaphore, #tpu.memory_space<semaphore_mem>>)
    %scan3A_114 = arith.constant 0 : i32
    %scan3A_115 = arith.constant 0 : i32
    %scan3A_116 = arith.constant 16 : i32
    %scan3A_117 = arith.addi %scan3A_115, %scan3A_116 : i32
    %scan3A_118 = arith.constant 1 : i32
    scf.for %scan3A_466 = %scan3A_115 to %scan3A_117 step %scan3A_118  : i32 {
      %mul3A_467 = arith.constant 5 : i32
      %mul3A_468 = arith.muli %scan3A_466, %mul3A_467 : i32
      %add3A_469 = arith.constant 0 : i32
      %add3A_470 = arith.addi %mul3A_468, %add3A_469 : i32
      %add3A_471 = arith.constant 2 : i32
      %add3A_472 = arith.addi %add3A_470, %add3A_471 : i32
      %lt3A = arith.constant 80 : i32
      %lt3A_473 = arith.cmpi slt, %add3A_472, %lt3A : i32
      %convert_element_type3A = arith.extui %lt3A_473 : i1 to i32
      %cond3A = arith.constant 0 : i32
      %cond3A_474 = arith.cmpi ne, %convert_element_type3A, %cond3A : i32
      scf.if %cond3A_474 {
        %dma_wait3A_584 = arith.constant 0 : i32
        %dma_wait3A_585 = arith.constant 0 : i32
        %dma_wait3A_586 = tpu.memref_slice %arg4[%dma_wait3A_584, %dma_wait3A_585] : memref<3276800x128xf32, #tpu.memory_space<hbm>> -> memref<128x128xf32, #tpu.memory_space<hbm>>
        %dma_wait3A_587 = arith.constant 0 : i32
        %dma_wait3A_588 = arith.constant 0 : i32
        %dma_wait3A_589 = tpu.memref_slice %arg4[%dma_wait3A_587, %dma_wait3A_588] : memref<3276800x128xf32, #tpu.memory_space<hbm>> -> memref<128x128xf32, #tpu.memory_space<hbm>>
        tpu.wait_dma2 semaphore(%arg19 : memref<!tpu.dma_semaphore, #tpu.memory_space<semaphore_mem>>) src(%arg9 : memref<128x128xf32, #tpu.memory_space<vmem>>) dst(%dma_wait3A_589 : memref<128x128xf32, #tpu.memory_space<hbm>>)
        %dma_start3A_590 = arith.constant 0 : i32
        %dma_start3A_591 = tpu.memref_slice %arg5[%add3A_472, %dma_start3A_590] : memref<80x128xi32, #tpu.memory_space<vmem>> -> memref<1x128xi32, #tpu.memory_space<vmem>>
        %dma_start3A_592 = tpu.memref_squeeze %dma_start3A_591 : memref<1x128xi32, #tpu.memory_space<vmem>> -> memref<128xi32, #tpu.memory_space<vmem>>
        %dma_start3A_593 = arith.constant 0 : i32
        %dma_start3A_594 = arith.constant 0 : i32
        %dma_start3A_595 = tpu.memref_slice %arg3[%dma_start3A_593, %dma_start3A_594] : memref<50257x128xf32, #tpu.memory_space<hbm>> -> memref<50257x128xf32, #tpu.memory_space<hbm>>
        tpu.enqueue_indirect_dma source(%dma_start3A_595 : memref<50257x128xf32, #tpu.memory_space<hbm>>) target(%arg9 : memref<128x128xf32, #tpu.memory_space<vmem>>) offsets(%dma_start3A_592 : memref<128xi32, #tpu.memory_space<vmem>>) semaphore(%arg14 : memref<!tpu.dma_semaphore, #tpu.memory_space<semaphore_mem>>)
      } else {
      }
      %dma_wait3A_475 = arith.constant 0 : i32
      %dma_wait3A_476 = arith.constant 0 : i32
      %dma_wait3A_477 = tpu.memref_slice %arg3[%dma_wait3A_475, %dma_wait3A_476] : memref<50257x128xf32, #tpu.memory_space<hbm>> -> memref<128x128xf32, #tpu.memory_space<hbm>>
      %dma_wait3A_478 = arith.constant 0 : i32
      %dma_wait3A_479 = arith.constant 0 : i32
      %dma_wait3A_480 = tpu.memref_slice %arg3[%dma_wait3A_478, %dma_wait3A_479] : memref<50257x128xf32, #tpu.memory_space<hbm>> -> memref<128x128xf32, #tpu.memory_space<hbm>>
      tpu.wait_dma2 semaphore(%arg12 : memref<!tpu.dma_semaphore, #tpu.memory_space<semaphore_mem>>) src(%dma_wait3A_480 : memref<128x128xf32, #tpu.memory_space<hbm>>) dst(%arg7 : memref<128x128xf32, #tpu.memory_space<vmem>>)
      %add3A_481 = arith.addi %add3A_75, %add3A_470 : i32
      %mul3A_482 = arith.constant 128 : i32
      %mul3A_483 = arith.muli %add3A_481, %mul3A_482 : i32
      %dma_start3A_484 = arith.constant 0 : i32
      %dma_start3A_485 = tpu.memref_slice %arg4[%mul3A_483, %dma_start3A_484] : memref<3276800x128xf32, #tpu.memory_space<hbm>> -> memref<128x128xf32, #tpu.memory_space<hbm>>
      %dma_start3A_486 = arith.constant 0 : i32
      %dma_start3A_487 = tpu.memref_slice %arg4[%mul3A_483, %dma_start3A_486] : memref<3276800x128xf32, #tpu.memory_space<hbm>> -> memref<128x128xf32, #tpu.memory_space<hbm>>
      tpu.enqueue_dma source(%arg7 : memref<128x128xf32, #tpu.memory_space<vmem>>) target(%dma_start3A_487 : memref<128x128xf32, #tpu.memory_space<hbm>>) target_semaphore(%arg17 : memref<!tpu.dma_semaphore, #tpu.memory_space<semaphore_mem>>)
      %mul3A_488 = arith.constant 5 : i32
      %mul3A_489 = arith.muli %scan3A_466, %mul3A_488 : i32
      %add3A_490 = arith.constant 1 : i32
      %add3A_491 = arith.addi %mul3A_489, %add3A_490 : i32
      %add3A_492 = arith.constant 2 : i32
      %add3A_493 = arith.addi %add3A_491, %add3A_492 : i32
      %lt3A_494 = arith.constant 80 : i32
      %lt3A_495 = arith.cmpi slt, %add3A_493, %lt3A_494 : i32
      %convert_element_type3A_496 = arith.extui %lt3A_495 : i1 to i32
      %cond3A_497 = arith.constant 0 : i32
      %cond3A_498 = arith.cmpi ne, %convert_element_type3A_496, %cond3A_497 : i32
      scf.if %cond3A_498 {
        %dma_wait3A_584 = arith.constant 0 : i32
        %dma_wait3A_585 = arith.constant 0 : i32
        %dma_wait3A_586 = tpu.memref_slice %arg4[%dma_wait3A_584, %dma_wait3A_585] : memref<3276800x128xf32, #tpu.memory_space<hbm>> -> memref<128x128xf32, #tpu.memory_space<hbm>>
        %dma_wait3A_587 = arith.constant 0 : i32
        %dma_wait3A_588 = arith.constant 0 : i32
        %dma_wait3A_589 = tpu.memref_slice %arg4[%dma_wait3A_587, %dma_wait3A_588] : memref<3276800x128xf32, #tpu.memory_space<hbm>> -> memref<128x128xf32, #tpu.memory_space<hbm>>
        tpu.wait_dma2 semaphore(%arg20 : memref<!tpu.dma_semaphore, #tpu.memory_space<semaphore_mem>>) src(%arg10 : memref<128x128xf32, #tpu.memory_space<vmem>>) dst(%dma_wait3A_589 : memref<128x128xf32, #tpu.memory_space<hbm>>)
        %dma_start3A_590 = arith.constant 0 : i32
        %dma_start3A_591 = tpu.memref_slice %arg5[%add3A_493, %dma_start3A_590] : memref<80x128xi32, #tpu.memory_space<vmem>> -> memref<1x128xi32, #tpu.memory_space<vmem>>
        %dma_start3A_592 = tpu.memref_squeeze %dma_start3A_591 : memref<1x128xi32, #tpu.memory_space<vmem>> -> memref<128xi32, #tpu.memory_space<vmem>>
        %dma_start3A_593 = arith.constant 0 : i32
        %dma_start3A_594 = arith.constant 0 : i32
        %dma_start3A_595 = tpu.memref_slice %arg3[%dma_start3A_593, %dma_start3A_594] : memref<50257x128xf32, #tpu.memory_space<hbm>> -> memref<50257x128xf32, #tpu.memory_space<hbm>>
        tpu.enqueue_indirect_dma source(%dma_start3A_595 : memref<50257x128xf32, #tpu.memory_space<hbm>>) target(%arg10 : memref<128x128xf32, #tpu.memory_space<vmem>>) offsets(%dma_start3A_592 : memref<128xi32, #tpu.memory_space<vmem>>) semaphore(%arg15 : memref<!tpu.dma_semaphore, #tpu.memory_space<semaphore_mem>>)
      } else {
      }
      %dma_wait3A_499 = arith.constant 0 : i32
      %dma_wait3A_500 = arith.constant 0 : i32
      %dma_wait3A_501 = tpu.memref_slice %arg3[%dma_wait3A_499, %dma_wait3A_500] : memref<50257x128xf32, #tpu.memory_space<hbm>> -> memref<128x128xf32, #tpu.memory_space<hbm>>
      %dma_wait3A_502 = arith.constant 0 : i32
      %dma_wait3A_503 = arith.constant 0 : i32
      %dma_wait3A_504 = tpu.memref_slice %arg3[%dma_wait3A_502, %dma_wait3A_503] : memref<50257x128xf32, #tpu.memory_space<hbm>> -> memref<128x128xf32, #tpu.memory_space<hbm>>
      tpu.wait_dma2 semaphore(%arg13 : memref<!tpu.dma_semaphore, #tpu.memory_space<semaphore_mem>>) src(%dma_wait3A_504 : memref<128x128xf32, #tpu.memory_space<hbm>>) dst(%arg8 : memref<128x128xf32, #tpu.memory_space<vmem>>)
      %add3A_505 = arith.addi %add3A_75, %add3A_491 : i32
      %mul3A_506 = arith.constant 128 : i32
      %mul3A_507 = arith.muli %add3A_505, %mul3A_506 : i32
      %dma_start3A_508 = arith.constant 0 : i32
      %dma_start3A_509 = tpu.memref_slice %arg4[%mul3A_507, %dma_start3A_508] : memref<3276800x128xf32, #tpu.memory_space<hbm>> -> memref<128x128xf32, #tpu.memory_space<hbm>>
      %dma_start3A_510 = arith.constant 0 : i32
      %dma_start3A_511 = tpu.memref_slice %arg4[%mul3A_507, %dma_start3A_510] : memref<3276800x128xf32, #tpu.memory_space<hbm>> -> memref<128x128xf32, #tpu.memory_space<hbm>>
      tpu.enqueue_dma source(%arg8 : memref<128x128xf32, #tpu.memory_space<vmem>>) target(%dma_start3A_511 : memref<128x128xf32, #tpu.memory_space<hbm>>) target_semaphore(%arg18 : memref<!tpu.dma_semaphore, #tpu.memory_space<semaphore_mem>>)
      %mul3A_512 = arith.constant 5 : i32
      %mul3A_513 = arith.muli %scan3A_466, %mul3A_512 : i32
      %add3A_514 = arith.constant 2 : i32
      %add3A_515 = arith.addi %mul3A_513, %add3A_514 : i32
      %add3A_516 = arith.constant 2 : i32
      %add3A_517 = arith.addi %add3A_515, %add3A_516 : i32
      %lt3A_518 = arith.constant 80 : i32
      %lt3A_519 = arith.cmpi slt, %add3A_517, %lt3A_518 : i32
      %convert_element_type3A_520 = arith.extui %lt3A_519 : i1 to i32
      %cond3A_521 = arith.constant 0 : i32
      %cond3A_522 = arith.cmpi ne, %convert_element_type3A_520, %cond3A_521 : i32
      scf.if %cond3A_522 {
        %dma_wait3A_584 = arith.constant 0 : i32
        %dma_wait3A_585 = arith.constant 0 : i32
        %dma_wait3A_586 = tpu.memref_slice %arg4[%dma_wait3A_584, %dma_wait3A_585] : memref<3276800x128xf32, #tpu.memory_space<hbm>> -> memref<128x128xf32, #tpu.memory_space<hbm>>
        %dma_wait3A_587 = arith.constant 0 : i32
        %dma_wait3A_588 = arith.constant 0 : i32
        %dma_wait3A_589 = tpu.memref_slice %arg4[%dma_wait3A_587, %dma_wait3A_588] : memref<3276800x128xf32, #tpu.memory_space<hbm>> -> memref<128x128xf32, #tpu.memory_space<hbm>>
        tpu.wait_dma2 semaphore(%arg21 : memref<!tpu.dma_semaphore, #tpu.memory_space<semaphore_mem>>) src(%arg11 : memref<128x128xf32, #tpu.memory_space<vmem>>) dst(%dma_wait3A_589 : memref<128x128xf32, #tpu.memory_space<hbm>>)
        %dma_start3A_590 = arith.constant 0 : i32
        %dma_start3A_591 = tpu.memref_slice %arg5[%add3A_517, %dma_start3A_590] : memref<80x128xi32, #tpu.memory_space<vmem>> -> memref<1x128xi32, #tpu.memory_space<vmem>>
        %dma_start3A_592 = tpu.memref_squeeze %dma_start3A_591 : memref<1x128xi32, #tpu.memory_space<vmem>> -> memref<128xi32, #tpu.memory_space<vmem>>
        %dma_start3A_593 = arith.constant 0 : i32
        %dma_start3A_594 = arith.constant 0 : i32
        %dma_start3A_595 = tpu.memref_slice %arg3[%dma_start3A_593, %dma_start3A_594] : memref<50257x128xf32, #tpu.memory_space<hbm>> -> memref<50257x128xf32, #tpu.memory_space<hbm>>
        tpu.enqueue_indirect_dma source(%dma_start3A_595 : memref<50257x128xf32, #tpu.memory_space<hbm>>) target(%arg11 : memref<128x128xf32, #tpu.memory_space<vmem>>) offsets(%dma_start3A_592 : memref<128xi32, #tpu.memory_space<vmem>>) semaphore(%arg16 : memref<!tpu.dma_semaphore, #tpu.memory_space<semaphore_mem>>)
      } else {
      }
      %dma_wait3A_523 = arith.constant 0 : i32
      %dma_wait3A_524 = arith.constant 0 : i32
      %dma_wait3A_525 = tpu.memref_slice %arg3[%dma_wait3A_523, %dma_wait3A_524] : memref<50257x128xf32, #tpu.memory_space<hbm>> -> memref<128x128xf32, #tpu.memory_space<hbm>>
      %dma_wait3A_526 = arith.constant 0 : i32
      %dma_wait3A_527 = arith.constant 0 : i32
      %dma_wait3A_528 = tpu.memref_slice %arg3[%dma_wait3A_526, %dma_wait3A_527] : memref<50257x128xf32, #tpu.memory_space<hbm>> -> memref<128x128xf32, #tpu.memory_space<hbm>>
      tpu.wait_dma2 semaphore(%arg14 : memref<!tpu.dma_semaphore, #tpu.memory_space<semaphore_mem>>) src(%dma_wait3A_528 : memref<128x128xf32, #tpu.memory_space<hbm>>) dst(%arg9 : memref<128x128xf32, #tpu.memory_space<vmem>>)
      %add3A_529 = arith.addi %add3A_75, %add3A_515 : i32
      %mul3A_530 = arith.constant 128 : i32
      %mul3A_531 = arith.muli %add3A_529, %mul3A_530 : i32
      %dma_start3A_532 = arith.constant 0 : i32
      %dma_start3A_533 = tpu.memref_slice %arg4[%mul3A_531, %dma_start3A_532] : memref<3276800x128xf32, #tpu.memory_space<hbm>> -> memref<128x128xf32, #tpu.memory_space<hbm>>
      %dma_start3A_534 = arith.constant 0 : i32
      %dma_start3A_535 = tpu.memref_slice %arg4[%mul3A_531, %dma_start3A_534] : memref<3276800x128xf32, #tpu.memory_space<hbm>> -> memref<128x128xf32, #tpu.memory_space<hbm>>
      tpu.enqueue_dma source(%arg9 : memref<128x128xf32, #tpu.memory_space<vmem>>) target(%dma_start3A_535 : memref<128x128xf32, #tpu.memory_space<hbm>>) target_semaphore(%arg19 : memref<!tpu.dma_semaphore, #tpu.memory_space<semaphore_mem>>)
      %mul3A_536 = arith.constant 5 : i32
      %mul3A_537 = arith.muli %scan3A_466, %mul3A_536 : i32
      %add3A_538 = arith.constant 3 : i32
      %add3A_539 = arith.addi %mul3A_537, %add3A_538 : i32
      %add3A_540 = arith.constant 2 : i32
      %add3A_541 = arith.addi %add3A_539, %add3A_540 : i32
      %lt3A_542 = arith.constant 80 : i32
      %lt3A_543 = arith.cmpi slt, %add3A_541, %lt3A_542 : i32
      %convert_element_type3A_544 = arith.extui %lt3A_543 : i1 to i32
      %cond3A_545 = arith.constant 0 : i32
      %cond3A_546 = arith.cmpi ne, %convert_element_type3A_544, %cond3A_545 : i32
      scf.if %cond3A_546 {
        %dma_wait3A_584 = arith.constant 0 : i32
        %dma_wait3A_585 = arith.constant 0 : i32
        %dma_wait3A_586 = tpu.memref_slice %arg4[%dma_wait3A_584, %dma_wait3A_585] : memref<3276800x128xf32, #tpu.memory_space<hbm>> -> memref<128x128xf32, #tpu.memory_space<hbm>>
        %dma_wait3A_587 = arith.constant 0 : i32
        %dma_wait3A_588 = arith.constant 0 : i32
        %dma_wait3A_589 = tpu.memref_slice %arg4[%dma_wait3A_587, %dma_wait3A_588] : memref<3276800x128xf32, #tpu.memory_space<hbm>> -> memref<128x128xf32, #tpu.memory_space<hbm>>
        tpu.wait_dma2 semaphore(%arg17 : memref<!tpu.dma_semaphore, #tpu.memory_space<semaphore_mem>>) src(%arg7 : memref<128x128xf32, #tpu.memory_space<vmem>>) dst(%dma_wait3A_589 : memref<128x128xf32, #tpu.memory_space<hbm>>)
        %dma_start3A_590 = arith.constant 0 : i32
        %dma_start3A_591 = tpu.memref_slice %arg5[%add3A_541, %dma_start3A_590] : memref<80x128xi32, #tpu.memory_space<vmem>> -> memref<1x128xi32, #tpu.memory_space<vmem>>
        %dma_start3A_592 = tpu.memref_squeeze %dma_start3A_591 : memref<1x128xi32, #tpu.memory_space<vmem>> -> memref<128xi32, #tpu.memory_space<vmem>>
        %dma_start3A_593 = arith.constant 0 : i32
        %dma_start3A_594 = arith.constant 0 : i32
        %dma_start3A_595 = tpu.memref_slice %arg3[%dma_start3A_593, %dma_start3A_594] : memref<50257x128xf32, #tpu.memory_space<hbm>> -> memref<50257x128xf32, #tpu.memory_space<hbm>>
        tpu.enqueue_indirect_dma source(%dma_start3A_595 : memref<50257x128xf32, #tpu.memory_space<hbm>>) target(%arg7 : memref<128x128xf32, #tpu.memory_space<vmem>>) offsets(%dma_start3A_592 : memref<128xi32, #tpu.memory_space<vmem>>) semaphore(%arg12 : memref<!tpu.dma_semaphore, #tpu.memory_space<semaphore_mem>>)
      } else {
      }
      %dma_wait3A_547 = arith.constant 0 : i32
      %dma_wait3A_548 = arith.constant 0 : i32
      %dma_wait3A_549 = tpu.memref_slice %arg3[%dma_wait3A_547, %dma_wait3A_548] : memref<50257x128xf32, #tpu.memory_space<hbm>> -> memref<128x128xf32, #tpu.memory_space<hbm>>
      %dma_wait3A_550 = arith.constant 0 : i32
      %dma_wait3A_551 = arith.constant 0 : i32
      %dma_wait3A_552 = tpu.memref_slice %arg3[%dma_wait3A_550, %dma_wait3A_551] : memref<50257x128xf32, #tpu.memory_space<hbm>> -> memref<128x128xf32, #tpu.memory_space<hbm>>
      tpu.wait_dma2 semaphore(%arg15 : memref<!tpu.dma_semaphore, #tpu.memory_space<semaphore_mem>>) src(%dma_wait3A_552 : memref<128x128xf32, #tpu.memory_space<hbm>>) dst(%arg10 : memref<128x128xf32, #tpu.memory_space<vmem>>)
      %add3A_553 = arith.addi %add3A_75, %add3A_539 : i32
      %mul3A_554 = arith.constant 128 : i32
      %mul3A_555 = arith.muli %add3A_553, %mul3A_554 : i32
      %dma_start3A_556 = arith.constant 0 : i32
      %dma_start3A_557 = tpu.memref_slice %arg4[%mul3A_555, %dma_start3A_556] : memref<3276800x128xf32, #tpu.memory_space<hbm>> -> memref<128x128xf32, #tpu.memory_space<hbm>>
      %dma_start3A_558 = arith.constant 0 : i32
      %dma_start3A_559 = tpu.memref_slice %arg4[%mul3A_555, %dma_start3A_558] : memref<3276800x128xf32, #tpu.memory_space<hbm>> -> memref<128x128xf32, #tpu.memory_space<hbm>>
      tpu.enqueue_dma source(%arg10 : memref<128x128xf32, #tpu.memory_space<vmem>>) target(%dma_start3A_559 : memref<128x128xf32, #tpu.memory_space<hbm>>) target_semaphore(%arg20 : memref<!tpu.dma_semaphore, #tpu.memory_space<semaphore_mem>>)
      %mul3A_560 = arith.constant 5 : i32
      %mul3A_561 = arith.muli %scan3A_466, %mul3A_560 : i32
      %add3A_562 = arith.constant 4 : i32
      %add3A_563 = arith.addi %mul3A_561, %add3A_562 : i32
      %add3A_564 = arith.constant 2 : i32
      %add3A_565 = arith.addi %add3A_563, %add3A_564 : i32
      %lt3A_566 = arith.constant 80 : i32
      %lt3A_567 = arith.cmpi slt, %add3A_565, %lt3A_566 : i32
      %convert_element_type3A_568 = arith.extui %lt3A_567 : i1 to i32
      %cond3A_569 = arith.constant 0 : i32
      %cond3A_570 = arith.cmpi ne, %convert_element_type3A_568, %cond3A_569 : i32
      scf.if %cond3A_570 {
        %dma_wait3A_584 = arith.constant 0 : i32
        %dma_wait3A_585 = arith.constant 0 : i32
        %dma_wait3A_586 = tpu.memref_slice %arg4[%dma_wait3A_584, %dma_wait3A_585] : memref<3276800x128xf32, #tpu.memory_space<hbm>> -> memref<128x128xf32, #tpu.memory_space<hbm>>
        %dma_wait3A_587 = arith.constant 0 : i32
        %dma_wait3A_588 = arith.constant 0 : i32
        %dma_wait3A_589 = tpu.memref_slice %arg4[%dma_wait3A_587, %dma_wait3A_588] : memref<3276800x128xf32, #tpu.memory_space<hbm>> -> memref<128x128xf32, #tpu.memory_space<hbm>>
        tpu.wait_dma2 semaphore(%arg18 : memref<!tpu.dma_semaphore, #tpu.memory_space<semaphore_mem>>) src(%arg8 : memref<128x128xf32, #tpu.memory_space<vmem>>) dst(%dma_wait3A_589 : memref<128x128xf32, #tpu.memory_space<hbm>>)
        %dma_start3A_590 = arith.constant 0 : i32
        %dma_start3A_591 = tpu.memref_slice %arg5[%add3A_565, %dma_start3A_590] : memref<80x128xi32, #tpu.memory_space<vmem>> -> memref<1x128xi32, #tpu.memory_space<vmem>>
        %dma_start3A_592 = tpu.memref_squeeze %dma_start3A_591 : memref<1x128xi32, #tpu.memory_space<vmem>> -> memref<128xi32, #tpu.memory_space<vmem>>
        %dma_start3A_593 = arith.constant 0 : i32
        %dma_start3A_594 = arith.constant 0 : i32
        %dma_start3A_595 = tpu.memref_slice %arg3[%dma_start3A_593, %dma_start3A_594] : memref<50257x128xf32, #tpu.memory_space<hbm>> -> memref<50257x128xf32, #tpu.memory_space<hbm>>
        tpu.enqueue_indirect_dma source(%dma_start3A_595 : memref<50257x128xf32, #tpu.memory_space<hbm>>) target(%arg8 : memref<128x128xf32, #tpu.memory_space<vmem>>) offsets(%dma_start3A_592 : memref<128xi32, #tpu.memory_space<vmem>>) semaphore(%arg13 : memref<!tpu.dma_semaphore, #tpu.memory_space<semaphore_mem>>)
      } else {
      }
      %dma_wait3A_571 = arith.constant 0 : i32
      %dma_wait3A_572 = arith.constant 0 : i32
      %dma_wait3A_573 = tpu.memref_slice %arg3[%dma_wait3A_571, %dma_wait3A_572] : memref<50257x128xf32, #tpu.memory_space<hbm>> -> memref<128x128xf32, #tpu.memory_space<hbm>>
      %dma_wait3A_574 = arith.constant 0 : i32
      %dma_wait3A_575 = arith.constant 0 : i32
      %dma_wait3A_576 = tpu.memref_slice %arg3[%dma_wait3A_574, %dma_wait3A_575] : memref<50257x128xf32, #tpu.memory_space<hbm>> -> memref<128x128xf32, #tpu.memory_space<hbm>>
      tpu.wait_dma2 semaphore(%arg16 : memref<!tpu.dma_semaphore, #tpu.memory_space<semaphore_mem>>) src(%dma_wait3A_576 : memref<128x128xf32, #tpu.memory_space<hbm>>) dst(%arg11 : memref<128x128xf32, #tpu.memory_space<vmem>>)
      %add3A_577 = arith.addi %add3A_75, %add3A_563 : i32
      %mul3A_578 = arith.constant 128 : i32
      %mul3A_579 = arith.muli %add3A_577, %mul3A_578 : i32
      %dma_start3A_580 = arith.constant 0 : i32
      %dma_start3A_581 = tpu.memref_slice %arg4[%mul3A_579, %dma_start3A_580] : memref<3276800x128xf32, #tpu.memory_space<hbm>> -> memref<128x128xf32, #tpu.memory_space<hbm>>
      %dma_start3A_582 = arith.constant 0 : i32
      %dma_start3A_583 = tpu.memref_slice %arg4[%mul3A_579, %dma_start3A_582] : memref<3276800x128xf32, #tpu.memory_space<hbm>> -> memref<128x128xf32, #tpu.memory_space<hbm>>
      tpu.enqueue_dma source(%arg11 : memref<128x128xf32, #tpu.memory_space<vmem>>) target(%dma_start3A_583 : memref<128x128xf32, #tpu.memory_space<hbm>>) target_semaphore(%arg21 : memref<!tpu.dma_semaphore, #tpu.memory_space<semaphore_mem>>)
    }
    %scan3A_119 = arith.constant 16 : i32
    %add3A_120 = arith.constant 240 : i32
    %add3A_121 = arith.addi %mul3A_2, %add3A_120 : i32
    %dma_wait3A_122 = arith.constant 0 : i32
    %dma_wait3A_123 = arith.constant 0 : i32
    %dma_wait3A_124 = tpu.memref_slice %arg2[%dma_wait3A_122, %dma_wait3A_123] : memref<25600x128xi32, #tpu.memory_space<hbm>> -> memref<80x128xi32, #tpu.memory_space<hbm>>
    %dma_wait3A_125 = arith.constant 0 : i32
    %dma_wait3A_126 = arith.constant 0 : i32
    %dma_wait3A_127 = tpu.memref_slice %arg2[%dma_wait3A_125, %dma_wait3A_126] : memref<25600x128xi32, #tpu.memory_space<hbm>> -> memref<80x128xi32, #tpu.memory_space<hbm>>
    tpu.wait_dma2 semaphore(%arg23 : memref<!tpu.dma_semaphore, #tpu.memory_space<semaphore_mem>>) src(%dma_wait3A_127 : memref<80x128xi32, #tpu.memory_space<hbm>>) dst(%arg6 : memref<80x128xi32, #tpu.memory_space<vmem>>)
    %add3A_128 = arith.constant 80 : i32
    %add3A_129 = arith.addi %add3A_121, %add3A_128 : i32
    %dma_start3A_130 = arith.constant 0 : i32
    %dma_start3A_131 = tpu.memref_slice %arg2[%add3A_129, %dma_start3A_130] : memref<25600x128xi32, #tpu.memory_space<hbm>> -> memref<80x128xi32, #tpu.memory_space<hbm>>
    %dma_start3A_132 = arith.constant 0 : i32
    %dma_start3A_133 = tpu.memref_slice %arg2[%add3A_129, %dma_start3A_132] : memref<25600x128xi32, #tpu.memory_space<hbm>> -> memref<80x128xi32, #tpu.memory_space<hbm>>
    tpu.enqueue_dma source(%dma_start3A_133 : memref<80x128xi32, #tpu.memory_space<hbm>>) target(%arg5 : memref<80x128xi32, #tpu.memory_space<vmem>>) target_semaphore(%arg22 : memref<!tpu.dma_semaphore, #tpu.memory_space<semaphore_mem>>)
    %dma_wait3A_134 = arith.constant 0 : i32
    %dma_wait3A_135 = arith.constant 0 : i32
    %dma_wait3A_136 = tpu.memref_slice %arg4[%dma_wait3A_134, %dma_wait3A_135] : memref<3276800x128xf32, #tpu.memory_space<hbm>> -> memref<128x128xf32, #tpu.memory_space<hbm>>
    %dma_wait3A_137 = arith.constant 0 : i32
    %dma_wait3A_138 = arith.constant 0 : i32
    %dma_wait3A_139 = tpu.memref_slice %arg4[%dma_wait3A_137, %dma_wait3A_138] : memref<3276800x128xf32, #tpu.memory_space<hbm>> -> memref<128x128xf32, #tpu.memory_space<hbm>>
    tpu.wait_dma2 semaphore(%arg17 : memref<!tpu.dma_semaphore, #tpu.memory_space<semaphore_mem>>) src(%arg7 : memref<128x128xf32, #tpu.memory_space<vmem>>) dst(%dma_wait3A_139 : memref<128x128xf32, #tpu.memory_space<hbm>>)
    %dma_start3A_140 = arith.constant 0 : i32
    %dma_start3A_141 = arith.constant 0 : i32
    %dma_start3A_142 = tpu.memref_slice %arg6[%dma_start3A_140, %dma_start3A_141] : memref<80x128xi32, #tpu.memory_space<vmem>> -> memref<1x128xi32, #tpu.memory_space<vmem>>
    %dma_start3A_143 = tpu.memref_squeeze %dma_start3A_142 : memref<1x128xi32, #tpu.memory_space<vmem>> -> memref<128xi32, #tpu.memory_space<vmem>>
    %dma_start3A_144 = arith.constant 0 : i32
    %dma_start3A_145 = arith.constant 0 : i32
    %dma_start3A_146 = tpu.memref_slice %arg3[%dma_start3A_144, %dma_start3A_145] : memref<50257x128xf32, #tpu.memory_space<hbm>> -> memref<50257x128xf32, #tpu.memory_space<hbm>>
    tpu.enqueue_indirect_dma source(%dma_start3A_146 : memref<50257x128xf32, #tpu.memory_space<hbm>>) target(%arg7 : memref<128x128xf32, #tpu.memory_space<vmem>>) offsets(%dma_start3A_143 : memref<128xi32, #tpu.memory_space<vmem>>) semaphore(%arg12 : memref<!tpu.dma_semaphore, #tpu.memory_space<semaphore_mem>>)
    %dma_wait3A_147 = arith.constant 0 : i32
    %dma_wait3A_148 = arith.constant 0 : i32
    %dma_wait3A_149 = tpu.memref_slice %arg4[%dma_wait3A_147, %dma_wait3A_148] : memref<3276800x128xf32, #tpu.memory_space<hbm>> -> memref<128x128xf32, #tpu.memory_space<hbm>>
    %dma_wait3A_150 = arith.constant 0 : i32
    %dma_wait3A_151 = arith.constant 0 : i32
    %dma_wait3A_152 = tpu.memref_slice %arg4[%dma_wait3A_150, %dma_wait3A_151] : memref<3276800x128xf32, #tpu.memory_space<hbm>> -> memref<128x128xf32, #tpu.memory_space<hbm>>
    tpu.wait_dma2 semaphore(%arg18 : memref<!tpu.dma_semaphore, #tpu.memory_space<semaphore_mem>>) src(%arg8 : memref<128x128xf32, #tpu.memory_space<vmem>>) dst(%dma_wait3A_152 : memref<128x128xf32, #tpu.memory_space<hbm>>)
    %dma_start3A_153 = arith.constant 1 : i32
    %dma_start3A_154 = arith.constant 0 : i32
    %dma_start3A_155 = tpu.memref_slice %arg6[%dma_start3A_153, %dma_start3A_154] : memref<80x128xi32, #tpu.memory_space<vmem>> -> memref<1x128xi32, #tpu.memory_space<vmem>>
    %dma_start3A_156 = tpu.memref_squeeze %dma_start3A_155 : memref<1x128xi32, #tpu.memory_space<vmem>> -> memref<128xi32, #tpu.memory_space<vmem>>
    %dma_start3A_157 = arith.constant 0 : i32
    %dma_start3A_158 = arith.constant 0 : i32
    %dma_start3A_159 = tpu.memref_slice %arg3[%dma_start3A_157, %dma_start3A_158] : memref<50257x128xf32, #tpu.memory_space<hbm>> -> memref<50257x128xf32, #tpu.memory_space<hbm>>
    tpu.enqueue_indirect_dma source(%dma_start3A_159 : memref<50257x128xf32, #tpu.memory_space<hbm>>) target(%arg8 : memref<128x128xf32, #tpu.memory_space<vmem>>) offsets(%dma_start3A_156 : memref<128xi32, #tpu.memory_space<vmem>>) semaphore(%arg13 : memref<!tpu.dma_semaphore, #tpu.memory_space<semaphore_mem>>)
    %scan3A_160 = arith.constant 0 : i32
    %scan3A_161 = arith.constant 0 : i32
    %scan3A_162 = arith.constant 16 : i32
    %scan3A_163 = arith.addi %scan3A_161, %scan3A_162 : i32
    %scan3A_164 = arith.constant 1 : i32
    scf.for %scan3A_466 = %scan3A_161 to %scan3A_163 step %scan3A_164  : i32 {
      %mul3A_467 = arith.constant 5 : i32
      %mul3A_468 = arith.muli %scan3A_466, %mul3A_467 : i32
      %add3A_469 = arith.constant 0 : i32
      %add3A_470 = arith.addi %mul3A_468, %add3A_469 : i32
      %add3A_471 = arith.constant 2 : i32
      %add3A_472 = arith.addi %add3A_470, %add3A_471 : i32
      %lt3A = arith.constant 80 : i32
      %lt3A_473 = arith.cmpi slt, %add3A_472, %lt3A : i32
      %convert_element_type3A = arith.extui %lt3A_473 : i1 to i32
      %cond3A = arith.constant 0 : i32
      %cond3A_474 = arith.cmpi ne, %convert_element_type3A, %cond3A : i32
      scf.if %cond3A_474 {
        %dma_wait3A_584 = arith.constant 0 : i32
        %dma_wait3A_585 = arith.constant 0 : i32
        %dma_wait3A_586 = tpu.memref_slice %arg4[%dma_wait3A_584, %dma_wait3A_585] : memref<3276800x128xf32, #tpu.memory_space<hbm>> -> memref<128x128xf32, #tpu.memory_space<hbm>>
        %dma_wait3A_587 = arith.constant 0 : i32
        %dma_wait3A_588 = arith.constant 0 : i32
        %dma_wait3A_589 = tpu.memref_slice %arg4[%dma_wait3A_587, %dma_wait3A_588] : memref<3276800x128xf32, #tpu.memory_space<hbm>> -> memref<128x128xf32, #tpu.memory_space<hbm>>
        tpu.wait_dma2 semaphore(%arg19 : memref<!tpu.dma_semaphore, #tpu.memory_space<semaphore_mem>>) src(%arg9 : memref<128x128xf32, #tpu.memory_space<vmem>>) dst(%dma_wait3A_589 : memref<128x128xf32, #tpu.memory_space<hbm>>)
        %dma_start3A_590 = arith.constant 0 : i32
        %dma_start3A_591 = tpu.memref_slice %arg6[%add3A_472, %dma_start3A_590] : memref<80x128xi32, #tpu.memory_space<vmem>> -> memref<1x128xi32, #tpu.memory_space<vmem>>
        %dma_start3A_592 = tpu.memref_squeeze %dma_start3A_591 : memref<1x128xi32, #tpu.memory_space<vmem>> -> memref<128xi32, #tpu.memory_space<vmem>>
        %dma_start3A_593 = arith.constant 0 : i32
        %dma_start3A_594 = arith.constant 0 : i32
        %dma_start3A_595 = tpu.memref_slice %arg3[%dma_start3A_593, %dma_start3A_594] : memref<50257x128xf32, #tpu.memory_space<hbm>> -> memref<50257x128xf32, #tpu.memory_space<hbm>>
        tpu.enqueue_indirect_dma source(%dma_start3A_595 : memref<50257x128xf32, #tpu.memory_space<hbm>>) target(%arg9 : memref<128x128xf32, #tpu.memory_space<vmem>>) offsets(%dma_start3A_592 : memref<128xi32, #tpu.memory_space<vmem>>) semaphore(%arg14 : memref<!tpu.dma_semaphore, #tpu.memory_space<semaphore_mem>>)
      } else {
      }
      %dma_wait3A_475 = arith.constant 0 : i32
      %dma_wait3A_476 = arith.constant 0 : i32
      %dma_wait3A_477 = tpu.memref_slice %arg3[%dma_wait3A_475, %dma_wait3A_476] : memref<50257x128xf32, #tpu.memory_space<hbm>> -> memref<128x128xf32, #tpu.memory_space<hbm>>
      %dma_wait3A_478 = arith.constant 0 : i32
      %dma_wait3A_479 = arith.constant 0 : i32
      %dma_wait3A_480 = tpu.memref_slice %arg3[%dma_wait3A_478, %dma_wait3A_479] : memref<50257x128xf32, #tpu.memory_space<hbm>> -> memref<128x128xf32, #tpu.memory_space<hbm>>
      tpu.wait_dma2 semaphore(%arg12 : memref<!tpu.dma_semaphore, #tpu.memory_space<semaphore_mem>>) src(%dma_wait3A_480 : memref<128x128xf32, #tpu.memory_space<hbm>>) dst(%arg7 : memref<128x128xf32, #tpu.memory_space<vmem>>)
      %add3A_481 = arith.addi %add3A_121, %add3A_470 : i32
      %mul3A_482 = arith.constant 128 : i32
      %mul3A_483 = arith.muli %add3A_481, %mul3A_482 : i32
      %dma_start3A_484 = arith.constant 0 : i32
      %dma_start3A_485 = tpu.memref_slice %arg4[%mul3A_483, %dma_start3A_484] : memref<3276800x128xf32, #tpu.memory_space<hbm>> -> memref<128x128xf32, #tpu.memory_space<hbm>>
      %dma_start3A_486 = arith.constant 0 : i32
      %dma_start3A_487 = tpu.memref_slice %arg4[%mul3A_483, %dma_start3A_486] : memref<3276800x128xf32, #tpu.memory_space<hbm>> -> memref<128x128xf32, #tpu.memory_space<hbm>>
      tpu.enqueue_dma source(%arg7 : memref<128x128xf32, #tpu.memory_space<vmem>>) target(%dma_start3A_487 : memref<128x128xf32, #tpu.memory_space<hbm>>) target_semaphore(%arg17 : memref<!tpu.dma_semaphore, #tpu.memory_space<semaphore_mem>>)
      %mul3A_488 = arith.constant 5 : i32
      %mul3A_489 = arith.muli %scan3A_466, %mul3A_488 : i32
      %add3A_490 = arith.constant 1 : i32
      %add3A_491 = arith.addi %mul3A_489, %add3A_490 : i32
      %add3A_492 = arith.constant 2 : i32
      %add3A_493 = arith.addi %add3A_491, %add3A_492 : i32
      %lt3A_494 = arith.constant 80 : i32
      %lt3A_495 = arith.cmpi slt, %add3A_493, %lt3A_494 : i32
      %convert_element_type3A_496 = arith.extui %lt3A_495 : i1 to i32
      %cond3A_497 = arith.constant 0 : i32
      %cond3A_498 = arith.cmpi ne, %convert_element_type3A_496, %cond3A_497 : i32
      scf.if %cond3A_498 {
        %dma_wait3A_584 = arith.constant 0 : i32
        %dma_wait3A_585 = arith.constant 0 : i32
        %dma_wait3A_586 = tpu.memref_slice %arg4[%dma_wait3A_584, %dma_wait3A_585] : memref<3276800x128xf32, #tpu.memory_space<hbm>> -> memref<128x128xf32, #tpu.memory_space<hbm>>
        %dma_wait3A_587 = arith.constant 0 : i32
        %dma_wait3A_588 = arith.constant 0 : i32
        %dma_wait3A_589 = tpu.memref_slice %arg4[%dma_wait3A_587, %dma_wait3A_588] : memref<3276800x128xf32, #tpu.memory_space<hbm>> -> memref<128x128xf32, #tpu.memory_space<hbm>>
        tpu.wait_dma2 semaphore(%arg20 : memref<!tpu.dma_semaphore, #tpu.memory_space<semaphore_mem>>) src(%arg10 : memref<128x128xf32, #tpu.memory_space<vmem>>) dst(%dma_wait3A_589 : memref<128x128xf32, #tpu.memory_space<hbm>>)
        %dma_start3A_590 = arith.constant 0 : i32
        %dma_start3A_591 = tpu.memref_slice %arg6[%add3A_493, %dma_start3A_590] : memref<80x128xi32, #tpu.memory_space<vmem>> -> memref<1x128xi32, #tpu.memory_space<vmem>>
        %dma_start3A_592 = tpu.memref_squeeze %dma_start3A_591 : memref<1x128xi32, #tpu.memory_space<vmem>> -> memref<128xi32, #tpu.memory_space<vmem>>
        %dma_start3A_593 = arith.constant 0 : i32
        %dma_start3A_594 = arith.constant 0 : i32
        %dma_start3A_595 = tpu.memref_slice %arg3[%dma_start3A_593, %dma_start3A_594] : memref<50257x128xf32, #tpu.memory_space<hbm>> -> memref<50257x128xf32, #tpu.memory_space<hbm>>
        tpu.enqueue_indirect_dma source(%dma_start3A_595 : memref<50257x128xf32, #tpu.memory_space<hbm>>) target(%arg10 : memref<128x128xf32, #tpu.memory_space<vmem>>) offsets(%dma_start3A_592 : memref<128xi32, #tpu.memory_space<vmem>>) semaphore(%arg15 : memref<!tpu.dma_semaphore, #tpu.memory_space<semaphore_mem>>)
      } else {
      }
      %dma_wait3A_499 = arith.constant 0 : i32
      %dma_wait3A_500 = arith.constant 0 : i32
      %dma_wait3A_501 = tpu.memref_slice %arg3[%dma_wait3A_499, %dma_wait3A_500] : memref<50257x128xf32, #tpu.memory_space<hbm>> -> memref<128x128xf32, #tpu.memory_space<hbm>>
      %dma_wait3A_502 = arith.constant 0 : i32
      %dma_wait3A_503 = arith.constant 0 : i32
      %dma_wait3A_504 = tpu.memref_slice %arg3[%dma_wait3A_502, %dma_wait3A_503] : memref<50257x128xf32, #tpu.memory_space<hbm>> -> memref<128x128xf32, #tpu.memory_space<hbm>>
      tpu.wait_dma2 semaphore(%arg13 : memref<!tpu.dma_semaphore, #tpu.memory_space<semaphore_mem>>) src(%dma_wait3A_504 : memref<128x128xf32, #tpu.memory_space<hbm>>) dst(%arg8 : memref<128x128xf32, #tpu.memory_space<vmem>>)
      %add3A_505 = arith.addi %add3A_121, %add3A_491 : i32
      %mul3A_506 = arith.constant 128 : i32
      %mul3A_507 = arith.muli %add3A_505, %mul3A_506 : i32
      %dma_start3A_508 = arith.constant 0 : i32
      %dma_start3A_509 = tpu.memref_slice %arg4[%mul3A_507, %dma_start3A_508] : memref<3276800x128xf32, #tpu.memory_space<hbm>> -> memref<128x128xf32, #tpu.memory_space<hbm>>
      %dma_start3A_510 = arith.constant 0 : i32
      %dma_start3A_511 = tpu.memref_slice %arg4[%mul3A_507, %dma_start3A_510] : memref<3276800x128xf32, #tpu.memory_space<hbm>> -> memref<128x128xf32, #tpu.memory_space<hbm>>
      tpu.enqueue_dma source(%arg8 : memref<128x128xf32, #tpu.memory_space<vmem>>) target(%dma_start3A_511 : memref<128x128xf32, #tpu.memory_space<hbm>>) target_semaphore(%arg18 : memref<!tpu.dma_semaphore, #tpu.memory_space<semaphore_mem>>)
      %mul3A_512 = arith.constant 5 : i32
      %mul3A_513 = arith.muli %scan3A_466, %mul3A_512 : i32
      %add3A_514 = arith.constant 2 : i32
      %add3A_515 = arith.addi %mul3A_513, %add3A_514 : i32
      %add3A_516 = arith.constant 2 : i32
      %add3A_517 = arith.addi %add3A_515, %add3A_516 : i32
      %lt3A_518 = arith.constant 80 : i32
      %lt3A_519 = arith.cmpi slt, %add3A_517, %lt3A_518 : i32
      %convert_element_type3A_520 = arith.extui %lt3A_519 : i1 to i32
      %cond3A_521 = arith.constant 0 : i32
      %cond3A_522 = arith.cmpi ne, %convert_element_type3A_520, %cond3A_521 : i32
      scf.if %cond3A_522 {
        %dma_wait3A_584 = arith.constant 0 : i32
        %dma_wait3A_585 = arith.constant 0 : i32
        %dma_wait3A_586 = tpu.memref_slice %arg4[%dma_wait3A_584, %dma_wait3A_585] : memref<3276800x128xf32, #tpu.memory_space<hbm>> -> memref<128x128xf32, #tpu.memory_space<hbm>>
        %dma_wait3A_587 = arith.constant 0 : i32
        %dma_wait3A_588 = arith.constant 0 : i32
        %dma_wait3A_589 = tpu.memref_slice %arg4[%dma_wait3A_587, %dma_wait3A_588] : memref<3276800x128xf32, #tpu.memory_space<hbm>> -> memref<128x128xf32, #tpu.memory_space<hbm>>
        tpu.wait_dma2 semaphore(%arg21 : memref<!tpu.dma_semaphore, #tpu.memory_space<semaphore_mem>>) src(%arg11 : memref<128x128xf32, #tpu.memory_space<vmem>>) dst(%dma_wait3A_589 : memref<128x128xf32, #tpu.memory_space<hbm>>)
        %dma_start3A_590 = arith.constant 0 : i32
        %dma_start3A_591 = tpu.memref_slice %arg6[%add3A_517, %dma_start3A_590] : memref<80x128xi32, #tpu.memory_space<vmem>> -> memref<1x128xi32, #tpu.memory_space<vmem>>
        %dma_start3A_592 = tpu.memref_squeeze %dma_start3A_591 : memref<1x128xi32, #tpu.memory_space<vmem>> -> memref<128xi32, #tpu.memory_space<vmem>>
        %dma_start3A_593 = arith.constant 0 : i32
        %dma_start3A_594 = arith.constant 0 : i32
        %dma_start3A_595 = tpu.memref_slice %arg3[%dma_start3A_593, %dma_start3A_594] : memref<50257x128xf32, #tpu.memory_space<hbm>> -> memref<50257x128xf32, #tpu.memory_space<hbm>>
        tpu.enqueue_indirect_dma source(%dma_start3A_595 : memref<50257x128xf32, #tpu.memory_space<hbm>>) target(%arg11 : memref<128x128xf32, #tpu.memory_space<vmem>>) offsets(%dma_start3A_592 : memref<128xi32, #tpu.memory_space<vmem>>) semaphore(%arg16 : memref<!tpu.dma_semaphore, #tpu.memory_space<semaphore_mem>>)
      } else {
      }
      %dma_wait3A_523 = arith.constant 0 : i32
      %dma_wait3A_524 = arith.constant 0 : i32
      %dma_wait3A_525 = tpu.memref_slice %arg3[%dma_wait3A_523, %dma_wait3A_524] : memref<50257x128xf32, #tpu.memory_space<hbm>> -> memref<128x128xf32, #tpu.memory_space<hbm>>
      %dma_wait3A_526 = arith.constant 0 : i32
      %dma_wait3A_527 = arith.constant 0 : i32
      %dma_wait3A_528 = tpu.memref_slice %arg3[%dma_wait3A_526, %dma_wait3A_527] : memref<50257x128xf32, #tpu.memory_space<hbm>> -> memref<128x128xf32, #tpu.memory_space<hbm>>
      tpu.wait_dma2 semaphore(%arg14 : memref<!tpu.dma_semaphore, #tpu.memory_space<semaphore_mem>>) src(%dma_wait3A_528 : memref<128x128xf32, #tpu.memory_space<hbm>>) dst(%arg9 : memref<128x128xf32, #tpu.memory_space<vmem>>)
      %add3A_529 = arith.addi %add3A_121, %add3A_515 : i32
      %mul3A_530 = arith.constant 128 : i32
      %mul3A_531 = arith.muli %add3A_529, %mul3A_530 : i32
      %dma_start3A_532 = arith.constant 0 : i32
      %dma_start3A_533 = tpu.memref_slice %arg4[%mul3A_531, %dma_start3A_532] : memref<3276800x128xf32, #tpu.memory_space<hbm>> -> memref<128x128xf32, #tpu.memory_space<hbm>>
      %dma_start3A_534 = arith.constant 0 : i32
      %dma_start3A_535 = tpu.memref_slice %arg4[%mul3A_531, %dma_start3A_534] : memref<3276800x128xf32, #tpu.memory_space<hbm>> -> memref<128x128xf32, #tpu.memory_space<hbm>>
      tpu.enqueue_dma source(%arg9 : memref<128x128xf32, #tpu.memory_space<vmem>>) target(%dma_start3A_535 : memref<128x128xf32, #tpu.memory_space<hbm>>) target_semaphore(%arg19 : memref<!tpu.dma_semaphore, #tpu.memory_space<semaphore_mem>>)
      %mul3A_536 = arith.constant 5 : i32
      %mul3A_537 = arith.muli %scan3A_466, %mul3A_536 : i32
      %add3A_538 = arith.constant 3 : i32
      %add3A_539 = arith.addi %mul3A_537, %add3A_538 : i32
      %add3A_540 = arith.constant 2 : i32
      %add3A_541 = arith.addi %add3A_539, %add3A_540 : i32
      %lt3A_542 = arith.constant 80 : i32
      %lt3A_543 = arith.cmpi slt, %add3A_541, %lt3A_542 : i32
      %convert_element_type3A_544 = arith.extui %lt3A_543 : i1 to i32
      %cond3A_545 = arith.constant 0 : i32
      %cond3A_546 = arith.cmpi ne, %convert_element_type3A_544, %cond3A_545 : i32
      scf.if %cond3A_546 {
        %dma_wait3A_584 = arith.constant 0 : i32
        %dma_wait3A_585 = arith.constant 0 : i32
        %dma_wait3A_586 = tpu.memref_slice %arg4[%dma_wait3A_584, %dma_wait3A_585] : memref<3276800x128xf32, #tpu.memory_space<hbm>> -> memref<128x128xf32, #tpu.memory_space<hbm>>
        %dma_wait3A_587 = arith.constant 0 : i32
        %dma_wait3A_588 = arith.constant 0 : i32
        %dma_wait3A_589 = tpu.memref_slice %arg4[%dma_wait3A_587, %dma_wait3A_588] : memref<3276800x128xf32, #tpu.memory_space<hbm>> -> memref<128x128xf32, #tpu.memory_space<hbm>>
        tpu.wait_dma2 semaphore(%arg17 : memref<!tpu.dma_semaphore, #tpu.memory_space<semaphore_mem>>) src(%arg7 : memref<128x128xf32, #tpu.memory_space<vmem>>) dst(%dma_wait3A_589 : memref<128x128xf32, #tpu.memory_space<hbm>>)
        %dma_start3A_590 = arith.constant 0 : i32
        %dma_start3A_591 = tpu.memref_slice %arg6[%add3A_541, %dma_start3A_590] : memref<80x128xi32, #tpu.memory_space<vmem>> -> memref<1x128xi32, #tpu.memory_space<vmem>>
        %dma_start3A_592 = tpu.memref_squeeze %dma_start3A_591 : memref<1x128xi32, #tpu.memory_space<vmem>> -> memref<128xi32, #tpu.memory_space<vmem>>
        %dma_start3A_593 = arith.constant 0 : i32
        %dma_start3A_594 = arith.constant 0 : i32
        %dma_start3A_595 = tpu.memref_slice %arg3[%dma_start3A_593, %dma_start3A_594] : memref<50257x128xf32, #tpu.memory_space<hbm>> -> memref<50257x128xf32, #tpu.memory_space<hbm>>
        tpu.enqueue_indirect_dma source(%dma_start3A_595 : memref<50257x128xf32, #tpu.memory_space<hbm>>) target(%arg7 : memref<128x128xf32, #tpu.memory_space<vmem>>) offsets(%dma_start3A_592 : memref<128xi32, #tpu.memory_space<vmem>>) semaphore(%arg12 : memref<!tpu.dma_semaphore, #tpu.memory_space<semaphore_mem>>)
      } else {
      }
      %dma_wait3A_547 = arith.constant 0 : i32
      %dma_wait3A_548 = arith.constant 0 : i32
      %dma_wait3A_549 = tpu.memref_slice %arg3[%dma_wait3A_547, %dma_wait3A_548] : memref<50257x128xf32, #tpu.memory_space<hbm>> -> memref<128x128xf32, #tpu.memory_space<hbm>>
      %dma_wait3A_550 = arith.constant 0 : i32
      %dma_wait3A_551 = arith.constant 0 : i32
      %dma_wait3A_552 = tpu.memref_slice %arg3[%dma_wait3A_550, %dma_wait3A_551] : memref<50257x128xf32, #tpu.memory_space<hbm>> -> memref<128x128xf32, #tpu.memory_space<hbm>>
      tpu.wait_dma2 semaphore(%arg15 : memref<!tpu.dma_semaphore, #tpu.memory_space<semaphore_mem>>) src(%dma_wait3A_552 : memref<128x128xf32, #tpu.memory_space<hbm>>) dst(%arg10 : memref<128x128xf32, #tpu.memory_space<vmem>>)
      %add3A_553 = arith.addi %add3A_121, %add3A_539 : i32
      %mul3A_554 = arith.constant 128 : i32
      %mul3A_555 = arith.muli %add3A_553, %mul3A_554 : i32
      %dma_start3A_556 = arith.constant 0 : i32
      %dma_start3A_557 = tpu.memref_slice %arg4[%mul3A_555, %dma_start3A_556] : memref<3276800x128xf32, #tpu.memory_space<hbm>> -> memref<128x128xf32, #tpu.memory_space<hbm>>
      %dma_start3A_558 = arith.constant 0 : i32
      %dma_start3A_559 = tpu.memref_slice %arg4[%mul3A_555, %dma_start3A_558] : memref<3276800x128xf32, #tpu.memory_space<hbm>> -> memref<128x128xf32, #tpu.memory_space<hbm>>
      tpu.enqueue_dma source(%arg10 : memref<128x128xf32, #tpu.memory_space<vmem>>) target(%dma_start3A_559 : memref<128x128xf32, #tpu.memory_space<hbm>>) target_semaphore(%arg20 : memref<!tpu.dma_semaphore, #tpu.memory_space<semaphore_mem>>)
      %mul3A_560 = arith.constant 5 : i32
      %mul3A_561 = arith.muli %scan3A_466, %mul3A_560 : i32
      %add3A_562 = arith.constant 4 : i32
      %add3A_563 = arith.addi %mul3A_561, %add3A_562 : i32
      %add3A_564 = arith.constant 2 : i32
      %add3A_565 = arith.addi %add3A_563, %add3A_564 : i32
      %lt3A_566 = arith.constant 80 : i32
      %lt3A_567 = arith.cmpi slt, %add3A_565, %lt3A_566 : i32
      %convert_element_type3A_568 = arith.extui %lt3A_567 : i1 to i32
      %cond3A_569 = arith.constant 0 : i32
      %cond3A_570 = arith.cmpi ne, %convert_element_type3A_568, %cond3A_569 : i32
      scf.if %cond3A_570 {
        %dma_wait3A_584 = arith.constant 0 : i32
        %dma_wait3A_585 = arith.constant 0 : i32
        %dma_wait3A_586 = tpu.memref_slice %arg4[%dma_wait3A_584, %dma_wait3A_585] : memref<3276800x128xf32, #tpu.memory_space<hbm>> -> memref<128x128xf32, #tpu.memory_space<hbm>>
        %dma_wait3A_587 = arith.constant 0 : i32
        %dma_wait3A_588 = arith.constant 0 : i32
        %dma_wait3A_589 = tpu.memref_slice %arg4[%dma_wait3A_587, %dma_wait3A_588] : memref<3276800x128xf32, #tpu.memory_space<hbm>> -> memref<128x128xf32, #tpu.memory_space<hbm>>
        tpu.wait_dma2 semaphore(%arg18 : memref<!tpu.dma_semaphore, #tpu.memory_space<semaphore_mem>>) src(%arg8 : memref<128x128xf32, #tpu.memory_space<vmem>>) dst(%dma_wait3A_589 : memref<128x128xf32, #tpu.memory_space<hbm>>)
        %dma_start3A_590 = arith.constant 0 : i32
        %dma_start3A_591 = tpu.memref_slice %arg6[%add3A_565, %dma_start3A_590] : memref<80x128xi32, #tpu.memory_space<vmem>> -> memref<1x128xi32, #tpu.memory_space<vmem>>
        %dma_start3A_592 = tpu.memref_squeeze %dma_start3A_591 : memref<1x128xi32, #tpu.memory_space<vmem>> -> memref<128xi32, #tpu.memory_space<vmem>>
        %dma_start3A_593 = arith.constant 0 : i32
        %dma_start3A_594 = arith.constant 0 : i32
        %dma_start3A_595 = tpu.memref_slice %arg3[%dma_start3A_593, %dma_start3A_594] : memref<50257x128xf32, #tpu.memory_space<hbm>> -> memref<50257x128xf32, #tpu.memory_space<hbm>>
        tpu.enqueue_indirect_dma source(%dma_start3A_595 : memref<50257x128xf32, #tpu.memory_space<hbm>>) target(%arg8 : memref<128x128xf32, #tpu.memory_space<vmem>>) offsets(%dma_start3A_592 : memref<128xi32, #tpu.memory_space<vmem>>) semaphore(%arg13 : memref<!tpu.dma_semaphore, #tpu.memory_space<semaphore_mem>>)
      } else {
      }
      %dma_wait3A_571 = arith.constant 0 : i32
      %dma_wait3A_572 = arith.constant 0 : i32
      %dma_wait3A_573 = tpu.memref_slice %arg3[%dma_wait3A_571, %dma_wait3A_572] : memref<50257x128xf32, #tpu.memory_space<hbm>> -> memref<128x128xf32, #tpu.memory_space<hbm>>
      %dma_wait3A_574 = arith.constant 0 : i32
      %dma_wait3A_575 = arith.constant 0 : i32
      %dma_wait3A_576 = tpu.memref_slice %arg3[%dma_wait3A_574, %dma_wait3A_575] : memref<50257x128xf32, #tpu.memory_space<hbm>> -> memref<128x128xf32, #tpu.memory_space<hbm>>
      tpu.wait_dma2 semaphore(%arg16 : memref<!tpu.dma_semaphore, #tpu.memory_space<semaphore_mem>>) src(%dma_wait3A_576 : memref<128x128xf32, #tpu.memory_space<hbm>>) dst(%arg11 : memref<128x128xf32, #tpu.memory_space<vmem>>)
      %add3A_577 = arith.addi %add3A_121, %add3A_563 : i32
      %mul3A_578 = arith.constant 128 : i32
      %mul3A_579 = arith.muli %add3A_577, %mul3A_578 : i32
      %dma_start3A_580 = arith.constant 0 : i32
      %dma_start3A_581 = tpu.memref_slice %arg4[%mul3A_579, %dma_start3A_580] : memref<3276800x128xf32, #tpu.memory_space<hbm>> -> memref<128x128xf32, #tpu.memory_space<hbm>>
      %dma_start3A_582 = arith.constant 0 : i32
      %dma_start3A_583 = tpu.memref_slice %arg4[%mul3A_579, %dma_start3A_582] : memref<3276800x128xf32, #tpu.memory_space<hbm>> -> memref<128x128xf32, #tpu.memory_space<hbm>>
      tpu.enqueue_dma source(%arg11 : memref<128x128xf32, #tpu.memory_space<vmem>>) target(%dma_start3A_583 : memref<128x128xf32, #tpu.memory_space<hbm>>) target_semaphore(%arg21 : memref<!tpu.dma_semaphore, #tpu.memory_space<semaphore_mem>>)
    }
    %scan3A_165 = arith.constant 16 : i32
    %add3A_166 = arith.constant 320 : i32
    %add3A_167 = arith.addi %mul3A_2, %add3A_166 : i32
    %dma_wait3A_168 = arith.constant 0 : i32
    %dma_wait3A_169 = arith.constant 0 : i32
    %dma_wait3A_170 = tpu.memref_slice %arg2[%dma_wait3A_168, %dma_wait3A_169] : memref<25600x128xi32, #tpu.memory_space<hbm>> -> memref<80x128xi32, #tpu.memory_space<hbm>>
    %dma_wait3A_171 = arith.constant 0 : i32
    %dma_wait3A_172 = arith.constant 0 : i32
    %dma_wait3A_173 = tpu.memref_slice %arg2[%dma_wait3A_171, %dma_wait3A_172] : memref<25600x128xi32, #tpu.memory_space<hbm>> -> memref<80x128xi32, #tpu.memory_space<hbm>>
    tpu.wait_dma2 semaphore(%arg22 : memref<!tpu.dma_semaphore, #tpu.memory_space<semaphore_mem>>) src(%dma_wait3A_173 : memref<80x128xi32, #tpu.memory_space<hbm>>) dst(%arg5 : memref<80x128xi32, #tpu.memory_space<vmem>>)
    %add3A_174 = arith.constant 80 : i32
    %add3A_175 = arith.addi %add3A_167, %add3A_174 : i32
    %dma_start3A_176 = arith.constant 0 : i32
    %dma_start3A_177 = tpu.memref_slice %arg2[%add3A_175, %dma_start3A_176] : memref<25600x128xi32, #tpu.memory_space<hbm>> -> memref<80x128xi32, #tpu.memory_space<hbm>>
    %dma_start3A_178 = arith.constant 0 : i32
    %dma_start3A_179 = tpu.memref_slice %arg2[%add3A_175, %dma_start3A_178] : memref<25600x128xi32, #tpu.memory_space<hbm>> -> memref<80x128xi32, #tpu.memory_space<hbm>>
    tpu.enqueue_dma source(%dma_start3A_179 : memref<80x128xi32, #tpu.memory_space<hbm>>) target(%arg6 : memref<80x128xi32, #tpu.memory_space<vmem>>) target_semaphore(%arg23 : memref<!tpu.dma_semaphore, #tpu.memory_space<semaphore_mem>>)
    %dma_wait3A_180 = arith.constant 0 : i32
    %dma_wait3A_181 = arith.constant 0 : i32
    %dma_wait3A_182 = tpu.memref_slice %arg4[%dma_wait3A_180, %dma_wait3A_181] : memref<3276800x128xf32, #tpu.memory_space<hbm>> -> memref<128x128xf32, #tpu.memory_space<hbm>>
    %dma_wait3A_183 = arith.constant 0 : i32
    %dma_wait3A_184 = arith.constant 0 : i32
    %dma_wait3A_185 = tpu.memref_slice %arg4[%dma_wait3A_183, %dma_wait3A_184] : memref<3276800x128xf32, #tpu.memory_space<hbm>> -> memref<128x128xf32, #tpu.memory_space<hbm>>
    tpu.wait_dma2 semaphore(%arg17 : memref<!tpu.dma_semaphore, #tpu.memory_space<semaphore_mem>>) src(%arg7 : memref<128x128xf32, #tpu.memory_space<vmem>>) dst(%dma_wait3A_185 : memref<128x128xf32, #tpu.memory_space<hbm>>)
    %dma_start3A_186 = arith.constant 0 : i32
    %dma_start3A_187 = arith.constant 0 : i32
    %dma_start3A_188 = tpu.memref_slice %arg5[%dma_start3A_186, %dma_start3A_187] : memref<80x128xi32, #tpu.memory_space<vmem>> -> memref<1x128xi32, #tpu.memory_space<vmem>>
    %dma_start3A_189 = tpu.memref_squeeze %dma_start3A_188 : memref<1x128xi32, #tpu.memory_space<vmem>> -> memref<128xi32, #tpu.memory_space<vmem>>
    %dma_start3A_190 = arith.constant 0 : i32
    %dma_start3A_191 = arith.constant 0 : i32
    %dma_start3A_192 = tpu.memref_slice %arg3[%dma_start3A_190, %dma_start3A_191] : memref<50257x128xf32, #tpu.memory_space<hbm>> -> memref<50257x128xf32, #tpu.memory_space<hbm>>
    tpu.enqueue_indirect_dma source(%dma_start3A_192 : memref<50257x128xf32, #tpu.memory_space<hbm>>) target(%arg7 : memref<128x128xf32, #tpu.memory_space<vmem>>) offsets(%dma_start3A_189 : memref<128xi32, #tpu.memory_space<vmem>>) semaphore(%arg12 : memref<!tpu.dma_semaphore, #tpu.memory_space<semaphore_mem>>)
    %dma_wait3A_193 = arith.constant 0 : i32
    %dma_wait3A_194 = arith.constant 0 : i32
    %dma_wait3A_195 = tpu.memref_slice %arg4[%dma_wait3A_193, %dma_wait3A_194] : memref<3276800x128xf32, #tpu.memory_space<hbm>> -> memref<128x128xf32, #tpu.memory_space<hbm>>
    %dma_wait3A_196 = arith.constant 0 : i32
    %dma_wait3A_197 = arith.constant 0 : i32
    %dma_wait3A_198 = tpu.memref_slice %arg4[%dma_wait3A_196, %dma_wait3A_197] : memref<3276800x128xf32, #tpu.memory_space<hbm>> -> memref<128x128xf32, #tpu.memory_space<hbm>>
    tpu.wait_dma2 semaphore(%arg18 : memref<!tpu.dma_semaphore, #tpu.memory_space<semaphore_mem>>) src(%arg8 : memref<128x128xf32, #tpu.memory_space<vmem>>) dst(%dma_wait3A_198 : memref<128x128xf32, #tpu.memory_space<hbm>>)
    %dma_start3A_199 = arith.constant 1 : i32
    %dma_start3A_200 = arith.constant 0 : i32
    %dma_start3A_201 = tpu.memref_slice %arg5[%dma_start3A_199, %dma_start3A_200] : memref<80x128xi32, #tpu.memory_space<vmem>> -> memref<1x128xi32, #tpu.memory_space<vmem>>
    %dma_start3A_202 = tpu.memref_squeeze %dma_start3A_201 : memref<1x128xi32, #tpu.memory_space<vmem>> -> memref<128xi32, #tpu.memory_space<vmem>>
    %dma_start3A_203 = arith.constant 0 : i32
    %dma_start3A_204 = arith.constant 0 : i32
    %dma_start3A_205 = tpu.memref_slice %arg3[%dma_start3A_203, %dma_start3A_204] : memref<50257x128xf32, #tpu.memory_space<hbm>> -> memref<50257x128xf32, #tpu.memory_space<hbm>>
    tpu.enqueue_indirect_dma source(%dma_start3A_205 : memref<50257x128xf32, #tpu.memory_space<hbm>>) target(%arg8 : memref<128x128xf32, #tpu.memory_space<vmem>>) offsets(%dma_start3A_202 : memref<128xi32, #tpu.memory_space<vmem>>) semaphore(%arg13 : memref<!tpu.dma_semaphore, #tpu.memory_space<semaphore_mem>>)
    %scan3A_206 = arith.constant 0 : i32
    %scan3A_207 = arith.constant 0 : i32
    %scan3A_208 = arith.constant 16 : i32
    %scan3A_209 = arith.addi %scan3A_207, %scan3A_208 : i32
    %scan3A_210 = arith.constant 1 : i32
    scf.for %scan3A_466 = %scan3A_207 to %scan3A_209 step %scan3A_210  : i32 {
      %mul3A_467 = arith.constant 5 : i32
      %mul3A_468 = arith.muli %scan3A_466, %mul3A_467 : i32
      %add3A_469 = arith.constant 0 : i32
      %add3A_470 = arith.addi %mul3A_468, %add3A_469 : i32
      %add3A_471 = arith.constant 2 : i32
      %add3A_472 = arith.addi %add3A_470, %add3A_471 : i32
      %lt3A = arith.constant 80 : i32
      %lt3A_473 = arith.cmpi slt, %add3A_472, %lt3A : i32
      %convert_element_type3A = arith.extui %lt3A_473 : i1 to i32
      %cond3A = arith.constant 0 : i32
      %cond3A_474 = arith.cmpi ne, %convert_element_type3A, %cond3A : i32
      scf.if %cond3A_474 {
        %dma_wait3A_584 = arith.constant 0 : i32
        %dma_wait3A_585 = arith.constant 0 : i32
        %dma_wait3A_586 = tpu.memref_slice %arg4[%dma_wait3A_584, %dma_wait3A_585] : memref<3276800x128xf32, #tpu.memory_space<hbm>> -> memref<128x128xf32, #tpu.memory_space<hbm>>
        %dma_wait3A_587 = arith.constant 0 : i32
        %dma_wait3A_588 = arith.constant 0 : i32
        %dma_wait3A_589 = tpu.memref_slice %arg4[%dma_wait3A_587, %dma_wait3A_588] : memref<3276800x128xf32, #tpu.memory_space<hbm>> -> memref<128x128xf32, #tpu.memory_space<hbm>>
        tpu.wait_dma2 semaphore(%arg19 : memref<!tpu.dma_semaphore, #tpu.memory_space<semaphore_mem>>) src(%arg9 : memref<128x128xf32, #tpu.memory_space<vmem>>) dst(%dma_wait3A_589 : memref<128x128xf32, #tpu.memory_space<hbm>>)
        %dma_start3A_590 = arith.constant 0 : i32
        %dma_start3A_591 = tpu.memref_slice %arg5[%add3A_472, %dma_start3A_590] : memref<80x128xi32, #tpu.memory_space<vmem>> -> memref<1x128xi32, #tpu.memory_space<vmem>>
        %dma_start3A_592 = tpu.memref_squeeze %dma_start3A_591 : memref<1x128xi32, #tpu.memory_space<vmem>> -> memref<128xi32, #tpu.memory_space<vmem>>
        %dma_start3A_593 = arith.constant 0 : i32
        %dma_start3A_594 = arith.constant 0 : i32
        %dma_start3A_595 = tpu.memref_slice %arg3[%dma_start3A_593, %dma_start3A_594] : memref<50257x128xf32, #tpu.memory_space<hbm>> -> memref<50257x128xf32, #tpu.memory_space<hbm>>
        tpu.enqueue_indirect_dma source(%dma_start3A_595 : memref<50257x128xf32, #tpu.memory_space<hbm>>) target(%arg9 : memref<128x128xf32, #tpu.memory_space<vmem>>) offsets(%dma_start3A_592 : memref<128xi32, #tpu.memory_space<vmem>>) semaphore(%arg14 : memref<!tpu.dma_semaphore, #tpu.memory_space<semaphore_mem>>)
      } else {
      }
      %dma_wait3A_475 = arith.constant 0 : i32
      %dma_wait3A_476 = arith.constant 0 : i32
      %dma_wait3A_477 = tpu.memref_slice %arg3[%dma_wait3A_475, %dma_wait3A_476] : memref<50257x128xf32, #tpu.memory_space<hbm>> -> memref<128x128xf32, #tpu.memory_space<hbm>>
      %dma_wait3A_478 = arith.constant 0 : i32
      %dma_wait3A_479 = arith.constant 0 : i32
      %dma_wait3A_480 = tpu.memref_slice %arg3[%dma_wait3A_478, %dma_wait3A_479] : memref<50257x128xf32, #tpu.memory_space<hbm>> -> memref<128x128xf32, #tpu.memory_space<hbm>>
      tpu.wait_dma2 semaphore(%arg12 : memref<!tpu.dma_semaphore, #tpu.memory_space<semaphore_mem>>) src(%dma_wait3A_480 : memref<128x128xf32, #tpu.memory_space<hbm>>) dst(%arg7 : memref<128x128xf32, #tpu.memory_space<vmem>>)
      %add3A_481 = arith.addi %add3A_167, %add3A_470 : i32
      %mul3A_482 = arith.constant 128 : i32
      %mul3A_483 = arith.muli %add3A_481, %mul3A_482 : i32
      %dma_start3A_484 = arith.constant 0 : i32
      %dma_start3A_485 = tpu.memref_slice %arg4[%mul3A_483, %dma_start3A_484] : memref<3276800x128xf32, #tpu.memory_space<hbm>> -> memref<128x128xf32, #tpu.memory_space<hbm>>
      %dma_start3A_486 = arith.constant 0 : i32
      %dma_start3A_487 = tpu.memref_slice %arg4[%mul3A_483, %dma_start3A_486] : memref<3276800x128xf32, #tpu.memory_space<hbm>> -> memref<128x128xf32, #tpu.memory_space<hbm>>
      tpu.enqueue_dma source(%arg7 : memref<128x128xf32, #tpu.memory_space<vmem>>) target(%dma_start3A_487 : memref<128x128xf32, #tpu.memory_space<hbm>>) target_semaphore(%arg17 : memref<!tpu.dma_semaphore, #tpu.memory_space<semaphore_mem>>)
      %mul3A_488 = arith.constant 5 : i32
      %mul3A_489 = arith.muli %scan3A_466, %mul3A_488 : i32
      %add3A_490 = arith.constant 1 : i32
      %add3A_491 = arith.addi %mul3A_489, %add3A_490 : i32
      %add3A_492 = arith.constant 2 : i32
      %add3A_493 = arith.addi %add3A_491, %add3A_492 : i32
      %lt3A_494 = arith.constant 80 : i32
      %lt3A_495 = arith.cmpi slt, %add3A_493, %lt3A_494 : i32
      %convert_element_type3A_496 = arith.extui %lt3A_495 : i1 to i32
      %cond3A_497 = arith.constant 0 : i32
      %cond3A_498 = arith.cmpi ne, %convert_element_type3A_496, %cond3A_497 : i32
      scf.if %cond3A_498 {
        %dma_wait3A_584 = arith.constant 0 : i32
        %dma_wait3A_585 = arith.constant 0 : i32
        %dma_wait3A_586 = tpu.memref_slice %arg4[%dma_wait3A_584, %dma_wait3A_585] : memref<3276800x128xf32, #tpu.memory_space<hbm>> -> memref<128x128xf32, #tpu.memory_space<hbm>>
        %dma_wait3A_587 = arith.constant 0 : i32
        %dma_wait3A_588 = arith.constant 0 : i32
        %dma_wait3A_589 = tpu.memref_slice %arg4[%dma_wait3A_587, %dma_wait3A_588] : memref<3276800x128xf32, #tpu.memory_space<hbm>> -> memref<128x128xf32, #tpu.memory_space<hbm>>
        tpu.wait_dma2 semaphore(%arg20 : memref<!tpu.dma_semaphore, #tpu.memory_space<semaphore_mem>>) src(%arg10 : memref<128x128xf32, #tpu.memory_space<vmem>>) dst(%dma_wait3A_589 : memref<128x128xf32, #tpu.memory_space<hbm>>)
        %dma_start3A_590 = arith.constant 0 : i32
        %dma_start3A_591 = tpu.memref_slice %arg5[%add3A_493, %dma_start3A_590] : memref<80x128xi32, #tpu.memory_space<vmem>> -> memref<1x128xi32, #tpu.memory_space<vmem>>
        %dma_start3A_592 = tpu.memref_squeeze %dma_start3A_591 : memref<1x128xi32, #tpu.memory_space<vmem>> -> memref<128xi32, #tpu.memory_space<vmem>>
        %dma_start3A_593 = arith.constant 0 : i32
        %dma_start3A_594 = arith.constant 0 : i32
        %dma_start3A_595 = tpu.memref_slice %arg3[%dma_start3A_593, %dma_start3A_594] : memref<50257x128xf32, #tpu.memory_space<hbm>> -> memref<50257x128xf32, #tpu.memory_space<hbm>>
        tpu.enqueue_indirect_dma source(%dma_start3A_595 : memref<50257x128xf32, #tpu.memory_space<hbm>>) target(%arg10 : memref<128x128xf32, #tpu.memory_space<vmem>>) offsets(%dma_start3A_592 : memref<128xi32, #tpu.memory_space<vmem>>) semaphore(%arg15 : memref<!tpu.dma_semaphore, #tpu.memory_space<semaphore_mem>>)
      } else {
      }
      %dma_wait3A_499 = arith.constant 0 : i32
      %dma_wait3A_500 = arith.constant 0 : i32
      %dma_wait3A_501 = tpu.memref_slice %arg3[%dma_wait3A_499, %dma_wait3A_500] : memref<50257x128xf32, #tpu.memory_space<hbm>> -> memref<128x128xf32, #tpu.memory_space<hbm>>
      %dma_wait3A_502 = arith.constant 0 : i32
      %dma_wait3A_503 = arith.constant 0 : i32
      %dma_wait3A_504 = tpu.memref_slice %arg3[%dma_wait3A_502, %dma_wait3A_503] : memref<50257x128xf32, #tpu.memory_space<hbm>> -> memref<128x128xf32, #tpu.memory_space<hbm>>
      tpu.wait_dma2 semaphore(%arg13 : memref<!tpu.dma_semaphore, #tpu.memory_space<semaphore_mem>>) src(%dma_wait3A_504 : memref<128x128xf32, #tpu.memory_space<hbm>>) dst(%arg8 : memref<128x128xf32, #tpu.memory_space<vmem>>)
      %add3A_505 = arith.addi %add3A_167, %add3A_491 : i32
      %mul3A_506 = arith.constant 128 : i32
      %mul3A_507 = arith.muli %add3A_505, %mul3A_506 : i32
      %dma_start3A_508 = arith.constant 0 : i32
      %dma_start3A_509 = tpu.memref_slice %arg4[%mul3A_507, %dma_start3A_508] : memref<3276800x128xf32, #tpu.memory_space<hbm>> -> memref<128x128xf32, #tpu.memory_space<hbm>>
      %dma_start3A_510 = arith.constant 0 : i32
      %dma_start3A_511 = tpu.memref_slice %arg4[%mul3A_507, %dma_start3A_510] : memref<3276800x128xf32, #tpu.memory_space<hbm>> -> memref<128x128xf32, #tpu.memory_space<hbm>>
      tpu.enqueue_dma source(%arg8 : memref<128x128xf32, #tpu.memory_space<vmem>>) target(%dma_start3A_511 : memref<128x128xf32, #tpu.memory_space<hbm>>) target_semaphore(%arg18 : memref<!tpu.dma_semaphore, #tpu.memory_space<semaphore_mem>>)
      %mul3A_512 = arith.constant 5 : i32
      %mul3A_513 = arith.muli %scan3A_466, %mul3A_512 : i32
      %add3A_514 = arith.constant 2 : i32
      %add3A_515 = arith.addi %mul3A_513, %add3A_514 : i32
      %add3A_516 = arith.constant 2 : i32
      %add3A_517 = arith.addi %add3A_515, %add3A_516 : i32
      %lt3A_518 = arith.constant 80 : i32
      %lt3A_519 = arith.cmpi slt, %add3A_517, %lt3A_518 : i32
      %convert_element_type3A_520 = arith.extui %lt3A_519 : i1 to i32
      %cond3A_521 = arith.constant 0 : i32
      %cond3A_522 = arith.cmpi ne, %convert_element_type3A_520, %cond3A_521 : i32
      scf.if %cond3A_522 {
        %dma_wait3A_584 = arith.constant 0 : i32
        %dma_wait3A_585 = arith.constant 0 : i32
        %dma_wait3A_586 = tpu.memref_slice %arg4[%dma_wait3A_584, %dma_wait3A_585] : memref<3276800x128xf32, #tpu.memory_space<hbm>> -> memref<128x128xf32, #tpu.memory_space<hbm>>
        %dma_wait3A_587 = arith.constant 0 : i32
        %dma_wait3A_588 = arith.constant 0 : i32
        %dma_wait3A_589 = tpu.memref_slice %arg4[%dma_wait3A_587, %dma_wait3A_588] : memref<3276800x128xf32, #tpu.memory_space<hbm>> -> memref<128x128xf32, #tpu.memory_space<hbm>>
        tpu.wait_dma2 semaphore(%arg21 : memref<!tpu.dma_semaphore, #tpu.memory_space<semaphore_mem>>) src(%arg11 : memref<128x128xf32, #tpu.memory_space<vmem>>) dst(%dma_wait3A_589 : memref<128x128xf32, #tpu.memory_space<hbm>>)
        %dma_start3A_590 = arith.constant 0 : i32
        %dma_start3A_591 = tpu.memref_slice %arg5[%add3A_517, %dma_start3A_590] : memref<80x128xi32, #tpu.memory_space<vmem>> -> memref<1x128xi32, #tpu.memory_space<vmem>>
        %dma_start3A_592 = tpu.memref_squeeze %dma_start3A_591 : memref<1x128xi32, #tpu.memory_space<vmem>> -> memref<128xi32, #tpu.memory_space<vmem>>
        %dma_start3A_593 = arith.constant 0 : i32
        %dma_start3A_594 = arith.constant 0 : i32
        %dma_start3A_595 = tpu.memref_slice %arg3[%dma_start3A_593, %dma_start3A_594] : memref<50257x128xf32, #tpu.memory_space<hbm>> -> memref<50257x128xf32, #tpu.memory_space<hbm>>
        tpu.enqueue_indirect_dma source(%dma_start3A_595 : memref<50257x128xf32, #tpu.memory_space<hbm>>) target(%arg11 : memref<128x128xf32, #tpu.memory_space<vmem>>) offsets(%dma_start3A_592 : memref<128xi32, #tpu.memory_space<vmem>>) semaphore(%arg16 : memref<!tpu.dma_semaphore, #tpu.memory_space<semaphore_mem>>)
      } else {
      }
      %dma_wait3A_523 = arith.constant 0 : i32
      %dma_wait3A_524 = arith.constant 0 : i32
      %dma_wait3A_525 = tpu.memref_slice %arg3[%dma_wait3A_523, %dma_wait3A_524] : memref<50257x128xf32, #tpu.memory_space<hbm>> -> memref<128x128xf32, #tpu.memory_space<hbm>>
      %dma_wait3A_526 = arith.constant 0 : i32
      %dma_wait3A_527 = arith.constant 0 : i32
      %dma_wait3A_528 = tpu.memref_slice %arg3[%dma_wait3A_526, %dma_wait3A_527] : memref<50257x128xf32, #tpu.memory_space<hbm>> -> memref<128x128xf32, #tpu.memory_space<hbm>>
      tpu.wait_dma2 semaphore(%arg14 : memref<!tpu.dma_semaphore, #tpu.memory_space<semaphore_mem>>) src(%dma_wait3A_528 : memref<128x128xf32, #tpu.memory_space<hbm>>) dst(%arg9 : memref<128x128xf32, #tpu.memory_space<vmem>>)
      %add3A_529 = arith.addi %add3A_167, %add3A_515 : i32
      %mul3A_530 = arith.constant 128 : i32
      %mul3A_531 = arith.muli %add3A_529, %mul3A_530 : i32
      %dma_start3A_532 = arith.constant 0 : i32
      %dma_start3A_533 = tpu.memref_slice %arg4[%mul3A_531, %dma_start3A_532] : memref<3276800x128xf32, #tpu.memory_space<hbm>> -> memref<128x128xf32, #tpu.memory_space<hbm>>
      %dma_start3A_534 = arith.constant 0 : i32
      %dma_start3A_535 = tpu.memref_slice %arg4[%mul3A_531, %dma_start3A_534] : memref<3276800x128xf32, #tpu.memory_space<hbm>> -> memref<128x128xf32, #tpu.memory_space<hbm>>
      tpu.enqueue_dma source(%arg9 : memref<128x128xf32, #tpu.memory_space<vmem>>) target(%dma_start3A_535 : memref<128x128xf32, #tpu.memory_space<hbm>>) target_semaphore(%arg19 : memref<!tpu.dma_semaphore, #tpu.memory_space<semaphore_mem>>)
      %mul3A_536 = arith.constant 5 : i32
      %mul3A_537 = arith.muli %scan3A_466, %mul3A_536 : i32
      %add3A_538 = arith.constant 3 : i32
      %add3A_539 = arith.addi %mul3A_537, %add3A_538 : i32
      %add3A_540 = arith.constant 2 : i32
      %add3A_541 = arith.addi %add3A_539, %add3A_540 : i32
      %lt3A_542 = arith.constant 80 : i32
      %lt3A_543 = arith.cmpi slt, %add3A_541, %lt3A_542 : i32
      %convert_element_type3A_544 = arith.extui %lt3A_543 : i1 to i32
      %cond3A_545 = arith.constant 0 : i32
      %cond3A_546 = arith.cmpi ne, %convert_element_type3A_544, %cond3A_545 : i32
      scf.if %cond3A_546 {
        %dma_wait3A_584 = arith.constant 0 : i32
        %dma_wait3A_585 = arith.constant 0 : i32
        %dma_wait3A_586 = tpu.memref_slice %arg4[%dma_wait3A_584, %dma_wait3A_585] : memref<3276800x128xf32, #tpu.memory_space<hbm>> -> memref<128x128xf32, #tpu.memory_space<hbm>>
        %dma_wait3A_587 = arith.constant 0 : i32
        %dma_wait3A_588 = arith.constant 0 : i32
        %dma_wait3A_589 = tpu.memref_slice %arg4[%dma_wait3A_587, %dma_wait3A_588] : memref<3276800x128xf32, #tpu.memory_space<hbm>> -> memref<128x128xf32, #tpu.memory_space<hbm>>
        tpu.wait_dma2 semaphore(%arg17 : memref<!tpu.dma_semaphore, #tpu.memory_space<semaphore_mem>>) src(%arg7 : memref<128x128xf32, #tpu.memory_space<vmem>>) dst(%dma_wait3A_589 : memref<128x128xf32, #tpu.memory_space<hbm>>)
        %dma_start3A_590 = arith.constant 0 : i32
        %dma_start3A_591 = tpu.memref_slice %arg5[%add3A_541, %dma_start3A_590] : memref<80x128xi32, #tpu.memory_space<vmem>> -> memref<1x128xi32, #tpu.memory_space<vmem>>
        %dma_start3A_592 = tpu.memref_squeeze %dma_start3A_591 : memref<1x128xi32, #tpu.memory_space<vmem>> -> memref<128xi32, #tpu.memory_space<vmem>>
        %dma_start3A_593 = arith.constant 0 : i32
        %dma_start3A_594 = arith.constant 0 : i32
        %dma_start3A_595 = tpu.memref_slice %arg3[%dma_start3A_593, %dma_start3A_594] : memref<50257x128xf32, #tpu.memory_space<hbm>> -> memref<50257x128xf32, #tpu.memory_space<hbm>>
        tpu.enqueue_indirect_dma source(%dma_start3A_595 : memref<50257x128xf32, #tpu.memory_space<hbm>>) target(%arg7 : memref<128x128xf32, #tpu.memory_space<vmem>>) offsets(%dma_start3A_592 : memref<128xi32, #tpu.memory_space<vmem>>) semaphore(%arg12 : memref<!tpu.dma_semaphore, #tpu.memory_space<semaphore_mem>>)
      } else {
      }
      %dma_wait3A_547 = arith.constant 0 : i32
      %dma_wait3A_548 = arith.constant 0 : i32
      %dma_wait3A_549 = tpu.memref_slice %arg3[%dma_wait3A_547, %dma_wait3A_548] : memref<50257x128xf32, #tpu.memory_space<hbm>> -> memref<128x128xf32, #tpu.memory_space<hbm>>
      %dma_wait3A_550 = arith.constant 0 : i32
      %dma_wait3A_551 = arith.constant 0 : i32
      %dma_wait3A_552 = tpu.memref_slice %arg3[%dma_wait3A_550, %dma_wait3A_551] : memref<50257x128xf32, #tpu.memory_space<hbm>> -> memref<128x128xf32, #tpu.memory_space<hbm>>
      tpu.wait_dma2 semaphore(%arg15 : memref<!tpu.dma_semaphore, #tpu.memory_space<semaphore_mem>>) src(%dma_wait3A_552 : memref<128x128xf32, #tpu.memory_space<hbm>>) dst(%arg10 : memref<128x128xf32, #tpu.memory_space<vmem>>)
      %add3A_553 = arith.addi %add3A_167, %add3A_539 : i32
      %mul3A_554 = arith.constant 128 : i32
      %mul3A_555 = arith.muli %add3A_553, %mul3A_554 : i32
      %dma_start3A_556 = arith.constant 0 : i32
      %dma_start3A_557 = tpu.memref_slice %arg4[%mul3A_555, %dma_start3A_556] : memref<3276800x128xf32, #tpu.memory_space<hbm>> -> memref<128x128xf32, #tpu.memory_space<hbm>>
      %dma_start3A_558 = arith.constant 0 : i32
      %dma_start3A_559 = tpu.memref_slice %arg4[%mul3A_555, %dma_start3A_558] : memref<3276800x128xf32, #tpu.memory_space<hbm>> -> memref<128x128xf32, #tpu.memory_space<hbm>>
      tpu.enqueue_dma source(%arg10 : memref<128x128xf32, #tpu.memory_space<vmem>>) target(%dma_start3A_559 : memref<128x128xf32, #tpu.memory_space<hbm>>) target_semaphore(%arg20 : memref<!tpu.dma_semaphore, #tpu.memory_space<semaphore_mem>>)
      %mul3A_560 = arith.constant 5 : i32
      %mul3A_561 = arith.muli %scan3A_466, %mul3A_560 : i32
      %add3A_562 = arith.constant 4 : i32
      %add3A_563 = arith.addi %mul3A_561, %add3A_562 : i32
      %add3A_564 = arith.constant 2 : i32
      %add3A_565 = arith.addi %add3A_563, %add3A_564 : i32
      %lt3A_566 = arith.constant 80 : i32
      %lt3A_567 = arith.cmpi slt, %add3A_565, %lt3A_566 : i32
      %convert_element_type3A_568 = arith.extui %lt3A_567 : i1 to i32
      %cond3A_569 = arith.constant 0 : i32
      %cond3A_570 = arith.cmpi ne, %convert_element_type3A_568, %cond3A_569 : i32
      scf.if %cond3A_570 {
        %dma_wait3A_584 = arith.constant 0 : i32
        %dma_wait3A_585 = arith.constant 0 : i32
        %dma_wait3A_586 = tpu.memref_slice %arg4[%dma_wait3A_584, %dma_wait3A_585] : memref<3276800x128xf32, #tpu.memory_space<hbm>> -> memref<128x128xf32, #tpu.memory_space<hbm>>
        %dma_wait3A_587 = arith.constant 0 : i32
        %dma_wait3A_588 = arith.constant 0 : i32
        %dma_wait3A_589 = tpu.memref_slice %arg4[%dma_wait3A_587, %dma_wait3A_588] : memref<3276800x128xf32, #tpu.memory_space<hbm>> -> memref<128x128xf32, #tpu.memory_space<hbm>>
        tpu.wait_dma2 semaphore(%arg18 : memref<!tpu.dma_semaphore, #tpu.memory_space<semaphore_mem>>) src(%arg8 : memref<128x128xf32, #tpu.memory_space<vmem>>) dst(%dma_wait3A_589 : memref<128x128xf32, #tpu.memory_space<hbm>>)
        %dma_start3A_590 = arith.constant 0 : i32
        %dma_start3A_591 = tpu.memref_slice %arg5[%add3A_565, %dma_start3A_590] : memref<80x128xi32, #tpu.memory_space<vmem>> -> memref<1x128xi32, #tpu.memory_space<vmem>>
        %dma_start3A_592 = tpu.memref_squeeze %dma_start3A_591 : memref<1x128xi32, #tpu.memory_space<vmem>> -> memref<128xi32, #tpu.memory_space<vmem>>
        %dma_start3A_593 = arith.constant 0 : i32
        %dma_start3A_594 = arith.constant 0 : i32
        %dma_start3A_595 = tpu.memref_slice %arg3[%dma_start3A_593, %dma_start3A_594] : memref<50257x128xf32, #tpu.memory_space<hbm>> -> memref<50257x128xf32, #tpu.memory_space<hbm>>
        tpu.enqueue_indirect_dma source(%dma_start3A_595 : memref<50257x128xf32, #tpu.memory_space<hbm>>) target(%arg8 : memref<128x128xf32, #tpu.memory_space<vmem>>) offsets(%dma_start3A_592 : memref<128xi32, #tpu.memory_space<vmem>>) semaphore(%arg13 : memref<!tpu.dma_semaphore, #tpu.memory_space<semaphore_mem>>)
      } else {
      }
      %dma_wait3A_571 = arith.constant 0 : i32
      %dma_wait3A_572 = arith.constant 0 : i32
      %dma_wait3A_573 = tpu.memref_slice %arg3[%dma_wait3A_571, %dma_wait3A_572] : memref<50257x128xf32, #tpu.memory_space<hbm>> -> memref<128x128xf32, #tpu.memory_space<hbm>>
      %dma_wait3A_574 = arith.constant 0 : i32
      %dma_wait3A_575 = arith.constant 0 : i32
      %dma_wait3A_576 = tpu.memref_slice %arg3[%dma_wait3A_574, %dma_wait3A_575] : memref<50257x128xf32, #tpu.memory_space<hbm>> -> memref<128x128xf32, #tpu.memory_space<hbm>>
      tpu.wait_dma2 semaphore(%arg16 : memref<!tpu.dma_semaphore, #tpu.memory_space<semaphore_mem>>) src(%dma_wait3A_576 : memref<128x128xf32, #tpu.memory_space<hbm>>) dst(%arg11 : memref<128x128xf32, #tpu.memory_space<vmem>>)
      %add3A_577 = arith.addi %add3A_167, %add3A_563 : i32
      %mul3A_578 = arith.constant 128 : i32
      %mul3A_579 = arith.muli %add3A_577, %mul3A_578 : i32
      %dma_start3A_580 = arith.constant 0 : i32
      %dma_start3A_581 = tpu.memref_slice %arg4[%mul3A_579, %dma_start3A_580] : memref<3276800x128xf32, #tpu.memory_space<hbm>> -> memref<128x128xf32, #tpu.memory_space<hbm>>
      %dma_start3A_582 = arith.constant 0 : i32
      %dma_start3A_583 = tpu.memref_slice %arg4[%mul3A_579, %dma_start3A_582] : memref<3276800x128xf32, #tpu.memory_space<hbm>> -> memref<128x128xf32, #tpu.memory_space<hbm>>
      tpu.enqueue_dma source(%arg11 : memref<128x128xf32, #tpu.memory_space<vmem>>) target(%dma_start3A_583 : memref<128x128xf32, #tpu.memory_space<hbm>>) target_semaphore(%arg21 : memref<!tpu.dma_semaphore, #tpu.memory_space<semaphore_mem>>)
    }
    %scan3A_211 = arith.constant 16 : i32
    %add3A_212 = arith.constant 400 : i32
    %add3A_213 = arith.addi %mul3A_2, %add3A_212 : i32
    %dma_wait3A_214 = arith.constant 0 : i32
    %dma_wait3A_215 = arith.constant 0 : i32
    %dma_wait3A_216 = tpu.memref_slice %arg2[%dma_wait3A_214, %dma_wait3A_215] : memref<25600x128xi32, #tpu.memory_space<hbm>> -> memref<80x128xi32, #tpu.memory_space<hbm>>
    %dma_wait3A_217 = arith.constant 0 : i32
    %dma_wait3A_218 = arith.constant 0 : i32
    %dma_wait3A_219 = tpu.memref_slice %arg2[%dma_wait3A_217, %dma_wait3A_218] : memref<25600x128xi32, #tpu.memory_space<hbm>> -> memref<80x128xi32, #tpu.memory_space<hbm>>
    tpu.wait_dma2 semaphore(%arg23 : memref<!tpu.dma_semaphore, #tpu.memory_space<semaphore_mem>>) src(%dma_wait3A_219 : memref<80x128xi32, #tpu.memory_space<hbm>>) dst(%arg6 : memref<80x128xi32, #tpu.memory_space<vmem>>)
    %add3A_220 = arith.constant 80 : i32
    %add3A_221 = arith.addi %add3A_213, %add3A_220 : i32
    %dma_start3A_222 = arith.constant 0 : i32
    %dma_start3A_223 = tpu.memref_slice %arg2[%add3A_221, %dma_start3A_222] : memref<25600x128xi32, #tpu.memory_space<hbm>> -> memref<80x128xi32, #tpu.memory_space<hbm>>
    %dma_start3A_224 = arith.constant 0 : i32
    %dma_start3A_225 = tpu.memref_slice %arg2[%add3A_221, %dma_start3A_224] : memref<25600x128xi32, #tpu.memory_space<hbm>> -> memref<80x128xi32, #tpu.memory_space<hbm>>
    tpu.enqueue_dma source(%dma_start3A_225 : memref<80x128xi32, #tpu.memory_space<hbm>>) target(%arg5 : memref<80x128xi32, #tpu.memory_space<vmem>>) target_semaphore(%arg22 : memref<!tpu.dma_semaphore, #tpu.memory_space<semaphore_mem>>)
    %dma_wait3A_226 = arith.constant 0 : i32
    %dma_wait3A_227 = arith.constant 0 : i32
    %dma_wait3A_228 = tpu.memref_slice %arg4[%dma_wait3A_226, %dma_wait3A_227] : memref<3276800x128xf32, #tpu.memory_space<hbm>> -> memref<128x128xf32, #tpu.memory_space<hbm>>
    %dma_wait3A_229 = arith.constant 0 : i32
    %dma_wait3A_230 = arith.constant 0 : i32
    %dma_wait3A_231 = tpu.memref_slice %arg4[%dma_wait3A_229, %dma_wait3A_230] : memref<3276800x128xf32, #tpu.memory_space<hbm>> -> memref<128x128xf32, #tpu.memory_space<hbm>>
    tpu.wait_dma2 semaphore(%arg17 : memref<!tpu.dma_semaphore, #tpu.memory_space<semaphore_mem>>) src(%arg7 : memref<128x128xf32, #tpu.memory_space<vmem>>) dst(%dma_wait3A_231 : memref<128x128xf32, #tpu.memory_space<hbm>>)
    %dma_start3A_232 = arith.constant 0 : i32
    %dma_start3A_233 = arith.constant 0 : i32
    %dma_start3A_234 = tpu.memref_slice %arg6[%dma_start3A_232, %dma_start3A_233] : memref<80x128xi32, #tpu.memory_space<vmem>> -> memref<1x128xi32, #tpu.memory_space<vmem>>
    %dma_start3A_235 = tpu.memref_squeeze %dma_start3A_234 : memref<1x128xi32, #tpu.memory_space<vmem>> -> memref<128xi32, #tpu.memory_space<vmem>>
    %dma_start3A_236 = arith.constant 0 : i32
    %dma_start3A_237 = arith.constant 0 : i32
    %dma_start3A_238 = tpu.memref_slice %arg3[%dma_start3A_236, %dma_start3A_237] : memref<50257x128xf32, #tpu.memory_space<hbm>> -> memref<50257x128xf32, #tpu.memory_space<hbm>>
    tpu.enqueue_indirect_dma source(%dma_start3A_238 : memref<50257x128xf32, #tpu.memory_space<hbm>>) target(%arg7 : memref<128x128xf32, #tpu.memory_space<vmem>>) offsets(%dma_start3A_235 : memref<128xi32, #tpu.memory_space<vmem>>) semaphore(%arg12 : memref<!tpu.dma_semaphore, #tpu.memory_space<semaphore_mem>>)
    %dma_wait3A_239 = arith.constant 0 : i32
    %dma_wait3A_240 = arith.constant 0 : i32
    %dma_wait3A_241 = tpu.memref_slice %arg4[%dma_wait3A_239, %dma_wait3A_240] : memref<3276800x128xf32, #tpu.memory_space<hbm>> -> memref<128x128xf32, #tpu.memory_space<hbm>>
    %dma_wait3A_242 = arith.constant 0 : i32
    %dma_wait3A_243 = arith.constant 0 : i32
    %dma_wait3A_244 = tpu.memref_slice %arg4[%dma_wait3A_242, %dma_wait3A_243] : memref<3276800x128xf32, #tpu.memory_space<hbm>> -> memref<128x128xf32, #tpu.memory_space<hbm>>
    tpu.wait_dma2 semaphore(%arg18 : memref<!tpu.dma_semaphore, #tpu.memory_space<semaphore_mem>>) src(%arg8 : memref<128x128xf32, #tpu.memory_space<vmem>>) dst(%dma_wait3A_244 : memref<128x128xf32, #tpu.memory_space<hbm>>)
    %dma_start3A_245 = arith.constant 1 : i32
    %dma_start3A_246 = arith.constant 0 : i32
    %dma_start3A_247 = tpu.memref_slice %arg6[%dma_start3A_245, %dma_start3A_246] : memref<80x128xi32, #tpu.memory_space<vmem>> -> memref<1x128xi32, #tpu.memory_space<vmem>>
    %dma_start3A_248 = tpu.memref_squeeze %dma_start3A_247 : memref<1x128xi32, #tpu.memory_space<vmem>> -> memref<128xi32, #tpu.memory_space<vmem>>
    %dma_start3A_249 = arith.constant 0 : i32
    %dma_start3A_250 = arith.constant 0 : i32
    %dma_start3A_251 = tpu.memref_slice %arg3[%dma_start3A_249, %dma_start3A_250] : memref<50257x128xf32, #tpu.memory_space<hbm>> -> memref<50257x128xf32, #tpu.memory_space<hbm>>
    tpu.enqueue_indirect_dma source(%dma_start3A_251 : memref<50257x128xf32, #tpu.memory_space<hbm>>) target(%arg8 : memref<128x128xf32, #tpu.memory_space<vmem>>) offsets(%dma_start3A_248 : memref<128xi32, #tpu.memory_space<vmem>>) semaphore(%arg13 : memref<!tpu.dma_semaphore, #tpu.memory_space<semaphore_mem>>)
    %scan3A_252 = arith.constant 0 : i32
    %scan3A_253 = arith.constant 0 : i32
    %scan3A_254 = arith.constant 16 : i32
    %scan3A_255 = arith.addi %scan3A_253, %scan3A_254 : i32
    %scan3A_256 = arith.constant 1 : i32
    scf.for %scan3A_466 = %scan3A_253 to %scan3A_255 step %scan3A_256  : i32 {
      %mul3A_467 = arith.constant 5 : i32
      %mul3A_468 = arith.muli %scan3A_466, %mul3A_467 : i32
      %add3A_469 = arith.constant 0 : i32
      %add3A_470 = arith.addi %mul3A_468, %add3A_469 : i32
      %add3A_471 = arith.constant 2 : i32
      %add3A_472 = arith.addi %add3A_470, %add3A_471 : i32
      %lt3A = arith.constant 80 : i32
      %lt3A_473 = arith.cmpi slt, %add3A_472, %lt3A : i32
      %convert_element_type3A = arith.extui %lt3A_473 : i1 to i32
      %cond3A = arith.constant 0 : i32
      %cond3A_474 = arith.cmpi ne, %convert_element_type3A, %cond3A : i32
      scf.if %cond3A_474 {
        %dma_wait3A_584 = arith.constant 0 : i32
        %dma_wait3A_585 = arith.constant 0 : i32
        %dma_wait3A_586 = tpu.memref_slice %arg4[%dma_wait3A_584, %dma_wait3A_585] : memref<3276800x128xf32, #tpu.memory_space<hbm>> -> memref<128x128xf32, #tpu.memory_space<hbm>>
        %dma_wait3A_587 = arith.constant 0 : i32
        %dma_wait3A_588 = arith.constant 0 : i32
        %dma_wait3A_589 = tpu.memref_slice %arg4[%dma_wait3A_587, %dma_wait3A_588] : memref<3276800x128xf32, #tpu.memory_space<hbm>> -> memref<128x128xf32, #tpu.memory_space<hbm>>
        tpu.wait_dma2 semaphore(%arg19 : memref<!tpu.dma_semaphore, #tpu.memory_space<semaphore_mem>>) src(%arg9 : memref<128x128xf32, #tpu.memory_space<vmem>>) dst(%dma_wait3A_589 : memref<128x128xf32, #tpu.memory_space<hbm>>)
        %dma_start3A_590 = arith.constant 0 : i32
        %dma_start3A_591 = tpu.memref_slice %arg6[%add3A_472, %dma_start3A_590] : memref<80x128xi32, #tpu.memory_space<vmem>> -> memref<1x128xi32, #tpu.memory_space<vmem>>
        %dma_start3A_592 = tpu.memref_squeeze %dma_start3A_591 : memref<1x128xi32, #tpu.memory_space<vmem>> -> memref<128xi32, #tpu.memory_space<vmem>>
        %dma_start3A_593 = arith.constant 0 : i32
        %dma_start3A_594 = arith.constant 0 : i32
        %dma_start3A_595 = tpu.memref_slice %arg3[%dma_start3A_593, %dma_start3A_594] : memref<50257x128xf32, #tpu.memory_space<hbm>> -> memref<50257x128xf32, #tpu.memory_space<hbm>>
        tpu.enqueue_indirect_dma source(%dma_start3A_595 : memref<50257x128xf32, #tpu.memory_space<hbm>>) target(%arg9 : memref<128x128xf32, #tpu.memory_space<vmem>>) offsets(%dma_start3A_592 : memref<128xi32, #tpu.memory_space<vmem>>) semaphore(%arg14 : memref<!tpu.dma_semaphore, #tpu.memory_space<semaphore_mem>>)
      } else {
      }
      %dma_wait3A_475 = arith.constant 0 : i32
      %dma_wait3A_476 = arith.constant 0 : i32
      %dma_wait3A_477 = tpu.memref_slice %arg3[%dma_wait3A_475, %dma_wait3A_476] : memref<50257x128xf32, #tpu.memory_space<hbm>> -> memref<128x128xf32, #tpu.memory_space<hbm>>
      %dma_wait3A_478 = arith.constant 0 : i32
      %dma_wait3A_479 = arith.constant 0 : i32
      %dma_wait3A_480 = tpu.memref_slice %arg3[%dma_wait3A_478, %dma_wait3A_479] : memref<50257x128xf32, #tpu.memory_space<hbm>> -> memref<128x128xf32, #tpu.memory_space<hbm>>
      tpu.wait_dma2 semaphore(%arg12 : memref<!tpu.dma_semaphore, #tpu.memory_space<semaphore_mem>>) src(%dma_wait3A_480 : memref<128x128xf32, #tpu.memory_space<hbm>>) dst(%arg7 : memref<128x128xf32, #tpu.memory_space<vmem>>)
      %add3A_481 = arith.addi %add3A_213, %add3A_470 : i32
      %mul3A_482 = arith.constant 128 : i32
      %mul3A_483 = arith.muli %add3A_481, %mul3A_482 : i32
      %dma_start3A_484 = arith.constant 0 : i32
      %dma_start3A_485 = tpu.memref_slice %arg4[%mul3A_483, %dma_start3A_484] : memref<3276800x128xf32, #tpu.memory_space<hbm>> -> memref<128x128xf32, #tpu.memory_space<hbm>>
      %dma_start3A_486 = arith.constant 0 : i32
      %dma_start3A_487 = tpu.memref_slice %arg4[%mul3A_483, %dma_start3A_486] : memref<3276800x128xf32, #tpu.memory_space<hbm>> -> memref<128x128xf32, #tpu.memory_space<hbm>>
      tpu.enqueue_dma source(%arg7 : memref<128x128xf32, #tpu.memory_space<vmem>>) target(%dma_start3A_487 : memref<128x128xf32, #tpu.memory_space<hbm>>) target_semaphore(%arg17 : memref<!tpu.dma_semaphore, #tpu.memory_space<semaphore_mem>>)
      %mul3A_488 = arith.constant 5 : i32
      %mul3A_489 = arith.muli %scan3A_466, %mul3A_488 : i32
      %add3A_490 = arith.constant 1 : i32
      %add3A_491 = arith.addi %mul3A_489, %add3A_490 : i32
      %add3A_492 = arith.constant 2 : i32
      %add3A_493 = arith.addi %add3A_491, %add3A_492 : i32
      %lt3A_494 = arith.constant 80 : i32
      %lt3A_495 = arith.cmpi slt, %add3A_493, %lt3A_494 : i32
      %convert_element_type3A_496 = arith.extui %lt3A_495 : i1 to i32
      %cond3A_497 = arith.constant 0 : i32
      %cond3A_498 = arith.cmpi ne, %convert_element_type3A_496, %cond3A_497 : i32
      scf.if %cond3A_498 {
        %dma_wait3A_584 = arith.constant 0 : i32
        %dma_wait3A_585 = arith.constant 0 : i32
        %dma_wait3A_586 = tpu.memref_slice %arg4[%dma_wait3A_584, %dma_wait3A_585] : memref<3276800x128xf32, #tpu.memory_space<hbm>> -> memref<128x128xf32, #tpu.memory_space<hbm>>
        %dma_wait3A_587 = arith.constant 0 : i32
        %dma_wait3A_588 = arith.constant 0 : i32
        %dma_wait3A_589 = tpu.memref_slice %arg4[%dma_wait3A_587, %dma_wait3A_588] : memref<3276800x128xf32, #tpu.memory_space<hbm>> -> memref<128x128xf32, #tpu.memory_space<hbm>>
        tpu.wait_dma2 semaphore(%arg20 : memref<!tpu.dma_semaphore, #tpu.memory_space<semaphore_mem>>) src(%arg10 : memref<128x128xf32, #tpu.memory_space<vmem>>) dst(%dma_wait3A_589 : memref<128x128xf32, #tpu.memory_space<hbm>>)
        %dma_start3A_590 = arith.constant 0 : i32
        %dma_start3A_591 = tpu.memref_slice %arg6[%add3A_493, %dma_start3A_590] : memref<80x128xi32, #tpu.memory_space<vmem>> -> memref<1x128xi32, #tpu.memory_space<vmem>>
        %dma_start3A_592 = tpu.memref_squeeze %dma_start3A_591 : memref<1x128xi32, #tpu.memory_space<vmem>> -> memref<128xi32, #tpu.memory_space<vmem>>
        %dma_start3A_593 = arith.constant 0 : i32
        %dma_start3A_594 = arith.constant 0 : i32
        %dma_start3A_595 = tpu.memref_slice %arg3[%dma_start3A_593, %dma_start3A_594] : memref<50257x128xf32, #tpu.memory_space<hbm>> -> memref<50257x128xf32, #tpu.memory_space<hbm>>
        tpu.enqueue_indirect_dma source(%dma_start3A_595 : memref<50257x128xf32, #tpu.memory_space<hbm>>) target(%arg10 : memref<128x128xf32, #tpu.memory_space<vmem>>) offsets(%dma_start3A_592 : memref<128xi32, #tpu.memory_space<vmem>>) semaphore(%arg15 : memref<!tpu.dma_semaphore, #tpu.memory_space<semaphore_mem>>)
      } else {
      }
      %dma_wait3A_499 = arith.constant 0 : i32
      %dma_wait3A_500 = arith.constant 0 : i32
      %dma_wait3A_501 = tpu.memref_slice %arg3[%dma_wait3A_499, %dma_wait3A_500] : memref<50257x128xf32, #tpu.memory_space<hbm>> -> memref<128x128xf32, #tpu.memory_space<hbm>>
      %dma_wait3A_502 = arith.constant 0 : i32
      %dma_wait3A_503 = arith.constant 0 : i32
      %dma_wait3A_504 = tpu.memref_slice %arg3[%dma_wait3A_502, %dma_wait3A_503] : memref<50257x128xf32, #tpu.memory_space<hbm>> -> memref<128x128xf32, #tpu.memory_space<hbm>>
      tpu.wait_dma2 semaphore(%arg13 : memref<!tpu.dma_semaphore, #tpu.memory_space<semaphore_mem>>) src(%dma_wait3A_504 : memref<128x128xf32, #tpu.memory_space<hbm>>) dst(%arg8 : memref<128x128xf32, #tpu.memory_space<vmem>>)
      %add3A_505 = arith.addi %add3A_213, %add3A_491 : i32
      %mul3A_506 = arith.constant 128 : i32
      %mul3A_507 = arith.muli %add3A_505, %mul3A_506 : i32
      %dma_start3A_508 = arith.constant 0 : i32
      %dma_start3A_509 = tpu.memref_slice %arg4[%mul3A_507, %dma_start3A_508] : memref<3276800x128xf32, #tpu.memory_space<hbm>> -> memref<128x128xf32, #tpu.memory_space<hbm>>
      %dma_start3A_510 = arith.constant 0 : i32
      %dma_start3A_511 = tpu.memref_slice %arg4[%mul3A_507, %dma_start3A_510] : memref<3276800x128xf32, #tpu.memory_space<hbm>> -> memref<128x128xf32, #tpu.memory_space<hbm>>
      tpu.enqueue_dma source(%arg8 : memref<128x128xf32, #tpu.memory_space<vmem>>) target(%dma_start3A_511 : memref<128x128xf32, #tpu.memory_space<hbm>>) target_semaphore(%arg18 : memref<!tpu.dma_semaphore, #tpu.memory_space<semaphore_mem>>)
      %mul3A_512 = arith.constant 5 : i32
      %mul3A_513 = arith.muli %scan3A_466, %mul3A_512 : i32
      %add3A_514 = arith.constant 2 : i32
      %add3A_515 = arith.addi %mul3A_513, %add3A_514 : i32
      %add3A_516 = arith.constant 2 : i32
      %add3A_517 = arith.addi %add3A_515, %add3A_516 : i32
      %lt3A_518 = arith.constant 80 : i32
      %lt3A_519 = arith.cmpi slt, %add3A_517, %lt3A_518 : i32
      %convert_element_type3A_520 = arith.extui %lt3A_519 : i1 to i32
      %cond3A_521 = arith.constant 0 : i32
      %cond3A_522 = arith.cmpi ne, %convert_element_type3A_520, %cond3A_521 : i32
      scf.if %cond3A_522 {
        %dma_wait3A_584 = arith.constant 0 : i32
        %dma_wait3A_585 = arith.constant 0 : i32
        %dma_wait3A_586 = tpu.memref_slice %arg4[%dma_wait3A_584, %dma_wait3A_585] : memref<3276800x128xf32, #tpu.memory_space<hbm>> -> memref<128x128xf32, #tpu.memory_space<hbm>>
        %dma_wait3A_587 = arith.constant 0 : i32
        %dma_wait3A_588 = arith.constant 0 : i32
        %dma_wait3A_589 = tpu.memref_slice %arg4[%dma_wait3A_587, %dma_wait3A_588] : memref<3276800x128xf32, #tpu.memory_space<hbm>> -> memref<128x128xf32, #tpu.memory_space<hbm>>
        tpu.wait_dma2 semaphore(%arg21 : memref<!tpu.dma_semaphore, #tpu.memory_space<semaphore_mem>>) src(%arg11 : memref<128x128xf32, #tpu.memory_space<vmem>>) dst(%dma_wait3A_589 : memref<128x128xf32, #tpu.memory_space<hbm>>)
        %dma_start3A_590 = arith.constant 0 : i32
        %dma_start3A_591 = tpu.memref_slice %arg6[%add3A_517, %dma_start3A_590] : memref<80x128xi32, #tpu.memory_space<vmem>> -> memref<1x128xi32, #tpu.memory_space<vmem>>
        %dma_start3A_592 = tpu.memref_squeeze %dma_start3A_591 : memref<1x128xi32, #tpu.memory_space<vmem>> -> memref<128xi32, #tpu.memory_space<vmem>>
        %dma_start3A_593 = arith.constant 0 : i32
        %dma_start3A_594 = arith.constant 0 : i32
        %dma_start3A_595 = tpu.memref_slice %arg3[%dma_start3A_593, %dma_start3A_594] : memref<50257x128xf32, #tpu.memory_space<hbm>> -> memref<50257x128xf32, #tpu.memory_space<hbm>>
        tpu.enqueue_indirect_dma source(%dma_start3A_595 : memref<50257x128xf32, #tpu.memory_space<hbm>>) target(%arg11 : memref<128x128xf32, #tpu.memory_space<vmem>>) offsets(%dma_start3A_592 : memref<128xi32, #tpu.memory_space<vmem>>) semaphore(%arg16 : memref<!tpu.dma_semaphore, #tpu.memory_space<semaphore_mem>>)
      } else {
      }
      %dma_wait3A_523 = arith.constant 0 : i32
      %dma_wait3A_524 = arith.constant 0 : i32
      %dma_wait3A_525 = tpu.memref_slice %arg3[%dma_wait3A_523, %dma_wait3A_524] : memref<50257x128xf32, #tpu.memory_space<hbm>> -> memref<128x128xf32, #tpu.memory_space<hbm>>
      %dma_wait3A_526 = arith.constant 0 : i32
      %dma_wait3A_527 = arith.constant 0 : i32
      %dma_wait3A_528 = tpu.memref_slice %arg3[%dma_wait3A_526, %dma_wait3A_527] : memref<50257x128xf32, #tpu.memory_space<hbm>> -> memref<128x128xf32, #tpu.memory_space<hbm>>
      tpu.wait_dma2 semaphore(%arg14 : memref<!tpu.dma_semaphore, #tpu.memory_space<semaphore_mem>>) src(%dma_wait3A_528 : memref<128x128xf32, #tpu.memory_space<hbm>>) dst(%arg9 : memref<128x128xf32, #tpu.memory_space<vmem>>)
      %add3A_529 = arith.addi %add3A_213, %add3A_515 : i32
      %mul3A_530 = arith.constant 128 : i32
      %mul3A_531 = arith.muli %add3A_529, %mul3A_530 : i32
      %dma_start3A_532 = arith.constant 0 : i32
      %dma_start3A_533 = tpu.memref_slice %arg4[%mul3A_531, %dma_start3A_532] : memref<3276800x128xf32, #tpu.memory_space<hbm>> -> memref<128x128xf32, #tpu.memory_space<hbm>>
      %dma_start3A_534 = arith.constant 0 : i32
      %dma_start3A_535 = tpu.memref_slice %arg4[%mul3A_531, %dma_start3A_534] : memref<3276800x128xf32, #tpu.memory_space<hbm>> -> memref<128x128xf32, #tpu.memory_space<hbm>>
      tpu.enqueue_dma source(%arg9 : memref<128x128xf32, #tpu.memory_space<vmem>>) target(%dma_start3A_535 : memref<128x128xf32, #tpu.memory_space<hbm>>) target_semaphore(%arg19 : memref<!tpu.dma_semaphore, #tpu.memory_space<semaphore_mem>>)
      %mul3A_536 = arith.constant 5 : i32
      %mul3A_537 = arith.muli %scan3A_466, %mul3A_536 : i32
      %add3A_538 = arith.constant 3 : i32
      %add3A_539 = arith.addi %mul3A_537, %add3A_538 : i32
      %add3A_540 = arith.constant 2 : i32
      %add3A_541 = arith.addi %add3A_539, %add3A_540 : i32
      %lt3A_542 = arith.constant 80 : i32
      %lt3A_543 = arith.cmpi slt, %add3A_541, %lt3A_542 : i32
      %convert_element_type3A_544 = arith.extui %lt3A_543 : i1 to i32
      %cond3A_545 = arith.constant 0 : i32
      %cond3A_546 = arith.cmpi ne, %convert_element_type3A_544, %cond3A_545 : i32
      scf.if %cond3A_546 {
        %dma_wait3A_584 = arith.constant 0 : i32
        %dma_wait3A_585 = arith.constant 0 : i32
        %dma_wait3A_586 = tpu.memref_slice %arg4[%dma_wait3A_584, %dma_wait3A_585] : memref<3276800x128xf32, #tpu.memory_space<hbm>> -> memref<128x128xf32, #tpu.memory_space<hbm>>
        %dma_wait3A_587 = arith.constant 0 : i32
        %dma_wait3A_588 = arith.constant 0 : i32
        %dma_wait3A_589 = tpu.memref_slice %arg4[%dma_wait3A_587, %dma_wait3A_588] : memref<3276800x128xf32, #tpu.memory_space<hbm>> -> memref<128x128xf32, #tpu.memory_space<hbm>>
        tpu.wait_dma2 semaphore(%arg17 : memref<!tpu.dma_semaphore, #tpu.memory_space<semaphore_mem>>) src(%arg7 : memref<128x128xf32, #tpu.memory_space<vmem>>) dst(%dma_wait3A_589 : memref<128x128xf32, #tpu.memory_space<hbm>>)
        %dma_start3A_590 = arith.constant 0 : i32
        %dma_start3A_591 = tpu.memref_slice %arg6[%add3A_541, %dma_start3A_590] : memref<80x128xi32, #tpu.memory_space<vmem>> -> memref<1x128xi32, #tpu.memory_space<vmem>>
        %dma_start3A_592 = tpu.memref_squeeze %dma_start3A_591 : memref<1x128xi32, #tpu.memory_space<vmem>> -> memref<128xi32, #tpu.memory_space<vmem>>
        %dma_start3A_593 = arith.constant 0 : i32
        %dma_start3A_594 = arith.constant 0 : i32
        %dma_start3A_595 = tpu.memref_slice %arg3[%dma_start3A_593, %dma_start3A_594] : memref<50257x128xf32, #tpu.memory_space<hbm>> -> memref<50257x128xf32, #tpu.memory_space<hbm>>
        tpu.enqueue_indirect_dma source(%dma_start3A_595 : memref<50257x128xf32, #tpu.memory_space<hbm>>) target(%arg7 : memref<128x128xf32, #tpu.memory_space<vmem>>) offsets(%dma_start3A_592 : memref<128xi32, #tpu.memory_space<vmem>>) semaphore(%arg12 : memref<!tpu.dma_semaphore, #tpu.memory_space<semaphore_mem>>)
      } else {
      }
      %dma_wait3A_547 = arith.constant 0 : i32
      %dma_wait3A_548 = arith.constant 0 : i32
      %dma_wait3A_549 = tpu.memref_slice %arg3[%dma_wait3A_547, %dma_wait3A_548] : memref<50257x128xf32, #tpu.memory_space<hbm>> -> memref<128x128xf32, #tpu.memory_space<hbm>>
      %dma_wait3A_550 = arith.constant 0 : i32
      %dma_wait3A_551 = arith.constant 0 : i32
      %dma_wait3A_552 = tpu.memref_slice %arg3[%dma_wait3A_550, %dma_wait3A_551] : memref<50257x128xf32, #tpu.memory_space<hbm>> -> memref<128x128xf32, #tpu.memory_space<hbm>>
      tpu.wait_dma2 semaphore(%arg15 : memref<!tpu.dma_semaphore, #tpu.memory_space<semaphore_mem>>) src(%dma_wait3A_552 : memref<128x128xf32, #tpu.memory_space<hbm>>) dst(%arg10 : memref<128x128xf32, #tpu.memory_space<vmem>>)
      %add3A_553 = arith.addi %add3A_213, %add3A_539 : i32
      %mul3A_554 = arith.constant 128 : i32
      %mul3A_555 = arith.muli %add3A_553, %mul3A_554 : i32
      %dma_start3A_556 = arith.constant 0 : i32
      %dma_start3A_557 = tpu.memref_slice %arg4[%mul3A_555, %dma_start3A_556] : memref<3276800x128xf32, #tpu.memory_space<hbm>> -> memref<128x128xf32, #tpu.memory_space<hbm>>
      %dma_start3A_558 = arith.constant 0 : i32
      %dma_start3A_559 = tpu.memref_slice %arg4[%mul3A_555, %dma_start3A_558] : memref<3276800x128xf32, #tpu.memory_space<hbm>> -> memref<128x128xf32, #tpu.memory_space<hbm>>
      tpu.enqueue_dma source(%arg10 : memref<128x128xf32, #tpu.memory_space<vmem>>) target(%dma_start3A_559 : memref<128x128xf32, #tpu.memory_space<hbm>>) target_semaphore(%arg20 : memref<!tpu.dma_semaphore, #tpu.memory_space<semaphore_mem>>)
      %mul3A_560 = arith.constant 5 : i32
      %mul3A_561 = arith.muli %scan3A_466, %mul3A_560 : i32
      %add3A_562 = arith.constant 4 : i32
      %add3A_563 = arith.addi %mul3A_561, %add3A_562 : i32
      %add3A_564 = arith.constant 2 : i32
      %add3A_565 = arith.addi %add3A_563, %add3A_564 : i32
      %lt3A_566 = arith.constant 80 : i32
      %lt3A_567 = arith.cmpi slt, %add3A_565, %lt3A_566 : i32
      %convert_element_type3A_568 = arith.extui %lt3A_567 : i1 to i32
      %cond3A_569 = arith.constant 0 : i32
      %cond3A_570 = arith.cmpi ne, %convert_element_type3A_568, %cond3A_569 : i32
      scf.if %cond3A_570 {
        %dma_wait3A_584 = arith.constant 0 : i32
        %dma_wait3A_585 = arith.constant 0 : i32
        %dma_wait3A_586 = tpu.memref_slice %arg4[%dma_wait3A_584, %dma_wait3A_585] : memref<3276800x128xf32, #tpu.memory_space<hbm>> -> memref<128x128xf32, #tpu.memory_space<hbm>>
        %dma_wait3A_587 = arith.constant 0 : i32
        %dma_wait3A_588 = arith.constant 0 : i32
        %dma_wait3A_589 = tpu.memref_slice %arg4[%dma_wait3A_587, %dma_wait3A_588] : memref<3276800x128xf32, #tpu.memory_space<hbm>> -> memref<128x128xf32, #tpu.memory_space<hbm>>
        tpu.wait_dma2 semaphore(%arg18 : memref<!tpu.dma_semaphore, #tpu.memory_space<semaphore_mem>>) src(%arg8 : memref<128x128xf32, #tpu.memory_space<vmem>>) dst(%dma_wait3A_589 : memref<128x128xf32, #tpu.memory_space<hbm>>)
        %dma_start3A_590 = arith.constant 0 : i32
        %dma_start3A_591 = tpu.memref_slice %arg6[%add3A_565, %dma_start3A_590] : memref<80x128xi32, #tpu.memory_space<vmem>> -> memref<1x128xi32, #tpu.memory_space<vmem>>
        %dma_start3A_592 = tpu.memref_squeeze %dma_start3A_591 : memref<1x128xi32, #tpu.memory_space<vmem>> -> memref<128xi32, #tpu.memory_space<vmem>>
        %dma_start3A_593 = arith.constant 0 : i32
        %dma_start3A_594 = arith.constant 0 : i32
        %dma_start3A_595 = tpu.memref_slice %arg3[%dma_start3A_593, %dma_start3A_594] : memref<50257x128xf32, #tpu.memory_space<hbm>> -> memref<50257x128xf32, #tpu.memory_space<hbm>>
        tpu.enqueue_indirect_dma source(%dma_start3A_595 : memref<50257x128xf32, #tpu.memory_space<hbm>>) target(%arg8 : memref<128x128xf32, #tpu.memory_space<vmem>>) offsets(%dma_start3A_592 : memref<128xi32, #tpu.memory_space<vmem>>) semaphore(%arg13 : memref<!tpu.dma_semaphore, #tpu.memory_space<semaphore_mem>>)
      } else {
      }
      %dma_wait3A_571 = arith.constant 0 : i32
      %dma_wait3A_572 = arith.constant 0 : i32
      %dma_wait3A_573 = tpu.memref_slice %arg3[%dma_wait3A_571, %dma_wait3A_572] : memref<50257x128xf32, #tpu.memory_space<hbm>> -> memref<128x128xf32, #tpu.memory_space<hbm>>
      %dma_wait3A_574 = arith.constant 0 : i32
      %dma_wait3A_575 = arith.constant 0 : i32
      %dma_wait3A_576 = tpu.memref_slice %arg3[%dma_wait3A_574, %dma_wait3A_575] : memref<50257x128xf32, #tpu.memory_space<hbm>> -> memref<128x128xf32, #tpu.memory_space<hbm>>
      tpu.wait_dma2 semaphore(%arg16 : memref<!tpu.dma_semaphore, #tpu.memory_space<semaphore_mem>>) src(%dma_wait3A_576 : memref<128x128xf32, #tpu.memory_space<hbm>>) dst(%arg11 : memref<128x128xf32, #tpu.memory_space<vmem>>)
      %add3A_577 = arith.addi %add3A_213, %add3A_563 : i32
      %mul3A_578 = arith.constant 128 : i32
      %mul3A_579 = arith.muli %add3A_577, %mul3A_578 : i32
      %dma_start3A_580 = arith.constant 0 : i32
      %dma_start3A_581 = tpu.memref_slice %arg4[%mul3A_579, %dma_start3A_580] : memref<3276800x128xf32, #tpu.memory_space<hbm>> -> memref<128x128xf32, #tpu.memory_space<hbm>>
      %dma_start3A_582 = arith.constant 0 : i32
      %dma_start3A_583 = tpu.memref_slice %arg4[%mul3A_579, %dma_start3A_582] : memref<3276800x128xf32, #tpu.memory_space<hbm>> -> memref<128x128xf32, #tpu.memory_space<hbm>>
      tpu.enqueue_dma source(%arg11 : memref<128x128xf32, #tpu.memory_space<vmem>>) target(%dma_start3A_583 : memref<128x128xf32, #tpu.memory_space<hbm>>) target_semaphore(%arg21 : memref<!tpu.dma_semaphore, #tpu.memory_space<semaphore_mem>>)
    }
    %scan3A_257 = arith.constant 16 : i32
    %add3A_258 = arith.constant 480 : i32
    %add3A_259 = arith.addi %mul3A_2, %add3A_258 : i32
    %dma_wait3A_260 = arith.constant 0 : i32
    %dma_wait3A_261 = arith.constant 0 : i32
    %dma_wait3A_262 = tpu.memref_slice %arg2[%dma_wait3A_260, %dma_wait3A_261] : memref<25600x128xi32, #tpu.memory_space<hbm>> -> memref<80x128xi32, #tpu.memory_space<hbm>>
    %dma_wait3A_263 = arith.constant 0 : i32
    %dma_wait3A_264 = arith.constant 0 : i32
    %dma_wait3A_265 = tpu.memref_slice %arg2[%dma_wait3A_263, %dma_wait3A_264] : memref<25600x128xi32, #tpu.memory_space<hbm>> -> memref<80x128xi32, #tpu.memory_space<hbm>>
    tpu.wait_dma2 semaphore(%arg22 : memref<!tpu.dma_semaphore, #tpu.memory_space<semaphore_mem>>) src(%dma_wait3A_265 : memref<80x128xi32, #tpu.memory_space<hbm>>) dst(%arg5 : memref<80x128xi32, #tpu.memory_space<vmem>>)
    %add3A_266 = arith.constant 80 : i32
    %add3A_267 = arith.addi %add3A_259, %add3A_266 : i32
    %dma_start3A_268 = arith.constant 0 : i32
    %dma_start3A_269 = tpu.memref_slice %arg2[%add3A_267, %dma_start3A_268] : memref<25600x128xi32, #tpu.memory_space<hbm>> -> memref<80x128xi32, #tpu.memory_space<hbm>>
    %dma_start3A_270 = arith.constant 0 : i32
    %dma_start3A_271 = tpu.memref_slice %arg2[%add3A_267, %dma_start3A_270] : memref<25600x128xi32, #tpu.memory_space<hbm>> -> memref<80x128xi32, #tpu.memory_space<hbm>>
    tpu.enqueue_dma source(%dma_start3A_271 : memref<80x128xi32, #tpu.memory_space<hbm>>) target(%arg6 : memref<80x128xi32, #tpu.memory_space<vmem>>) target_semaphore(%arg23 : memref<!tpu.dma_semaphore, #tpu.memory_space<semaphore_mem>>)
    %dma_wait3A_272 = arith.constant 0 : i32
    %dma_wait3A_273 = arith.constant 0 : i32
    %dma_wait3A_274 = tpu.memref_slice %arg4[%dma_wait3A_272, %dma_wait3A_273] : memref<3276800x128xf32, #tpu.memory_space<hbm>> -> memref<128x128xf32, #tpu.memory_space<hbm>>
    %dma_wait3A_275 = arith.constant 0 : i32
    %dma_wait3A_276 = arith.constant 0 : i32
    %dma_wait3A_277 = tpu.memref_slice %arg4[%dma_wait3A_275, %dma_wait3A_276] : memref<3276800x128xf32, #tpu.memory_space<hbm>> -> memref<128x128xf32, #tpu.memory_space<hbm>>
    tpu.wait_dma2 semaphore(%arg17 : memref<!tpu.dma_semaphore, #tpu.memory_space<semaphore_mem>>) src(%arg7 : memref<128x128xf32, #tpu.memory_space<vmem>>) dst(%dma_wait3A_277 : memref<128x128xf32, #tpu.memory_space<hbm>>)
    %dma_start3A_278 = arith.constant 0 : i32
    %dma_start3A_279 = arith.constant 0 : i32
    %dma_start3A_280 = tpu.memref_slice %arg5[%dma_start3A_278, %dma_start3A_279] : memref<80x128xi32, #tpu.memory_space<vmem>> -> memref<1x128xi32, #tpu.memory_space<vmem>>
    %dma_start3A_281 = tpu.memref_squeeze %dma_start3A_280 : memref<1x128xi32, #tpu.memory_space<vmem>> -> memref<128xi32, #tpu.memory_space<vmem>>
    %dma_start3A_282 = arith.constant 0 : i32
    %dma_start3A_283 = arith.constant 0 : i32
    %dma_start3A_284 = tpu.memref_slice %arg3[%dma_start3A_282, %dma_start3A_283] : memref<50257x128xf32, #tpu.memory_space<hbm>> -> memref<50257x128xf32, #tpu.memory_space<hbm>>
    tpu.enqueue_indirect_dma source(%dma_start3A_284 : memref<50257x128xf32, #tpu.memory_space<hbm>>) target(%arg7 : memref<128x128xf32, #tpu.memory_space<vmem>>) offsets(%dma_start3A_281 : memref<128xi32, #tpu.memory_space<vmem>>) semaphore(%arg12 : memref<!tpu.dma_semaphore, #tpu.memory_space<semaphore_mem>>)
    %dma_wait3A_285 = arith.constant 0 : i32
    %dma_wait3A_286 = arith.constant 0 : i32
    %dma_wait3A_287 = tpu.memref_slice %arg4[%dma_wait3A_285, %dma_wait3A_286] : memref<3276800x128xf32, #tpu.memory_space<hbm>> -> memref<128x128xf32, #tpu.memory_space<hbm>>
    %dma_wait3A_288 = arith.constant 0 : i32
    %dma_wait3A_289 = arith.constant 0 : i32
    %dma_wait3A_290 = tpu.memref_slice %arg4[%dma_wait3A_288, %dma_wait3A_289] : memref<3276800x128xf32, #tpu.memory_space<hbm>> -> memref<128x128xf32, #tpu.memory_space<hbm>>
    tpu.wait_dma2 semaphore(%arg18 : memref<!tpu.dma_semaphore, #tpu.memory_space<semaphore_mem>>) src(%arg8 : memref<128x128xf32, #tpu.memory_space<vmem>>) dst(%dma_wait3A_290 : memref<128x128xf32, #tpu.memory_space<hbm>>)
    %dma_start3A_291 = arith.constant 1 : i32
    %dma_start3A_292 = arith.constant 0 : i32
    %dma_start3A_293 = tpu.memref_slice %arg5[%dma_start3A_291, %dma_start3A_292] : memref<80x128xi32, #tpu.memory_space<vmem>> -> memref<1x128xi32, #tpu.memory_space<vmem>>
    %dma_start3A_294 = tpu.memref_squeeze %dma_start3A_293 : memref<1x128xi32, #tpu.memory_space<vmem>> -> memref<128xi32, #tpu.memory_space<vmem>>
    %dma_start3A_295 = arith.constant 0 : i32
    %dma_start3A_296 = arith.constant 0 : i32
    %dma_start3A_297 = tpu.memref_slice %arg3[%dma_start3A_295, %dma_start3A_296] : memref<50257x128xf32, #tpu.memory_space<hbm>> -> memref<50257x128xf32, #tpu.memory_space<hbm>>
    tpu.enqueue_indirect_dma source(%dma_start3A_297 : memref<50257x128xf32, #tpu.memory_space<hbm>>) target(%arg8 : memref<128x128xf32, #tpu.memory_space<vmem>>) offsets(%dma_start3A_294 : memref<128xi32, #tpu.memory_space<vmem>>) semaphore(%arg13 : memref<!tpu.dma_semaphore, #tpu.memory_space<semaphore_mem>>)
    %scan3A_298 = arith.constant 0 : i32
    %scan3A_299 = arith.constant 0 : i32
    %scan3A_300 = arith.constant 16 : i32
    %scan3A_301 = arith.addi %scan3A_299, %scan3A_300 : i32
    %scan3A_302 = arith.constant 1 : i32
    scf.for %scan3A_466 = %scan3A_299 to %scan3A_301 step %scan3A_302  : i32 {
      %mul3A_467 = arith.constant 5 : i32
      %mul3A_468 = arith.muli %scan3A_466, %mul3A_467 : i32
      %add3A_469 = arith.constant 0 : i32
      %add3A_470 = arith.addi %mul3A_468, %add3A_469 : i32
      %add3A_471 = arith.constant 2 : i32
      %add3A_472 = arith.addi %add3A_470, %add3A_471 : i32
      %lt3A = arith.constant 80 : i32
      %lt3A_473 = arith.cmpi slt, %add3A_472, %lt3A : i32
      %convert_element_type3A = arith.extui %lt3A_473 : i1 to i32
      %cond3A = arith.constant 0 : i32
      %cond3A_474 = arith.cmpi ne, %convert_element_type3A, %cond3A : i32
      scf.if %cond3A_474 {
        %dma_wait3A_584 = arith.constant 0 : i32
        %dma_wait3A_585 = arith.constant 0 : i32
        %dma_wait3A_586 = tpu.memref_slice %arg4[%dma_wait3A_584, %dma_wait3A_585] : memref<3276800x128xf32, #tpu.memory_space<hbm>> -> memref<128x128xf32, #tpu.memory_space<hbm>>
        %dma_wait3A_587 = arith.constant 0 : i32
        %dma_wait3A_588 = arith.constant 0 : i32
        %dma_wait3A_589 = tpu.memref_slice %arg4[%dma_wait3A_587, %dma_wait3A_588] : memref<3276800x128xf32, #tpu.memory_space<hbm>> -> memref<128x128xf32, #tpu.memory_space<hbm>>
        tpu.wait_dma2 semaphore(%arg19 : memref<!tpu.dma_semaphore, #tpu.memory_space<semaphore_mem>>) src(%arg9 : memref<128x128xf32, #tpu.memory_space<vmem>>) dst(%dma_wait3A_589 : memref<128x128xf32, #tpu.memory_space<hbm>>)
        %dma_start3A_590 = arith.constant 0 : i32
        %dma_start3A_591 = tpu.memref_slice %arg5[%add3A_472, %dma_start3A_590] : memref<80x128xi32, #tpu.memory_space<vmem>> -> memref<1x128xi32, #tpu.memory_space<vmem>>
        %dma_start3A_592 = tpu.memref_squeeze %dma_start3A_591 : memref<1x128xi32, #tpu.memory_space<vmem>> -> memref<128xi32, #tpu.memory_space<vmem>>
        %dma_start3A_593 = arith.constant 0 : i32
        %dma_start3A_594 = arith.constant 0 : i32
        %dma_start3A_595 = tpu.memref_slice %arg3[%dma_start3A_593, %dma_start3A_594] : memref<50257x128xf32, #tpu.memory_space<hbm>> -> memref<50257x128xf32, #tpu.memory_space<hbm>>
        tpu.enqueue_indirect_dma source(%dma_start3A_595 : memref<50257x128xf32, #tpu.memory_space<hbm>>) target(%arg9 : memref<128x128xf32, #tpu.memory_space<vmem>>) offsets(%dma_start3A_592 : memref<128xi32, #tpu.memory_space<vmem>>) semaphore(%arg14 : memref<!tpu.dma_semaphore, #tpu.memory_space<semaphore_mem>>)
      } else {
      }
      %dma_wait3A_475 = arith.constant 0 : i32
      %dma_wait3A_476 = arith.constant 0 : i32
      %dma_wait3A_477 = tpu.memref_slice %arg3[%dma_wait3A_475, %dma_wait3A_476] : memref<50257x128xf32, #tpu.memory_space<hbm>> -> memref<128x128xf32, #tpu.memory_space<hbm>>
      %dma_wait3A_478 = arith.constant 0 : i32
      %dma_wait3A_479 = arith.constant 0 : i32
      %dma_wait3A_480 = tpu.memref_slice %arg3[%dma_wait3A_478, %dma_wait3A_479] : memref<50257x128xf32, #tpu.memory_space<hbm>> -> memref<128x128xf32, #tpu.memory_space<hbm>>
      tpu.wait_dma2 semaphore(%arg12 : memref<!tpu.dma_semaphore, #tpu.memory_space<semaphore_mem>>) src(%dma_wait3A_480 : memref<128x128xf32, #tpu.memory_space<hbm>>) dst(%arg7 : memref<128x128xf32, #tpu.memory_space<vmem>>)
      %add3A_481 = arith.addi %add3A_259, %add3A_470 : i32
      %mul3A_482 = arith.constant 128 : i32
      %mul3A_483 = arith.muli %add3A_481, %mul3A_482 : i32
      %dma_start3A_484 = arith.constant 0 : i32
      %dma_start3A_485 = tpu.memref_slice %arg4[%mul3A_483, %dma_start3A_484] : memref<3276800x128xf32, #tpu.memory_space<hbm>> -> memref<128x128xf32, #tpu.memory_space<hbm>>
      %dma_start3A_486 = arith.constant 0 : i32
      %dma_start3A_487 = tpu.memref_slice %arg4[%mul3A_483, %dma_start3A_486] : memref<3276800x128xf32, #tpu.memory_space<hbm>> -> memref<128x128xf32, #tpu.memory_space<hbm>>
      tpu.enqueue_dma source(%arg7 : memref<128x128xf32, #tpu.memory_space<vmem>>) target(%dma_start3A_487 : memref<128x128xf32, #tpu.memory_space<hbm>>) target_semaphore(%arg17 : memref<!tpu.dma_semaphore, #tpu.memory_space<semaphore_mem>>)
      %mul3A_488 = arith.constant 5 : i32
      %mul3A_489 = arith.muli %scan3A_466, %mul3A_488 : i32
      %add3A_490 = arith.constant 1 : i32
      %add3A_491 = arith.addi %mul3A_489, %add3A_490 : i32
      %add3A_492 = arith.constant 2 : i32
      %add3A_493 = arith.addi %add3A_491, %add3A_492 : i32
      %lt3A_494 = arith.constant 80 : i32
      %lt3A_495 = arith.cmpi slt, %add3A_493, %lt3A_494 : i32
      %convert_element_type3A_496 = arith.extui %lt3A_495 : i1 to i32
      %cond3A_497 = arith.constant 0 : i32
      %cond3A_498 = arith.cmpi ne, %convert_element_type3A_496, %cond3A_497 : i32
      scf.if %cond3A_498 {
        %dma_wait3A_584 = arith.constant 0 : i32
        %dma_wait3A_585 = arith.constant 0 : i32
        %dma_wait3A_586 = tpu.memref_slice %arg4[%dma_wait3A_584, %dma_wait3A_585] : memref<3276800x128xf32, #tpu.memory_space<hbm>> -> memref<128x128xf32, #tpu.memory_space<hbm>>
        %dma_wait3A_587 = arith.constant 0 : i32
        %dma_wait3A_588 = arith.constant 0 : i32
        %dma_wait3A_589 = tpu.memref_slice %arg4[%dma_wait3A_587, %dma_wait3A_588] : memref<3276800x128xf32, #tpu.memory_space<hbm>> -> memref<128x128xf32, #tpu.memory_space<hbm>>
        tpu.wait_dma2 semaphore(%arg20 : memref<!tpu.dma_semaphore, #tpu.memory_space<semaphore_mem>>) src(%arg10 : memref<128x128xf32, #tpu.memory_space<vmem>>) dst(%dma_wait3A_589 : memref<128x128xf32, #tpu.memory_space<hbm>>)
        %dma_start3A_590 = arith.constant 0 : i32
        %dma_start3A_591 = tpu.memref_slice %arg5[%add3A_493, %dma_start3A_590] : memref<80x128xi32, #tpu.memory_space<vmem>> -> memref<1x128xi32, #tpu.memory_space<vmem>>
        %dma_start3A_592 = tpu.memref_squeeze %dma_start3A_591 : memref<1x128xi32, #tpu.memory_space<vmem>> -> memref<128xi32, #tpu.memory_space<vmem>>
        %dma_start3A_593 = arith.constant 0 : i32
        %dma_start3A_594 = arith.constant 0 : i32
        %dma_start3A_595 = tpu.memref_slice %arg3[%dma_start3A_593, %dma_start3A_594] : memref<50257x128xf32, #tpu.memory_space<hbm>> -> memref<50257x128xf32, #tpu.memory_space<hbm>>
        tpu.enqueue_indirect_dma source(%dma_start3A_595 : memref<50257x128xf32, #tpu.memory_space<hbm>>) target(%arg10 : memref<128x128xf32, #tpu.memory_space<vmem>>) offsets(%dma_start3A_592 : memref<128xi32, #tpu.memory_space<vmem>>) semaphore(%arg15 : memref<!tpu.dma_semaphore, #tpu.memory_space<semaphore_mem>>)
      } else {
      }
      %dma_wait3A_499 = arith.constant 0 : i32
      %dma_wait3A_500 = arith.constant 0 : i32
      %dma_wait3A_501 = tpu.memref_slice %arg3[%dma_wait3A_499, %dma_wait3A_500] : memref<50257x128xf32, #tpu.memory_space<hbm>> -> memref<128x128xf32, #tpu.memory_space<hbm>>
      %dma_wait3A_502 = arith.constant 0 : i32
      %dma_wait3A_503 = arith.constant 0 : i32
      %dma_wait3A_504 = tpu.memref_slice %arg3[%dma_wait3A_502, %dma_wait3A_503] : memref<50257x128xf32, #tpu.memory_space<hbm>> -> memref<128x128xf32, #tpu.memory_space<hbm>>
      tpu.wait_dma2 semaphore(%arg13 : memref<!tpu.dma_semaphore, #tpu.memory_space<semaphore_mem>>) src(%dma_wait3A_504 : memref<128x128xf32, #tpu.memory_space<hbm>>) dst(%arg8 : memref<128x128xf32, #tpu.memory_space<vmem>>)
      %add3A_505 = arith.addi %add3A_259, %add3A_491 : i32
      %mul3A_506 = arith.constant 128 : i32
      %mul3A_507 = arith.muli %add3A_505, %mul3A_506 : i32
      %dma_start3A_508 = arith.constant 0 : i32
      %dma_start3A_509 = tpu.memref_slice %arg4[%mul3A_507, %dma_start3A_508] : memref<3276800x128xf32, #tpu.memory_space<hbm>> -> memref<128x128xf32, #tpu.memory_space<hbm>>
      %dma_start3A_510 = arith.constant 0 : i32
      %dma_start3A_511 = tpu.memref_slice %arg4[%mul3A_507, %dma_start3A_510] : memref<3276800x128xf32, #tpu.memory_space<hbm>> -> memref<128x128xf32, #tpu.memory_space<hbm>>
      tpu.enqueue_dma source(%arg8 : memref<128x128xf32, #tpu.memory_space<vmem>>) target(%dma_start3A_511 : memref<128x128xf32, #tpu.memory_space<hbm>>) target_semaphore(%arg18 : memref<!tpu.dma_semaphore, #tpu.memory_space<semaphore_mem>>)
      %mul3A_512 = arith.constant 5 : i32
      %mul3A_513 = arith.muli %scan3A_466, %mul3A_512 : i32
      %add3A_514 = arith.constant 2 : i32
      %add3A_515 = arith.addi %mul3A_513, %add3A_514 : i32
      %add3A_516 = arith.constant 2 : i32
      %add3A_517 = arith.addi %add3A_515, %add3A_516 : i32
      %lt3A_518 = arith.constant 80 : i32
      %lt3A_519 = arith.cmpi slt, %add3A_517, %lt3A_518 : i32
      %convert_element_type3A_520 = arith.extui %lt3A_519 : i1 to i32
      %cond3A_521 = arith.constant 0 : i32
      %cond3A_522 = arith.cmpi ne, %convert_element_type3A_520, %cond3A_521 : i32
      scf.if %cond3A_522 {
        %dma_wait3A_584 = arith.constant 0 : i32
        %dma_wait3A_585 = arith.constant 0 : i32
        %dma_wait3A_586 = tpu.memref_slice %arg4[%dma_wait3A_584, %dma_wait3A_585] : memref<3276800x128xf32, #tpu.memory_space<hbm>> -> memref<128x128xf32, #tpu.memory_space<hbm>>
        %dma_wait3A_587 = arith.constant 0 : i32
        %dma_wait3A_588 = arith.constant 0 : i32
        %dma_wait3A_589 = tpu.memref_slice %arg4[%dma_wait3A_587, %dma_wait3A_588] : memref<3276800x128xf32, #tpu.memory_space<hbm>> -> memref<128x128xf32, #tpu.memory_space<hbm>>
        tpu.wait_dma2 semaphore(%arg21 : memref<!tpu.dma_semaphore, #tpu.memory_space<semaphore_mem>>) src(%arg11 : memref<128x128xf32, #tpu.memory_space<vmem>>) dst(%dma_wait3A_589 : memref<128x128xf32, #tpu.memory_space<hbm>>)
        %dma_start3A_590 = arith.constant 0 : i32
        %dma_start3A_591 = tpu.memref_slice %arg5[%add3A_517, %dma_start3A_590] : memref<80x128xi32, #tpu.memory_space<vmem>> -> memref<1x128xi32, #tpu.memory_space<vmem>>
        %dma_start3A_592 = tpu.memref_squeeze %dma_start3A_591 : memref<1x128xi32, #tpu.memory_space<vmem>> -> memref<128xi32, #tpu.memory_space<vmem>>
        %dma_start3A_593 = arith.constant 0 : i32
        %dma_start3A_594 = arith.constant 0 : i32
        %dma_start3A_595 = tpu.memref_slice %arg3[%dma_start3A_593, %dma_start3A_594] : memref<50257x128xf32, #tpu.memory_space<hbm>> -> memref<50257x128xf32, #tpu.memory_space<hbm>>
        tpu.enqueue_indirect_dma source(%dma_start3A_595 : memref<50257x128xf32, #tpu.memory_space<hbm>>) target(%arg11 : memref<128x128xf32, #tpu.memory_space<vmem>>) offsets(%dma_start3A_592 : memref<128xi32, #tpu.memory_space<vmem>>) semaphore(%arg16 : memref<!tpu.dma_semaphore, #tpu.memory_space<semaphore_mem>>)
      } else {
      }
      %dma_wait3A_523 = arith.constant 0 : i32
      %dma_wait3A_524 = arith.constant 0 : i32
      %dma_wait3A_525 = tpu.memref_slice %arg3[%dma_wait3A_523, %dma_wait3A_524] : memref<50257x128xf32, #tpu.memory_space<hbm>> -> memref<128x128xf32, #tpu.memory_space<hbm>>
      %dma_wait3A_526 = arith.constant 0 : i32
      %dma_wait3A_527 = arith.constant 0 : i32
      %dma_wait3A_528 = tpu.memref_slice %arg3[%dma_wait3A_526, %dma_wait3A_527] : memref<50257x128xf32, #tpu.memory_space<hbm>> -> memref<128x128xf32, #tpu.memory_space<hbm>>
      tpu.wait_dma2 semaphore(%arg14 : memref<!tpu.dma_semaphore, #tpu.memory_space<semaphore_mem>>) src(%dma_wait3A_528 : memref<128x128xf32, #tpu.memory_space<hbm>>) dst(%arg9 : memref<128x128xf32, #tpu.memory_space<vmem>>)
      %add3A_529 = arith.addi %add3A_259, %add3A_515 : i32
      %mul3A_530 = arith.constant 128 : i32
      %mul3A_531 = arith.muli %add3A_529, %mul3A_530 : i32
      %dma_start3A_532 = arith.constant 0 : i32
      %dma_start3A_533 = tpu.memref_slice %arg4[%mul3A_531, %dma_start3A_532] : memref<3276800x128xf32, #tpu.memory_space<hbm>> -> memref<128x128xf32, #tpu.memory_space<hbm>>
      %dma_start3A_534 = arith.constant 0 : i32
      %dma_start3A_535 = tpu.memref_slice %arg4[%mul3A_531, %dma_start3A_534] : memref<3276800x128xf32, #tpu.memory_space<hbm>> -> memref<128x128xf32, #tpu.memory_space<hbm>>
      tpu.enqueue_dma source(%arg9 : memref<128x128xf32, #tpu.memory_space<vmem>>) target(%dma_start3A_535 : memref<128x128xf32, #tpu.memory_space<hbm>>) target_semaphore(%arg19 : memref<!tpu.dma_semaphore, #tpu.memory_space<semaphore_mem>>)
      %mul3A_536 = arith.constant 5 : i32
      %mul3A_537 = arith.muli %scan3A_466, %mul3A_536 : i32
      %add3A_538 = arith.constant 3 : i32
      %add3A_539 = arith.addi %mul3A_537, %add3A_538 : i32
      %add3A_540 = arith.constant 2 : i32
      %add3A_541 = arith.addi %add3A_539, %add3A_540 : i32
      %lt3A_542 = arith.constant 80 : i32
      %lt3A_543 = arith.cmpi slt, %add3A_541, %lt3A_542 : i32
      %convert_element_type3A_544 = arith.extui %lt3A_543 : i1 to i32
      %cond3A_545 = arith.constant 0 : i32
      %cond3A_546 = arith.cmpi ne, %convert_element_type3A_544, %cond3A_545 : i32
      scf.if %cond3A_546 {
        %dma_wait3A_584 = arith.constant 0 : i32
        %dma_wait3A_585 = arith.constant 0 : i32
        %dma_wait3A_586 = tpu.memref_slice %arg4[%dma_wait3A_584, %dma_wait3A_585] : memref<3276800x128xf32, #tpu.memory_space<hbm>> -> memref<128x128xf32, #tpu.memory_space<hbm>>
        %dma_wait3A_587 = arith.constant 0 : i32
        %dma_wait3A_588 = arith.constant 0 : i32
        %dma_wait3A_589 = tpu.memref_slice %arg4[%dma_wait3A_587, %dma_wait3A_588] : memref<3276800x128xf32, #tpu.memory_space<hbm>> -> memref<128x128xf32, #tpu.memory_space<hbm>>
        tpu.wait_dma2 semaphore(%arg17 : memref<!tpu.dma_semaphore, #tpu.memory_space<semaphore_mem>>) src(%arg7 : memref<128x128xf32, #tpu.memory_space<vmem>>) dst(%dma_wait3A_589 : memref<128x128xf32, #tpu.memory_space<hbm>>)
        %dma_start3A_590 = arith.constant 0 : i32
        %dma_start3A_591 = tpu.memref_slice %arg5[%add3A_541, %dma_start3A_590] : memref<80x128xi32, #tpu.memory_space<vmem>> -> memref<1x128xi32, #tpu.memory_space<vmem>>
        %dma_start3A_592 = tpu.memref_squeeze %dma_start3A_591 : memref<1x128xi32, #tpu.memory_space<vmem>> -> memref<128xi32, #tpu.memory_space<vmem>>
        %dma_start3A_593 = arith.constant 0 : i32
        %dma_start3A_594 = arith.constant 0 : i32
        %dma_start3A_595 = tpu.memref_slice %arg3[%dma_start3A_593, %dma_start3A_594] : memref<50257x128xf32, #tpu.memory_space<hbm>> -> memref<50257x128xf32, #tpu.memory_space<hbm>>
        tpu.enqueue_indirect_dma source(%dma_start3A_595 : memref<50257x128xf32, #tpu.memory_space<hbm>>) target(%arg7 : memref<128x128xf32, #tpu.memory_space<vmem>>) offsets(%dma_start3A_592 : memref<128xi32, #tpu.memory_space<vmem>>) semaphore(%arg12 : memref<!tpu.dma_semaphore, #tpu.memory_space<semaphore_mem>>)
      } else {
      }
      %dma_wait3A_547 = arith.constant 0 : i32
      %dma_wait3A_548 = arith.constant 0 : i32
      %dma_wait3A_549 = tpu.memref_slice %arg3[%dma_wait3A_547, %dma_wait3A_548] : memref<50257x128xf32, #tpu.memory_space<hbm>> -> memref<128x128xf32, #tpu.memory_space<hbm>>
      %dma_wait3A_550 = arith.constant 0 : i32
      %dma_wait3A_551 = arith.constant 0 : i32
      %dma_wait3A_552 = tpu.memref_slice %arg3[%dma_wait3A_550, %dma_wait3A_551] : memref<50257x128xf32, #tpu.memory_space<hbm>> -> memref<128x128xf32, #tpu.memory_space<hbm>>
      tpu.wait_dma2 semaphore(%arg15 : memref<!tpu.dma_semaphore, #tpu.memory_space<semaphore_mem>>) src(%dma_wait3A_552 : memref<128x128xf32, #tpu.memory_space<hbm>>) dst(%arg10 : memref<128x128xf32, #tpu.memory_space<vmem>>)
      %add3A_553 = arith.addi %add3A_259, %add3A_539 : i32
      %mul3A_554 = arith.constant 128 : i32
      %mul3A_555 = arith.muli %add3A_553, %mul3A_554 : i32
      %dma_start3A_556 = arith.constant 0 : i32
      %dma_start3A_557 = tpu.memref_slice %arg4[%mul3A_555, %dma_start3A_556] : memref<3276800x128xf32, #tpu.memory_space<hbm>> -> memref<128x128xf32, #tpu.memory_space<hbm>>
      %dma_start3A_558 = arith.constant 0 : i32
      %dma_start3A_559 = tpu.memref_slice %arg4[%mul3A_555, %dma_start3A_558] : memref<3276800x128xf32, #tpu.memory_space<hbm>> -> memref<128x128xf32, #tpu.memory_space<hbm>>
      tpu.enqueue_dma source(%arg10 : memref<128x128xf32, #tpu.memory_space<vmem>>) target(%dma_start3A_559 : memref<128x128xf32, #tpu.memory_space<hbm>>) target_semaphore(%arg20 : memref<!tpu.dma_semaphore, #tpu.memory_space<semaphore_mem>>)
      %mul3A_560 = arith.constant 5 : i32
      %mul3A_561 = arith.muli %scan3A_466, %mul3A_560 : i32
      %add3A_562 = arith.constant 4 : i32
      %add3A_563 = arith.addi %mul3A_561, %add3A_562 : i32
      %add3A_564 = arith.constant 2 : i32
      %add3A_565 = arith.addi %add3A_563, %add3A_564 : i32
      %lt3A_566 = arith.constant 80 : i32
      %lt3A_567 = arith.cmpi slt, %add3A_565, %lt3A_566 : i32
      %convert_element_type3A_568 = arith.extui %lt3A_567 : i1 to i32
      %cond3A_569 = arith.constant 0 : i32
      %cond3A_570 = arith.cmpi ne, %convert_element_type3A_568, %cond3A_569 : i32
      scf.if %cond3A_570 {
        %dma_wait3A_584 = arith.constant 0 : i32
        %dma_wait3A_585 = arith.constant 0 : i32
        %dma_wait3A_586 = tpu.memref_slice %arg4[%dma_wait3A_584, %dma_wait3A_585] : memref<3276800x128xf32, #tpu.memory_space<hbm>> -> memref<128x128xf32, #tpu.memory_space<hbm>>
        %dma_wait3A_587 = arith.constant 0 : i32
        %dma_wait3A_588 = arith.constant 0 : i32
        %dma_wait3A_589 = tpu.memref_slice %arg4[%dma_wait3A_587, %dma_wait3A_588] : memref<3276800x128xf32, #tpu.memory_space<hbm>> -> memref<128x128xf32, #tpu.memory_space<hbm>>
        tpu.wait_dma2 semaphore(%arg18 : memref<!tpu.dma_semaphore, #tpu.memory_space<semaphore_mem>>) src(%arg8 : memref<128x128xf32, #tpu.memory_space<vmem>>) dst(%dma_wait3A_589 : memref<128x128xf32, #tpu.memory_space<hbm>>)
        %dma_start3A_590 = arith.constant 0 : i32
        %dma_start3A_591 = tpu.memref_slice %arg5[%add3A_565, %dma_start3A_590] : memref<80x128xi32, #tpu.memory_space<vmem>> -> memref<1x128xi32, #tpu.memory_space<vmem>>
        %dma_start3A_592 = tpu.memref_squeeze %dma_start3A_591 : memref<1x128xi32, #tpu.memory_space<vmem>> -> memref<128xi32, #tpu.memory_space<vmem>>
        %dma_start3A_593 = arith.constant 0 : i32
        %dma_start3A_594 = arith.constant 0 : i32
        %dma_start3A_595 = tpu.memref_slice %arg3[%dma_start3A_593, %dma_start3A_594] : memref<50257x128xf32, #tpu.memory_space<hbm>> -> memref<50257x128xf32, #tpu.memory_space<hbm>>
        tpu.enqueue_indirect_dma source(%dma_start3A_595 : memref<50257x128xf32, #tpu.memory_space<hbm>>) target(%arg8 : memref<128x128xf32, #tpu.memory_space<vmem>>) offsets(%dma_start3A_592 : memref<128xi32, #tpu.memory_space<vmem>>) semaphore(%arg13 : memref<!tpu.dma_semaphore, #tpu.memory_space<semaphore_mem>>)
      } else {
      }
      %dma_wait3A_571 = arith.constant 0 : i32
      %dma_wait3A_572 = arith.constant 0 : i32
      %dma_wait3A_573 = tpu.memref_slice %arg3[%dma_wait3A_571, %dma_wait3A_572] : memref<50257x128xf32, #tpu.memory_space<hbm>> -> memref<128x128xf32, #tpu.memory_space<hbm>>
      %dma_wait3A_574 = arith.constant 0 : i32
      %dma_wait3A_575 = arith.constant 0 : i32
      %dma_wait3A_576 = tpu.memref_slice %arg3[%dma_wait3A_574, %dma_wait3A_575] : memref<50257x128xf32, #tpu.memory_space<hbm>> -> memref<128x128xf32, #tpu.memory_space<hbm>>
      tpu.wait_dma2 semaphore(%arg16 : memref<!tpu.dma_semaphore, #tpu.memory_space<semaphore_mem>>) src(%dma_wait3A_576 : memref<128x128xf32, #tpu.memory_space<hbm>>) dst(%arg11 : memref<128x128xf32, #tpu.memory_space<vmem>>)
      %add3A_577 = arith.addi %add3A_259, %add3A_563 : i32
      %mul3A_578 = arith.constant 128 : i32
      %mul3A_579 = arith.muli %add3A_577, %mul3A_578 : i32
      %dma_start3A_580 = arith.constant 0 : i32
      %dma_start3A_581 = tpu.memref_slice %arg4[%mul3A_579, %dma_start3A_580] : memref<3276800x128xf32, #tpu.memory_space<hbm>> -> memref<128x128xf32, #tpu.memory_space<hbm>>
      %dma_start3A_582 = arith.constant 0 : i32
      %dma_start3A_583 = tpu.memref_slice %arg4[%mul3A_579, %dma_start3A_582] : memref<3276800x128xf32, #tpu.memory_space<hbm>> -> memref<128x128xf32, #tpu.memory_space<hbm>>
      tpu.enqueue_dma source(%arg11 : memref<128x128xf32, #tpu.memory_space<vmem>>) target(%dma_start3A_583 : memref<128x128xf32, #tpu.memory_space<hbm>>) target_semaphore(%arg21 : memref<!tpu.dma_semaphore, #tpu.memory_space<semaphore_mem>>)
    }
    %scan3A_303 = arith.constant 16 : i32
    %add3A_304 = arith.constant 560 : i32
    %add3A_305 = arith.addi %mul3A_2, %add3A_304 : i32
    %dma_wait3A_306 = arith.constant 0 : i32
    %dma_wait3A_307 = arith.constant 0 : i32
    %dma_wait3A_308 = tpu.memref_slice %arg2[%dma_wait3A_306, %dma_wait3A_307] : memref<25600x128xi32, #tpu.memory_space<hbm>> -> memref<80x128xi32, #tpu.memory_space<hbm>>
    %dma_wait3A_309 = arith.constant 0 : i32
    %dma_wait3A_310 = arith.constant 0 : i32
    %dma_wait3A_311 = tpu.memref_slice %arg2[%dma_wait3A_309, %dma_wait3A_310] : memref<25600x128xi32, #tpu.memory_space<hbm>> -> memref<80x128xi32, #tpu.memory_space<hbm>>
    tpu.wait_dma2 semaphore(%arg23 : memref<!tpu.dma_semaphore, #tpu.memory_space<semaphore_mem>>) src(%dma_wait3A_311 : memref<80x128xi32, #tpu.memory_space<hbm>>) dst(%arg6 : memref<80x128xi32, #tpu.memory_space<vmem>>)
    %add3A_312 = arith.constant 80 : i32
    %add3A_313 = arith.addi %add3A_305, %add3A_312 : i32
    %dma_start3A_314 = arith.constant 0 : i32
    %dma_start3A_315 = tpu.memref_slice %arg2[%add3A_313, %dma_start3A_314] : memref<25600x128xi32, #tpu.memory_space<hbm>> -> memref<80x128xi32, #tpu.memory_space<hbm>>
    %dma_start3A_316 = arith.constant 0 : i32
    %dma_start3A_317 = tpu.memref_slice %arg2[%add3A_313, %dma_start3A_316] : memref<25600x128xi32, #tpu.memory_space<hbm>> -> memref<80x128xi32, #tpu.memory_space<hbm>>
    tpu.enqueue_dma source(%dma_start3A_317 : memref<80x128xi32, #tpu.memory_space<hbm>>) target(%arg5 : memref<80x128xi32, #tpu.memory_space<vmem>>) target_semaphore(%arg22 : memref<!tpu.dma_semaphore, #tpu.memory_space<semaphore_mem>>)
    %dma_wait3A_318 = arith.constant 0 : i32
    %dma_wait3A_319 = arith.constant 0 : i32
    %dma_wait3A_320 = tpu.memref_slice %arg4[%dma_wait3A_318, %dma_wait3A_319] : memref<3276800x128xf32, #tpu.memory_space<hbm>> -> memref<128x128xf32, #tpu.memory_space<hbm>>
    %dma_wait3A_321 = arith.constant 0 : i32
    %dma_wait3A_322 = arith.constant 0 : i32
    %dma_wait3A_323 = tpu.memref_slice %arg4[%dma_wait3A_321, %dma_wait3A_322] : memref<3276800x128xf32, #tpu.memory_space<hbm>> -> memref<128x128xf32, #tpu.memory_space<hbm>>
    tpu.wait_dma2 semaphore(%arg17 : memref<!tpu.dma_semaphore, #tpu.memory_space<semaphore_mem>>) src(%arg7 : memref<128x128xf32, #tpu.memory_space<vmem>>) dst(%dma_wait3A_323 : memref<128x128xf32, #tpu.memory_space<hbm>>)
    %dma_start3A_324 = arith.constant 0 : i32
    %dma_start3A_325 = arith.constant 0 : i32
    %dma_start3A_326 = tpu.memref_slice %arg6[%dma_start3A_324, %dma_start3A_325] : memref<80x128xi32, #tpu.memory_space<vmem>> -> memref<1x128xi32, #tpu.memory_space<vmem>>
    %dma_start3A_327 = tpu.memref_squeeze %dma_start3A_326 : memref<1x128xi32, #tpu.memory_space<vmem>> -> memref<128xi32, #tpu.memory_space<vmem>>
    %dma_start3A_328 = arith.constant 0 : i32
    %dma_start3A_329 = arith.constant 0 : i32
    %dma_start3A_330 = tpu.memref_slice %arg3[%dma_start3A_328, %dma_start3A_329] : memref<50257x128xf32, #tpu.memory_space<hbm>> -> memref<50257x128xf32, #tpu.memory_space<hbm>>
    tpu.enqueue_indirect_dma source(%dma_start3A_330 : memref<50257x128xf32, #tpu.memory_space<hbm>>) target(%arg7 : memref<128x128xf32, #tpu.memory_space<vmem>>) offsets(%dma_start3A_327 : memref<128xi32, #tpu.memory_space<vmem>>) semaphore(%arg12 : memref<!tpu.dma_semaphore, #tpu.memory_space<semaphore_mem>>)
    %dma_wait3A_331 = arith.constant 0 : i32
    %dma_wait3A_332 = arith.constant 0 : i32
    %dma_wait3A_333 = tpu.memref_slice %arg4[%dma_wait3A_331, %dma_wait3A_332] : memref<3276800x128xf32, #tpu.memory_space<hbm>> -> memref<128x128xf32, #tpu.memory_space<hbm>>
    %dma_wait3A_334 = arith.constant 0 : i32
    %dma_wait3A_335 = arith.constant 0 : i32
    %dma_wait3A_336 = tpu.memref_slice %arg4[%dma_wait3A_334, %dma_wait3A_335] : memref<3276800x128xf32, #tpu.memory_space<hbm>> -> memref<128x128xf32, #tpu.memory_space<hbm>>
    tpu.wait_dma2 semaphore(%arg18 : memref<!tpu.dma_semaphore, #tpu.memory_space<semaphore_mem>>) src(%arg8 : memref<128x128xf32, #tpu.memory_space<vmem>>) dst(%dma_wait3A_336 : memref<128x128xf32, #tpu.memory_space<hbm>>)
    %dma_start3A_337 = arith.constant 1 : i32
    %dma_start3A_338 = arith.constant 0 : i32
    %dma_start3A_339 = tpu.memref_slice %arg6[%dma_start3A_337, %dma_start3A_338] : memref<80x128xi32, #tpu.memory_space<vmem>> -> memref<1x128xi32, #tpu.memory_space<vmem>>
    %dma_start3A_340 = tpu.memref_squeeze %dma_start3A_339 : memref<1x128xi32, #tpu.memory_space<vmem>> -> memref<128xi32, #tpu.memory_space<vmem>>
    %dma_start3A_341 = arith.constant 0 : i32
    %dma_start3A_342 = arith.constant 0 : i32
    %dma_start3A_343 = tpu.memref_slice %arg3[%dma_start3A_341, %dma_start3A_342] : memref<50257x128xf32, #tpu.memory_space<hbm>> -> memref<50257x128xf32, #tpu.memory_space<hbm>>
    tpu.enqueue_indirect_dma source(%dma_start3A_343 : memref<50257x128xf32, #tpu.memory_space<hbm>>) target(%arg8 : memref<128x128xf32, #tpu.memory_space<vmem>>) offsets(%dma_start3A_340 : memref<128xi32, #tpu.memory_space<vmem>>) semaphore(%arg13 : memref<!tpu.dma_semaphore, #tpu.memory_space<semaphore_mem>>)
    %scan3A_344 = arith.constant 0 : i32
    %scan3A_345 = arith.constant 0 : i32
    %scan3A_346 = arith.constant 16 : i32
    %scan3A_347 = arith.addi %scan3A_345, %scan3A_346 : i32
    %scan3A_348 = arith.constant 1 : i32
    scf.for %scan3A_466 = %scan3A_345 to %scan3A_347 step %scan3A_348  : i32 {
      %mul3A_467 = arith.constant 5 : i32
      %mul3A_468 = arith.muli %scan3A_466, %mul3A_467 : i32
      %add3A_469 = arith.constant 0 : i32
      %add3A_470 = arith.addi %mul3A_468, %add3A_469 : i32
      %add3A_471 = arith.constant 2 : i32
      %add3A_472 = arith.addi %add3A_470, %add3A_471 : i32
      %lt3A = arith.constant 80 : i32
      %lt3A_473 = arith.cmpi slt, %add3A_472, %lt3A : i32
      %convert_element_type3A = arith.extui %lt3A_473 : i1 to i32
      %cond3A = arith.constant 0 : i32
      %cond3A_474 = arith.cmpi ne, %convert_element_type3A, %cond3A : i32
      scf.if %cond3A_474 {
        %dma_wait3A_584 = arith.constant 0 : i32
        %dma_wait3A_585 = arith.constant 0 : i32
        %dma_wait3A_586 = tpu.memref_slice %arg4[%dma_wait3A_584, %dma_wait3A_585] : memref<3276800x128xf32, #tpu.memory_space<hbm>> -> memref<128x128xf32, #tpu.memory_space<hbm>>
        %dma_wait3A_587 = arith.constant 0 : i32
        %dma_wait3A_588 = arith.constant 0 : i32
        %dma_wait3A_589 = tpu.memref_slice %arg4[%dma_wait3A_587, %dma_wait3A_588] : memref<3276800x128xf32, #tpu.memory_space<hbm>> -> memref<128x128xf32, #tpu.memory_space<hbm>>
        tpu.wait_dma2 semaphore(%arg19 : memref<!tpu.dma_semaphore, #tpu.memory_space<semaphore_mem>>) src(%arg9 : memref<128x128xf32, #tpu.memory_space<vmem>>) dst(%dma_wait3A_589 : memref<128x128xf32, #tpu.memory_space<hbm>>)
        %dma_start3A_590 = arith.constant 0 : i32
        %dma_start3A_591 = tpu.memref_slice %arg6[%add3A_472, %dma_start3A_590] : memref<80x128xi32, #tpu.memory_space<vmem>> -> memref<1x128xi32, #tpu.memory_space<vmem>>
        %dma_start3A_592 = tpu.memref_squeeze %dma_start3A_591 : memref<1x128xi32, #tpu.memory_space<vmem>> -> memref<128xi32, #tpu.memory_space<vmem>>
        %dma_start3A_593 = arith.constant 0 : i32
        %dma_start3A_594 = arith.constant 0 : i32
        %dma_start3A_595 = tpu.memref_slice %arg3[%dma_start3A_593, %dma_start3A_594] : memref<50257x128xf32, #tpu.memory_space<hbm>> -> memref<50257x128xf32, #tpu.memory_space<hbm>>
        tpu.enqueue_indirect_dma source(%dma_start3A_595 : memref<50257x128xf32, #tpu.memory_space<hbm>>) target(%arg9 : memref<128x128xf32, #tpu.memory_space<vmem>>) offsets(%dma_start3A_592 : memref<128xi32, #tpu.memory_space<vmem>>) semaphore(%arg14 : memref<!tpu.dma_semaphore, #tpu.memory_space<semaphore_mem>>)
      } else {
      }
      %dma_wait3A_475 = arith.constant 0 : i32
      %dma_wait3A_476 = arith.constant 0 : i32
      %dma_wait3A_477 = tpu.memref_slice %arg3[%dma_wait3A_475, %dma_wait3A_476] : memref<50257x128xf32, #tpu.memory_space<hbm>> -> memref<128x128xf32, #tpu.memory_space<hbm>>
      %dma_wait3A_478 = arith.constant 0 : i32
      %dma_wait3A_479 = arith.constant 0 : i32
      %dma_wait3A_480 = tpu.memref_slice %arg3[%dma_wait3A_478, %dma_wait3A_479] : memref<50257x128xf32, #tpu.memory_space<hbm>> -> memref<128x128xf32, #tpu.memory_space<hbm>>
      tpu.wait_dma2 semaphore(%arg12 : memref<!tpu.dma_semaphore, #tpu.memory_space<semaphore_mem>>) src(%dma_wait3A_480 : memref<128x128xf32, #tpu.memory_space<hbm>>) dst(%arg7 : memref<128x128xf32, #tpu.memory_space<vmem>>)
      %add3A_481 = arith.addi %add3A_305, %add3A_470 : i32
      %mul3A_482 = arith.constant 128 : i32
      %mul3A_483 = arith.muli %add3A_481, %mul3A_482 : i32
      %dma_start3A_484 = arith.constant 0 : i32
      %dma_start3A_485 = tpu.memref_slice %arg4[%mul3A_483, %dma_start3A_484] : memref<3276800x128xf32, #tpu.memory_space<hbm>> -> memref<128x128xf32, #tpu.memory_space<hbm>>
      %dma_start3A_486 = arith.constant 0 : i32
      %dma_start3A_487 = tpu.memref_slice %arg4[%mul3A_483, %dma_start3A_486] : memref<3276800x128xf32, #tpu.memory_space<hbm>> -> memref<128x128xf32, #tpu.memory_space<hbm>>
      tpu.enqueue_dma source(%arg7 : memref<128x128xf32, #tpu.memory_space<vmem>>) target(%dma_start3A_487 : memref<128x128xf32, #tpu.memory_space<hbm>>) target_semaphore(%arg17 : memref<!tpu.dma_semaphore, #tpu.memory_space<semaphore_mem>>)
      %mul3A_488 = arith.constant 5 : i32
      %mul3A_489 = arith.muli %scan3A_466, %mul3A_488 : i32
      %add3A_490 = arith.constant 1 : i32
      %add3A_491 = arith.addi %mul3A_489, %add3A_490 : i32
      %add3A_492 = arith.constant 2 : i32
      %add3A_493 = arith.addi %add3A_491, %add3A_492 : i32
      %lt3A_494 = arith.constant 80 : i32
      %lt3A_495 = arith.cmpi slt, %add3A_493, %lt3A_494 : i32
      %convert_element_type3A_496 = arith.extui %lt3A_495 : i1 to i32
      %cond3A_497 = arith.constant 0 : i32
      %cond3A_498 = arith.cmpi ne, %convert_element_type3A_496, %cond3A_497 : i32
      scf.if %cond3A_498 {
        %dma_wait3A_584 = arith.constant 0 : i32
        %dma_wait3A_585 = arith.constant 0 : i32
        %dma_wait3A_586 = tpu.memref_slice %arg4[%dma_wait3A_584, %dma_wait3A_585] : memref<3276800x128xf32, #tpu.memory_space<hbm>> -> memref<128x128xf32, #tpu.memory_space<hbm>>
        %dma_wait3A_587 = arith.constant 0 : i32
        %dma_wait3A_588 = arith.constant 0 : i32
        %dma_wait3A_589 = tpu.memref_slice %arg4[%dma_wait3A_587, %dma_wait3A_588] : memref<3276800x128xf32, #tpu.memory_space<hbm>> -> memref<128x128xf32, #tpu.memory_space<hbm>>
        tpu.wait_dma2 semaphore(%arg20 : memref<!tpu.dma_semaphore, #tpu.memory_space<semaphore_mem>>) src(%arg10 : memref<128x128xf32, #tpu.memory_space<vmem>>) dst(%dma_wait3A_589 : memref<128x128xf32, #tpu.memory_space<hbm>>)
        %dma_start3A_590 = arith.constant 0 : i32
        %dma_start3A_591 = tpu.memref_slice %arg6[%add3A_493, %dma_start3A_590] : memref<80x128xi32, #tpu.memory_space<vmem>> -> memref<1x128xi32, #tpu.memory_space<vmem>>
        %dma_start3A_592 = tpu.memref_squeeze %dma_start3A_591 : memref<1x128xi32, #tpu.memory_space<vmem>> -> memref<128xi32, #tpu.memory_space<vmem>>
        %dma_start3A_593 = arith.constant 0 : i32
        %dma_start3A_594 = arith.constant 0 : i32
        %dma_start3A_595 = tpu.memref_slice %arg3[%dma_start3A_593, %dma_start3A_594] : memref<50257x128xf32, #tpu.memory_space<hbm>> -> memref<50257x128xf32, #tpu.memory_space<hbm>>
        tpu.enqueue_indirect_dma source(%dma_start3A_595 : memref<50257x128xf32, #tpu.memory_space<hbm>>) target(%arg10 : memref<128x128xf32, #tpu.memory_space<vmem>>) offsets(%dma_start3A_592 : memref<128xi32, #tpu.memory_space<vmem>>) semaphore(%arg15 : memref<!tpu.dma_semaphore, #tpu.memory_space<semaphore_mem>>)
      } else {
      }
      %dma_wait3A_499 = arith.constant 0 : i32
      %dma_wait3A_500 = arith.constant 0 : i32
      %dma_wait3A_501 = tpu.memref_slice %arg3[%dma_wait3A_499, %dma_wait3A_500] : memref<50257x128xf32, #tpu.memory_space<hbm>> -> memref<128x128xf32, #tpu.memory_space<hbm>>
      %dma_wait3A_502 = arith.constant 0 : i32
      %dma_wait3A_503 = arith.constant 0 : i32
      %dma_wait3A_504 = tpu.memref_slice %arg3[%dma_wait3A_502, %dma_wait3A_503] : memref<50257x128xf32, #tpu.memory_space<hbm>> -> memref<128x128xf32, #tpu.memory_space<hbm>>
      tpu.wait_dma2 semaphore(%arg13 : memref<!tpu.dma_semaphore, #tpu.memory_space<semaphore_mem>>) src(%dma_wait3A_504 : memref<128x128xf32, #tpu.memory_space<hbm>>) dst(%arg8 : memref<128x128xf32, #tpu.memory_space<vmem>>)
      %add3A_505 = arith.addi %add3A_305, %add3A_491 : i32
      %mul3A_506 = arith.constant 128 : i32
      %mul3A_507 = arith.muli %add3A_505, %mul3A_506 : i32
      %dma_start3A_508 = arith.constant 0 : i32
      %dma_start3A_509 = tpu.memref_slice %arg4[%mul3A_507, %dma_start3A_508] : memref<3276800x128xf32, #tpu.memory_space<hbm>> -> memref<128x128xf32, #tpu.memory_space<hbm>>
      %dma_start3A_510 = arith.constant 0 : i32
      %dma_start3A_511 = tpu.memref_slice %arg4[%mul3A_507, %dma_start3A_510] : memref<3276800x128xf32, #tpu.memory_space<hbm>> -> memref<128x128xf32, #tpu.memory_space<hbm>>
      tpu.enqueue_dma source(%arg8 : memref<128x128xf32, #tpu.memory_space<vmem>>) target(%dma_start3A_511 : memref<128x128xf32, #tpu.memory_space<hbm>>) target_semaphore(%arg18 : memref<!tpu.dma_semaphore, #tpu.memory_space<semaphore_mem>>)
      %mul3A_512 = arith.constant 5 : i32
      %mul3A_513 = arith.muli %scan3A_466, %mul3A_512 : i32
      %add3A_514 = arith.constant 2 : i32
      %add3A_515 = arith.addi %mul3A_513, %add3A_514 : i32
      %add3A_516 = arith.constant 2 : i32
      %add3A_517 = arith.addi %add3A_515, %add3A_516 : i32
      %lt3A_518 = arith.constant 80 : i32
      %lt3A_519 = arith.cmpi slt, %add3A_517, %lt3A_518 : i32
      %convert_element_type3A_520 = arith.extui %lt3A_519 : i1 to i32
      %cond3A_521 = arith.constant 0 : i32
      %cond3A_522 = arith.cmpi ne, %convert_element_type3A_520, %cond3A_521 : i32
      scf.if %cond3A_522 {
        %dma_wait3A_584 = arith.constant 0 : i32
        %dma_wait3A_585 = arith.constant 0 : i32
        %dma_wait3A_586 = tpu.memref_slice %arg4[%dma_wait3A_584, %dma_wait3A_585] : memref<3276800x128xf32, #tpu.memory_space<hbm>> -> memref<128x128xf32, #tpu.memory_space<hbm>>
        %dma_wait3A_587 = arith.constant 0 : i32
        %dma_wait3A_588 = arith.constant 0 : i32
        %dma_wait3A_589 = tpu.memref_slice %arg4[%dma_wait3A_587, %dma_wait3A_588] : memref<3276800x128xf32, #tpu.memory_space<hbm>> -> memref<128x128xf32, #tpu.memory_space<hbm>>
        tpu.wait_dma2 semaphore(%arg21 : memref<!tpu.dma_semaphore, #tpu.memory_space<semaphore_mem>>) src(%arg11 : memref<128x128xf32, #tpu.memory_space<vmem>>) dst(%dma_wait3A_589 : memref<128x128xf32, #tpu.memory_space<hbm>>)
        %dma_start3A_590 = arith.constant 0 : i32
        %dma_start3A_591 = tpu.memref_slice %arg6[%add3A_517, %dma_start3A_590] : memref<80x128xi32, #tpu.memory_space<vmem>> -> memref<1x128xi32, #tpu.memory_space<vmem>>
        %dma_start3A_592 = tpu.memref_squeeze %dma_start3A_591 : memref<1x128xi32, #tpu.memory_space<vmem>> -> memref<128xi32, #tpu.memory_space<vmem>>
        %dma_start3A_593 = arith.constant 0 : i32
        %dma_start3A_594 = arith.constant 0 : i32
        %dma_start3A_595 = tpu.memref_slice %arg3[%dma_start3A_593, %dma_start3A_594] : memref<50257x128xf32, #tpu.memory_space<hbm>> -> memref<50257x128xf32, #tpu.memory_space<hbm>>
        tpu.enqueue_indirect_dma source(%dma_start3A_595 : memref<50257x128xf32, #tpu.memory_space<hbm>>) target(%arg11 : memref<128x128xf32, #tpu.memory_space<vmem>>) offsets(%dma_start3A_592 : memref<128xi32, #tpu.memory_space<vmem>>) semaphore(%arg16 : memref<!tpu.dma_semaphore, #tpu.memory_space<semaphore_mem>>)
      } else {
      }
      %dma_wait3A_523 = arith.constant 0 : i32
      %dma_wait3A_524 = arith.constant 0 : i32
      %dma_wait3A_525 = tpu.memref_slice %arg3[%dma_wait3A_523, %dma_wait3A_524] : memref<50257x128xf32, #tpu.memory_space<hbm>> -> memref<128x128xf32, #tpu.memory_space<hbm>>
      %dma_wait3A_526 = arith.constant 0 : i32
      %dma_wait3A_527 = arith.constant 0 : i32
      %dma_wait3A_528 = tpu.memref_slice %arg3[%dma_wait3A_526, %dma_wait3A_527] : memref<50257x128xf32, #tpu.memory_space<hbm>> -> memref<128x128xf32, #tpu.memory_space<hbm>>
      tpu.wait_dma2 semaphore(%arg14 : memref<!tpu.dma_semaphore, #tpu.memory_space<semaphore_mem>>) src(%dma_wait3A_528 : memref<128x128xf32, #tpu.memory_space<hbm>>) dst(%arg9 : memref<128x128xf32, #tpu.memory_space<vmem>>)
      %add3A_529 = arith.addi %add3A_305, %add3A_515 : i32
      %mul3A_530 = arith.constant 128 : i32
      %mul3A_531 = arith.muli %add3A_529, %mul3A_530 : i32
      %dma_start3A_532 = arith.constant 0 : i32
      %dma_start3A_533 = tpu.memref_slice %arg4[%mul3A_531, %dma_start3A_532] : memref<3276800x128xf32, #tpu.memory_space<hbm>> -> memref<128x128xf32, #tpu.memory_space<hbm>>
      %dma_start3A_534 = arith.constant 0 : i32
      %dma_start3A_535 = tpu.memref_slice %arg4[%mul3A_531, %dma_start3A_534] : memref<3276800x128xf32, #tpu.memory_space<hbm>> -> memref<128x128xf32, #tpu.memory_space<hbm>>
      tpu.enqueue_dma source(%arg9 : memref<128x128xf32, #tpu.memory_space<vmem>>) target(%dma_start3A_535 : memref<128x128xf32, #tpu.memory_space<hbm>>) target_semaphore(%arg19 : memref<!tpu.dma_semaphore, #tpu.memory_space<semaphore_mem>>)
      %mul3A_536 = arith.constant 5 : i32
      %mul3A_537 = arith.muli %scan3A_466, %mul3A_536 : i32
      %add3A_538 = arith.constant 3 : i32
      %add3A_539 = arith.addi %mul3A_537, %add3A_538 : i32
      %add3A_540 = arith.constant 2 : i32
      %add3A_541 = arith.addi %add3A_539, %add3A_540 : i32
      %lt3A_542 = arith.constant 80 : i32
      %lt3A_543 = arith.cmpi slt, %add3A_541, %lt3A_542 : i32
      %convert_element_type3A_544 = arith.extui %lt3A_543 : i1 to i32
      %cond3A_545 = arith.constant 0 : i32
      %cond3A_546 = arith.cmpi ne, %convert_element_type3A_544, %cond3A_545 : i32
      scf.if %cond3A_546 {
        %dma_wait3A_584 = arith.constant 0 : i32
        %dma_wait3A_585 = arith.constant 0 : i32
        %dma_wait3A_586 = tpu.memref_slice %arg4[%dma_wait3A_584, %dma_wait3A_585] : memref<3276800x128xf32, #tpu.memory_space<hbm>> -> memref<128x128xf32, #tpu.memory_space<hbm>>
        %dma_wait3A_587 = arith.constant 0 : i32
        %dma_wait3A_588 = arith.constant 0 : i32
        %dma_wait3A_589 = tpu.memref_slice %arg4[%dma_wait3A_587, %dma_wait3A_588] : memref<3276800x128xf32, #tpu.memory_space<hbm>> -> memref<128x128xf32, #tpu.memory_space<hbm>>
        tpu.wait_dma2 semaphore(%arg17 : memref<!tpu.dma_semaphore, #tpu.memory_space<semaphore_mem>>) src(%arg7 : memref<128x128xf32, #tpu.memory_space<vmem>>) dst(%dma_wait3A_589 : memref<128x128xf32, #tpu.memory_space<hbm>>)
        %dma_start3A_590 = arith.constant 0 : i32
        %dma_start3A_591 = tpu.memref_slice %arg6[%add3A_541, %dma_start3A_590] : memref<80x128xi32, #tpu.memory_space<vmem>> -> memref<1x128xi32, #tpu.memory_space<vmem>>
        %dma_start3A_592 = tpu.memref_squeeze %dma_start3A_591 : memref<1x128xi32, #tpu.memory_space<vmem>> -> memref<128xi32, #tpu.memory_space<vmem>>
        %dma_start3A_593 = arith.constant 0 : i32
        %dma_start3A_594 = arith.constant 0 : i32
        %dma_start3A_595 = tpu.memref_slice %arg3[%dma_start3A_593, %dma_start3A_594] : memref<50257x128xf32, #tpu.memory_space<hbm>> -> memref<50257x128xf32, #tpu.memory_space<hbm>>
        tpu.enqueue_indirect_dma source(%dma_start3A_595 : memref<50257x128xf32, #tpu.memory_space<hbm>>) target(%arg7 : memref<128x128xf32, #tpu.memory_space<vmem>>) offsets(%dma_start3A_592 : memref<128xi32, #tpu.memory_space<vmem>>) semaphore(%arg12 : memref<!tpu.dma_semaphore, #tpu.memory_space<semaphore_mem>>)
      } else {
      }
      %dma_wait3A_547 = arith.constant 0 : i32
      %dma_wait3A_548 = arith.constant 0 : i32
      %dma_wait3A_549 = tpu.memref_slice %arg3[%dma_wait3A_547, %dma_wait3A_548] : memref<50257x128xf32, #tpu.memory_space<hbm>> -> memref<128x128xf32, #tpu.memory_space<hbm>>
      %dma_wait3A_550 = arith.constant 0 : i32
      %dma_wait3A_551 = arith.constant 0 : i32
      %dma_wait3A_552 = tpu.memref_slice %arg3[%dma_wait3A_550, %dma_wait3A_551] : memref<50257x128xf32, #tpu.memory_space<hbm>> -> memref<128x128xf32, #tpu.memory_space<hbm>>
      tpu.wait_dma2 semaphore(%arg15 : memref<!tpu.dma_semaphore, #tpu.memory_space<semaphore_mem>>) src(%dma_wait3A_552 : memref<128x128xf32, #tpu.memory_space<hbm>>) dst(%arg10 : memref<128x128xf32, #tpu.memory_space<vmem>>)
      %add3A_553 = arith.addi %add3A_305, %add3A_539 : i32
      %mul3A_554 = arith.constant 128 : i32
      %mul3A_555 = arith.muli %add3A_553, %mul3A_554 : i32
      %dma_start3A_556 = arith.constant 0 : i32
      %dma_start3A_557 = tpu.memref_slice %arg4[%mul3A_555, %dma_start3A_556] : memref<3276800x128xf32, #tpu.memory_space<hbm>> -> memref<128x128xf32, #tpu.memory_space<hbm>>
      %dma_start3A_558 = arith.constant 0 : i32
      %dma_start3A_559 = tpu.memref_slice %arg4[%mul3A_555, %dma_start3A_558] : memref<3276800x128xf32, #tpu.memory_space<hbm>> -> memref<128x128xf32, #tpu.memory_space<hbm>>
      tpu.enqueue_dma source(%arg10 : memref<128x128xf32, #tpu.memory_space<vmem>>) target(%dma_start3A_559 : memref<128x128xf32, #tpu.memory_space<hbm>>) target_semaphore(%arg20 : memref<!tpu.dma_semaphore, #tpu.memory_space<semaphore_mem>>)
      %mul3A_560 = arith.constant 5 : i32
      %mul3A_561 = arith.muli %scan3A_466, %mul3A_560 : i32
      %add3A_562 = arith.constant 4 : i32
      %add3A_563 = arith.addi %mul3A_561, %add3A_562 : i32
      %add3A_564 = arith.constant 2 : i32
      %add3A_565 = arith.addi %add3A_563, %add3A_564 : i32
      %lt3A_566 = arith.constant 80 : i32
      %lt3A_567 = arith.cmpi slt, %add3A_565, %lt3A_566 : i32
      %convert_element_type3A_568 = arith.extui %lt3A_567 : i1 to i32
      %cond3A_569 = arith.constant 0 : i32
      %cond3A_570 = arith.cmpi ne, %convert_element_type3A_568, %cond3A_569 : i32
      scf.if %cond3A_570 {
        %dma_wait3A_584 = arith.constant 0 : i32
        %dma_wait3A_585 = arith.constant 0 : i32
        %dma_wait3A_586 = tpu.memref_slice %arg4[%dma_wait3A_584, %dma_wait3A_585] : memref<3276800x128xf32, #tpu.memory_space<hbm>> -> memref<128x128xf32, #tpu.memory_space<hbm>>
        %dma_wait3A_587 = arith.constant 0 : i32
        %dma_wait3A_588 = arith.constant 0 : i32
        %dma_wait3A_589 = tpu.memref_slice %arg4[%dma_wait3A_587, %dma_wait3A_588] : memref<3276800x128xf32, #tpu.memory_space<hbm>> -> memref<128x128xf32, #tpu.memory_space<hbm>>
        tpu.wait_dma2 semaphore(%arg18 : memref<!tpu.dma_semaphore, #tpu.memory_space<semaphore_mem>>) src(%arg8 : memref<128x128xf32, #tpu.memory_space<vmem>>) dst(%dma_wait3A_589 : memref<128x128xf32, #tpu.memory_space<hbm>>)
        %dma_start3A_590 = arith.constant 0 : i32
        %dma_start3A_591 = tpu.memref_slice %arg6[%add3A_565, %dma_start3A_590] : memref<80x128xi32, #tpu.memory_space<vmem>> -> memref<1x128xi32, #tpu.memory_space<vmem>>
        %dma_start3A_592 = tpu.memref_squeeze %dma_start3A_591 : memref<1x128xi32, #tpu.memory_space<vmem>> -> memref<128xi32, #tpu.memory_space<vmem>>
        %dma_start3A_593 = arith.constant 0 : i32
        %dma_start3A_594 = arith.constant 0 : i32
        %dma_start3A_595 = tpu.memref_slice %arg3[%dma_start3A_593, %dma_start3A_594] : memref<50257x128xf32, #tpu.memory_space<hbm>> -> memref<50257x128xf32, #tpu.memory_space<hbm>>
        tpu.enqueue_indirect_dma source(%dma_start3A_595 : memref<50257x128xf32, #tpu.memory_space<hbm>>) target(%arg8 : memref<128x128xf32, #tpu.memory_space<vmem>>) offsets(%dma_start3A_592 : memref<128xi32, #tpu.memory_space<vmem>>) semaphore(%arg13 : memref<!tpu.dma_semaphore, #tpu.memory_space<semaphore_mem>>)
      } else {
      }
      %dma_wait3A_571 = arith.constant 0 : i32
      %dma_wait3A_572 = arith.constant 0 : i32
      %dma_wait3A_573 = tpu.memref_slice %arg3[%dma_wait3A_571, %dma_wait3A_572] : memref<50257x128xf32, #tpu.memory_space<hbm>> -> memref<128x128xf32, #tpu.memory_space<hbm>>
      %dma_wait3A_574 = arith.constant 0 : i32
      %dma_wait3A_575 = arith.constant 0 : i32
      %dma_wait3A_576 = tpu.memref_slice %arg3[%dma_wait3A_574, %dma_wait3A_575] : memref<50257x128xf32, #tpu.memory_space<hbm>> -> memref<128x128xf32, #tpu.memory_space<hbm>>
      tpu.wait_dma2 semaphore(%arg16 : memref<!tpu.dma_semaphore, #tpu.memory_space<semaphore_mem>>) src(%dma_wait3A_576 : memref<128x128xf32, #tpu.memory_space<hbm>>) dst(%arg11 : memref<128x128xf32, #tpu.memory_space<vmem>>)
      %add3A_577 = arith.addi %add3A_305, %add3A_563 : i32
      %mul3A_578 = arith.constant 128 : i32
      %mul3A_579 = arith.muli %add3A_577, %mul3A_578 : i32
      %dma_start3A_580 = arith.constant 0 : i32
      %dma_start3A_581 = tpu.memref_slice %arg4[%mul3A_579, %dma_start3A_580] : memref<3276800x128xf32, #tpu.memory_space<hbm>> -> memref<128x128xf32, #tpu.memory_space<hbm>>
      %dma_start3A_582 = arith.constant 0 : i32
      %dma_start3A_583 = tpu.memref_slice %arg4[%mul3A_579, %dma_start3A_582] : memref<3276800x128xf32, #tpu.memory_space<hbm>> -> memref<128x128xf32, #tpu.memory_space<hbm>>
      tpu.enqueue_dma source(%arg11 : memref<128x128xf32, #tpu.memory_space<vmem>>) target(%dma_start3A_583 : memref<128x128xf32, #tpu.memory_space<hbm>>) target_semaphore(%arg21 : memref<!tpu.dma_semaphore, #tpu.memory_space<semaphore_mem>>)
    }
    %scan3A_349 = arith.constant 16 : i32
    %add3A_350 = arith.constant 640 : i32
    %add3A_351 = arith.addi %mul3A_2, %add3A_350 : i32
    %dma_wait3A_352 = arith.constant 0 : i32
    %dma_wait3A_353 = arith.constant 0 : i32
    %dma_wait3A_354 = tpu.memref_slice %arg2[%dma_wait3A_352, %dma_wait3A_353] : memref<25600x128xi32, #tpu.memory_space<hbm>> -> memref<80x128xi32, #tpu.memory_space<hbm>>
    %dma_wait3A_355 = arith.constant 0 : i32
    %dma_wait3A_356 = arith.constant 0 : i32
    %dma_wait3A_357 = tpu.memref_slice %arg2[%dma_wait3A_355, %dma_wait3A_356] : memref<25600x128xi32, #tpu.memory_space<hbm>> -> memref<80x128xi32, #tpu.memory_space<hbm>>
    tpu.wait_dma2 semaphore(%arg22 : memref<!tpu.dma_semaphore, #tpu.memory_space<semaphore_mem>>) src(%dma_wait3A_357 : memref<80x128xi32, #tpu.memory_space<hbm>>) dst(%arg5 : memref<80x128xi32, #tpu.memory_space<vmem>>)
    %add3A_358 = arith.constant 80 : i32
    %add3A_359 = arith.addi %add3A_351, %add3A_358 : i32
    %dma_start3A_360 = arith.constant 0 : i32
    %dma_start3A_361 = tpu.memref_slice %arg2[%add3A_359, %dma_start3A_360] : memref<25600x128xi32, #tpu.memory_space<hbm>> -> memref<80x128xi32, #tpu.memory_space<hbm>>
    %dma_start3A_362 = arith.constant 0 : i32
    %dma_start3A_363 = tpu.memref_slice %arg2[%add3A_359, %dma_start3A_362] : memref<25600x128xi32, #tpu.memory_space<hbm>> -> memref<80x128xi32, #tpu.memory_space<hbm>>
    tpu.enqueue_dma source(%dma_start3A_363 : memref<80x128xi32, #tpu.memory_space<hbm>>) target(%arg6 : memref<80x128xi32, #tpu.memory_space<vmem>>) target_semaphore(%arg23 : memref<!tpu.dma_semaphore, #tpu.memory_space<semaphore_mem>>)
    %dma_wait3A_364 = arith.constant 0 : i32
    %dma_wait3A_365 = arith.constant 0 : i32
    %dma_wait3A_366 = tpu.memref_slice %arg4[%dma_wait3A_364, %dma_wait3A_365] : memref<3276800x128xf32, #tpu.memory_space<hbm>> -> memref<128x128xf32, #tpu.memory_space<hbm>>
    %dma_wait3A_367 = arith.constant 0 : i32
    %dma_wait3A_368 = arith.constant 0 : i32
    %dma_wait3A_369 = tpu.memref_slice %arg4[%dma_wait3A_367, %dma_wait3A_368] : memref<3276800x128xf32, #tpu.memory_space<hbm>> -> memref<128x128xf32, #tpu.memory_space<hbm>>
    tpu.wait_dma2 semaphore(%arg17 : memref<!tpu.dma_semaphore, #tpu.memory_space<semaphore_mem>>) src(%arg7 : memref<128x128xf32, #tpu.memory_space<vmem>>) dst(%dma_wait3A_369 : memref<128x128xf32, #tpu.memory_space<hbm>>)
    %dma_start3A_370 = arith.constant 0 : i32
    %dma_start3A_371 = arith.constant 0 : i32
    %dma_start3A_372 = tpu.memref_slice %arg5[%dma_start3A_370, %dma_start3A_371] : memref<80x128xi32, #tpu.memory_space<vmem>> -> memref<1x128xi32, #tpu.memory_space<vmem>>
    %dma_start3A_373 = tpu.memref_squeeze %dma_start3A_372 : memref<1x128xi32, #tpu.memory_space<vmem>> -> memref<128xi32, #tpu.memory_space<vmem>>
    %dma_start3A_374 = arith.constant 0 : i32
    %dma_start3A_375 = arith.constant 0 : i32
    %dma_start3A_376 = tpu.memref_slice %arg3[%dma_start3A_374, %dma_start3A_375] : memref<50257x128xf32, #tpu.memory_space<hbm>> -> memref<50257x128xf32, #tpu.memory_space<hbm>>
    tpu.enqueue_indirect_dma source(%dma_start3A_376 : memref<50257x128xf32, #tpu.memory_space<hbm>>) target(%arg7 : memref<128x128xf32, #tpu.memory_space<vmem>>) offsets(%dma_start3A_373 : memref<128xi32, #tpu.memory_space<vmem>>) semaphore(%arg12 : memref<!tpu.dma_semaphore, #tpu.memory_space<semaphore_mem>>)
    %dma_wait3A_377 = arith.constant 0 : i32
    %dma_wait3A_378 = arith.constant 0 : i32
    %dma_wait3A_379 = tpu.memref_slice %arg4[%dma_wait3A_377, %dma_wait3A_378] : memref<3276800x128xf32, #tpu.memory_space<hbm>> -> memref<128x128xf32, #tpu.memory_space<hbm>>
    %dma_wait3A_380 = arith.constant 0 : i32
    %dma_wait3A_381 = arith.constant 0 : i32
    %dma_wait3A_382 = tpu.memref_slice %arg4[%dma_wait3A_380, %dma_wait3A_381] : memref<3276800x128xf32, #tpu.memory_space<hbm>> -> memref<128x128xf32, #tpu.memory_space<hbm>>
    tpu.wait_dma2 semaphore(%arg18 : memref<!tpu.dma_semaphore, #tpu.memory_space<semaphore_mem>>) src(%arg8 : memref<128x128xf32, #tpu.memory_space<vmem>>) dst(%dma_wait3A_382 : memref<128x128xf32, #tpu.memory_space<hbm>>)
    %dma_start3A_383 = arith.constant 1 : i32
    %dma_start3A_384 = arith.constant 0 : i32
    %dma_start3A_385 = tpu.memref_slice %arg5[%dma_start3A_383, %dma_start3A_384] : memref<80x128xi32, #tpu.memory_space<vmem>> -> memref<1x128xi32, #tpu.memory_space<vmem>>
    %dma_start3A_386 = tpu.memref_squeeze %dma_start3A_385 : memref<1x128xi32, #tpu.memory_space<vmem>> -> memref<128xi32, #tpu.memory_space<vmem>>
    %dma_start3A_387 = arith.constant 0 : i32
    %dma_start3A_388 = arith.constant 0 : i32
    %dma_start3A_389 = tpu.memref_slice %arg3[%dma_start3A_387, %dma_start3A_388] : memref<50257x128xf32, #tpu.memory_space<hbm>> -> memref<50257x128xf32, #tpu.memory_space<hbm>>
    tpu.enqueue_indirect_dma source(%dma_start3A_389 : memref<50257x128xf32, #tpu.memory_space<hbm>>) target(%arg8 : memref<128x128xf32, #tpu.memory_space<vmem>>) offsets(%dma_start3A_386 : memref<128xi32, #tpu.memory_space<vmem>>) semaphore(%arg13 : memref<!tpu.dma_semaphore, #tpu.memory_space<semaphore_mem>>)
    %scan3A_390 = arith.constant 0 : i32
    %scan3A_391 = arith.constant 0 : i32
    %scan3A_392 = arith.constant 16 : i32
    %scan3A_393 = arith.addi %scan3A_391, %scan3A_392 : i32
    %scan3A_394 = arith.constant 1 : i32
    scf.for %scan3A_466 = %scan3A_391 to %scan3A_393 step %scan3A_394  : i32 {
      %mul3A_467 = arith.constant 5 : i32
      %mul3A_468 = arith.muli %scan3A_466, %mul3A_467 : i32
      %add3A_469 = arith.constant 0 : i32
      %add3A_470 = arith.addi %mul3A_468, %add3A_469 : i32
      %add3A_471 = arith.constant 2 : i32
      %add3A_472 = arith.addi %add3A_470, %add3A_471 : i32
      %lt3A = arith.constant 80 : i32
      %lt3A_473 = arith.cmpi slt, %add3A_472, %lt3A : i32
      %convert_element_type3A = arith.extui %lt3A_473 : i1 to i32
      %cond3A = arith.constant 0 : i32
      %cond3A_474 = arith.cmpi ne, %convert_element_type3A, %cond3A : i32
      scf.if %cond3A_474 {
        %dma_wait3A_584 = arith.constant 0 : i32
        %dma_wait3A_585 = arith.constant 0 : i32
        %dma_wait3A_586 = tpu.memref_slice %arg4[%dma_wait3A_584, %dma_wait3A_585] : memref<3276800x128xf32, #tpu.memory_space<hbm>> -> memref<128x128xf32, #tpu.memory_space<hbm>>
        %dma_wait3A_587 = arith.constant 0 : i32
        %dma_wait3A_588 = arith.constant 0 : i32
        %dma_wait3A_589 = tpu.memref_slice %arg4[%dma_wait3A_587, %dma_wait3A_588] : memref<3276800x128xf32, #tpu.memory_space<hbm>> -> memref<128x128xf32, #tpu.memory_space<hbm>>
        tpu.wait_dma2 semaphore(%arg19 : memref<!tpu.dma_semaphore, #tpu.memory_space<semaphore_mem>>) src(%arg9 : memref<128x128xf32, #tpu.memory_space<vmem>>) dst(%dma_wait3A_589 : memref<128x128xf32, #tpu.memory_space<hbm>>)
        %dma_start3A_590 = arith.constant 0 : i32
        %dma_start3A_591 = tpu.memref_slice %arg5[%add3A_472, %dma_start3A_590] : memref<80x128xi32, #tpu.memory_space<vmem>> -> memref<1x128xi32, #tpu.memory_space<vmem>>
        %dma_start3A_592 = tpu.memref_squeeze %dma_start3A_591 : memref<1x128xi32, #tpu.memory_space<vmem>> -> memref<128xi32, #tpu.memory_space<vmem>>
        %dma_start3A_593 = arith.constant 0 : i32
        %dma_start3A_594 = arith.constant 0 : i32
        %dma_start3A_595 = tpu.memref_slice %arg3[%dma_start3A_593, %dma_start3A_594] : memref<50257x128xf32, #tpu.memory_space<hbm>> -> memref<50257x128xf32, #tpu.memory_space<hbm>>
        tpu.enqueue_indirect_dma source(%dma_start3A_595 : memref<50257x128xf32, #tpu.memory_space<hbm>>) target(%arg9 : memref<128x128xf32, #tpu.memory_space<vmem>>) offsets(%dma_start3A_592 : memref<128xi32, #tpu.memory_space<vmem>>) semaphore(%arg14 : memref<!tpu.dma_semaphore, #tpu.memory_space<semaphore_mem>>)
      } else {
      }
      %dma_wait3A_475 = arith.constant 0 : i32
      %dma_wait3A_476 = arith.constant 0 : i32
      %dma_wait3A_477 = tpu.memref_slice %arg3[%dma_wait3A_475, %dma_wait3A_476] : memref<50257x128xf32, #tpu.memory_space<hbm>> -> memref<128x128xf32, #tpu.memory_space<hbm>>
      %dma_wait3A_478 = arith.constant 0 : i32
      %dma_wait3A_479 = arith.constant 0 : i32
      %dma_wait3A_480 = tpu.memref_slice %arg3[%dma_wait3A_478, %dma_wait3A_479] : memref<50257x128xf32, #tpu.memory_space<hbm>> -> memref<128x128xf32, #tpu.memory_space<hbm>>
      tpu.wait_dma2 semaphore(%arg12 : memref<!tpu.dma_semaphore, #tpu.memory_space<semaphore_mem>>) src(%dma_wait3A_480 : memref<128x128xf32, #tpu.memory_space<hbm>>) dst(%arg7 : memref<128x128xf32, #tpu.memory_space<vmem>>)
      %add3A_481 = arith.addi %add3A_351, %add3A_470 : i32
      %mul3A_482 = arith.constant 128 : i32
      %mul3A_483 = arith.muli %add3A_481, %mul3A_482 : i32
      %dma_start3A_484 = arith.constant 0 : i32
      %dma_start3A_485 = tpu.memref_slice %arg4[%mul3A_483, %dma_start3A_484] : memref<3276800x128xf32, #tpu.memory_space<hbm>> -> memref<128x128xf32, #tpu.memory_space<hbm>>
      %dma_start3A_486 = arith.constant 0 : i32
      %dma_start3A_487 = tpu.memref_slice %arg4[%mul3A_483, %dma_start3A_486] : memref<3276800x128xf32, #tpu.memory_space<hbm>> -> memref<128x128xf32, #tpu.memory_space<hbm>>
      tpu.enqueue_dma source(%arg7 : memref<128x128xf32, #tpu.memory_space<vmem>>) target(%dma_start3A_487 : memref<128x128xf32, #tpu.memory_space<hbm>>) target_semaphore(%arg17 : memref<!tpu.dma_semaphore, #tpu.memory_space<semaphore_mem>>)
      %mul3A_488 = arith.constant 5 : i32
      %mul3A_489 = arith.muli %scan3A_466, %mul3A_488 : i32
      %add3A_490 = arith.constant 1 : i32
      %add3A_491 = arith.addi %mul3A_489, %add3A_490 : i32
      %add3A_492 = arith.constant 2 : i32
      %add3A_493 = arith.addi %add3A_491, %add3A_492 : i32
      %lt3A_494 = arith.constant 80 : i32
      %lt3A_495 = arith.cmpi slt, %add3A_493, %lt3A_494 : i32
      %convert_element_type3A_496 = arith.extui %lt3A_495 : i1 to i32
      %cond3A_497 = arith.constant 0 : i32
      %cond3A_498 = arith.cmpi ne, %convert_element_type3A_496, %cond3A_497 : i32
      scf.if %cond3A_498 {
        %dma_wait3A_584 = arith.constant 0 : i32
        %dma_wait3A_585 = arith.constant 0 : i32
        %dma_wait3A_586 = tpu.memref_slice %arg4[%dma_wait3A_584, %dma_wait3A_585] : memref<3276800x128xf32, #tpu.memory_space<hbm>> -> memref<128x128xf32, #tpu.memory_space<hbm>>
        %dma_wait3A_587 = arith.constant 0 : i32
        %dma_wait3A_588 = arith.constant 0 : i32
        %dma_wait3A_589 = tpu.memref_slice %arg4[%dma_wait3A_587, %dma_wait3A_588] : memref<3276800x128xf32, #tpu.memory_space<hbm>> -> memref<128x128xf32, #tpu.memory_space<hbm>>
        tpu.wait_dma2 semaphore(%arg20 : memref<!tpu.dma_semaphore, #tpu.memory_space<semaphore_mem>>) src(%arg10 : memref<128x128xf32, #tpu.memory_space<vmem>>) dst(%dma_wait3A_589 : memref<128x128xf32, #tpu.memory_space<hbm>>)
        %dma_start3A_590 = arith.constant 0 : i32
        %dma_start3A_591 = tpu.memref_slice %arg5[%add3A_493, %dma_start3A_590] : memref<80x128xi32, #tpu.memory_space<vmem>> -> memref<1x128xi32, #tpu.memory_space<vmem>>
        %dma_start3A_592 = tpu.memref_squeeze %dma_start3A_591 : memref<1x128xi32, #tpu.memory_space<vmem>> -> memref<128xi32, #tpu.memory_space<vmem>>
        %dma_start3A_593 = arith.constant 0 : i32
        %dma_start3A_594 = arith.constant 0 : i32
        %dma_start3A_595 = tpu.memref_slice %arg3[%dma_start3A_593, %dma_start3A_594] : memref<50257x128xf32, #tpu.memory_space<hbm>> -> memref<50257x128xf32, #tpu.memory_space<hbm>>
        tpu.enqueue_indirect_dma source(%dma_start3A_595 : memref<50257x128xf32, #tpu.memory_space<hbm>>) target(%arg10 : memref<128x128xf32, #tpu.memory_space<vmem>>) offsets(%dma_start3A_592 : memref<128xi32, #tpu.memory_space<vmem>>) semaphore(%arg15 : memref<!tpu.dma_semaphore, #tpu.memory_space<semaphore_mem>>)
      } else {
      }
      %dma_wait3A_499 = arith.constant 0 : i32
      %dma_wait3A_500 = arith.constant 0 : i32
      %dma_wait3A_501 = tpu.memref_slice %arg3[%dma_wait3A_499, %dma_wait3A_500] : memref<50257x128xf32, #tpu.memory_space<hbm>> -> memref<128x128xf32, #tpu.memory_space<hbm>>
      %dma_wait3A_502 = arith.constant 0 : i32
      %dma_wait3A_503 = arith.constant 0 : i32
      %dma_wait3A_504 = tpu.memref_slice %arg3[%dma_wait3A_502, %dma_wait3A_503] : memref<50257x128xf32, #tpu.memory_space<hbm>> -> memref<128x128xf32, #tpu.memory_space<hbm>>
      tpu.wait_dma2 semaphore(%arg13 : memref<!tpu.dma_semaphore, #tpu.memory_space<semaphore_mem>>) src(%dma_wait3A_504 : memref<128x128xf32, #tpu.memory_space<hbm>>) dst(%arg8 : memref<128x128xf32, #tpu.memory_space<vmem>>)
      %add3A_505 = arith.addi %add3A_351, %add3A_491 : i32
      %mul3A_506 = arith.constant 128 : i32
      %mul3A_507 = arith.muli %add3A_505, %mul3A_506 : i32
      %dma_start3A_508 = arith.constant 0 : i32
      %dma_start3A_509 = tpu.memref_slice %arg4[%mul3A_507, %dma_start3A_508] : memref<3276800x128xf32, #tpu.memory_space<hbm>> -> memref<128x128xf32, #tpu.memory_space<hbm>>
      %dma_start3A_510 = arith.constant 0 : i32
      %dma_start3A_511 = tpu.memref_slice %arg4[%mul3A_507, %dma_start3A_510] : memref<3276800x128xf32, #tpu.memory_space<hbm>> -> memref<128x128xf32, #tpu.memory_space<hbm>>
      tpu.enqueue_dma source(%arg8 : memref<128x128xf32, #tpu.memory_space<vmem>>) target(%dma_start3A_511 : memref<128x128xf32, #tpu.memory_space<hbm>>) target_semaphore(%arg18 : memref<!tpu.dma_semaphore, #tpu.memory_space<semaphore_mem>>)
      %mul3A_512 = arith.constant 5 : i32
      %mul3A_513 = arith.muli %scan3A_466, %mul3A_512 : i32
      %add3A_514 = arith.constant 2 : i32
      %add3A_515 = arith.addi %mul3A_513, %add3A_514 : i32
      %add3A_516 = arith.constant 2 : i32
      %add3A_517 = arith.addi %add3A_515, %add3A_516 : i32
      %lt3A_518 = arith.constant 80 : i32
      %lt3A_519 = arith.cmpi slt, %add3A_517, %lt3A_518 : i32
      %convert_element_type3A_520 = arith.extui %lt3A_519 : i1 to i32
      %cond3A_521 = arith.constant 0 : i32
      %cond3A_522 = arith.cmpi ne, %convert_element_type3A_520, %cond3A_521 : i32
      scf.if %cond3A_522 {
        %dma_wait3A_584 = arith.constant 0 : i32
        %dma_wait3A_585 = arith.constant 0 : i32
        %dma_wait3A_586 = tpu.memref_slice %arg4[%dma_wait3A_584, %dma_wait3A_585] : memref<3276800x128xf32, #tpu.memory_space<hbm>> -> memref<128x128xf32, #tpu.memory_space<hbm>>
        %dma_wait3A_587 = arith.constant 0 : i32
        %dma_wait3A_588 = arith.constant 0 : i32
        %dma_wait3A_589 = tpu.memref_slice %arg4[%dma_wait3A_587, %dma_wait3A_588] : memref<3276800x128xf32, #tpu.memory_space<hbm>> -> memref<128x128xf32, #tpu.memory_space<hbm>>
        tpu.wait_dma2 semaphore(%arg21 : memref<!tpu.dma_semaphore, #tpu.memory_space<semaphore_mem>>) src(%arg11 : memref<128x128xf32, #tpu.memory_space<vmem>>) dst(%dma_wait3A_589 : memref<128x128xf32, #tpu.memory_space<hbm>>)
        %dma_start3A_590 = arith.constant 0 : i32
        %dma_start3A_591 = tpu.memref_slice %arg5[%add3A_517, %dma_start3A_590] : memref<80x128xi32, #tpu.memory_space<vmem>> -> memref<1x128xi32, #tpu.memory_space<vmem>>
        %dma_start3A_592 = tpu.memref_squeeze %dma_start3A_591 : memref<1x128xi32, #tpu.memory_space<vmem>> -> memref<128xi32, #tpu.memory_space<vmem>>
        %dma_start3A_593 = arith.constant 0 : i32
        %dma_start3A_594 = arith.constant 0 : i32
        %dma_start3A_595 = tpu.memref_slice %arg3[%dma_start3A_593, %dma_start3A_594] : memref<50257x128xf32, #tpu.memory_space<hbm>> -> memref<50257x128xf32, #tpu.memory_space<hbm>>
        tpu.enqueue_indirect_dma source(%dma_start3A_595 : memref<50257x128xf32, #tpu.memory_space<hbm>>) target(%arg11 : memref<128x128xf32, #tpu.memory_space<vmem>>) offsets(%dma_start3A_592 : memref<128xi32, #tpu.memory_space<vmem>>) semaphore(%arg16 : memref<!tpu.dma_semaphore, #tpu.memory_space<semaphore_mem>>)
      } else {
      }
      %dma_wait3A_523 = arith.constant 0 : i32
      %dma_wait3A_524 = arith.constant 0 : i32
      %dma_wait3A_525 = tpu.memref_slice %arg3[%dma_wait3A_523, %dma_wait3A_524] : memref<50257x128xf32, #tpu.memory_space<hbm>> -> memref<128x128xf32, #tpu.memory_space<hbm>>
      %dma_wait3A_526 = arith.constant 0 : i32
      %dma_wait3A_527 = arith.constant 0 : i32
      %dma_wait3A_528 = tpu.memref_slice %arg3[%dma_wait3A_526, %dma_wait3A_527] : memref<50257x128xf32, #tpu.memory_space<hbm>> -> memref<128x128xf32, #tpu.memory_space<hbm>>
      tpu.wait_dma2 semaphore(%arg14 : memref<!tpu.dma_semaphore, #tpu.memory_space<semaphore_mem>>) src(%dma_wait3A_528 : memref<128x128xf32, #tpu.memory_space<hbm>>) dst(%arg9 : memref<128x128xf32, #tpu.memory_space<vmem>>)
      %add3A_529 = arith.addi %add3A_351, %add3A_515 : i32
      %mul3A_530 = arith.constant 128 : i32
      %mul3A_531 = arith.muli %add3A_529, %mul3A_530 : i32
      %dma_start3A_532 = arith.constant 0 : i32
      %dma_start3A_533 = tpu.memref_slice %arg4[%mul3A_531, %dma_start3A_532] : memref<3276800x128xf32, #tpu.memory_space<hbm>> -> memref<128x128xf32, #tpu.memory_space<hbm>>
      %dma_start3A_534 = arith.constant 0 : i32
      %dma_start3A_535 = tpu.memref_slice %arg4[%mul3A_531, %dma_start3A_534] : memref<3276800x128xf32, #tpu.memory_space<hbm>> -> memref<128x128xf32, #tpu.memory_space<hbm>>
      tpu.enqueue_dma source(%arg9 : memref<128x128xf32, #tpu.memory_space<vmem>>) target(%dma_start3A_535 : memref<128x128xf32, #tpu.memory_space<hbm>>) target_semaphore(%arg19 : memref<!tpu.dma_semaphore, #tpu.memory_space<semaphore_mem>>)
      %mul3A_536 = arith.constant 5 : i32
      %mul3A_537 = arith.muli %scan3A_466, %mul3A_536 : i32
      %add3A_538 = arith.constant 3 : i32
      %add3A_539 = arith.addi %mul3A_537, %add3A_538 : i32
      %add3A_540 = arith.constant 2 : i32
      %add3A_541 = arith.addi %add3A_539, %add3A_540 : i32
      %lt3A_542 = arith.constant 80 : i32
      %lt3A_543 = arith.cmpi slt, %add3A_541, %lt3A_542 : i32
      %convert_element_type3A_544 = arith.extui %lt3A_543 : i1 to i32
      %cond3A_545 = arith.constant 0 : i32
      %cond3A_546 = arith.cmpi ne, %convert_element_type3A_544, %cond3A_545 : i32
      scf.if %cond3A_546 {
        %dma_wait3A_584 = arith.constant 0 : i32
        %dma_wait3A_585 = arith.constant 0 : i32
        %dma_wait3A_586 = tpu.memref_slice %arg4[%dma_wait3A_584, %dma_wait3A_585] : memref<3276800x128xf32, #tpu.memory_space<hbm>> -> memref<128x128xf32, #tpu.memory_space<hbm>>
        %dma_wait3A_587 = arith.constant 0 : i32
        %dma_wait3A_588 = arith.constant 0 : i32
        %dma_wait3A_589 = tpu.memref_slice %arg4[%dma_wait3A_587, %dma_wait3A_588] : memref<3276800x128xf32, #tpu.memory_space<hbm>> -> memref<128x128xf32, #tpu.memory_space<hbm>>
        tpu.wait_dma2 semaphore(%arg17 : memref<!tpu.dma_semaphore, #tpu.memory_space<semaphore_mem>>) src(%arg7 : memref<128x128xf32, #tpu.memory_space<vmem>>) dst(%dma_wait3A_589 : memref<128x128xf32, #tpu.memory_space<hbm>>)
        %dma_start3A_590 = arith.constant 0 : i32
        %dma_start3A_591 = tpu.memref_slice %arg5[%add3A_541, %dma_start3A_590] : memref<80x128xi32, #tpu.memory_space<vmem>> -> memref<1x128xi32, #tpu.memory_space<vmem>>
        %dma_start3A_592 = tpu.memref_squeeze %dma_start3A_591 : memref<1x128xi32, #tpu.memory_space<vmem>> -> memref<128xi32, #tpu.memory_space<vmem>>
        %dma_start3A_593 = arith.constant 0 : i32
        %dma_start3A_594 = arith.constant 0 : i32
        %dma_start3A_595 = tpu.memref_slice %arg3[%dma_start3A_593, %dma_start3A_594] : memref<50257x128xf32, #tpu.memory_space<hbm>> -> memref<50257x128xf32, #tpu.memory_space<hbm>>
        tpu.enqueue_indirect_dma source(%dma_start3A_595 : memref<50257x128xf32, #tpu.memory_space<hbm>>) target(%arg7 : memref<128x128xf32, #tpu.memory_space<vmem>>) offsets(%dma_start3A_592 : memref<128xi32, #tpu.memory_space<vmem>>) semaphore(%arg12 : memref<!tpu.dma_semaphore, #tpu.memory_space<semaphore_mem>>)
      } else {
      }
      %dma_wait3A_547 = arith.constant 0 : i32
      %dma_wait3A_548 = arith.constant 0 : i32
      %dma_wait3A_549 = tpu.memref_slice %arg3[%dma_wait3A_547, %dma_wait3A_548] : memref<50257x128xf32, #tpu.memory_space<hbm>> -> memref<128x128xf32, #tpu.memory_space<hbm>>
      %dma_wait3A_550 = arith.constant 0 : i32
      %dma_wait3A_551 = arith.constant 0 : i32
      %dma_wait3A_552 = tpu.memref_slice %arg3[%dma_wait3A_550, %dma_wait3A_551] : memref<50257x128xf32, #tpu.memory_space<hbm>> -> memref<128x128xf32, #tpu.memory_space<hbm>>
      tpu.wait_dma2 semaphore(%arg15 : memref<!tpu.dma_semaphore, #tpu.memory_space<semaphore_mem>>) src(%dma_wait3A_552 : memref<128x128xf32, #tpu.memory_space<hbm>>) dst(%arg10 : memref<128x128xf32, #tpu.memory_space<vmem>>)
      %add3A_553 = arith.addi %add3A_351, %add3A_539 : i32
      %mul3A_554 = arith.constant 128 : i32
      %mul3A_555 = arith.muli %add3A_553, %mul3A_554 : i32
      %dma_start3A_556 = arith.constant 0 : i32
      %dma_start3A_557 = tpu.memref_slice %arg4[%mul3A_555, %dma_start3A_556] : memref<3276800x128xf32, #tpu.memory_space<hbm>> -> memref<128x128xf32, #tpu.memory_space<hbm>>
      %dma_start3A_558 = arith.constant 0 : i32
      %dma_start3A_559 = tpu.memref_slice %arg4[%mul3A_555, %dma_start3A_558] : memref<3276800x128xf32, #tpu.memory_space<hbm>> -> memref<128x128xf32, #tpu.memory_space<hbm>>
      tpu.enqueue_dma source(%arg10 : memref<128x128xf32, #tpu.memory_space<vmem>>) target(%dma_start3A_559 : memref<128x128xf32, #tpu.memory_space<hbm>>) target_semaphore(%arg20 : memref<!tpu.dma_semaphore, #tpu.memory_space<semaphore_mem>>)
      %mul3A_560 = arith.constant 5 : i32
      %mul3A_561 = arith.muli %scan3A_466, %mul3A_560 : i32
      %add3A_562 = arith.constant 4 : i32
      %add3A_563 = arith.addi %mul3A_561, %add3A_562 : i32
      %add3A_564 = arith.constant 2 : i32
      %add3A_565 = arith.addi %add3A_563, %add3A_564 : i32
      %lt3A_566 = arith.constant 80 : i32
      %lt3A_567 = arith.cmpi slt, %add3A_565, %lt3A_566 : i32
      %convert_element_type3A_568 = arith.extui %lt3A_567 : i1 to i32
      %cond3A_569 = arith.constant 0 : i32
      %cond3A_570 = arith.cmpi ne, %convert_element_type3A_568, %cond3A_569 : i32
      scf.if %cond3A_570 {
        %dma_wait3A_584 = arith.constant 0 : i32
        %dma_wait3A_585 = arith.constant 0 : i32
        %dma_wait3A_586 = tpu.memref_slice %arg4[%dma_wait3A_584, %dma_wait3A_585] : memref<3276800x128xf32, #tpu.memory_space<hbm>> -> memref<128x128xf32, #tpu.memory_space<hbm>>
        %dma_wait3A_587 = arith.constant 0 : i32
        %dma_wait3A_588 = arith.constant 0 : i32
        %dma_wait3A_589 = tpu.memref_slice %arg4[%dma_wait3A_587, %dma_wait3A_588] : memref<3276800x128xf32, #tpu.memory_space<hbm>> -> memref<128x128xf32, #tpu.memory_space<hbm>>
        tpu.wait_dma2 semaphore(%arg18 : memref<!tpu.dma_semaphore, #tpu.memory_space<semaphore_mem>>) src(%arg8 : memref<128x128xf32, #tpu.memory_space<vmem>>) dst(%dma_wait3A_589 : memref<128x128xf32, #tpu.memory_space<hbm>>)
        %dma_start3A_590 = arith.constant 0 : i32
        %dma_start3A_591 = tpu.memref_slice %arg5[%add3A_565, %dma_start3A_590] : memref<80x128xi32, #tpu.memory_space<vmem>> -> memref<1x128xi32, #tpu.memory_space<vmem>>
        %dma_start3A_592 = tpu.memref_squeeze %dma_start3A_591 : memref<1x128xi32, #tpu.memory_space<vmem>> -> memref<128xi32, #tpu.memory_space<vmem>>
        %dma_start3A_593 = arith.constant 0 : i32
        %dma_start3A_594 = arith.constant 0 : i32
        %dma_start3A_595 = tpu.memref_slice %arg3[%dma_start3A_593, %dma_start3A_594] : memref<50257x128xf32, #tpu.memory_space<hbm>> -> memref<50257x128xf32, #tpu.memory_space<hbm>>
        tpu.enqueue_indirect_dma source(%dma_start3A_595 : memref<50257x128xf32, #tpu.memory_space<hbm>>) target(%arg8 : memref<128x128xf32, #tpu.memory_space<vmem>>) offsets(%dma_start3A_592 : memref<128xi32, #tpu.memory_space<vmem>>) semaphore(%arg13 : memref<!tpu.dma_semaphore, #tpu.memory_space<semaphore_mem>>)
      } else {
      }
      %dma_wait3A_571 = arith.constant 0 : i32
      %dma_wait3A_572 = arith.constant 0 : i32
      %dma_wait3A_573 = tpu.memref_slice %arg3[%dma_wait3A_571, %dma_wait3A_572] : memref<50257x128xf32, #tpu.memory_space<hbm>> -> memref<128x128xf32, #tpu.memory_space<hbm>>
      %dma_wait3A_574 = arith.constant 0 : i32
      %dma_wait3A_575 = arith.constant 0 : i32
      %dma_wait3A_576 = tpu.memref_slice %arg3[%dma_wait3A_574, %dma_wait3A_575] : memref<50257x128xf32, #tpu.memory_space<hbm>> -> memref<128x128xf32, #tpu.memory_space<hbm>>
      tpu.wait_dma2 semaphore(%arg16 : memref<!tpu.dma_semaphore, #tpu.memory_space<semaphore_mem>>) src(%dma_wait3A_576 : memref<128x128xf32, #tpu.memory_space<hbm>>) dst(%arg11 : memref<128x128xf32, #tpu.memory_space<vmem>>)
      %add3A_577 = arith.addi %add3A_351, %add3A_563 : i32
      %mul3A_578 = arith.constant 128 : i32
      %mul3A_579 = arith.muli %add3A_577, %mul3A_578 : i32
      %dma_start3A_580 = arith.constant 0 : i32
      %dma_start3A_581 = tpu.memref_slice %arg4[%mul3A_579, %dma_start3A_580] : memref<3276800x128xf32, #tpu.memory_space<hbm>> -> memref<128x128xf32, #tpu.memory_space<hbm>>
      %dma_start3A_582 = arith.constant 0 : i32
      %dma_start3A_583 = tpu.memref_slice %arg4[%mul3A_579, %dma_start3A_582] : memref<3276800x128xf32, #tpu.memory_space<hbm>> -> memref<128x128xf32, #tpu.memory_space<hbm>>
      tpu.enqueue_dma source(%arg11 : memref<128x128xf32, #tpu.memory_space<vmem>>) target(%dma_start3A_583 : memref<128x128xf32, #tpu.memory_space<hbm>>) target_semaphore(%arg21 : memref<!tpu.dma_semaphore, #tpu.memory_space<semaphore_mem>>)
    }
    %scan3A_395 = arith.constant 16 : i32
    %add3A_396 = arith.constant 720 : i32
    %add3A_397 = arith.addi %mul3A_2, %add3A_396 : i32
    %dma_wait3A_398 = arith.constant 0 : i32
    %dma_wait3A_399 = arith.constant 0 : i32
    %dma_wait3A_400 = tpu.memref_slice %arg2[%dma_wait3A_398, %dma_wait3A_399] : memref<25600x128xi32, #tpu.memory_space<hbm>> -> memref<80x128xi32, #tpu.memory_space<hbm>>
    %dma_wait3A_401 = arith.constant 0 : i32
    %dma_wait3A_402 = arith.constant 0 : i32
    %dma_wait3A_403 = tpu.memref_slice %arg2[%dma_wait3A_401, %dma_wait3A_402] : memref<25600x128xi32, #tpu.memory_space<hbm>> -> memref<80x128xi32, #tpu.memory_space<hbm>>
    tpu.wait_dma2 semaphore(%arg23 : memref<!tpu.dma_semaphore, #tpu.memory_space<semaphore_mem>>) src(%dma_wait3A_403 : memref<80x128xi32, #tpu.memory_space<hbm>>) dst(%arg6 : memref<80x128xi32, #tpu.memory_space<vmem>>)
    %dma_wait3A_404 = arith.constant 0 : i32
    %dma_wait3A_405 = arith.constant 0 : i32
    %dma_wait3A_406 = tpu.memref_slice %arg4[%dma_wait3A_404, %dma_wait3A_405] : memref<3276800x128xf32, #tpu.memory_space<hbm>> -> memref<128x128xf32, #tpu.memory_space<hbm>>
    %dma_wait3A_407 = arith.constant 0 : i32
    %dma_wait3A_408 = arith.constant 0 : i32
    %dma_wait3A_409 = tpu.memref_slice %arg4[%dma_wait3A_407, %dma_wait3A_408] : memref<3276800x128xf32, #tpu.memory_space<hbm>> -> memref<128x128xf32, #tpu.memory_space<hbm>>
    tpu.wait_dma2 semaphore(%arg17 : memref<!tpu.dma_semaphore, #tpu.memory_space<semaphore_mem>>) src(%arg7 : memref<128x128xf32, #tpu.memory_space<vmem>>) dst(%dma_wait3A_409 : memref<128x128xf32, #tpu.memory_space<hbm>>)
    %dma_start3A_410 = arith.constant 0 : i32
    %dma_start3A_411 = arith.constant 0 : i32
    %dma_start3A_412 = tpu.memref_slice %arg6[%dma_start3A_410, %dma_start3A_411] : memref<80x128xi32, #tpu.memory_space<vmem>> -> memref<1x128xi32, #tpu.memory_space<vmem>>
    %dma_start3A_413 = tpu.memref_squeeze %dma_start3A_412 : memref<1x128xi32, #tpu.memory_space<vmem>> -> memref<128xi32, #tpu.memory_space<vmem>>
    %dma_start3A_414 = arith.constant 0 : i32
    %dma_start3A_415 = arith.constant 0 : i32
    %dma_start3A_416 = tpu.memref_slice %arg3[%dma_start3A_414, %dma_start3A_415] : memref<50257x128xf32, #tpu.memory_space<hbm>> -> memref<50257x128xf32, #tpu.memory_space<hbm>>
    tpu.enqueue_indirect_dma source(%dma_start3A_416 : memref<50257x128xf32, #tpu.memory_space<hbm>>) target(%arg7 : memref<128x128xf32, #tpu.memory_space<vmem>>) offsets(%dma_start3A_413 : memref<128xi32, #tpu.memory_space<vmem>>) semaphore(%arg12 : memref<!tpu.dma_semaphore, #tpu.memory_space<semaphore_mem>>)
    %dma_wait3A_417 = arith.constant 0 : i32
    %dma_wait3A_418 = arith.constant 0 : i32
    %dma_wait3A_419 = tpu.memref_slice %arg4[%dma_wait3A_417, %dma_wait3A_418] : memref<3276800x128xf32, #tpu.memory_space<hbm>> -> memref<128x128xf32, #tpu.memory_space<hbm>>
    %dma_wait3A_420 = arith.constant 0 : i32
    %dma_wait3A_421 = arith.constant 0 : i32
    %dma_wait3A_422 = tpu.memref_slice %arg4[%dma_wait3A_420, %dma_wait3A_421] : memref<3276800x128xf32, #tpu.memory_space<hbm>> -> memref<128x128xf32, #tpu.memory_space<hbm>>
    tpu.wait_dma2 semaphore(%arg18 : memref<!tpu.dma_semaphore, #tpu.memory_space<semaphore_mem>>) src(%arg8 : memref<128x128xf32, #tpu.memory_space<vmem>>) dst(%dma_wait3A_422 : memref<128x128xf32, #tpu.memory_space<hbm>>)
    %dma_start3A_423 = arith.constant 1 : i32
    %dma_start3A_424 = arith.constant 0 : i32
    %dma_start3A_425 = tpu.memref_slice %arg6[%dma_start3A_423, %dma_start3A_424] : memref<80x128xi32, #tpu.memory_space<vmem>> -> memref<1x128xi32, #tpu.memory_space<vmem>>
    %dma_start3A_426 = tpu.memref_squeeze %dma_start3A_425 : memref<1x128xi32, #tpu.memory_space<vmem>> -> memref<128xi32, #tpu.memory_space<vmem>>
    %dma_start3A_427 = arith.constant 0 : i32
    %dma_start3A_428 = arith.constant 0 : i32
    %dma_start3A_429 = tpu.memref_slice %arg3[%dma_start3A_427, %dma_start3A_428] : memref<50257x128xf32, #tpu.memory_space<hbm>> -> memref<50257x128xf32, #tpu.memory_space<hbm>>
    tpu.enqueue_indirect_dma source(%dma_start3A_429 : memref<50257x128xf32, #tpu.memory_space<hbm>>) target(%arg8 : memref<128x128xf32, #tpu.memory_space<vmem>>) offsets(%dma_start3A_426 : memref<128xi32, #tpu.memory_space<vmem>>) semaphore(%arg13 : memref<!tpu.dma_semaphore, #tpu.memory_space<semaphore_mem>>)
    %scan3A_430 = arith.constant 0 : i32
    %scan3A_431 = arith.constant 0 : i32
    %scan3A_432 = arith.constant 16 : i32
    %scan3A_433 = arith.addi %scan3A_431, %scan3A_432 : i32
    %scan3A_434 = arith.constant 1 : i32
    scf.for %scan3A_466 = %scan3A_431 to %scan3A_433 step %scan3A_434  : i32 {
      %mul3A_467 = arith.constant 5 : i32
      %mul3A_468 = arith.muli %scan3A_466, %mul3A_467 : i32
      %add3A_469 = arith.constant 0 : i32
      %add3A_470 = arith.addi %mul3A_468, %add3A_469 : i32
      %add3A_471 = arith.constant 2 : i32
      %add3A_472 = arith.addi %add3A_470, %add3A_471 : i32
      %lt3A = arith.constant 80 : i32
      %lt3A_473 = arith.cmpi slt, %add3A_472, %lt3A : i32
      %convert_element_type3A = arith.extui %lt3A_473 : i1 to i32
      %cond3A = arith.constant 0 : i32
      %cond3A_474 = arith.cmpi ne, %convert_element_type3A, %cond3A : i32
      scf.if %cond3A_474 {
        %dma_wait3A_584 = arith.constant 0 : i32
        %dma_wait3A_585 = arith.constant 0 : i32
        %dma_wait3A_586 = tpu.memref_slice %arg4[%dma_wait3A_584, %dma_wait3A_585] : memref<3276800x128xf32, #tpu.memory_space<hbm>> -> memref<128x128xf32, #tpu.memory_space<hbm>>
        %dma_wait3A_587 = arith.constant 0 : i32
        %dma_wait3A_588 = arith.constant 0 : i32
        %dma_wait3A_589 = tpu.memref_slice %arg4[%dma_wait3A_587, %dma_wait3A_588] : memref<3276800x128xf32, #tpu.memory_space<hbm>> -> memref<128x128xf32, #tpu.memory_space<hbm>>
        tpu.wait_dma2 semaphore(%arg19 : memref<!tpu.dma_semaphore, #tpu.memory_space<semaphore_mem>>) src(%arg9 : memref<128x128xf32, #tpu.memory_space<vmem>>) dst(%dma_wait3A_589 : memref<128x128xf32, #tpu.memory_space<hbm>>)
        %dma_start3A_590 = arith.constant 0 : i32
        %dma_start3A_591 = tpu.memref_slice %arg6[%add3A_472, %dma_start3A_590] : memref<80x128xi32, #tpu.memory_space<vmem>> -> memref<1x128xi32, #tpu.memory_space<vmem>>
        %dma_start3A_592 = tpu.memref_squeeze %dma_start3A_591 : memref<1x128xi32, #tpu.memory_space<vmem>> -> memref<128xi32, #tpu.memory_space<vmem>>
        %dma_start3A_593 = arith.constant 0 : i32
        %dma_start3A_594 = arith.constant 0 : i32
        %dma_start3A_595 = tpu.memref_slice %arg3[%dma_start3A_593, %dma_start3A_594] : memref<50257x128xf32, #tpu.memory_space<hbm>> -> memref<50257x128xf32, #tpu.memory_space<hbm>>
        tpu.enqueue_indirect_dma source(%dma_start3A_595 : memref<50257x128xf32, #tpu.memory_space<hbm>>) target(%arg9 : memref<128x128xf32, #tpu.memory_space<vmem>>) offsets(%dma_start3A_592 : memref<128xi32, #tpu.memory_space<vmem>>) semaphore(%arg14 : memref<!tpu.dma_semaphore, #tpu.memory_space<semaphore_mem>>)
      } else {
      }
      %dma_wait3A_475 = arith.constant 0 : i32
      %dma_wait3A_476 = arith.constant 0 : i32
      %dma_wait3A_477 = tpu.memref_slice %arg3[%dma_wait3A_475, %dma_wait3A_476] : memref<50257x128xf32, #tpu.memory_space<hbm>> -> memref<128x128xf32, #tpu.memory_space<hbm>>
      %dma_wait3A_478 = arith.constant 0 : i32
      %dma_wait3A_479 = arith.constant 0 : i32
      %dma_wait3A_480 = tpu.memref_slice %arg3[%dma_wait3A_478, %dma_wait3A_479] : memref<50257x128xf32, #tpu.memory_space<hbm>> -> memref<128x128xf32, #tpu.memory_space<hbm>>
      tpu.wait_dma2 semaphore(%arg12 : memref<!tpu.dma_semaphore, #tpu.memory_space<semaphore_mem>>) src(%dma_wait3A_480 : memref<128x128xf32, #tpu.memory_space<hbm>>) dst(%arg7 : memref<128x128xf32, #tpu.memory_space<vmem>>)
      %add3A_481 = arith.addi %add3A_397, %add3A_470 : i32
      %mul3A_482 = arith.constant 128 : i32
      %mul3A_483 = arith.muli %add3A_481, %mul3A_482 : i32
      %dma_start3A_484 = arith.constant 0 : i32
      %dma_start3A_485 = tpu.memref_slice %arg4[%mul3A_483, %dma_start3A_484] : memref<3276800x128xf32, #tpu.memory_space<hbm>> -> memref<128x128xf32, #tpu.memory_space<hbm>>
      %dma_start3A_486 = arith.constant 0 : i32
      %dma_start3A_487 = tpu.memref_slice %arg4[%mul3A_483, %dma_start3A_486] : memref<3276800x128xf32, #tpu.memory_space<hbm>> -> memref<128x128xf32, #tpu.memory_space<hbm>>
      tpu.enqueue_dma source(%arg7 : memref<128x128xf32, #tpu.memory_space<vmem>>) target(%dma_start3A_487 : memref<128x128xf32, #tpu.memory_space<hbm>>) target_semaphore(%arg17 : memref<!tpu.dma_semaphore, #tpu.memory_space<semaphore_mem>>)
      %mul3A_488 = arith.constant 5 : i32
      %mul3A_489 = arith.muli %scan3A_466, %mul3A_488 : i32
      %add3A_490 = arith.constant 1 : i32
      %add3A_491 = arith.addi %mul3A_489, %add3A_490 : i32
      %add3A_492 = arith.constant 2 : i32
      %add3A_493 = arith.addi %add3A_491, %add3A_492 : i32
      %lt3A_494 = arith.constant 80 : i32
      %lt3A_495 = arith.cmpi slt, %add3A_493, %lt3A_494 : i32
      %convert_element_type3A_496 = arith.extui %lt3A_495 : i1 to i32
      %cond3A_497 = arith.constant 0 : i32
      %cond3A_498 = arith.cmpi ne, %convert_element_type3A_496, %cond3A_497 : i32
      scf.if %cond3A_498 {
        %dma_wait3A_584 = arith.constant 0 : i32
        %dma_wait3A_585 = arith.constant 0 : i32
        %dma_wait3A_586 = tpu.memref_slice %arg4[%dma_wait3A_584, %dma_wait3A_585] : memref<3276800x128xf32, #tpu.memory_space<hbm>> -> memref<128x128xf32, #tpu.memory_space<hbm>>
        %dma_wait3A_587 = arith.constant 0 : i32
        %dma_wait3A_588 = arith.constant 0 : i32
        %dma_wait3A_589 = tpu.memref_slice %arg4[%dma_wait3A_587, %dma_wait3A_588] : memref<3276800x128xf32, #tpu.memory_space<hbm>> -> memref<128x128xf32, #tpu.memory_space<hbm>>
        tpu.wait_dma2 semaphore(%arg20 : memref<!tpu.dma_semaphore, #tpu.memory_space<semaphore_mem>>) src(%arg10 : memref<128x128xf32, #tpu.memory_space<vmem>>) dst(%dma_wait3A_589 : memref<128x128xf32, #tpu.memory_space<hbm>>)
        %dma_start3A_590 = arith.constant 0 : i32
        %dma_start3A_591 = tpu.memref_slice %arg6[%add3A_493, %dma_start3A_590] : memref<80x128xi32, #tpu.memory_space<vmem>> -> memref<1x128xi32, #tpu.memory_space<vmem>>
        %dma_start3A_592 = tpu.memref_squeeze %dma_start3A_591 : memref<1x128xi32, #tpu.memory_space<vmem>> -> memref<128xi32, #tpu.memory_space<vmem>>
        %dma_start3A_593 = arith.constant 0 : i32
        %dma_start3A_594 = arith.constant 0 : i32
        %dma_start3A_595 = tpu.memref_slice %arg3[%dma_start3A_593, %dma_start3A_594] : memref<50257x128xf32, #tpu.memory_space<hbm>> -> memref<50257x128xf32, #tpu.memory_space<hbm>>
        tpu.enqueue_indirect_dma source(%dma_start3A_595 : memref<50257x128xf32, #tpu.memory_space<hbm>>) target(%arg10 : memref<128x128xf32, #tpu.memory_space<vmem>>) offsets(%dma_start3A_592 : memref<128xi32, #tpu.memory_space<vmem>>) semaphore(%arg15 : memref<!tpu.dma_semaphore, #tpu.memory_space<semaphore_mem>>)
      } else {
      }
      %dma_wait3A_499 = arith.constant 0 : i32
      %dma_wait3A_500 = arith.constant 0 : i32
      %dma_wait3A_501 = tpu.memref_slice %arg3[%dma_wait3A_499, %dma_wait3A_500] : memref<50257x128xf32, #tpu.memory_space<hbm>> -> memref<128x128xf32, #tpu.memory_space<hbm>>
      %dma_wait3A_502 = arith.constant 0 : i32
      %dma_wait3A_503 = arith.constant 0 : i32
      %dma_wait3A_504 = tpu.memref_slice %arg3[%dma_wait3A_502, %dma_wait3A_503] : memref<50257x128xf32, #tpu.memory_space<hbm>> -> memref<128x128xf32, #tpu.memory_space<hbm>>
      tpu.wait_dma2 semaphore(%arg13 : memref<!tpu.dma_semaphore, #tpu.memory_space<semaphore_mem>>) src(%dma_wait3A_504 : memref<128x128xf32, #tpu.memory_space<hbm>>) dst(%arg8 : memref<128x128xf32, #tpu.memory_space<vmem>>)
      %add3A_505 = arith.addi %add3A_397, %add3A_491 : i32
      %mul3A_506 = arith.constant 128 : i32
      %mul3A_507 = arith.muli %add3A_505, %mul3A_506 : i32
      %dma_start3A_508 = arith.constant 0 : i32
      %dma_start3A_509 = tpu.memref_slice %arg4[%mul3A_507, %dma_start3A_508] : memref<3276800x128xf32, #tpu.memory_space<hbm>> -> memref<128x128xf32, #tpu.memory_space<hbm>>
      %dma_start3A_510 = arith.constant 0 : i32
      %dma_start3A_511 = tpu.memref_slice %arg4[%mul3A_507, %dma_start3A_510] : memref<3276800x128xf32, #tpu.memory_space<hbm>> -> memref<128x128xf32, #tpu.memory_space<hbm>>
      tpu.enqueue_dma source(%arg8 : memref<128x128xf32, #tpu.memory_space<vmem>>) target(%dma_start3A_511 : memref<128x128xf32, #tpu.memory_space<hbm>>) target_semaphore(%arg18 : memref<!tpu.dma_semaphore, #tpu.memory_space<semaphore_mem>>)
      %mul3A_512 = arith.constant 5 : i32
      %mul3A_513 = arith.muli %scan3A_466, %mul3A_512 : i32
      %add3A_514 = arith.constant 2 : i32
      %add3A_515 = arith.addi %mul3A_513, %add3A_514 : i32
      %add3A_516 = arith.constant 2 : i32
      %add3A_517 = arith.addi %add3A_515, %add3A_516 : i32
      %lt3A_518 = arith.constant 80 : i32
      %lt3A_519 = arith.cmpi slt, %add3A_517, %lt3A_518 : i32
      %convert_element_type3A_520 = arith.extui %lt3A_519 : i1 to i32
      %cond3A_521 = arith.constant 0 : i32
      %cond3A_522 = arith.cmpi ne, %convert_element_type3A_520, %cond3A_521 : i32
      scf.if %cond3A_522 {
        %dma_wait3A_584 = arith.constant 0 : i32
        %dma_wait3A_585 = arith.constant 0 : i32
        %dma_wait3A_586 = tpu.memref_slice %arg4[%dma_wait3A_584, %dma_wait3A_585] : memref<3276800x128xf32, #tpu.memory_space<hbm>> -> memref<128x128xf32, #tpu.memory_space<hbm>>
        %dma_wait3A_587 = arith.constant 0 : i32
        %dma_wait3A_588 = arith.constant 0 : i32
        %dma_wait3A_589 = tpu.memref_slice %arg4[%dma_wait3A_587, %dma_wait3A_588] : memref<3276800x128xf32, #tpu.memory_space<hbm>> -> memref<128x128xf32, #tpu.memory_space<hbm>>
        tpu.wait_dma2 semaphore(%arg21 : memref<!tpu.dma_semaphore, #tpu.memory_space<semaphore_mem>>) src(%arg11 : memref<128x128xf32, #tpu.memory_space<vmem>>) dst(%dma_wait3A_589 : memref<128x128xf32, #tpu.memory_space<hbm>>)
        %dma_start3A_590 = arith.constant 0 : i32
        %dma_start3A_591 = tpu.memref_slice %arg6[%add3A_517, %dma_start3A_590] : memref<80x128xi32, #tpu.memory_space<vmem>> -> memref<1x128xi32, #tpu.memory_space<vmem>>
        %dma_start3A_592 = tpu.memref_squeeze %dma_start3A_591 : memref<1x128xi32, #tpu.memory_space<vmem>> -> memref<128xi32, #tpu.memory_space<vmem>>
        %dma_start3A_593 = arith.constant 0 : i32
        %dma_start3A_594 = arith.constant 0 : i32
        %dma_start3A_595 = tpu.memref_slice %arg3[%dma_start3A_593, %dma_start3A_594] : memref<50257x128xf32, #tpu.memory_space<hbm>> -> memref<50257x128xf32, #tpu.memory_space<hbm>>
        tpu.enqueue_indirect_dma source(%dma_start3A_595 : memref<50257x128xf32, #tpu.memory_space<hbm>>) target(%arg11 : memref<128x128xf32, #tpu.memory_space<vmem>>) offsets(%dma_start3A_592 : memref<128xi32, #tpu.memory_space<vmem>>) semaphore(%arg16 : memref<!tpu.dma_semaphore, #tpu.memory_space<semaphore_mem>>)
      } else {
      }
      %dma_wait3A_523 = arith.constant 0 : i32
      %dma_wait3A_524 = arith.constant 0 : i32
      %dma_wait3A_525 = tpu.memref_slice %arg3[%dma_wait3A_523, %dma_wait3A_524] : memref<50257x128xf32, #tpu.memory_space<hbm>> -> memref<128x128xf32, #tpu.memory_space<hbm>>
      %dma_wait3A_526 = arith.constant 0 : i32
      %dma_wait3A_527 = arith.constant 0 : i32
      %dma_wait3A_528 = tpu.memref_slice %arg3[%dma_wait3A_526, %dma_wait3A_527] : memref<50257x128xf32, #tpu.memory_space<hbm>> -> memref<128x128xf32, #tpu.memory_space<hbm>>
      tpu.wait_dma2 semaphore(%arg14 : memref<!tpu.dma_semaphore, #tpu.memory_space<semaphore_mem>>) src(%dma_wait3A_528 : memref<128x128xf32, #tpu.memory_space<hbm>>) dst(%arg9 : memref<128x128xf32, #tpu.memory_space<vmem>>)
      %add3A_529 = arith.addi %add3A_397, %add3A_515 : i32
      %mul3A_530 = arith.constant 128 : i32
      %mul3A_531 = arith.muli %add3A_529, %mul3A_530 : i32
      %dma_start3A_532 = arith.constant 0 : i32
      %dma_start3A_533 = tpu.memref_slice %arg4[%mul3A_531, %dma_start3A_532] : memref<3276800x128xf32, #tpu.memory_space<hbm>> -> memref<128x128xf32, #tpu.memory_space<hbm>>
      %dma_start3A_534 = arith.constant 0 : i32
      %dma_start3A_535 = tpu.memref_slice %arg4[%mul3A_531, %dma_start3A_534] : memref<3276800x128xf32, #tpu.memory_space<hbm>> -> memref<128x128xf32, #tpu.memory_space<hbm>>
      tpu.enqueue_dma source(%arg9 : memref<128x128xf32, #tpu.memory_space<vmem>>) target(%dma_start3A_535 : memref<128x128xf32, #tpu.memory_space<hbm>>) target_semaphore(%arg19 : memref<!tpu.dma_semaphore, #tpu.memory_space<semaphore_mem>>)
      %mul3A_536 = arith.constant 5 : i32
      %mul3A_537 = arith.muli %scan3A_466, %mul3A_536 : i32
      %add3A_538 = arith.constant 3 : i32
      %add3A_539 = arith.addi %mul3A_537, %add3A_538 : i32
      %add3A_540 = arith.constant 2 : i32
      %add3A_541 = arith.addi %add3A_539, %add3A_540 : i32
      %lt3A_542 = arith.constant 80 : i32
      %lt3A_543 = arith.cmpi slt, %add3A_541, %lt3A_542 : i32
      %convert_element_type3A_544 = arith.extui %lt3A_543 : i1 to i32
      %cond3A_545 = arith.constant 0 : i32
      %cond3A_546 = arith.cmpi ne, %convert_element_type3A_544, %cond3A_545 : i32
      scf.if %cond3A_546 {
        %dma_wait3A_584 = arith.constant 0 : i32
        %dma_wait3A_585 = arith.constant 0 : i32
        %dma_wait3A_586 = tpu.memref_slice %arg4[%dma_wait3A_584, %dma_wait3A_585] : memref<3276800x128xf32, #tpu.memory_space<hbm>> -> memref<128x128xf32, #tpu.memory_space<hbm>>
        %dma_wait3A_587 = arith.constant 0 : i32
        %dma_wait3A_588 = arith.constant 0 : i32
        %dma_wait3A_589 = tpu.memref_slice %arg4[%dma_wait3A_587, %dma_wait3A_588] : memref<3276800x128xf32, #tpu.memory_space<hbm>> -> memref<128x128xf32, #tpu.memory_space<hbm>>
        tpu.wait_dma2 semaphore(%arg17 : memref<!tpu.dma_semaphore, #tpu.memory_space<semaphore_mem>>) src(%arg7 : memref<128x128xf32, #tpu.memory_space<vmem>>) dst(%dma_wait3A_589 : memref<128x128xf32, #tpu.memory_space<hbm>>)
        %dma_start3A_590 = arith.constant 0 : i32
        %dma_start3A_591 = tpu.memref_slice %arg6[%add3A_541, %dma_start3A_590] : memref<80x128xi32, #tpu.memory_space<vmem>> -> memref<1x128xi32, #tpu.memory_space<vmem>>
        %dma_start3A_592 = tpu.memref_squeeze %dma_start3A_591 : memref<1x128xi32, #tpu.memory_space<vmem>> -> memref<128xi32, #tpu.memory_space<vmem>>
        %dma_start3A_593 = arith.constant 0 : i32
        %dma_start3A_594 = arith.constant 0 : i32
        %dma_start3A_595 = tpu.memref_slice %arg3[%dma_start3A_593, %dma_start3A_594] : memref<50257x128xf32, #tpu.memory_space<hbm>> -> memref<50257x128xf32, #tpu.memory_space<hbm>>
        tpu.enqueue_indirect_dma source(%dma_start3A_595 : memref<50257x128xf32, #tpu.memory_space<hbm>>) target(%arg7 : memref<128x128xf32, #tpu.memory_space<vmem>>) offsets(%dma_start3A_592 : memref<128xi32, #tpu.memory_space<vmem>>) semaphore(%arg12 : memref<!tpu.dma_semaphore, #tpu.memory_space<semaphore_mem>>)
      } else {
      }
      %dma_wait3A_547 = arith.constant 0 : i32
      %dma_wait3A_548 = arith.constant 0 : i32
      %dma_wait3A_549 = tpu.memref_slice %arg3[%dma_wait3A_547, %dma_wait3A_548] : memref<50257x128xf32, #tpu.memory_space<hbm>> -> memref<128x128xf32, #tpu.memory_space<hbm>>
      %dma_wait3A_550 = arith.constant 0 : i32
      %dma_wait3A_551 = arith.constant 0 : i32
      %dma_wait3A_552 = tpu.memref_slice %arg3[%dma_wait3A_550, %dma_wait3A_551] : memref<50257x128xf32, #tpu.memory_space<hbm>> -> memref<128x128xf32, #tpu.memory_space<hbm>>
      tpu.wait_dma2 semaphore(%arg15 : memref<!tpu.dma_semaphore, #tpu.memory_space<semaphore_mem>>) src(%dma_wait3A_552 : memref<128x128xf32, #tpu.memory_space<hbm>>) dst(%arg10 : memref<128x128xf32, #tpu.memory_space<vmem>>)
      %add3A_553 = arith.addi %add3A_397, %add3A_539 : i32
      %mul3A_554 = arith.constant 128 : i32
      %mul3A_555 = arith.muli %add3A_553, %mul3A_554 : i32
      %dma_start3A_556 = arith.constant 0 : i32
      %dma_start3A_557 = tpu.memref_slice %arg4[%mul3A_555, %dma_start3A_556] : memref<3276800x128xf32, #tpu.memory_space<hbm>> -> memref<128x128xf32, #tpu.memory_space<hbm>>
      %dma_start3A_558 = arith.constant 0 : i32
      %dma_start3A_559 = tpu.memref_slice %arg4[%mul3A_555, %dma_start3A_558] : memref<3276800x128xf32, #tpu.memory_space<hbm>> -> memref<128x128xf32, #tpu.memory_space<hbm>>
      tpu.enqueue_dma source(%arg10 : memref<128x128xf32, #tpu.memory_space<vmem>>) target(%dma_start3A_559 : memref<128x128xf32, #tpu.memory_space<hbm>>) target_semaphore(%arg20 : memref<!tpu.dma_semaphore, #tpu.memory_space<semaphore_mem>>)
      %mul3A_560 = arith.constant 5 : i32
      %mul3A_561 = arith.muli %scan3A_466, %mul3A_560 : i32
      %add3A_562 = arith.constant 4 : i32
      %add3A_563 = arith.addi %mul3A_561, %add3A_562 : i32
      %add3A_564 = arith.constant 2 : i32
      %add3A_565 = arith.addi %add3A_563, %add3A_564 : i32
      %lt3A_566 = arith.constant 80 : i32
      %lt3A_567 = arith.cmpi slt, %add3A_565, %lt3A_566 : i32
      %convert_element_type3A_568 = arith.extui %lt3A_567 : i1 to i32
      %cond3A_569 = arith.constant 0 : i32
      %cond3A_570 = arith.cmpi ne, %convert_element_type3A_568, %cond3A_569 : i32
      scf.if %cond3A_570 {
        %dma_wait3A_584 = arith.constant 0 : i32
        %dma_wait3A_585 = arith.constant 0 : i32
        %dma_wait3A_586 = tpu.memref_slice %arg4[%dma_wait3A_584, %dma_wait3A_585] : memref<3276800x128xf32, #tpu.memory_space<hbm>> -> memref<128x128xf32, #tpu.memory_space<hbm>>
        %dma_wait3A_587 = arith.constant 0 : i32
        %dma_wait3A_588 = arith.constant 0 : i32
        %dma_wait3A_589 = tpu.memref_slice %arg4[%dma_wait3A_587, %dma_wait3A_588] : memref<3276800x128xf32, #tpu.memory_space<hbm>> -> memref<128x128xf32, #tpu.memory_space<hbm>>
        tpu.wait_dma2 semaphore(%arg18 : memref<!tpu.dma_semaphore, #tpu.memory_space<semaphore_mem>>) src(%arg8 : memref<128x128xf32, #tpu.memory_space<vmem>>) dst(%dma_wait3A_589 : memref<128x128xf32, #tpu.memory_space<hbm>>)
        %dma_start3A_590 = arith.constant 0 : i32
        %dma_start3A_591 = tpu.memref_slice %arg6[%add3A_565, %dma_start3A_590] : memref<80x128xi32, #tpu.memory_space<vmem>> -> memref<1x128xi32, #tpu.memory_space<vmem>>
        %dma_start3A_592 = tpu.memref_squeeze %dma_start3A_591 : memref<1x128xi32, #tpu.memory_space<vmem>> -> memref<128xi32, #tpu.memory_space<vmem>>
        %dma_start3A_593 = arith.constant 0 : i32
        %dma_start3A_594 = arith.constant 0 : i32
        %dma_start3A_595 = tpu.memref_slice %arg3[%dma_start3A_593, %dma_start3A_594] : memref<50257x128xf32, #tpu.memory_space<hbm>> -> memref<50257x128xf32, #tpu.memory_space<hbm>>
        tpu.enqueue_indirect_dma source(%dma_start3A_595 : memref<50257x128xf32, #tpu.memory_space<hbm>>) target(%arg8 : memref<128x128xf32, #tpu.memory_space<vmem>>) offsets(%dma_start3A_592 : memref<128xi32, #tpu.memory_space<vmem>>) semaphore(%arg13 : memref<!tpu.dma_semaphore, #tpu.memory_space<semaphore_mem>>)
      } else {
      }
      %dma_wait3A_571 = arith.constant 0 : i32
      %dma_wait3A_572 = arith.constant 0 : i32
      %dma_wait3A_573 = tpu.memref_slice %arg3[%dma_wait3A_571, %dma_wait3A_572] : memref<50257x128xf32, #tpu.memory_space<hbm>> -> memref<128x128xf32, #tpu.memory_space<hbm>>
      %dma_wait3A_574 = arith.constant 0 : i32
      %dma_wait3A_575 = arith.constant 0 : i32
      %dma_wait3A_576 = tpu.memref_slice %arg3[%dma_wait3A_574, %dma_wait3A_575] : memref<50257x128xf32, #tpu.memory_space<hbm>> -> memref<128x128xf32, #tpu.memory_space<hbm>>
      tpu.wait_dma2 semaphore(%arg16 : memref<!tpu.dma_semaphore, #tpu.memory_space<semaphore_mem>>) src(%dma_wait3A_576 : memref<128x128xf32, #tpu.memory_space<hbm>>) dst(%arg11 : memref<128x128xf32, #tpu.memory_space<vmem>>)
      %add3A_577 = arith.addi %add3A_397, %add3A_563 : i32
      %mul3A_578 = arith.constant 128 : i32
      %mul3A_579 = arith.muli %add3A_577, %mul3A_578 : i32
      %dma_start3A_580 = arith.constant 0 : i32
      %dma_start3A_581 = tpu.memref_slice %arg4[%mul3A_579, %dma_start3A_580] : memref<3276800x128xf32, #tpu.memory_space<hbm>> -> memref<128x128xf32, #tpu.memory_space<hbm>>
      %dma_start3A_582 = arith.constant 0 : i32
      %dma_start3A_583 = tpu.memref_slice %arg4[%mul3A_579, %dma_start3A_582] : memref<3276800x128xf32, #tpu.memory_space<hbm>> -> memref<128x128xf32, #tpu.memory_space<hbm>>
      tpu.enqueue_dma source(%arg11 : memref<128x128xf32, #tpu.memory_space<vmem>>) target(%dma_start3A_583 : memref<128x128xf32, #tpu.memory_space<hbm>>) target_semaphore(%arg21 : memref<!tpu.dma_semaphore, #tpu.memory_space<semaphore_mem>>)
    }
    %scan3A_435 = arith.constant 16 : i32
    %dma_wait3A_436 = arith.constant 0 : i32
    %dma_wait3A_437 = arith.constant 0 : i32
    %dma_wait3A_438 = tpu.memref_slice %arg4[%dma_wait3A_436, %dma_wait3A_437] : memref<3276800x128xf32, #tpu.memory_space<hbm>> -> memref<128x128xf32, #tpu.memory_space<hbm>>
    %dma_wait3A_439 = arith.constant 0 : i32
    %dma_wait3A_440 = arith.constant 0 : i32
    %dma_wait3A_441 = tpu.memref_slice %arg4[%dma_wait3A_439, %dma_wait3A_440] : memref<3276800x128xf32, #tpu.memory_space<hbm>> -> memref<128x128xf32, #tpu.memory_space<hbm>>
    tpu.wait_dma2 semaphore(%arg17 : memref<!tpu.dma_semaphore, #tpu.memory_space<semaphore_mem>>) src(%arg7 : memref<128x128xf32, #tpu.memory_space<vmem>>) dst(%dma_wait3A_441 : memref<128x128xf32, #tpu.memory_space<hbm>>)
    %dma_wait3A_442 = arith.constant 0 : i32
    %dma_wait3A_443 = arith.constant 0 : i32
    %dma_wait3A_444 = tpu.memref_slice %arg4[%dma_wait3A_442, %dma_wait3A_443] : memref<3276800x128xf32, #tpu.memory_space<hbm>> -> memref<128x128xf32, #tpu.memory_space<hbm>>
    %dma_wait3A_445 = arith.constant 0 : i32
    %dma_wait3A_446 = arith.constant 0 : i32
    %dma_wait3A_447 = tpu.memref_slice %arg4[%dma_wait3A_445, %dma_wait3A_446] : memref<3276800x128xf32, #tpu.memory_space<hbm>> -> memref<128x128xf32, #tpu.memory_space<hbm>>
    tpu.wait_dma2 semaphore(%arg18 : memref<!tpu.dma_semaphore, #tpu.memory_space<semaphore_mem>>) src(%arg8 : memref<128x128xf32, #tpu.memory_space<vmem>>) dst(%dma_wait3A_447 : memref<128x128xf32, #tpu.memory_space<hbm>>)
    %dma_wait3A_448 = arith.constant 0 : i32
    %dma_wait3A_449 = arith.constant 0 : i32
    %dma_wait3A_450 = tpu.memref_slice %arg4[%dma_wait3A_448, %dma_wait3A_449] : memref<3276800x128xf32, #tpu.memory_space<hbm>> -> memref<128x128xf32, #tpu.memory_space<hbm>>
    %dma_wait3A_451 = arith.constant 0 : i32
    %dma_wait3A_452 = arith.constant 0 : i32
    %dma_wait3A_453 = tpu.memref_slice %arg4[%dma_wait3A_451, %dma_wait3A_452] : memref<3276800x128xf32, #tpu.memory_space<hbm>> -> memref<128x128xf32, #tpu.memory_space<hbm>>
    tpu.wait_dma2 semaphore(%arg19 : memref<!tpu.dma_semaphore, #tpu.memory_space<semaphore_mem>>) src(%arg9 : memref<128x128xf32, #tpu.memory_space<vmem>>) dst(%dma_wait3A_453 : memref<128x128xf32, #tpu.memory_space<hbm>>)
    %dma_wait3A_454 = arith.constant 0 : i32
    %dma_wait3A_455 = arith.constant 0 : i32
    %dma_wait3A_456 = tpu.memref_slice %arg4[%dma_wait3A_454, %dma_wait3A_455] : memref<3276800x128xf32, #tpu.memory_space<hbm>> -> memref<128x128xf32, #tpu.memory_space<hbm>>
    %dma_wait3A_457 = arith.constant 0 : i32
    %dma_wait3A_458 = arith.constant 0 : i32
    %dma_wait3A_459 = tpu.memref_slice %arg4[%dma_wait3A_457, %dma_wait3A_458] : memref<3276800x128xf32, #tpu.memory_space<hbm>> -> memref<128x128xf32, #tpu.memory_space<hbm>>
    tpu.wait_dma2 semaphore(%arg20 : memref<!tpu.dma_semaphore, #tpu.memory_space<semaphore_mem>>) src(%arg10 : memref<128x128xf32, #tpu.memory_space<vmem>>) dst(%dma_wait3A_459 : memref<128x128xf32, #tpu.memory_space<hbm>>)
    %dma_wait3A_460 = arith.constant 0 : i32
    %dma_wait3A_461 = arith.constant 0 : i32
    %dma_wait3A_462 = tpu.memref_slice %arg4[%dma_wait3A_460, %dma_wait3A_461] : memref<3276800x128xf32, #tpu.memory_space<hbm>> -> memref<128x128xf32, #tpu.memory_space<hbm>>
    %dma_wait3A_463 = arith.constant 0 : i32
    %dma_wait3A_464 = arith.constant 0 : i32
    %dma_wait3A_465 = tpu.memref_slice %arg4[%dma_wait3A_463, %dma_wait3A_464] : memref<3276800x128xf32, #tpu.memory_space<hbm>> -> memref<128x128xf32, #tpu.memory_space<hbm>>
    tpu.wait_dma2 semaphore(%arg21 : memref<!tpu.dma_semaphore, #tpu.memory_space<semaphore_mem>>) src(%arg11 : memref<128x128xf32, #tpu.memory_space<vmem>>) dst(%dma_wait3A_465 : memref<128x128xf32, #tpu.memory_space<hbm>>)
    return
  }
}

</mosaic_0001>

<sc_bundles>
// kernel: _embed.3.cloned.1.call-start
scs
__scs_entry_jumppad:
0x0: {  	(pc) =	sbr.rel $0x88, $3  }
0x1: {  	(tag) =	ssettag $0x0;
	lr =	simm.s32 $0x1  }
0x2: {  	[smem:$0x3F9F] =	sst lr;
	_ =	strace $0xD0000000  }
0x3: {  	_ = 	snop  }
0x4: {  	_ = 	snop  }
0x5: {  	_ = 	snop  }
0x6: {  	_ = 	snop  }
0x7: {  	_ = 	snop  }
__scs_overlays_trampoline_lowered:
0x8: {  	[smem:$0x3FAE] =	sst s0  }
0x9: {  	[smem:$0x3FAF] =	sst s1  }
0xa: {  	[smem:$0x3FB0] =	sst s2  }
0xb: {  	[smem:$0x3FB1] =	sst s3  }
0xc: {  	[smem:$0x3FB2] =	sst s4  }
0xd: {  	[smem:$0x3FB3] =	sst s5  }
0xe: {  	[smem:$0x3FB4] =	sst s6  }
0xf: {  	[smem:$0x3FB5] =	sst s7  }
0x10: {  	[smem:$0x3FB6] =	sst s8  }
0x11: {  	[smem:$0x3FB7] =	sst s9;
	s0 =	simm.s32 @!p0 $0x0  }
0x12: {  	s1 =	sld [smem:$0x3F9D];
	s0 =	simm.s32 @p0 $0x1  }
0x13: {  	[smem:$0x3FB8] =	sst s0;
	s0 =	simm.s32 @!p1 $0x0  }
0x14: {  	s2 =	sld [smem:$0x3F9C];
	s0 =	simm.s32 @p1 $0x1  }
0x15: {  	[smem:$0x3FB9] =	sst s0;
	s0 =	simm.s32 @!p2 $0x0  }
0x16: {  	s3 =	sld [smem:$0x3FDB];
	s0 =	simm.s32 @p2 $0x1  }
0x17: {  	s4 =	simm.s32 $0x1BF5;
	[smem:$0x3FBB] =	sst s0  }
0x18: {  	s0 =	sld [smem:$0x3F9E];
	_ =	swait.ge [sflag:s4], $0x0  }
0x19: {  	s7 =	sld [smem:$0x3F9F]  }
0x1a: {  	s8 =	sadd.s32 $0xFFFFE003, lr  }
0x1b: {  	s9 =	sadd.s32 $0xFFFFFEF7, lr;
	s5 =	simm.s32 $0xFFFFFFFF;
	p2 =	slt.u32 s8, $0xFFFFF086  }
0x1c: {  	p1 =	slt.u32 s9, $0xF7A;
	s5 =	simm.s32 @!p2 $0x0  }
0x1d: {  	s5 =	simm.s32 @p1 $0x1;
	p0 =	seq.s32 s7, s2  }
0x1e: {  	s7 =	smul.u32 @!p0 $0xF7A, s2;
	p2 =	seq.s32 @!p0 s5, $0x0  }
0x1f: {  	s9 =	smul.u32 $0xF7A, s1;
	s8 =	simm.s32 @!p0 $0x1BF5;
	p2 =	por !p2, p0  }
0x20: {  	[sflag:s8] =	ssyncset.s32 @!p0 $0xFFFFF086;
	s6 =	sadd.s32 @!p0 s3, s7;
	s7 =	simm.s32 @!p0 $0x108  }
0x21: {  	s3 =	sadd.s32 s3, s9;
	s6 =	sadd.s32 @!p0 $0x88, s6;
	s7 =	simm.s32 @p2 $0x1082  }
0x22: {  	[simem:s7], [sflag:s8] =	dma.local @!p0 [hbm:s6], $0xF7A  }
0x23: {  	s9 =	sor.u32 $0xD0000000, s2;
	s6 =	simm.s32 $0x108;
	_ =	swait.ge @!p0 [sflag:s8], $0x0  }
0x24: {  	s3 =	sadd.s32 $0x88, s3;
	s6 =	simm.s32 @!p1 $0x1082;
	[sflag:s4] =	ssyncset.s32 $0xFFFFF086  }
0x25: {  	[simem:s6], [sflag:s4] =	dma.local [hbm:s3], $0xF7A  }
0x26: {  	[smem:$0x3F9F] =	sst s1;
	(tag) =	ssettag s2;
	_ =	strace s9  }
0x27: {  	s1 =	sld [smem:$0x3FAF]  }
0x28: {  	s2 =	sld [smem:$0x3FB0]  }
0x29: {  	s4 =	sld [smem:$0x3FB2]  }
0x2a: {  	p0 =	seq.s32 s5, $0x0;
	s5 =	sld [smem:$0x3FB3]  }
0x2b: {  	s6 =	sld [smem:$0x3FB4]  }
0x2c: {  	s7 =	sld [smem:$0x3FB5]  }
0x2d: {  	s3 =	simm.s32 $0x108;
	s8 =	sld [smem:$0x3FB6]  }
0x2e: {  	s3 =	simm.s32 @!p0 $0x1082;
	s9 =	sld [smem:$0x3FB7]  }
0x2f: {  	lr =	sadd.s32 s0, s3;
	s0 =	sld [smem:$0x3FAE]  }
0x30: {  	s3 =	sld [smem:$0x3FB1]  }
0x31: {  	[smem:$0x3FBA] =	sst s10  }
0x32: {  	s10 =	sld [smem:$0x3FB8];
	_ =	sdelay $0x3  }
0x33: {  	p0 =	seq.s32 s10, $0x1;
	s10 =	sld [smem:$0x3FBA];
	_ =	sdelay $0x3  }
0x34: {  	[smem:$0x3FBA] =	sst s10  }
0x35: {  	s10 =	sld [smem:$0x3FB9];
	_ =	sdelay $0x3  }
0x36: {  	p1 =	seq.s32 s10, $0x1;
	s10 =	sld [smem:$0x3FBA];
	_ =	sdelay $0x3  }
0x37: {  	[smem:$0x3FBA] =	sst s10  }
0x38: {  	s10 =	sld [smem:$0x3FBB]  }
0x39: {  	_ = 	snop;
	(pc) =	sbr.ind lr, $3  }
0x3a: {  	_ = 	snop  }
0x3b: {  	_ = 	snop  }
0x3c: {  	p2 =	seq.s32 s10, $0x1;
	s10 =	sld [smem:$0x3FBA]  }
0x3d: {  	_ =	shalt  }
0x3e: {  	_ =	shalt  }
0x3f: {  	_ =	shalt  }
0x40: {  	_ =	shalt  }
0x41: {  	_ =	shalt  }
0x42: {  	_ =	shalt  }
0x43: {  	_ =	shalt  }
0x44: {  	_ =	shalt  }
0x45: {  	_ =	shalt  }
0x46: {  	_ =	shalt  }
0x47: {  	_ =	shalt  }
0x48: {  	_ =	shalt  }
0x49: {  	_ =	shalt  }
0x4a: {  	_ =	shalt  }
0x4b: {  	_ =	shalt  }
0x4c: {  	_ =	shalt  }
0x4d: {  	_ =	shalt  }
0x4e: {  	_ =	shalt  }
0x4f: {  	_ =	shalt  }
0x50: {  	_ =	shalt  }
0x51: {  	_ =	shalt  }
0x52: {  	_ =	shalt  }
0x53: {  	_ =	shalt  }
0x54: {  	_ =	shalt  }
0x55: {  	_ =	shalt  }
0x56: {  	_ =	shalt  }
0x57: {  	_ =	shalt  }
0x58: {  	_ =	shalt  }
0x59: {  	_ =	shalt  }
0x5a: {  	_ =	shalt  }
0x5b: {  	_ =	shalt  }
0x5c: {  	_ =	shalt  }
0x5d: {  	_ =	shalt  }
0x5e: {  	_ =	shalt  }
0x5f: {  	_ =	shalt  }
0x60: {  	_ =	shalt  }
0x61: {  	_ =	shalt  }
0x62: {  	_ =	shalt  }
0x63: {  	_ =	shalt  }
0x64: {  	_ =	shalt  }
0x65: {  	_ =	shalt  }
0x66: {  	_ =	shalt  }
0x67: {  	_ =	shalt  }
0x68: {  	_ =	shalt  }
0x69: {  	_ =	shalt  }
0x6a: {  	_ =	shalt  }
0x6b: {  	_ =	shalt  }
0x6c: {  	_ =	shalt  }
0x6d: {  	_ =	shalt  }
0x6e: {  	_ =	shalt  }
0x6f: {  	_ =	shalt  }
0x70: {  	_ =	shalt  }
0x71: {  	_ =	shalt  }
0x72: {  	_ =	shalt  }
0x73: {  	_ =	shalt  }
0x74: {  	_ =	shalt  }
0x75: {  	_ =	shalt  }
0x76: {  	_ =	shalt  }
0x77: {  	_ =	shalt  }
0x78: {  	_ =	shalt  }
0x79: {  	_ =	shalt  }
0x7a: {  	_ =	shalt  }
0x7b: {  	_ =	shalt  }
0x7c: {  	_ =	shalt  }
0x7d: {  	_ =	shalt  }
0x7e: {  	_ =	shalt  }
0x7f: {  	_ =	shalt  }
0x80: {  	_ =	shalt  }
0x81: {  	_ =	shalt  }
0x82: {  	_ =	shalt  }
0x83: {  	_ =	shalt  }
0x84: {  	_ =	shalt  }
0x85: {  	_ =	shalt  }
0x86: {  	_ =	shalt  }
0x87: {  	_ =	shalt  }
.Lfunc_end0:
.L_simem_size_0:
called_computation_lowered:
.L_overlay_start_0:
0x88: {  	s2 =	sld [smem:$0x3FD9]  }
0x89: {  	s3 =	sld [smem:$0x3FFE];
	_ =	sdelay $0x1  }
0x8a: {  	s1 =	srdreg.scid  }
0x8b: {  	s0 =	sand.u32 $0x1, s1  }
0x8c: {  	s18 =	sshll.u32 s0, $0xA;
	s2 =	sadd.s32 s3, s2  }
0x8d: {  	s2 =	sadd.s32 s2, s18  }
0x8e: {  	[smem:$0x3FC6] =	sst s2  }
0x8f: {  	_ = 	snop  }
0x90: {  	s2 =	sld [smem:$0x3FC9]  }
0x91: {  	s19 =	sld [smem:$0x3FC8]  }
0x92: {  	s4 =	sld [smem:$0x3FD0];
	(tm) =	ssettm $0x1  }
0x93: {  	s5 =	sld [smem:$0x3FFB];
	_ =	sdelay $0x3  }
0x94: {  	_ =	strace s5  }
0x95: {  	s5 =	sld [smem:$0x3FFC];
	_ =	sdelay $0x3  }
0x96: {  	_ =	strace s5  }
0x97: {  	s5 =	sld [smem:$0x3FFD];
	_ =	sdelay $0x3  }
0x98: {  	_ =	strace s5  }
0x99: {  	_ =	strace $0x8FFFFFFF  }
0x9a: {  	s20 =	sld [smem:$0x3FDB];
	_ =	sdelay $0x1  }
0x9b: {  	s6 =	simm.s32 $_scs_section_size  }
0x9c: {  	s7 =	simm.s32 $_size__tile_overlayer_lowered;
	s8 =	simm.s32 $_tile_overlayer_lowered  }
0x9d: {  	s23 =	simm.s32 $0x1BFF;
	s22 =	sshll.u32 s8, $0x1;
	s5 =	sadd.s32 s6, s20  }
0x9e: {  	s9 =	simm.s32 $0x0;
	s21 =	sshll.u32 s7, $0x1;
	s7 =	sadd.s32 s22, s5  }
0x9f: {  	[timem:s9], [sflag:s23] =	dma.local [hbm:s7], s21  }
0xa0: {  	_ =	swait.ge [sflag:s23], s21  }
0xa1: {  	s6 =	ssub.s32 $0x0, s21;
	[sflag:s23] =	ssyncset.done $0x0  }
0xa2: {  	[sflag:s23] =	ssyncadd.s32 s6;
	_ =	sdelay $0x1  }
0xa3: {  	s24 =	simm.s32 $0x1B8B  }
0xa4: {  	_ =	swait.ge [sflag:s24], $0x1  }
0xa5: {  	[sflag:s24] =	ssyncset.done $0x0  }
0xa6: {  	s25 =	simm.s32 $0x1B8E;
	[sflag:s24] =	ssyncadd.s32 $0xFFFFFFFF  }
0xa7: {  	s26 =	simm.s32 $execute0_lowered;
	[smem:$0x3FD2] =	sst s25  }
0xa8: {  	s6 =	sshll.u32 s26, $0x1;
	_ =	strace $0x80000046;
	[dreg:$0x1] =	wrdreg $0xFFFFFFFF  }
0xa9: {  	s28 =	simm.s32 $_size_execute0_lowered;
	s5 =	sadd.s32 s5, s6;
	[dreg:$0x0] =	wrdreg $0x0  }
0xaa: {  	s6 =	sshll.u32 s28, $0x1;
	[dreg:$0x2] =	wrdreg s5  }
0xab: {  	[dreg:$0x3] =	wrdreg s6  }
0xac: {  	[dreg:$0x4] =	wrdreg $0xC0  }
0xad: {  	_ =	task [dreg:s9], $0x5FFFF  }
0xae: {  	[dreg:$0x1] =	wrdreg $0xFFFFFFFF  }
0xaf: {  	[dreg:$0x0] =	wrdreg $0x60  }
0xb0: {  	[dreg:$0x2] =	wrdreg s2  }
0xb1: {  	[dreg:$0x3] =	wrdreg s19  }
0xb2: {  	[dreg:$0x4] =	wrdreg s4  }
0xb3: {  	[dreg:$0x5] =	wrdreg $0x9  }
0xb4: {  	_ =	task.clear_ibuf [dreg:s9], $0x6FFFF;
	_ =	strace $0x90000046  }
0xb5: {  	s29 =	simm.s32 $0x9;
	_ =	strace $0x80000048  }
0xb6: {  	_ =	swait.ge [sflag:s29], $0x1  }
0xb7: {  	[sflag:s29] =	ssyncadd.s32 $0xFFFFFFFF  }
0xb8: {  	_ =	strace $0x90000048  }
0xb9: {  	_ =	sfence  }
0xba: {  	s30 =	sld [smem:$0x0];
	_ =	sdelay $0x2  }
0xbb: {  	s31 =	sshll.u32 s1, $0xD;
	s1 =	sshrl.u32 s1, $0x2  }
0xbc: {  	s3 =	sand.u32 $0x4000, s31;
	s1 =	sadd.s32 s1, s30  }
0xbd: {  	s0 =	sor.u32 s3, s0;
	s1 =	sshll.u32 s1, $0x11  }
0xbe: {  	s0 =	sor.u32 s1, s0  }
0xbf: {  	s0 =	sadd.s32 $0x8F2B, s0  }
0xc0: {  	[sflag:s0] =	ssyncadd.remote.s32 $0x1  }
0xc1: {  	_ =	sfence.sel $0xFFFF  }
0xc2: {  	[dreg:$0x0] =	wrdreg $0xFFFFFFFF;
	(pc) =	sbr.abs _section_cstart, $3  }
0xc3: {  	[dreg:$0x1] =	wrdreg $0xFFFFFFFF  }
0xc4: {  	_ =	task.clear_ibuf [dreg:s9], $0x2FFFF;
	_ =	strace $0x9FFFFFFF  }
0xc5: {  	(tm) =	ssettm $0x7FFFFFFF  }
tec
execute0_lowered:
.L_overlay_start_1:
0x0: {  	(tag) =	ssettag $0x1  }
0x1: {  	s0 =	rddreg [dreg:$0x0];
	s1 =	srdreg.scid  }
0x2: {  	s7 =	stileid.u32;
	s2 =	rddreg [dreg:$0x1]  }
0x3: {  	s8 =	rddreg [dreg:$0x2];
	s1 =	sand.u32 $0x1, s1;
	s13 =	smul.u32 $0x320000, s7  }
0x4: {  	s4 =	simm.s32 $0x0;
	s3 =	sshll.u32 s7, $0x1;
	s10 =	smul.u32 $0x320, s1  }
0x5: {  	s3 =	sor.u32 s1, s3;
	s5 =	ssub.s32 $0x2, s1;
	s1 =	smul.u32 $0x190000, s1  }
0x6: {  	[smem:$0x7FF] =	sst s4;
	s3 =	smul.u32 $0x3200, s3  }
0x7: {  	_ =	strace $0x80000047;
	s6 =	sshrl.u32 s5, $0x1;
	s1 =	sadd.s32 s1, s13  }
0x8: {  	s25 =	ssub.s32 s5, s6;
	s9 =	sadd.s32 s0, s3;
	[dreg:$0x4] =	wrdreg s1  }
0x9: {  	s0 =	smax.u32 s25, $0x1;
	[dreg:$0x5] =	wrdreg s9  }
0xa: {  	s3 =	sadd.s32 $0x500, s9;
	[dreg:$0x10] =	wrdreg s0  }
0xb: {  	s30 =	simm.s32 $0x80;
	s29 =	sadd.s32 $0xA00, s9;
	[dreg:$0x6] =	wrdreg s3  }
0xc: {  	s31 =	simm.s32 $0x5000;
	s6 =	sadd.s32 $0xF00, s9;
	[dreg:$0x7] =	wrdreg s29  }
0xd: {  	s28 =	simm.s32 $0x9;
	s11 =	sadd.s32 $0x1400, s9;
	[dreg:$0x8] =	wrdreg s6  }
0xe: {  	s26 =	smul.u32 $0x640, s7;
	s12 =	sadd.s32 $0x1900, s9;
	[dreg:$0x9] =	wrdreg s11  }
0xf: {  	s7 =	simm.s32 $0xD000;
	s14 =	sadd.s32 $0x1E00, s9;
	[dreg:$0xa] =	wrdreg s12  }
0x10: {  	s5 =	simm.s32 $0x8;
	s15 =	sadd.s32 $0x2300, s9;
	[dreg:$0xb] =	wrdreg s14  }
0x11: {  	s16 =	sadd.s32 $0x2800, s9;
	s3 =	sadd.s32 s10, s26;
	[dreg:$0xc] =	wrdreg s15  }
0x12: {  	s17 =	sadd.s32 $0x2D00, s9;
	[dreg:$0xd] =	wrdreg s16;
	s14 =	sshll.u32 s3, $0xB  }
0x13: {  	s13 =	simm.s32 $0x0;
	[dreg:$0xe] =	wrdreg s17;
	s18 =	sadd.s32 s8, s14  }
0x14: {  	s1 =	simm.s32 $0x9000;
	s19 =	sadd.s32 $0x2A000, s18;
	[dreg:$0xf] =	wrdreg s18  }
0x15: {  	s0 =	simm.s32 $0x1;
	s20 =	sadd.s32 $0x52000, s18;
	[dreg:$0x11] =	wrdreg s19  }
0x16: {  	s9 =	simm.s32 $0x11000;
	s21 =	sadd.s32 $0x7A000, s18;
	[dreg:$0x12] =	wrdreg s20  }
0x17: {  	s6 =	simm.s32 $0x3;
	s22 =	sadd.s32 $0xA2000, s18;
	[dreg:$0x13] =	wrdreg s21  }
0x18: {  	s10 =	simm.s32 $0x5;
	s23 =	sadd.s32 $0xCA000, s18;
	[dreg:$0x14] =	wrdreg s22  }
0x19: {  	s11 =	simm.s32 $0x15000;
	s24 =	sadd.s32 $0xF2000, s18;
	[dreg:$0x15] =	wrdreg s23  }
0x1a: {  	s15 =	simm.s32 $0x7;
	s25 =	sadd.s32 $0x11A000, s18;
	[dreg:$0x16] =	wrdreg s24  }
0x1b: {  	s17 =	simm.s32 $0xA;
	s26 =	sadd.s32 $0x142000, s18;
	[dreg:$0x17] =	wrdreg s25  }
0x1c: {  	s3 =	simm.s32 $0x2;
	s29 =	sadd.s32 $0x16A000, s18;
	[dreg:$0x18] =	wrdreg s26  }
0x1d: {  	s8 =	simm.s32 $0x4;
	[dreg:$0x19] =	wrdreg s29;
	s23 =	simm.s32 $0x2800  }
.LBB2_1:
0x1e: {  	[dreg:$0x1a] =	wrdreg s13  }
0x1f: {  	s12 =	rddreg [dreg:$0x5];
	s20 =	simm.s32 $0xD  }
0x20: {  	[tilespmem:s4], [sflag:$0xD] =	stream.linear.gather [hbm4b:s12+s4], $0x2800, $0x38;
	[tilespmem:$0x19000] =	vst v63  }
0x21: {  	_ =	swait.ge [sflag:s20], $0x2800  }
0x22: {  	[sflag:s20] =	ssyncset.done $0x0  }
0x23: {  	s21 =	rddreg [dreg:$0x6];
	[sflag:s20] =	ssyncadd.s32 $0xFFFFD800  }
0x24: {  	[tilespmem:s23], [sflag:$0xC] =	stream.linear.gather [hbm4b:s21+s4], $0x2800, $0x38;
	[tilespmem:$0x19000] =	vst v63  }
0x25: {  	p1 =	por $0x1, $0x1  }
0x26: {  	[tilespmem:s31], [sflag:$0x1] =	stream.indirect.gather [hbm4b:s2+s30], $0x80, s4, s30, $0xb8;
	[tilespmem:$0x19000] =	vst v63  }
0x27: {  	s16 =	simm.s32 @!p1 $0x8  }
0x28: {  	[tilespmem:s1], [sflag:$0x2] =	stream.indirect.gather [hbm4b:s2+s30], $0x80, s30, s30, $0xb8;
	[tilespmem:$0x19000] =	vst v63  }
0x29: {  	_ =	swait.ge @!p1 [sflag:s16], $0x4000  }
0x2a: {  	p0 =	por $0x0, $0x0;
	s18 =	simm.s32 @!p1 $0xD000;
	[sflag:s16] =	ssyncset.done @!p1 $0x0  }
0x2b: {  	s19 =	simm.s32 @!p1 $0x100;
	s20 =	simm.s32 @!p1 $0x80;
	[sflag:s16] =	ssyncadd.s32 @!p1 $0xFFFFC000  }
0x2c: {  	[tilespmem:s18], [sflag:$0x3] =	stream.indirect.gather @!p1 [hbm4b:s2+s20], $0x80, s19, s20, $0xb8;
	[tilespmem:$0x19000] =	vst v63  }
0x2d: {  	s16 =	simm.s32 @!p0 $0x80;
	s18 =	simm.s32 @!p0 $0x100;
	s19 =	simm.s32 @!p0 $0xD000  }
0x2e: {  	[tilespmem:s19], [sflag:$0x3] =	stream.indirect.gather @!p0 [hbm4b:s2+s16], $0x80, s18, s16, $0xb8;
	[tilespmem:$0x19000] =	vst v63  }
0x2f: {  	_ =	swait.ge [sflag:s0], $0x4000  }
0x30: {  	[sflag:s0] =	ssyncset.done $0x0  }
0x31: {  	s22 =	rddreg [dreg:$0x4];
	[sflag:s0] =	ssyncadd.s32 $0xFFFFC000  }
0x32: {  	p1 =	por $0x1, $0x1;
	s23 =	rddreg [dreg:$0x2]  }
0x33: {  	s19 =	simm.s32 @!p1 $0x9;
	s18 =	sadd.s32 s23, s22  }
0x34: {  	[hbm4b:s18+s4] =	stream.linear.scatter [tilespmem:s31], [sflag:$0x6], $0x4000, $0x38;
	[tilespmem:$0x19000] =	vst v63  }
0x35: {  	_ =	swait.ge @!p1 [sflag:s19], $0x4000  }
0x36: {  	s20 =	simm.s32 @!p1 $0x80;
	[sflag:s19] =	ssyncset.done @!p1 $0x0  }
0x37: {  	s21 =	simm.s32 @!p1 $0x11000;
	s18 =	simm.s32 @!p1 $0x180;
	[sflag:s19] =	ssyncadd.s32 @!p1 $0xFFFFC000  }
0x38: {  	[tilespmem:s21], [sflag:$0x4] =	stream.indirect.gather @!p1 [hbm4b:s2+s20], $0x80, s18, s20, $0xb8;
	[tilespmem:$0x19000] =	vst v63  }
0x39: {  	s19 =	simm.s32 @!p0 $0x11000;
	s18 =	simm.s32 @!p0 $0x180  }
0x3a: {  	[tilespmem:s19], [sflag:$0x4] =	stream.indirect.gather @!p0 [hbm4b:s2+s16], $0x80, s18, s16, $0xb8;
	[tilespmem:$0x19000] =	vst v63  }
0x3b: {  	_ =	swait.ge [sflag:s3], $0x4000  }
0x3c: {  	p1 =	por $0x1, $0x1;
	[sflag:s3] =	ssyncset.done $0x0;
	s24 =	rddreg [dreg:$0xf]  }
0x3d: {  	s19 =	simm.s32 @!p1 $0xA;
	s25 =	sadd.s32 $0x800, s24;
	[sflag:s3] =	ssyncadd.s32 $0xFFFFC000  }
0x3e: {  	[hbm4b:s25+s4] =	stream.linear.scatter [tilespmem:s1], [sflag:$0x7], $0x4000, $0x38;
	[tilespmem:$0x19000] =	vst v63  }
0x3f: {  	_ =	swait.ge @!p1 [sflag:s19], $0x4000  }
0x40: {  	s20 =	simm.s32 @!p1 $0x80;
	[sflag:s19] =	ssyncset.done @!p1 $0x0  }
0x41: {  	s21 =	simm.s32 @!p1 $0x15000;
	s18 =	simm.s32 @!p1 $0x200;
	[sflag:s19] =	ssyncadd.s32 @!p1 $0xFFFFC000  }
0x42: {  	[tilespmem:s21], [sflag:$0x5] =	stream.indirect.gather @!p1 [hbm4b:s2+s20], $0x80, s18, s20, $0xb8;
	[tilespmem:$0x19000] =	vst v63  }
0x43: {  	s19 =	simm.s32 @!p0 $0x15000;
	s18 =	simm.s32 @!p0 $0x200  }
0x44: {  	[tilespmem:s19], [sflag:$0x5] =	stream.indirect.gather @!p0 [hbm4b:s2+s16], $0x80, s18, s16, $0xb8;
	[tilespmem:$0x19000] =	vst v63  }
0x45: {  	_ =	swait.ge [sflag:s6], $0x4000  }
0x46: {  	p0 =	por $0x0, $0x0;
	[sflag:s6] =	ssyncset.done $0x0  }
0x47: {  	s26 =	sadd.s32 $0x1000, s24;
	s18 =	simm.s32 @!p0 $0x6;
	[sflag:s6] =	ssyncadd.s32 $0xFFFFC000  }
0x48: {  	[hbm4b:s26+s4] =	stream.linear.scatter [tilespmem:s7], [sflag:$0x8], $0x4000, $0x38;
	[tilespmem:$0x19000] =	vst v63  }
0x49: {  	_ =	swait.ge @!p0 [sflag:s18], $0x4000  }
0x4a: {  	s16 =	simm.s32 @!p0 $0x280;
	[sflag:s18] =	ssyncset.done @!p0 $0x0  }
0x4b: {  	s19 =	simm.s32 @!p0 $0x80;
	s20 =	simm.s32 @!p0 $0x5000;
	[sflag:s18] =	ssyncadd.s32 @!p0 $0xFFFFC000  }
0x4c: {  	[tilespmem:s20], [sflag:$0x1] =	stream.indirect.gather @!p0 [hbm4b:s2+s19], $0x80, s16, s19, $0xb8;
	[tilespmem:$0x19000] =	vst v63  }
0x4d: {  	_ =	swait.ge [sflag:s8], $0x4000  }
0x4e: {  	[sflag:s8] =	ssyncset.done $0x0  }
0x4f: {  	s29 =	sadd.s32 $0x1800, s24;
	s20 =	simm.s32 @!p0 $0x7;
	[sflag:s8] =	ssyncadd.s32 $0xFFFFC000  }
0x50: {  	[hbm4b:s29+s4] =	stream.linear.scatter [tilespmem:s9], [sflag:$0x9], $0x4000, $0x38;
	[tilespmem:$0x19000] =	vst v63  }
0x51: {  	_ =	swait.ge @!p0 [sflag:s20], $0x4000  }
0x52: {  	p2 =	por $0x0, $0x0;
	[sflag:s20] =	ssyncset.done @!p0 $0x0  }
0x53: {  	s21 =	simm.s32 @!p0 $0x9000;
	s16 =	simm.s32 @!p0 $0x300;
	[sflag:s20] =	ssyncadd.s32 @!p0 $0xFFFFC000  }
0x54: {  	[tilespmem:s21], [sflag:$0x2] =	stream.indirect.gather @!p0 [hbm4b:s2+s19], $0x80, s16, s19, $0xb8;
	[tilespmem:$0x19000] =	vst v63  }
0x55: {  	s18 =	simm.s32 $0xA00;
	s20 =	sadd.s32 $0x2800, s23;
	s21 =	simm.s32 $0x1400  }
0x56: {  	s16 =	sadd.s32 $0x2000, s24;
	s19 =	simm.s32 $0x2;
	_ =	swait.ge [sflag:s10], $0x4000  }
.LBB2_2:
0x57: {  	[sflag:s10] =	ssyncset.done $0x0  }
0x58: {  	s23 =	simm.s32 @!p2 $0x8;
	[sflag:s10] =	ssyncadd.s32 $0xFFFFC000  }
0x59: {  	[hbm4b:s16+s4] =	stream.linear.scatter [tilespmem:s11], [sflag:$0xA], $0x4000, $0x38;
	[tilespmem:$0x19000] =	vst v63  }
0x5a: {  	s24 =	simm.s32 @!p2 $0xD000;
	_ =	swait.ge @!p2 [sflag:s23], $0x4000  }
0x5b: {  	s25 =	simm.s32 @!p2 $0x80;
	s16 =	sshra.s32 @!p2 s18, $0x2;
	[sflag:s23] =	ssyncset.done @!p2 $0x0  }
0x5c: {  	p1 =	sne.s32 s18, $0x0;
	s16 =	sadd.s32 @!p2 $0x100, s16;
	[sflag:s23] =	ssyncadd.s32 @!p2 $0xFFFFC000  }
0x5d: {  	[tilespmem:s24], [sflag:$0x3] =	stream.indirect.gather @!p2 [hbm4b:s2+s25], $0x80, s16, s25, $0xb8;
	[tilespmem:$0x19000] =	vst v63  }
0x5e: {  	s23 =	simm.s32 @!p1 $0x80;
	s16 =	simm.s32 @!p1 $0x100;
	s24 =	simm.s32 @!p1 $0xD000  }
0x5f: {  	[tilespmem:s24], [sflag:$0x3] =	stream.indirect.gather @!p1 [hbm4b:s2+s23], $0x80, s16, s23, $0xb8;
	[tilespmem:$0x19000] =	vst v63  }
0x60: {  	s29 =	sadd.s32 $0x1, s19;
	_ =	swait.ge [sflag:s0], $0x4000  }
0x61: {  	p2 =	sgt.u32 s29, $0x4A;
	s26 =	rddreg [dreg:$0x4];
	[sflag:s0] =	ssyncset.done $0x0  }
0x62: {  	s24 =	simm.s32 @!p2 $0x9;
	[sflag:s0] =	ssyncadd.s32 $0xFFFFC000;
	s16 =	sadd.s32 s20, s26  }
0x63: {  	[hbm4b:s16+s4] =	stream.linear.scatter [tilespmem:s31], [sflag:$0x6], $0x4000, $0x38;
	[tilespmem:$0x19000] =	vst v63  }
0x64: {  	_ =	swait.ge @!p2 [sflag:s24], $0x4000  }
0x65: {  	s25 =	sshra.s32 @!p2 s18, $0x2;
	s26 =	simm.s32 @!p2 $0x11000;
	[sflag:s24] =	ssyncset.done @!p2 $0x0  }
0x66: {  	s16 =	sadd.s32 @!p2 $0x180, s25;
	s25 =	simm.s32 @!p2 $0x80;
	[sflag:s24] =	ssyncadd.s32 @!p2 $0xFFFFC000  }
0x67: {  	[tilespmem:s26], [sflag:$0x4] =	stream.indirect.gather @!p2 [hbm4b:s2+s25], $0x80, s16, s25, $0xb8;
	[tilespmem:$0x19000] =	vst v63  }
0x68: {  	s24 =	simm.s32 @!p1 $0x180;
	s16 =	simm.s32 @!p1 $0x11000  }
0x69: {  	[tilespmem:s16], [sflag:$0x4] =	stream.indirect.gather @!p1 [hbm4b:s2+s23], $0x80, s24, s23, $0xb8;
	[tilespmem:$0x19000] =	vst v63  }
0x6a: {  	s12 =	sadd.s32 $0x2, s19;
	_ =	swait.ge [sflag:s3], $0x4000  }
0x6b: {  	p2 =	sgt.u32 s12, $0x4A;
	s24 =	sadd.s32 s20, s14;
	[sflag:s3] =	ssyncset.done $0x0  }
0x6c: {  	s26 =	simm.s32 @!p2 $0xA;
	s13 =	sadd.s32 $0x800, s24;
	[sflag:s3] =	ssyncadd.s32 $0xFFFFC000  }
0x6d: {  	[hbm4b:s13+s4] =	stream.linear.scatter [tilespmem:s1], [sflag:$0x7], $0x4000, $0x38;
	[tilespmem:$0x19000] =	vst v63  }
0x6e: {  	_ =	swait.ge @!p2 [sflag:s26], $0x4000  }
0x6f: {  	s29 =	simm.s32 @!p2 $0x80;
	s16 =	sshra.s32 @!p2 s18, $0x2;
	[sflag:s26] =	ssyncset.done @!p2 $0x0  }
0x70: {  	s12 =	simm.s32 @!p2 $0x15000;
	s25 =	sadd.s32 @!p2 $0x200, s16;
	[sflag:s26] =	ssyncadd.s32 @!p2 $0xFFFFC000  }
0x71: {  	[tilespmem:s12], [sflag:$0x5] =	stream.indirect.gather @!p2 [hbm4b:s2+s29], $0x80, s25, s29, $0xb8;
	[tilespmem:$0x19000] =	vst v63  }
0x72: {  	s13 =	simm.s32 @!p1 $0x15000;
	s26 =	simm.s32 @!p1 $0x200  }
0x73: {  	[tilespmem:s13], [sflag:$0x5] =	stream.indirect.gather @!p1 [hbm4b:s2+s23], $0x80, s26, s23, $0xb8;
	[tilespmem:$0x19000] =	vst v63  }
0x74: {  	_ =	swait.ge [sflag:s6], $0x4000  }
0x75: {  	p1 =	seq.s32 s18, $0x9600;
	[sflag:s6] =	ssyncset.done $0x0  }
0x76: {  	s26 =	sadd.s32 $0x1000, s24;
	s13 =	simm.s32 @!p1 $0x6;
	[sflag:s6] =	ssyncadd.s32 $0xFFFFC000  }
0x77: {  	[hbm4b:s26+s4] =	stream.linear.scatter [tilespmem:s7], [sflag:$0x8], $0x4000, $0x38;
	[tilespmem:$0x19000] =	vst v63  }
0x78: {  	_ =	swait.ge @!p1 [sflag:s13], $0x4000  }
0x79: {  	s18 =	sshra.s32 @!p1 s18, $0x2;
	s25 =	simm.s32 @!p1 $0x80;
	[sflag:s13] =	ssyncset.done @!p1 $0x0  }
0x7a: {  	s12 =	sadd.s32 @!p1 $0x280, s18;
	s26 =	simm.s32 @!p1 $0x5000;
	[sflag:s13] =	ssyncadd.s32 @!p1 $0xFFFFC000  }
0x7b: {  	[tilespmem:s26], [sflag:$0x1] =	stream.indirect.gather @!p1 [hbm4b:s2+s25], $0x80, s12, s25, $0xb8;
	[tilespmem:$0x19000] =	vst v63  }
0x7c: {  	s22 =	smov.u32 s21;
	s21 =	sadd.s32 $0xA00, s21;
	_ =	swait.ge [sflag:s8], $0x4000  }
0x7d: {  	p0 =	sne.s32 s21, $0xA000;
	[sflag:s8] =	ssyncset.done $0x0  }
0x7e: {  	s29 =	sadd.s32 $0x1800, s24;
	s13 =	simm.s32 @!p1 $0x7;
	[sflag:s8] =	ssyncadd.s32 $0xFFFFC000  }
0x7f: {  	[hbm4b:s29+s4] =	stream.linear.scatter [tilespmem:s9], [sflag:$0x9], $0x4000, $0x38;
	[tilespmem:$0x19000] =	vst v63  }
.Ltmp0:
0x80: {  	s19 =	sadd.s32 $0x5, s19;
	_ =	swait.ge @!p1 [sflag:s13], $0x4000;
	(pc) =	sbr.rel @p0 .LBB2_2-.Ltmp0, $4  }
0x81: {  	s20 =	sadd.s32 $0x2800, s20;
	s16 =	sadd.s32 $0x2000, s24;
	[sflag:s13] =	ssyncset.done @!p1 $0x0  }
0x82: {  	s23 =	sadd.s32 @!p1 $0x300, s18;
	s12 =	simm.s32 @!p1 $0x9000;
	[sflag:s13] =	ssyncadd.s32 @!p1 $0xFFFFC000  }
0x83: {  	[tilespmem:s12], [sflag:$0x2] =	stream.indirect.gather @!p1 [hbm4b:s2+s25], $0x80, s23, s25, $0xb8;
	[tilespmem:$0x19000] =	vst v63  }
0x84: {  	p2 =	sgt.u32 s19, $0x4A;
	s18 =	smov.u32 s22;
	_ =	swait.ge [sflag:s10], $0x4000  }
0x85: {  	[sflag:s10] =	ssyncset.done $0x0  }
0x86: {  	s12 =	simm.s32 @!p2 $0x8;
	[sflag:s10] =	ssyncadd.s32 $0xFFFFC000  }
0x87: {  	[hbm4b:s16+s4] =	stream.linear.scatter [tilespmem:s11], [sflag:$0xA], $0x4000, $0x38;
	[tilespmem:$0x19000] =	vst v63  }
0x88: {  	s13 =	sshra.s32 @!p2 s18, $0x2;
	_ =	swait.ge @!p2 [sflag:s12], $0x4000  }
0x89: {  	s21 =	simm.s32 @!p2 $0x80;
	p0 =	sne.s32 s18, $0x0;
	[sflag:s12] =	ssyncset.done @!p2 $0x0  }
0x8a: {  	s13 =	sadd.s32 @!p2 $0x100, s13;
	s16 =	simm.s32 @!p2 $0xD000;
	[sflag:s12] =	ssyncadd.s32 @!p2 $0xFFFFC000  }
0x8b: {  	[tilespmem:s16], [sflag:$0x3] =	stream.indirect.gather @!p2 [hbm4b:s2+s21], $0x80, s13, s21, $0xb8;
	[tilespmem:$0x19000] =	vst v63  }
0x8c: {  	s12 =	simm.s32 @!p0 $0x80;
	s13 =	simm.s32 @!p0 $0x100;
	s16 =	simm.s32 @!p0 $0xD000  }
0x8d: {  	[tilespmem:s16], [sflag:$0x3] =	stream.indirect.gather @!p0 [hbm4b:s2+s12], $0x80, s13, s12, $0xb8;
	[tilespmem:$0x19000] =	vst v63  }
0x8e: {  	s29 =	sadd.s32 $0x1, s19;
	_ =	swait.ge [sflag:s0], $0x4000  }
0x8f: {  	p1 =	sgt.u32 s29, $0x4A;
	s26 =	rddreg [dreg:$0x4];
	[sflag:s0] =	ssyncset.done $0x0  }
0x90: {  	s16 =	simm.s32 @!p1 $0x9;
	[sflag:s0] =	ssyncadd.s32 $0xFFFFC000;
	s13 =	sadd.s32 s20, s26  }
0x91: {  	[hbm4b:s13+s4] =	stream.linear.scatter [tilespmem:s31], [sflag:$0x6], $0x4000, $0x38;
	[tilespmem:$0x19000] =	vst v63  }
0x92: {  	_ =	swait.ge @!p1 [sflag:s16], $0x4000  }
0x93: {  	s21 =	simm.s32 @!p1 $0x80;
	s13 =	sshra.s32 @!p1 s18, $0x2;
	[sflag:s16] =	ssyncset.done @!p1 $0x0  }
0x94: {  	s13 =	sadd.s32 @!p1 $0x180, s13;
	[sflag:s16] =	ssyncadd.s32 @!p1 $0xFFFFC000;
	s16 =	simm.s32 @!p1 $0x11000  }
0x95: {  	[tilespmem:s16], [sflag:$0x4] =	stream.indirect.gather @!p1 [hbm4b:s2+s21], $0x80, s13, s21, $0xb8;
	[tilespmem:$0x19000] =	vst v63  }
0x96: {  	s13 =	simm.s32 @!p0 $0x180;
	s16 =	simm.s32 @!p0 $0x11000  }
0x97: {  	[tilespmem:s16], [sflag:$0x4] =	stream.indirect.gather @!p0 [hbm4b:s2+s12], $0x80, s13, s12, $0xb8;
	[tilespmem:$0x19000] =	vst v63  }
0x98: {  	s19 =	sadd.s32 $0x2, s19;
	_ =	swait.ge [sflag:s3], $0x4000  }
0x99: {  	s21 =	sadd.s32 s20, s14;
	p1 =	sgt.u32 s19, $0x4A;
	[sflag:s3] =	ssyncset.done $0x0  }
0x9a: {  	s22 =	sadd.s32 $0x800, s21;
	s19 =	simm.s32 @!p1 $0xA;
	[sflag:s3] =	ssyncadd.s32 $0xFFFFC000  }
0x9b: {  	[hbm4b:s22+s4] =	stream.linear.scatter [tilespmem:s1], [sflag:$0x7], $0x4000, $0x38;
	[tilespmem:$0x19000] =	vst v63  }
0x9c: {  	_ =	swait.ge @!p1 [sflag:s19], $0x4000  }
0x9d: {  	s20 =	simm.s32 @!p1 $0x80;
	s13 =	sshra.s32 @!p1 s18, $0x2;
	[sflag:s19] =	ssyncset.done @!p1 $0x0  }
0x9e: {  	s13 =	sadd.s32 @!p1 $0x200, s13;
	[sflag:s19] =	ssyncadd.s32 @!p1 $0xFFFFC000;
	s19 =	simm.s32 @!p1 $0x15000  }
0x9f: {  	[tilespmem:s19], [sflag:$0x5] =	stream.indirect.gather @!p1 [hbm4b:s2+s20], $0x80, s13, s20, $0xb8;
	[tilespmem:$0x19000] =	vst v63  }
0xa0: {  	s13 =	simm.s32 @!p0 $0x200;
	s19 =	simm.s32 @!p0 $0x15000  }
0xa1: {  	[tilespmem:s19], [sflag:$0x5] =	stream.indirect.gather @!p0 [hbm4b:s2+s12], $0x80, s13, s12, $0xb8;
	[tilespmem:$0x19000] =	vst v63  }
0xa2: {  	_ =	swait.ge [sflag:s6], $0x4000  }
0xa3: {  	p0 =	seq.s32 s18, $0x9600;
	[sflag:s6] =	ssyncset.done $0x0  }
0xa4: {  	s23 =	sadd.s32 $0x1000, s21;
	s13 =	simm.s32 @!p0 $0x6;
	[sflag:s6] =	ssyncadd.s32 $0xFFFFC000  }
0xa5: {  	[hbm4b:s23+s4] =	stream.linear.scatter [tilespmem:s7], [sflag:$0x8], $0x4000, $0x38;
	[tilespmem:$0x19000] =	vst v63  }
0xa6: {  	_ =	swait.ge @!p0 [sflag:s13], $0x4000  }
0xa7: {  	s12 =	sshra.s32 @!p0 s18, $0x2;
	s19 =	simm.s32 @!p0 $0x80;
	[sflag:s13] =	ssyncset.done @!p0 $0x0  }
0xa8: {  	s18 =	sadd.s32 @!p0 $0x280, s12;
	[sflag:s13] =	ssyncadd.s32 @!p0 $0xFFFFC000;
	s13 =	simm.s32 @!p0 $0x5000  }
0xa9: {  	[tilespmem:s13], [sflag:$0x1] =	stream.indirect.gather @!p0 [hbm4b:s2+s19], $0x80, s18, s19, $0xb8;
	[tilespmem:$0x19000] =	vst v63  }
0xaa: {  	_ =	swait.ge [sflag:s8], $0x4000  }
0xab: {  	[sflag:s8] =	ssyncset.done $0x0  }
0xac: {  	s24 =	sadd.s32 $0x1800, s21;
	s13 =	simm.s32 @!p0 $0x7;
	[sflag:s8] =	ssyncadd.s32 $0xFFFFC000  }
0xad: {  	[hbm4b:s24+s4] =	stream.linear.scatter [tilespmem:s9], [sflag:$0x9], $0x4000, $0x38;
	[tilespmem:$0x19000] =	vst v63  }
0xae: {  	_ =	swait.ge @!p0 [sflag:s13], $0x4000  }
0xaf: {  	[sflag:s13] =	ssyncset.done @!p0 $0x0  }
0xb0: {  	s12 =	sadd.s32 @!p0 $0x300, s12;
	[sflag:s13] =	ssyncadd.s32 @!p0 $0xFFFFC000;
	s13 =	simm.s32 @!p0 $0x9000  }
0xb1: {  	[tilespmem:s13], [sflag:$0x2] =	stream.indirect.gather @!p0 [hbm4b:s2+s19], $0x80, s12, s19, $0xb8;
	[tilespmem:$0x19000] =	vst v63  }
0xb2: {  	_ =	swait.ge [sflag:s10], $0x4000  }
0xb3: {  	[sflag:s10] =	ssyncset.done $0x0  }
0xb4: {  	s25 =	sadd.s32 $0x2000, s21;
	s24 =	simm.s32 $0xC;
	[sflag:s10] =	ssyncadd.s32 $0xFFFFC000  }
0xb5: {  	[hbm4b:s25+s4] =	stream.linear.scatter [tilespmem:s11], [sflag:$0xA], $0x4000, $0x38;
	[tilespmem:$0x19000] =	vst v63  }
0xb6: {  	_ =	swait.ge [sflag:s24], $0x2800  }
0xb7: {  	s26 =	simm.s32 $0x0;
	[sflag:s24] =	ssyncset.done $0x0  }
0xb8: {  	s25 =	simm.s32 $0x6;
	s29 =	rddreg [dreg:$0x7];
	[sflag:s24] =	ssyncadd.s32 $0xFFFFD800  }
0xb9: {  	[tilespmem:s26], [sflag:$0xB] =	stream.linear.gather [hbm4b:s29+s26], $0x2800, $0x38;
	[tilespmem:$0x19000] =	vst v63  }
0xba: {  	_ =	swait.ge [sflag:s25], $0x4000  }
0xbb: {  	[sflag:s25] =	ssyncset.done $0x0  }
0xbc: {  	s23 =	simm.s32 $0x2800;
	[sflag:s25] =	ssyncadd.s32 $0xFFFFC000  }
0xbd: {  	[tilespmem:s31], [sflag:$0x1] =	stream.indirect.gather [hbm4b:s2+s30], $0x80, s23, s30, $0xb8;
	[tilespmem:$0x19000] =	vst v63  }
0xbe: {  	_ =	swait.ge [sflag:s15], $0x4000  }
0xbf: {  	[sflag:s15] =	ssyncset.done $0x0  }
0xc0: {  	s26 =	simm.s32 $0x2880;
	[sflag:s15] =	ssyncadd.s32 $0xFFFFC000  }
0xc1: {  	[tilespmem:s1], [sflag:$0x2] =	stream.indirect.gather [hbm4b:s2+s30], $0x80, s26, s30, $0xb8;
	[tilespmem:$0x19000] =	vst v63  }
0xc2: {  	_ =	swait.ge [sflag:s5], $0x4000  }
0xc3: {  	[sflag:s5] =	ssyncset.done $0x0  }
0xc4: {  	s13 =	simm.s32 $0x2900;
	[sflag:s5] =	ssyncadd.s32 $0xFFFFC000  }
0xc5: {  	[tilespmem:s7], [sflag:$0x3] =	stream.indirect.gather [hbm4b:s2+s30], $0x80, s13, s30, $0xb8;
	[tilespmem:$0x19000] =	vst v63  }
0xc6: {  	_ =	swait.ge [sflag:s0], $0x4000  }
0xc7: {  	[sflag:s0] =	ssyncset.done $0x0;
	s20 =	rddreg [dreg:$0x11]  }
0xc8: {  	s16 =	sadd.s32 $0xFFFFE000, s20;
	[sflag:s0] =	ssyncadd.s32 $0xFFFFC000  }
0xc9: {  	[hbm4b:s16+s4] =	stream.linear.scatter [tilespmem:s31], [sflag:$0x6], $0x4000, $0x38;
	[tilespmem:$0x19000] =	vst v63  }
0xca: {  	_ =	swait.ge [sflag:s28], $0x4000  }
0xcb: {  	[sflag:s28] =	ssyncset.done $0x0  }
0xcc: {  	s18 =	simm.s32 $0x2980;
	[sflag:s28] =	ssyncadd.s32 $0xFFFFC000  }
0xcd: {  	[tilespmem:s9], [sflag:$0x4] =	stream.indirect.gather [hbm4b:s2+s30], $0x80, s18, s30, $0xb8;
	[tilespmem:$0x19000] =	vst v63  }
0xce: {  	_ =	swait.ge [sflag:s3], $0x4000  }
0xcf: {  	[sflag:s3] =	ssyncset.done $0x0  }
0xd0: {  	s19 =	sadd.s32 $0xFFFFE800, s20;
	[sflag:s3] =	ssyncadd.s32 $0xFFFFC000  }
0xd1: {  	[hbm4b:s19+s4] =	stream.linear.scatter [tilespmem:s1], [sflag:$0x7], $0x4000, $0x38;
	[tilespmem:$0x19000] =	vst v63  }
0xd2: {  	_ =	swait.ge [sflag:s17], $0x4000  }
0xd3: {  	[sflag:s17] =	ssyncset.done $0x0  }
0xd4: {  	s21 =	simm.s32 $0x2A00;
	[sflag:s17] =	ssyncadd.s32 $0xFFFFC000  }
0xd5: {  	[tilespmem:s11], [sflag:$0x5] =	stream.indirect.gather [hbm4b:s2+s30], $0x80, s21, s30, $0xb8;
	[tilespmem:$0x19000] =	vst v63  }
0xd6: {  	_ =	swait.ge [sflag:s6], $0x4000  }
0xd7: {  	p0 =	por $0x0, $0x0;
	[sflag:s6] =	ssyncset.done $0x0  }
0xd8: {  	s13 =	simm.s32 @!p0 $0x6;
	s22 =	sadd.s32 $0xFFFFF000, s20;
	[sflag:s6] =	ssyncadd.s32 $0xFFFFC000  }
0xd9: {  	[hbm4b:s22+s4] =	stream.linear.scatter [tilespmem:s7], [sflag:$0x8], $0x4000, $0x38;
	[tilespmem:$0x19000] =	vst v63  }
0xda: {  	_ =	swait.ge @!p0 [sflag:s13], $0x4000  }
0xdb: {  	s12 =	simm.s32 @!p0 $0x2A80;
	[sflag:s13] =	ssyncset.done @!p0 $0x0  }
0xdc: {  	s16 =	simm.s32 @!p0 $0x80;
	[sflag:s13] =	ssyncadd.s32 @!p0 $0xFFFFC000;
	s13 =	simm.s32 @!p0 $0x5000  }
0xdd: {  	[tilespmem:s13], [sflag:$0x1] =	stream.indirect.gather @!p0 [hbm4b:s2+s16], $0x80, s12, s16, $0xb8;
	[tilespmem:$0x19000] =	vst v63  }
0xde: {  	_ =	swait.ge [sflag:s8], $0x4000  }
0xdf: {  	[sflag:s8] =	ssyncset.done $0x0  }
0xe0: {  	s29 =	sadd.s32 $0xFFFFF800, s20;
	s13 =	simm.s32 @!p0 $0x7;
	[sflag:s8] =	ssyncadd.s32 $0xFFFFC000  }
0xe1: {  	[hbm4b:s29+s4] =	stream.linear.scatter [tilespmem:s9], [sflag:$0x9], $0x4000, $0x38;
	[tilespmem:$0x19000] =	vst v63  }
0xe2: {  	_ =	swait.ge @!p0 [sflag:s13], $0x4000  }
0xe3: {  	[sflag:s13] =	ssyncset.done @!p0 $0x0  }
0xe4: {  	s12 =	simm.s32 @!p0 $0x2B00;
	[sflag:s13] =	ssyncadd.s32 @!p0 $0xFFFFC000;
	s13 =	simm.s32 @!p0 $0x9000  }
0xe5: {  	[tilespmem:s13], [sflag:$0x2] =	stream.indirect.gather @!p0 [hbm4b:s2+s16], $0x80, s12, s16, $0xb8;
	[tilespmem:$0x19000] =	vst v63  }
0xe6: {  	_ =	swait.ge [sflag:s10], $0x4000  }
0xe7: {  	s18 =	simm.s32 $0xA00;
	s19 =	smov.u32 s20;
	[sflag:s10] =	ssyncset.done $0x0  }
.LBB2_4:
0xe8: {  	[sflag:s10] =	ssyncadd.s32 $0xFFFFC000  }
0xe9: {  	s19 =	sadd.s32 $0x2800, s19;
	s12 =	smov.u32 s18;
	s18 =	sadd.s32 $0xA00, s18  }
0xea: {  	[hbm4b:s20+s4] =	stream.linear.scatter [tilespmem:s11], [sflag:$0xA], $0x4000, $0x38;
	[tilespmem:$0x19000] =	vst v63  }
0xeb: {  	s13 =	sshra.s32 s12, $0x2;
	p0 =	sne.s32 s18, $0xA000;
	_ =	swait.ge [sflag:s5], $0x4000  }
0xec: {  	s20 =	smov.u32 s19;
	s16 =	sadd.s32 $0x2900, s13;
	[sflag:s5] =	ssyncset.done $0x0  }
0xed: {  	[sflag:s5] =	ssyncadd.s32 $0xFFFFC000  }
0xee: {  	[tilespmem:s7], [sflag:$0x3] =	stream.indirect.gather [hbm4b:s2+s30], $0x80, s16, s30, $0xb8;
	[tilespmem:$0x19000] =	vst v63  }
0xef: {  	_ =	swait.ge [sflag:s0], $0x4000  }
0xf0: {  	s16 =	sadd.s32 $0xFFFFE000, s19;
	[sflag:s0] =	ssyncset.done $0x0  }
0xf1: {  	[sflag:s0] =	ssyncadd.s32 $0xFFFFC000  }
0xf2: {  	[hbm4b:s16+s4] =	stream.linear.scatter [tilespmem:s31], [sflag:$0x6], $0x4000, $0x38;
	[tilespmem:$0x19000] =	vst v63  }
0xf3: {  	_ =	swait.ge [sflag:s28], $0x4000  }
0xf4: {  	s16 =	sadd.s32 $0x2980, s13;
	[sflag:s28] =	ssyncset.done $0x0  }
0xf5: {  	[sflag:s28] =	ssyncadd.s32 $0xFFFFC000  }
0xf6: {  	[tilespmem:s9], [sflag:$0x4] =	stream.indirect.gather [hbm4b:s2+s30], $0x80, s16, s30, $0xb8;
	[tilespmem:$0x19000] =	vst v63  }
0xf7: {  	_ =	swait.ge [sflag:s3], $0x4000  }
0xf8: {  	s16 =	sadd.s32 $0xFFFFE800, s19;
	[sflag:s3] =	ssyncset.done $0x0  }
0xf9: {  	[sflag:s3] =	ssyncadd.s32 $0xFFFFC000  }
0xfa: {  	[hbm4b:s16+s4] =	stream.linear.scatter [tilespmem:s1], [sflag:$0x7], $0x4000, $0x38;
	[tilespmem:$0x19000] =	vst v63  }
0xfb: {  	_ =	swait.ge [sflag:s17], $0x4000  }
0xfc: {  	s13 =	sadd.s32 $0x2A00, s13;
	[sflag:s17] =	ssyncset.done $0x0  }
0xfd: {  	[sflag:s17] =	ssyncadd.s32 $0xFFFFC000  }
0xfe: {  	[tilespmem:s11], [sflag:$0x5] =	stream.indirect.gather [hbm4b:s2+s30], $0x80, s13, s30, $0xb8;
	[tilespmem:$0x19000] =	vst v63  }
0xff: {  	_ =	swait.ge [sflag:s6], $0x4000  }
0x100: {  	p1 =	seq.s32 s12, $0x9600;
	s13 =	sadd.s32 $0xFFFFF000, s19;
	[sflag:s6] =	ssyncset.done $0x0  }
0x101: {  	s12 =	sshra.s32 @!p1 s12, $0x2;
	s16 =	simm.s32 @!p1 $0x6;
	[sflag:s6] =	ssyncadd.s32 $0xFFFFC000  }
0x102: {  	[hbm4b:s13+s4] =	stream.linear.scatter [tilespmem:s7], [sflag:$0x8], $0x4000, $0x38;
	[tilespmem:$0x19000] =	vst v63  }
0x103: {  	s13 =	sadd.s32 @!p1 $0x2A80, s12;
	s12 =	sadd.s32 @!p1 $0x2B00, s12;
	_ =	swait.ge @!p1 [sflag:s16], $0x4000  }
0x104: {  	s21 =	simm.s32 @!p1 $0x80;
	s22 =	simm.s32 @!p1 $0x5000;
	[sflag:s16] =	ssyncset.done @!p1 $0x0  }
0x105: {  	[sflag:s16] =	ssyncadd.s32 @!p1 $0xFFFFC000  }
0x106: {  	[tilespmem:s22], [sflag:$0x1] =	stream.indirect.gather @!p1 [hbm4b:s2+s21], $0x80, s13, s21, $0xb8;
	[tilespmem:$0x19000] =	vst v63  }
0x107: {  	_ =	swait.ge [sflag:s8], $0x4000  }
0x108: {  	s13 =	sadd.s32 $0xFFFFF800, s19;
	[sflag:s8] =	ssyncset.done $0x0  }
0x109: {  	s16 =	simm.s32 @!p1 $0x7;
	[sflag:s8] =	ssyncadd.s32 $0xFFFFC000  }
0x10a: {  	[hbm4b:s13+s4] =	stream.linear.scatter [tilespmem:s9], [sflag:$0x9], $0x4000, $0x38;
	[tilespmem:$0x19000] =	vst v63  }
0x10b: {  	_ =	swait.ge @!p1 [sflag:s16], $0x4000  }
.Ltmp1:
0x10c: {  	s13 =	simm.s32 @!p1 $0x9000;
	[sflag:s16] =	ssyncset.done @!p1 $0x0;
	(pc) =	sbr.rel @p0 .LBB2_4-.Ltmp1, $4  }
0x10d: {  	[sflag:s16] =	ssyncadd.s32 @!p1 $0xFFFFC000  }
0x10e: {  	[tilespmem:s13], [sflag:$0x2] =	stream.indirect.gather @!p1 [hbm4b:s2+s21], $0x80, s12, s21, $0xb8;
	[tilespmem:$0x19000] =	vst v63  }
0x10f: {  	_ =	swait.ge [sflag:s10], $0x4000  }
0x110: {  	[sflag:s10] =	ssyncset.done $0x0  }
0x111: {  	[sflag:s10] =	ssyncadd.s32 $0xFFFFC000;
	s29 =	simm.s32 $0xB  }
0x112: {  	[hbm4b:s20+s4] =	stream.linear.scatter [tilespmem:s11], [sflag:$0xA], $0x4000, $0x38;
	[tilespmem:$0x19000] =	vst v63  }
0x113: {  	_ =	swait.ge [sflag:s29], $0x2800  }
0x114: {  	[sflag:s29] =	ssyncset.done $0x0  }
0x115: {  	s12 =	simm.s32 $0x0;
	s13 =	rddreg [dreg:$0x8];
	[sflag:s29] =	ssyncadd.s32 $0xFFFFD800  }
0x116: {  	[tilespmem:s23], [sflag:$0xC] =	stream.linear.gather [hbm4b:s13+s12], $0x2800, $0x38;
	[tilespmem:$0x19000] =	vst v63  }
0x117: {  	_ =	swait.ge [sflag:s25], $0x4000  }
0x118: {  	[sflag:s25] =	ssyncset.done $0x0  }
0x119: {  	[sflag:s25] =	ssyncadd.s32 $0xFFFFC000  }
0x11a: {  	[tilespmem:s31], [sflag:$0x1] =	stream.indirect.gather [hbm4b:s2+s30], $0x80, s12, s30, $0xb8;
	[tilespmem:$0x19000] =	vst v63  }
0x11b: {  	_ =	swait.ge [sflag:s15], $0x4000  }
0x11c: {  	[sflag:s15] =	ssyncset.done $0x0  }
0x11d: {  	[sflag:s15] =	ssyncadd.s32 $0xFFFFC000  }
0x11e: {  	[tilespmem:s1], [sflag:$0x2] =	stream.indirect.gather [hbm4b:s2+s30], $0x80, s30, s30, $0xb8;
	[tilespmem:$0x19000] =	vst v63  }
0x11f: {  	_ =	swait.ge [sflag:s5], $0x4000  }
0x120: {  	[sflag:s5] =	ssyncset.done $0x0  }
0x121: {  	s22 =	simm.s32 $0x100;
	[sflag:s5] =	ssyncadd.s32 $0xFFFFC000  }
0x122: {  	[tilespmem:s7], [sflag:$0x3] =	stream.indirect.gather [hbm4b:s2+s30], $0x80, s22, s30, $0xb8;
	[tilespmem:$0x19000] =	vst v63  }
0x123: {  	_ =	swait.ge [sflag:s0], $0x4000  }
0x124: {  	[sflag:s0] =	ssyncset.done $0x0;
	s20 =	rddreg [dreg:$0x12]  }
0x125: {  	s13 =	sadd.s32 $0xFFFFE000, s20;
	[sflag:s0] =	ssyncadd.s32 $0xFFFFC000  }
0x126: {  	[hbm4b:s13+s4] =	stream.linear.scatter [tilespmem:s31], [sflag:$0x6], $0x4000, $0x38;
	[tilespmem:$0x19000] =	vst v63  }
0x127: {  	_ =	swait.ge [sflag:s28], $0x4000  }
0x128: {  	[sflag:s28] =	ssyncset.done $0x0  }
0x129: {  	s16 =	simm.s32 $0x180;
	[sflag:s28] =	ssyncadd.s32 $0xFFFFC000  }
0x12a: {  	[tilespmem:s9], [sflag:$0x4] =	stream.indirect.gather [hbm4b:s2+s30], $0x80, s16, s30, $0xb8;
	[tilespmem:$0x19000] =	vst v63  }
0x12b: {  	_ =	swait.ge [sflag:s3], $0x4000  }
0x12c: {  	[sflag:s3] =	ssyncset.done $0x0  }
0x12d: {  	s18 =	sadd.s32 $0xFFFFE800, s20;
	[sflag:s3] =	ssyncadd.s32 $0xFFFFC000  }
0x12e: {  	[hbm4b:s18+s4] =	stream.linear.scatter [tilespmem:s1], [sflag:$0x7], $0x4000, $0x38;
	[tilespmem:$0x19000] =	vst v63  }
0x12f: {  	_ =	swait.ge [sflag:s17], $0x4000  }
0x130: {  	[sflag:s17] =	ssyncset.done $0x0  }
0x131: {  	s19 =	simm.s32 $0x200;
	[sflag:s17] =	ssyncadd.s32 $0xFFFFC000  }
0x132: {  	[tilespmem:s11], [sflag:$0x5] =	stream.indirect.gather [hbm4b:s2+s30], $0x80, s19, s30, $0xb8;
	[tilespmem:$0x19000] =	vst v63  }
0x133: {  	_ =	swait.ge [sflag:s6], $0x4000  }
0x134: {  	p0 =	por $0x0, $0x0;
	[sflag:s6] =	ssyncset.done $0x0  }
0x135: {  	s21 =	sadd.s32 $0xFFFFF000, s20;
	s13 =	simm.s32 @!p0 $0x6;
	[sflag:s6] =	ssyncadd.s32 $0xFFFFC000  }
0x136: {  	[hbm4b:s21+s4] =	stream.linear.scatter [tilespmem:s7], [sflag:$0x8], $0x4000, $0x38;
	[tilespmem:$0x19000] =	vst v63  }
0x137: {  	_ =	swait.ge @!p0 [sflag:s13], $0x4000  }
0x138: {  	s12 =	simm.s32 @!p0 $0x280;
	[sflag:s13] =	ssyncset.done @!p0 $0x0  }
0x139: {  	s16 =	simm.s32 @!p0 $0x80;
	[sflag:s13] =	ssyncadd.s32 @!p0 $0xFFFFC000;
	s13 =	simm.s32 @!p0 $0x5000  }
0x13a: {  	[tilespmem:s13], [sflag:$0x1] =	stream.indirect.gather @!p0 [hbm4b:s2+s16], $0x80, s12, s16, $0xb8;
	[tilespmem:$0x19000] =	vst v63  }
0x13b: {  	_ =	swait.ge [sflag:s8], $0x4000  }
0x13c: {  	[sflag:s8] =	ssyncset.done $0x0  }
0x13d: {  	s22 =	sadd.s32 $0xFFFFF800, s20;
	s13 =	simm.s32 @!p0 $0x7;
	[sflag:s8] =	ssyncadd.s32 $0xFFFFC000  }
0x13e: {  	[hbm4b:s22+s4] =	stream.linear.scatter [tilespmem:s9], [sflag:$0x9], $0x4000, $0x38;
	[tilespmem:$0x19000] =	vst v63  }
0x13f: {  	_ =	swait.ge @!p0 [sflag:s13], $0x4000  }
0x140: {  	[sflag:s13] =	ssyncset.done @!p0 $0x0  }
0x141: {  	s12 =	simm.s32 @!p0 $0x300;
	[sflag:s13] =	ssyncadd.s32 @!p0 $0xFFFFC000;
	s13 =	simm.s32 @!p0 $0x9000  }
0x142: {  	[tilespmem:s13], [sflag:$0x2] =	stream.indirect.gather @!p0 [hbm4b:s2+s16], $0x80, s12, s16, $0xb8;
	[tilespmem:$0x19000] =	vst v63  }
0x143: {  	_ =	swait.ge [sflag:s10], $0x4000  }
0x144: {  	s18 =	simm.s32 $0xA00;
	s19 =	smov.u32 s20;
	[sflag:s10] =	ssyncset.done $0x0  }
.LBB2_6:
0x145: {  	[sflag:s10] =	ssyncadd.s32 $0xFFFFC000  }
0x146: {  	s19 =	sadd.s32 $0x2800, s19;
	s12 =	smov.u32 s18;
	s18 =	sadd.s32 $0xA00, s18  }
0x147: {  	[hbm4b:s20+s4] =	stream.linear.scatter [tilespmem:s11], [sflag:$0xA], $0x4000, $0x38;
	[tilespmem:$0x19000] =	vst v63  }
0x148: {  	s13 =	sshra.s32 s12, $0x2;
	p0 =	sne.s32 s18, $0xA000;
	_ =	swait.ge [sflag:s5], $0x4000  }
0x149: {  	s20 =	smov.u32 s19;
	s16 =	sadd.s32 $0x100, s13;
	[sflag:s5] =	ssyncset.done $0x0  }
0x14a: {  	[sflag:s5] =	ssyncadd.s32 $0xFFFFC000  }
0x14b: {  	[tilespmem:s7], [sflag:$0x3] =	stream.indirect.gather [hbm4b:s2+s30], $0x80, s16, s30, $0xb8;
	[tilespmem:$0x19000] =	vst v63  }
0x14c: {  	_ =	swait.ge [sflag:s0], $0x4000  }
0x14d: {  	s16 =	sadd.s32 $0xFFFFE000, s19;
	[sflag:s0] =	ssyncset.done $0x0  }
0x14e: {  	[sflag:s0] =	ssyncadd.s32 $0xFFFFC000  }
0x14f: {  	[hbm4b:s16+s4] =	stream.linear.scatter [tilespmem:s31], [sflag:$0x6], $0x4000, $0x38;
	[tilespmem:$0x19000] =	vst v63  }
0x150: {  	_ =	swait.ge [sflag:s28], $0x4000  }
0x151: {  	s16 =	sadd.s32 $0x180, s13;
	[sflag:s28] =	ssyncset.done $0x0  }
0x152: {  	[sflag:s28] =	ssyncadd.s32 $0xFFFFC000  }
0x153: {  	[tilespmem:s9], [sflag:$0x4] =	stream.indirect.gather [hbm4b:s2+s30], $0x80, s16, s30, $0xb8;
	[tilespmem:$0x19000] =	vst v63  }
0x154: {  	_ =	swait.ge [sflag:s3], $0x4000  }
0x155: {  	s16 =	sadd.s32 $0xFFFFE800, s19;
	[sflag:s3] =	ssyncset.done $0x0  }
0x156: {  	[sflag:s3] =	ssyncadd.s32 $0xFFFFC000  }
0x157: {  	[hbm4b:s16+s4] =	stream.linear.scatter [tilespmem:s1], [sflag:$0x7], $0x4000, $0x38;
	[tilespmem:$0x19000] =	vst v63  }
0x158: {  	_ =	swait.ge [sflag:s17], $0x4000  }
0x159: {  	s13 =	sadd.s32 $0x200, s13;
	[sflag:s17] =	ssyncset.done $0x0  }
0x15a: {  	[sflag:s17] =	ssyncadd.s32 $0xFFFFC000  }
0x15b: {  	[tilespmem:s11], [sflag:$0x5] =	stream.indirect.gather [hbm4b:s2+s30], $0x80, s13, s30, $0xb8;
	[tilespmem:$0x19000] =	vst v63  }
0x15c: {  	_ =	swait.ge [sflag:s6], $0x4000  }
0x15d: {  	p1 =	seq.s32 s12, $0x9600;
	s13 =	sadd.s32 $0xFFFFF000, s19;
	[sflag:s6] =	ssyncset.done $0x0  }
0x15e: {  	s12 =	sshra.s32 @!p1 s12, $0x2;
	s16 =	simm.s32 @!p1 $0x6;
	[sflag:s6] =	ssyncadd.s32 $0xFFFFC000  }
0x15f: {  	[hbm4b:s13+s4] =	stream.linear.scatter [tilespmem:s7], [sflag:$0x8], $0x4000, $0x38;
	[tilespmem:$0x19000] =	vst v63  }
0x160: {  	s13 =	sadd.s32 @!p1 $0x280, s12;
	s12 =	sadd.s32 @!p1 $0x300, s12;
	_ =	swait.ge @!p1 [sflag:s16], $0x4000  }
0x161: {  	s21 =	simm.s32 @!p1 $0x80;
	s22 =	simm.s32 @!p1 $0x5000;
	[sflag:s16] =	ssyncset.done @!p1 $0x0  }
0x162: {  	[sflag:s16] =	ssyncadd.s32 @!p1 $0xFFFFC000  }
0x163: {  	[tilespmem:s22], [sflag:$0x1] =	stream.indirect.gather @!p1 [hbm4b:s2+s21], $0x80, s13, s21, $0xb8;
	[tilespmem:$0x19000] =	vst v63  }
0x164: {  	_ =	swait.ge [sflag:s8], $0x4000  }
0x165: {  	s13 =	sadd.s32 $0xFFFFF800, s19;
	[sflag:s8] =	ssyncset.done $0x0  }
0x166: {  	s16 =	simm.s32 @!p1 $0x7;
	[sflag:s8] =	ssyncadd.s32 $0xFFFFC000  }
0x167: {  	[hbm4b:s13+s4] =	stream.linear.scatter [tilespmem:s9], [sflag:$0x9], $0x4000, $0x38;
	[tilespmem:$0x19000] =	vst v63  }
0x168: {  	_ =	swait.ge @!p1 [sflag:s16], $0x4000  }
.Ltmp2:
0x169: {  	s13 =	simm.s32 @!p1 $0x9000;
	[sflag:s16] =	ssyncset.done @!p1 $0x0;
	(pc) =	sbr.rel @p0 .LBB2_6-.Ltmp2, $4  }
0x16a: {  	[sflag:s16] =	ssyncadd.s32 @!p1 $0xFFFFC000  }
0x16b: {  	[tilespmem:s13], [sflag:$0x2] =	stream.indirect.gather @!p1 [hbm4b:s2+s21], $0x80, s12, s21, $0xb8;
	[tilespmem:$0x19000] =	vst v63  }
0x16c: {  	_ =	swait.ge [sflag:s10], $0x4000  }
0x16d: {  	[sflag:s10] =	ssyncset.done $0x0  }
0x16e: {  	[sflag:s10] =	ssyncadd.s32 $0xFFFFC000  }
0x16f: {  	[hbm4b:s20+s4] =	stream.linear.scatter [tilespmem:s11], [sflag:$0xA], $0x4000, $0x38;
	[tilespmem:$0x19000] =	vst v63  }
0x170: {  	_ =	swait.ge [sflag:s24], $0x2800  }
0x171: {  	[sflag:s24] =	ssyncset.done $0x0  }
0x172: {  	s12 =	simm.s32 $0x0;
	s13 =	rddreg [dreg:$0x9];
	[sflag:s24] =	ssyncadd.s32 $0xFFFFD800  }
0x173: {  	[tilespmem:s12], [sflag:$0xB] =	stream.linear.gather [hbm4b:s13+s12], $0x2800, $0x38;
	[tilespmem:$0x19000] =	vst v63  }
0x174: {  	_ =	swait.ge [sflag:s25], $0x4000  }
0x175: {  	[sflag:s25] =	ssyncset.done $0x0  }
0x176: {  	[sflag:s25] =	ssyncadd.s32 $0xFFFFC000  }
0x177: {  	[tilespmem:s31], [sflag:$0x1] =	stream.indirect.gather [hbm4b:s2+s30], $0x80, s23, s30, $0xb8;
	[tilespmem:$0x19000] =	vst v63  }
0x178: {  	_ =	swait.ge [sflag:s15], $0x4000  }
0x179: {  	[sflag:s15] =	ssyncset.done $0x0  }
0x17a: {  	[sflag:s15] =	ssyncadd.s32 $0xFFFFC000  }
0x17b: {  	[tilespmem:s1], [sflag:$0x2] =	stream.indirect.gather [hbm4b:s2+s30], $0x80, s26, s30, $0xb8;
	[tilespmem:$0x19000] =	vst v63  }
0x17c: {  	_ =	swait.ge [sflag:s5], $0x4000  }
0x17d: {  	[sflag:s5] =	ssyncset.done $0x0  }
0x17e: {  	s22 =	simm.s32 $0x2900;
	[sflag:s5] =	ssyncadd.s32 $0xFFFFC000  }
0x17f: {  	[tilespmem:s7], [sflag:$0x3] =	stream.indirect.gather [hbm4b:s2+s30], $0x80, s22, s30, $0xb8;
	[tilespmem:$0x19000] =	vst v63  }
0x180: {  	_ =	swait.ge [sflag:s0], $0x4000  }
0x181: {  	[sflag:s0] =	ssyncset.done $0x0;
	s20 =	rddreg [dreg:$0x13]  }
0x182: {  	s13 =	sadd.s32 $0xFFFFE000, s20;
	[sflag:s0] =	ssyncadd.s32 $0xFFFFC000  }
0x183: {  	[hbm4b:s13+s4] =	stream.linear.scatter [tilespmem:s31], [sflag:$0x6], $0x4000, $0x38;
	[tilespmem:$0x19000] =	vst v63  }
0x184: {  	_ =	swait.ge [sflag:s28], $0x4000  }
0x185: {  	[sflag:s28] =	ssyncset.done $0x0  }
0x186: {  	s16 =	simm.s32 $0x2980;
	[sflag:s28] =	ssyncadd.s32 $0xFFFFC000  }
0x187: {  	[tilespmem:s9], [sflag:$0x4] =	stream.indirect.gather [hbm4b:s2+s30], $0x80, s16, s30, $0xb8;
	[tilespmem:$0x19000] =	vst v63  }
0x188: {  	_ =	swait.ge [sflag:s3], $0x4000  }
0x189: {  	[sflag:s3] =	ssyncset.done $0x0  }
0x18a: {  	s18 =	sadd.s32 $0xFFFFE800, s20;
	[sflag:s3] =	ssyncadd.s32 $0xFFFFC000  }
0x18b: {  	[hbm4b:s18+s4] =	stream.linear.scatter [tilespmem:s1], [sflag:$0x7], $0x4000, $0x38;
	[tilespmem:$0x19000] =	vst v63  }
0x18c: {  	_ =	swait.ge [sflag:s17], $0x4000  }
0x18d: {  	[sflag:s17] =	ssyncset.done $0x0  }
0x18e: {  	s19 =	simm.s32 $0x2A00;
	[sflag:s17] =	ssyncadd.s32 $0xFFFFC000  }
0x18f: {  	[tilespmem:s11], [sflag:$0x5] =	stream.indirect.gather [hbm4b:s2+s30], $0x80, s19, s30, $0xb8;
	[tilespmem:$0x19000] =	vst v63  }
0x190: {  	_ =	swait.ge [sflag:s6], $0x4000  }
0x191: {  	p0 =	por $0x0, $0x0;
	[sflag:s6] =	ssyncset.done $0x0  }
0x192: {  	s21 =	sadd.s32 $0xFFFFF000, s20;
	s13 =	simm.s32 @!p0 $0x6;
	[sflag:s6] =	ssyncadd.s32 $0xFFFFC000  }
0x193: {  	[hbm4b:s21+s4] =	stream.linear.scatter [tilespmem:s7], [sflag:$0x8], $0x4000, $0x38;
	[tilespmem:$0x19000] =	vst v63  }
0x194: {  	_ =	swait.ge @!p0 [sflag:s13], $0x4000  }
0x195: {  	s12 =	simm.s32 @!p0 $0x2A80;
	[sflag:s13] =	ssyncset.done @!p0 $0x0  }
0x196: {  	s16 =	simm.s32 @!p0 $0x80;
	[sflag:s13] =	ssyncadd.s32 @!p0 $0xFFFFC000;
	s13 =	simm.s32 @!p0 $0x5000  }
0x197: {  	[tilespmem:s13], [sflag:$0x1] =	stream.indirect.gather @!p0 [hbm4b:s2+s16], $0x80, s12, s16, $0xb8;
	[tilespmem:$0x19000] =	vst v63  }
0x198: {  	_ =	swait.ge [sflag:s8], $0x4000  }
0x199: {  	[sflag:s8] =	ssyncset.done $0x0  }
0x19a: {  	s22 =	sadd.s32 $0xFFFFF800, s20;
	s13 =	simm.s32 @!p0 $0x7;
	[sflag:s8] =	ssyncadd.s32 $0xFFFFC000  }
0x19b: {  	[hbm4b:s22+s4] =	stream.linear.scatter [tilespmem:s9], [sflag:$0x9], $0x4000, $0x38;
	[tilespmem:$0x19000] =	vst v63  }
0x19c: {  	_ =	swait.ge @!p0 [sflag:s13], $0x4000  }
0x19d: {  	[sflag:s13] =	ssyncset.done @!p0 $0x0  }
0x19e: {  	s12 =	simm.s32 @!p0 $0x2B00;
	[sflag:s13] =	ssyncadd.s32 @!p0 $0xFFFFC000;
	s13 =	simm.s32 @!p0 $0x9000  }
0x19f: {  	[tilespmem:s13], [sflag:$0x2] =	stream.indirect.gather @!p0 [hbm4b:s2+s16], $0x80, s12, s16, $0xb8;
	[tilespmem:$0x19000] =	vst v63  }
0x1a0: {  	_ =	swait.ge [sflag:s10], $0x4000  }
0x1a1: {  	s18 =	simm.s32 $0xA00;
	s19 =	smov.u32 s20;
	[sflag:s10] =	ssyncset.done $0x0  }
.LBB2_8:
0x1a2: {  	[sflag:s10] =	ssyncadd.s32 $0xFFFFC000  }
0x1a3: {  	s19 =	sadd.s32 $0x2800, s19;
	s12 =	smov.u32 s18;
	s18 =	sadd.s32 $0xA00, s18  }
0x1a4: {  	[hbm4b:s20+s4] =	stream.linear.scatter [tilespmem:s11], [sflag:$0xA], $0x4000, $0x38;
	[tilespmem:$0x19000] =	vst v63  }
0x1a5: {  	s13 =	sshra.s32 s12, $0x2;
	p0 =	sne.s32 s18, $0xA000;
	_ =	swait.ge [sflag:s5], $0x4000  }
0x1a6: {  	s20 =	smov.u32 s19;
	s16 =	sadd.s32 $0x2900, s13;
	[sflag:s5] =	ssyncset.done $0x0  }
0x1a7: {  	[sflag:s5] =	ssyncadd.s32 $0xFFFFC000  }
0x1a8: {  	[tilespmem:s7], [sflag:$0x3] =	stream.indirect.gather [hbm4b:s2+s30], $0x80, s16, s30, $0xb8;
	[tilespmem:$0x19000] =	vst v63  }
0x1a9: {  	_ =	swait.ge [sflag:s0], $0x4000  }
0x1aa: {  	s16 =	sadd.s32 $0xFFFFE000, s19;
	[sflag:s0] =	ssyncset.done $0x0  }
0x1ab: {  	[sflag:s0] =	ssyncadd.s32 $0xFFFFC000  }
0x1ac: {  	[hbm4b:s16+s4] =	stream.linear.scatter [tilespmem:s31], [sflag:$0x6], $0x4000, $0x38;
	[tilespmem:$0x19000] =	vst v63  }
0x1ad: {  	_ =	swait.ge [sflag:s28], $0x4000  }
0x1ae: {  	s16 =	sadd.s32 $0x2980, s13;
	[sflag:s28] =	ssyncset.done $0x0  }
0x1af: {  	[sflag:s28] =	ssyncadd.s32 $0xFFFFC000  }
0x1b0: {  	[tilespmem:s9], [sflag:$0x4] =	stream.indirect.gather [hbm4b:s2+s30], $0x80, s16, s30, $0xb8;
	[tilespmem:$0x19000] =	vst v63  }
0x1b1: {  	_ =	swait.ge [sflag:s3], $0x4000  }
0x1b2: {  	s16 =	sadd.s32 $0xFFFFE800, s19;
	[sflag:s3] =	ssyncset.done $0x0  }
0x1b3: {  	[sflag:s3] =	ssyncadd.s32 $0xFFFFC000  }
0x1b4: {  	[hbm4b:s16+s4] =	stream.linear.scatter [tilespmem:s1], [sflag:$0x7], $0x4000, $0x38;
	[tilespmem:$0x19000] =	vst v63  }
0x1b5: {  	_ =	swait.ge [sflag:s17], $0x4000  }
0x1b6: {  	s13 =	sadd.s32 $0x2A00, s13;
	[sflag:s17] =	ssyncset.done $0x0  }
0x1b7: {  	[sflag:s17] =	ssyncadd.s32 $0xFFFFC000  }
0x1b8: {  	[tilespmem:s11], [sflag:$0x5] =	stream.indirect.gather [hbm4b:s2+s30], $0x80, s13, s30, $0xb8;
	[tilespmem:$0x19000] =	vst v63  }
0x1b9: {  	_ =	swait.ge [sflag:s6], $0x4000  }
0x1ba: {  	p1 =	seq.s32 s12, $0x9600;
	s13 =	sadd.s32 $0xFFFFF000, s19;
	[sflag:s6] =	ssyncset.done $0x0  }
0x1bb: {  	s12 =	sshra.s32 @!p1 s12, $0x2;
	s16 =	simm.s32 @!p1 $0x6;
	[sflag:s6] =	ssyncadd.s32 $0xFFFFC000  }
0x1bc: {  	[hbm4b:s13+s4] =	stream.linear.scatter [tilespmem:s7], [sflag:$0x8], $0x4000, $0x38;
	[tilespmem:$0x19000] =	vst v63  }
0x1bd: {  	s13 =	sadd.s32 @!p1 $0x2A80, s12;
	s12 =	sadd.s32 @!p1 $0x2B00, s12;
	_ =	swait.ge @!p1 [sflag:s16], $0x4000  }
0x1be: {  	s21 =	simm.s32 @!p1 $0x80;
	s22 =	simm.s32 @!p1 $0x5000;
	[sflag:s16] =	ssyncset.done @!p1 $0x0  }
0x1bf: {  	[sflag:s16] =	ssyncadd.s32 @!p1 $0xFFFFC000  }
0x1c0: {  	[tilespmem:s22], [sflag:$0x1] =	stream.indirect.gather @!p1 [hbm4b:s2+s21], $0x80, s13, s21, $0xb8;
	[tilespmem:$0x19000] =	vst v63  }
0x1c1: {  	_ =	swait.ge [sflag:s8], $0x4000  }
0x1c2: {  	s13 =	sadd.s32 $0xFFFFF800, s19;
	[sflag:s8] =	ssyncset.done $0x0  }
0x1c3: {  	s16 =	simm.s32 @!p1 $0x7;
	[sflag:s8] =	ssyncadd.s32 $0xFFFFC000  }
0x1c4: {  	[hbm4b:s13+s4] =	stream.linear.scatter [tilespmem:s9], [sflag:$0x9], $0x4000, $0x38;
	[tilespmem:$0x19000] =	vst v63  }
0x1c5: {  	_ =	swait.ge @!p1 [sflag:s16], $0x4000  }
.Ltmp3:
0x1c6: {  	s13 =	simm.s32 @!p1 $0x9000;
	[sflag:s16] =	ssyncset.done @!p1 $0x0;
	(pc) =	sbr.rel @p0 .LBB2_8-.Ltmp3, $4  }
0x1c7: {  	[sflag:s16] =	ssyncadd.s32 @!p1 $0xFFFFC000  }
0x1c8: {  	[tilespmem:s13], [sflag:$0x2] =	stream.indirect.gather @!p1 [hbm4b:s2+s21], $0x80, s12, s21, $0xb8;
	[tilespmem:$0x19000] =	vst v63  }
0x1c9: {  	_ =	swait.ge [sflag:s10], $0x4000  }
0x1ca: {  	[sflag:s10] =	ssyncset.done $0x0  }
0x1cb: {  	[sflag:s10] =	ssyncadd.s32 $0xFFFFC000  }
0x1cc: {  	[hbm4b:s20+s4] =	stream.linear.scatter [tilespmem:s11], [sflag:$0xA], $0x4000, $0x38;
	[tilespmem:$0x19000] =	vst v63  }
0x1cd: {  	_ =	swait.ge [sflag:s29], $0x2800  }
0x1ce: {  	[sflag:s29] =	ssyncset.done $0x0  }
0x1cf: {  	s12 =	simm.s32 $0x0;
	s13 =	rddreg [dreg:$0xa];
	[sflag:s29] =	ssyncadd.s32 $0xFFFFD800  }
0x1d0: {  	[tilespmem:s23], [sflag:$0xC] =	stream.linear.gather [hbm4b:s13+s12], $0x2800, $0x38;
	[tilespmem:$0x19000] =	vst v63  }
0x1d1: {  	_ =	swait.ge [sflag:s25], $0x4000  }
0x1d2: {  	[sflag:s25] =	ssyncset.done $0x0  }
0x1d3: {  	[sflag:s25] =	ssyncadd.s32 $0xFFFFC000  }
0x1d4: {  	[tilespmem:s31], [sflag:$0x1] =	stream.indirect.gather [hbm4b:s2+s30], $0x80, s12, s30, $0xb8;
	[tilespmem:$0x19000] =	vst v63  }
0x1d5: {  	_ =	swait.ge [sflag:s15], $0x4000  }
0x1d6: {  	[sflag:s15] =	ssyncset.done $0x0  }
0x1d7: {  	[sflag:s15] =	ssyncadd.s32 $0xFFFFC000  }
0x1d8: {  	[tilespmem:s1], [sflag:$0x2] =	stream.indirect.gather [hbm4b:s2+s30], $0x80, s30, s30, $0xb8;
	[tilespmem:$0x19000] =	vst v63  }
0x1d9: {  	_ =	swait.ge [sflag:s5], $0x4000  }
0x1da: {  	[sflag:s5] =	ssyncset.done $0x0  }
0x1db: {  	s22 =	simm.s32 $0x100;
	[sflag:s5] =	ssyncadd.s32 $0xFFFFC000  }
0x1dc: {  	[tilespmem:s7], [sflag:$0x3] =	stream.indirect.gather [hbm4b:s2+s30], $0x80, s22, s30, $0xb8;
	[tilespmem:$0x19000] =	vst v63  }
0x1dd: {  	_ =	swait.ge [sflag:s0], $0x4000  }
0x1de: {  	[sflag:s0] =	ssyncset.done $0x0;
	s20 =	rddreg [dreg:$0x14]  }
0x1df: {  	s13 =	sadd.s32 $0xFFFFE000, s20;
	[sflag:s0] =	ssyncadd.s32 $0xFFFFC000  }
0x1e0: {  	[hbm4b:s13+s4] =	stream.linear.scatter [tilespmem:s31], [sflag:$0x6], $0x4000, $0x38;
	[tilespmem:$0x19000] =	vst v63  }
0x1e1: {  	_ =	swait.ge [sflag:s28], $0x4000  }
0x1e2: {  	[sflag:s28] =	ssyncset.done $0x0  }
0x1e3: {  	s16 =	simm.s32 $0x180;
	[sflag:s28] =	ssyncadd.s32 $0xFFFFC000  }
0x1e4: {  	[tilespmem:s9], [sflag:$0x4] =	stream.indirect.gather [hbm4b:s2+s30], $0x80, s16, s30, $0xb8;
	[tilespmem:$0x19000] =	vst v63  }
0x1e5: {  	_ =	swait.ge [sflag:s3], $0x4000  }
0x1e6: {  	[sflag:s3] =	ssyncset.done $0x0  }
0x1e7: {  	s18 =	sadd.s32 $0xFFFFE800, s20;
	[sflag:s3] =	ssyncadd.s32 $0xFFFFC000  }
0x1e8: {  	[hbm4b:s18+s4] =	stream.linear.scatter [tilespmem:s1], [sflag:$0x7], $0x4000, $0x38;
	[tilespmem:$0x19000] =	vst v63  }
0x1e9: {  	_ =	swait.ge [sflag:s17], $0x4000  }
0x1ea: {  	[sflag:s17] =	ssyncset.done $0x0  }
0x1eb: {  	s19 =	simm.s32 $0x200;
	[sflag:s17] =	ssyncadd.s32 $0xFFFFC000  }
0x1ec: {  	[tilespmem:s11], [sflag:$0x5] =	stream.indirect.gather [hbm4b:s2+s30], $0x80, s19, s30, $0xb8;
	[tilespmem:$0x19000] =	vst v63  }
0x1ed: {  	_ =	swait.ge [sflag:s6], $0x4000  }
0x1ee: {  	p0 =	por $0x0, $0x0;
	[sflag:s6] =	ssyncset.done $0x0  }
0x1ef: {  	s21 =	sadd.s32 $0xFFFFF000, s20;
	s13 =	simm.s32 @!p0 $0x6;
	[sflag:s6] =	ssyncadd.s32 $0xFFFFC000  }
0x1f0: {  	[hbm4b:s21+s4] =	stream.linear.scatter [tilespmem:s7], [sflag:$0x8], $0x4000, $0x38;
	[tilespmem:$0x19000] =	vst v63  }
0x1f1: {  	_ =	swait.ge @!p0 [sflag:s13], $0x4000  }
0x1f2: {  	s12 =	simm.s32 @!p0 $0x280;
	[sflag:s13] =	ssyncset.done @!p0 $0x0  }
0x1f3: {  	s16 =	simm.s32 @!p0 $0x80;
	[sflag:s13] =	ssyncadd.s32 @!p0 $0xFFFFC000;
	s13 =	simm.s32 @!p0 $0x5000  }
0x1f4: {  	[tilespmem:s13], [sflag:$0x1] =	stream.indirect.gather @!p0 [hbm4b:s2+s16], $0x80, s12, s16, $0xb8;
	[tilespmem:$0x19000] =	vst v63  }
0x1f5: {  	_ =	swait.ge [sflag:s8], $0x4000  }
0x1f6: {  	[sflag:s8] =	ssyncset.done $0x0  }
0x1f7: {  	s22 =	sadd.s32 $0xFFFFF800, s20;
	s13 =	simm.s32 @!p0 $0x7;
	[sflag:s8] =	ssyncadd.s32 $0xFFFFC000  }
0x1f8: {  	[hbm4b:s22+s4] =	stream.linear.scatter [tilespmem:s9], [sflag:$0x9], $0x4000, $0x38;
	[tilespmem:$0x19000] =	vst v63  }
0x1f9: {  	_ =	swait.ge @!p0 [sflag:s13], $0x4000  }
0x1fa: {  	[sflag:s13] =	ssyncset.done @!p0 $0x0  }
0x1fb: {  	s12 =	simm.s32 @!p0 $0x300;
	[sflag:s13] =	ssyncadd.s32 @!p0 $0xFFFFC000;
	s13 =	simm.s32 @!p0 $0x9000  }
0x1fc: {  	[tilespmem:s13], [sflag:$0x2] =	stream.indirect.gather @!p0 [hbm4b:s2+s16], $0x80, s12, s16, $0xb8;
	[tilespmem:$0x19000] =	vst v63  }
0x1fd: {  	_ =	swait.ge [sflag:s10], $0x4000  }
0x1fe: {  	s18 =	simm.s32 $0xA00;
	s19 =	smov.u32 s20;
	[sflag:s10] =	ssyncset.done $0x0  }
.LBB2_10:
0x1ff: {  	[sflag:s10] =	ssyncadd.s32 $0xFFFFC000  }
0x200: {  	s19 =	sadd.s32 $0x2800, s19;
	s12 =	smov.u32 s18;
	s18 =	sadd.s32 $0xA00, s18  }
0x201: {  	[hbm4b:s20+s4] =	stream.linear.scatter [tilespmem:s11], [sflag:$0xA], $0x4000, $0x38;
	[tilespmem:$0x19000] =	vst v63  }
0x202: {  	s13 =	sshra.s32 s12, $0x2;
	p0 =	sne.s32 s18, $0xA000;
	_ =	swait.ge [sflag:s5], $0x4000  }
0x203: {  	s20 =	smov.u32 s19;
	s16 =	sadd.s32 $0x100, s13;
	[sflag:s5] =	ssyncset.done $0x0  }
0x204: {  	[sflag:s5] =	ssyncadd.s32 $0xFFFFC000  }
0x205: {  	[tilespmem:s7], [sflag:$0x3] =	stream.indirect.gather [hbm4b:s2+s30], $0x80, s16, s30, $0xb8;
	[tilespmem:$0x19000] =	vst v63  }
0x206: {  	_ =	swait.ge [sflag:s0], $0x4000  }
0x207: {  	s16 =	sadd.s32 $0xFFFFE000, s19;
	[sflag:s0] =	ssyncset.done $0x0  }
0x208: {  	[sflag:s0] =	ssyncadd.s32 $0xFFFFC000  }
0x209: {  	[hbm4b:s16+s4] =	stream.linear.scatter [tilespmem:s31], [sflag:$0x6], $0x4000, $0x38;
	[tilespmem:$0x19000] =	vst v63  }
0x20a: {  	_ =	swait.ge [sflag:s28], $0x4000  }
0x20b: {  	s16 =	sadd.s32 $0x180, s13;
	[sflag:s28] =	ssyncset.done $0x0  }
0x20c: {  	[sflag:s28] =	ssyncadd.s32 $0xFFFFC000  }
0x20d: {  	[tilespmem:s9], [sflag:$0x4] =	stream.indirect.gather [hbm4b:s2+s30], $0x80, s16, s30, $0xb8;
	[tilespmem:$0x19000] =	vst v63  }
0x20e: {  	_ =	swait.ge [sflag:s3], $0x4000  }
0x20f: {  	s16 =	sadd.s32 $0xFFFFE800, s19;
	[sflag:s3] =	ssyncset.done $0x0  }
0x210: {  	[sflag:s3] =	ssyncadd.s32 $0xFFFFC000  }
0x211: {  	[hbm4b:s16+s4] =	stream.linear.scatter [tilespmem:s1], [sflag:$0x7], $0x4000, $0x38;
	[tilespmem:$0x19000] =	vst v63  }
0x212: {  	_ =	swait.ge [sflag:s17], $0x4000  }
0x213: {  	s13 =	sadd.s32 $0x200, s13;
	[sflag:s17] =	ssyncset.done $0x0  }
0x214: {  	[sflag:s17] =	ssyncadd.s32 $0xFFFFC000  }
0x215: {  	[tilespmem:s11], [sflag:$0x5] =	stream.indirect.gather [hbm4b:s2+s30], $0x80, s13, s30, $0xb8;
	[tilespmem:$0x19000] =	vst v63  }
0x216: {  	_ =	swait.ge [sflag:s6], $0x4000  }
0x217: {  	p1 =	seq.s32 s12, $0x9600;
	s13 =	sadd.s32 $0xFFFFF000, s19;
	[sflag:s6] =	ssyncset.done $0x0  }
0x218: {  	s12 =	sshra.s32 @!p1 s12, $0x2;
	s16 =	simm.s32 @!p1 $0x6;
	[sflag:s6] =	ssyncadd.s32 $0xFFFFC000  }
0x219: {  	[hbm4b:s13+s4] =	stream.linear.scatter [tilespmem:s7], [sflag:$0x8], $0x4000, $0x38;
	[tilespmem:$0x19000] =	vst v63  }
0x21a: {  	s13 =	sadd.s32 @!p1 $0x280, s12;
	s12 =	sadd.s32 @!p1 $0x300, s12;
	_ =	swait.ge @!p1 [sflag:s16], $0x4000  }
0x21b: {  	s21 =	simm.s32 @!p1 $0x80;
	s22 =	simm.s32 @!p1 $0x5000;
	[sflag:s16] =	ssyncset.done @!p1 $0x0  }
0x21c: {  	[sflag:s16] =	ssyncadd.s32 @!p1 $0xFFFFC000  }
0x21d: {  	[tilespmem:s22], [sflag:$0x1] =	stream.indirect.gather @!p1 [hbm4b:s2+s21], $0x80, s13, s21, $0xb8;
	[tilespmem:$0x19000] =	vst v63  }
0x21e: {  	_ =	swait.ge [sflag:s8], $0x4000  }
0x21f: {  	s13 =	sadd.s32 $0xFFFFF800, s19;
	[sflag:s8] =	ssyncset.done $0x0  }
0x220: {  	s16 =	simm.s32 @!p1 $0x7;
	[sflag:s8] =	ssyncadd.s32 $0xFFFFC000  }
0x221: {  	[hbm4b:s13+s4] =	stream.linear.scatter [tilespmem:s9], [sflag:$0x9], $0x4000, $0x38;
	[tilespmem:$0x19000] =	vst v63  }
0x222: {  	_ =	swait.ge @!p1 [sflag:s16], $0x4000  }
.Ltmp4:
0x223: {  	s13 =	simm.s32 @!p1 $0x9000;
	[sflag:s16] =	ssyncset.done @!p1 $0x0;
	(pc) =	sbr.rel @p0 .LBB2_10-.Ltmp4, $4  }
0x224: {  	[sflag:s16] =	ssyncadd.s32 @!p1 $0xFFFFC000  }
0x225: {  	[tilespmem:s13], [sflag:$0x2] =	stream.indirect.gather @!p1 [hbm4b:s2+s21], $0x80, s12, s21, $0xb8;
	[tilespmem:$0x19000] =	vst v63  }
0x226: {  	_ =	swait.ge [sflag:s10], $0x4000  }
0x227: {  	[sflag:s10] =	ssyncset.done $0x0  }
0x228: {  	[sflag:s10] =	ssyncadd.s32 $0xFFFFC000  }
0x229: {  	[hbm4b:s20+s4] =	stream.linear.scatter [tilespmem:s11], [sflag:$0xA], $0x4000, $0x38;
	[tilespmem:$0x19000] =	vst v63  }
0x22a: {  	_ =	swait.ge [sflag:s24], $0x2800  }
0x22b: {  	[sflag:s24] =	ssyncset.done $0x0  }
0x22c: {  	s12 =	simm.s32 $0x0;
	s13 =	rddreg [dreg:$0xb];
	[sflag:s24] =	ssyncadd.s32 $0xFFFFD800  }
0x22d: {  	[tilespmem:s12], [sflag:$0xB] =	stream.linear.gather [hbm4b:s13+s12], $0x2800, $0x38;
	[tilespmem:$0x19000] =	vst v63  }
0x22e: {  	_ =	swait.ge [sflag:s25], $0x4000  }
0x22f: {  	[sflag:s25] =	ssyncset.done $0x0  }
0x230: {  	[sflag:s25] =	ssyncadd.s32 $0xFFFFC000  }
0x231: {  	[tilespmem:s31], [sflag:$0x1] =	stream.indirect.gather [hbm4b:s2+s30], $0x80, s23, s30, $0xb8;
	[tilespmem:$0x19000] =	vst v63  }
0x232: {  	_ =	swait.ge [sflag:s15], $0x4000  }
0x233: {  	[sflag:s15] =	ssyncset.done $0x0  }
0x234: {  	[sflag:s15] =	ssyncadd.s32 $0xFFFFC000  }
0x235: {  	[tilespmem:s1], [sflag:$0x2] =	stream.indirect.gather [hbm4b:s2+s30], $0x80, s26, s30, $0xb8;
	[tilespmem:$0x19000] =	vst v63  }
0x236: {  	_ =	swait.ge [sflag:s5], $0x4000  }
0x237: {  	[sflag:s5] =	ssyncset.done $0x0  }
0x238: {  	s22 =	simm.s32 $0x2900;
	[sflag:s5] =	ssyncadd.s32 $0xFFFFC000  }
0x239: {  	[tilespmem:s7], [sflag:$0x3] =	stream.indirect.gather [hbm4b:s2+s30], $0x80, s22, s30, $0xb8;
	[tilespmem:$0x19000] =	vst v63  }
0x23a: {  	_ =	swait.ge [sflag:s0], $0x4000  }
0x23b: {  	[sflag:s0] =	ssyncset.done $0x0;
	s20 =	rddreg [dreg:$0x15]  }
0x23c: {  	s13 =	sadd.s32 $0xFFFFE000, s20;
	[sflag:s0] =	ssyncadd.s32 $0xFFFFC000  }
0x23d: {  	[hbm4b:s13+s4] =	stream.linear.scatter [tilespmem:s31], [sflag:$0x6], $0x4000, $0x38;
	[tilespmem:$0x19000] =	vst v63  }
0x23e: {  	_ =	swait.ge [sflag:s28], $0x4000  }
0x23f: {  	[sflag:s28] =	ssyncset.done $0x0  }
0x240: {  	s16 =	simm.s32 $0x2980;
	[sflag:s28] =	ssyncadd.s32 $0xFFFFC000  }
0x241: {  	[tilespmem:s9], [sflag:$0x4] =	stream.indirect.gather [hbm4b:s2+s30], $0x80, s16, s30, $0xb8;
	[tilespmem:$0x19000] =	vst v63  }
0x242: {  	_ =	swait.ge [sflag:s3], $0x4000  }
0x243: {  	[sflag:s3] =	ssyncset.done $0x0  }
0x244: {  	s18 =	sadd.s32 $0xFFFFE800, s20;
	[sflag:s3] =	ssyncadd.s32 $0xFFFFC000  }
0x245: {  	[hbm4b:s18+s4] =	stream.linear.scatter [tilespmem:s1], [sflag:$0x7], $0x4000, $0x38;
	[tilespmem:$0x19000] =	vst v63  }
0x246: {  	_ =	swait.ge [sflag:s17], $0x4000  }
0x247: {  	[sflag:s17] =	ssyncset.done $0x0  }
0x248: {  	s19 =	simm.s32 $0x2A00;
	[sflag:s17] =	ssyncadd.s32 $0xFFFFC000  }
0x249: {  	[tilespmem:s11], [sflag:$0x5] =	stream.indirect.gather [hbm4b:s2+s30], $0x80, s19, s30, $0xb8;
	[tilespmem:$0x19000] =	vst v63  }
0x24a: {  	_ =	swait.ge [sflag:s6], $0x4000  }
0x24b: {  	p0 =	por $0x0, $0x0;
	[sflag:s6] =	ssyncset.done $0x0  }
0x24c: {  	s21 =	sadd.s32 $0xFFFFF000, s20;
	s13 =	simm.s32 @!p0 $0x6;
	[sflag:s6] =	ssyncadd.s32 $0xFFFFC000  }
0x24d: {  	[hbm4b:s21+s4] =	stream.linear.scatter [tilespmem:s7], [sflag:$0x8], $0x4000, $0x38;
	[tilespmem:$0x19000] =	vst v63  }
0x24e: {  	_ =	swait.ge @!p0 [sflag:s13], $0x4000  }
0x24f: {  	s12 =	simm.s32 @!p0 $0x2A80;
	[sflag:s13] =	ssyncset.done @!p0 $0x0  }
0x250: {  	s16 =	simm.s32 @!p0 $0x80;
	[sflag:s13] =	ssyncadd.s32 @!p0 $0xFFFFC000;
	s13 =	simm.s32 @!p0 $0x5000  }
0x251: {  	[tilespmem:s13], [sflag:$0x1] =	stream.indirect.gather @!p0 [hbm4b:s2+s16], $0x80, s12, s16, $0xb8;
	[tilespmem:$0x19000] =	vst v63  }
0x252: {  	_ =	swait.ge [sflag:s8], $0x4000  }
0x253: {  	[sflag:s8] =	ssyncset.done $0x0  }
0x254: {  	s22 =	sadd.s32 $0xFFFFF800, s20;
	s13 =	simm.s32 @!p0 $0x7;
	[sflag:s8] =	ssyncadd.s32 $0xFFFFC000  }
0x255: {  	[hbm4b:s22+s4] =	stream.linear.scatter [tilespmem:s9], [sflag:$0x9], $0x4000, $0x38;
	[tilespmem:$0x19000] =	vst v63  }
0x256: {  	_ =	swait.ge @!p0 [sflag:s13], $0x4000  }
0x257: {  	[sflag:s13] =	ssyncset.done @!p0 $0x0  }
0x258: {  	s12 =	simm.s32 @!p0 $0x2B00;
	[sflag:s13] =	ssyncadd.s32 @!p0 $0xFFFFC000;
	s13 =	simm.s32 @!p0 $0x9000  }
0x259: {  	[tilespmem:s13], [sflag:$0x2] =	stream.indirect.gather @!p0 [hbm4b:s2+s16], $0x80, s12, s16, $0xb8;
	[tilespmem:$0x19000] =	vst v63  }
0x25a: {  	_ =	swait.ge [sflag:s10], $0x4000  }
0x25b: {  	s18 =	simm.s32 $0xA00;
	s19 =	smov.u32 s20;
	[sflag:s10] =	ssyncset.done $0x0  }
.LBB2_12:
0x25c: {  	[sflag:s10] =	ssyncadd.s32 $0xFFFFC000  }
0x25d: {  	s19 =	sadd.s32 $0x2800, s19;
	s12 =	smov.u32 s18;
	s18 =	sadd.s32 $0xA00, s18  }
0x25e: {  	[hbm4b:s20+s4] =	stream.linear.scatter [tilespmem:s11], [sflag:$0xA], $0x4000, $0x38;
	[tilespmem:$0x19000] =	vst v63  }
0x25f: {  	s13 =	sshra.s32 s12, $0x2;
	p0 =	sne.s32 s18, $0xA000;
	_ =	swait.ge [sflag:s5], $0x4000  }
0x260: {  	s20 =	smov.u32 s19;
	s16 =	sadd.s32 $0x2900, s13;
	[sflag:s5] =	ssyncset.done $0x0  }
0x261: {  	[sflag:s5] =	ssyncadd.s32 $0xFFFFC000  }
0x262: {  	[tilespmem:s7], [sflag:$0x3] =	stream.indirect.gather [hbm4b:s2+s30], $0x80, s16, s30, $0xb8;
	[tilespmem:$0x19000] =	vst v63  }
0x263: {  	_ =	swait.ge [sflag:s0], $0x4000  }
0x264: {  	s16 =	sadd.s32 $0xFFFFE000, s19;
	[sflag:s0] =	ssyncset.done $0x0  }
0x265: {  	[sflag:s0] =	ssyncadd.s32 $0xFFFFC000  }
0x266: {  	[hbm4b:s16+s4] =	stream.linear.scatter [tilespmem:s31], [sflag:$0x6], $0x4000, $0x38;
	[tilespmem:$0x19000] =	vst v63  }
0x267: {  	_ =	swait.ge [sflag:s28], $0x4000  }
0x268: {  	s16 =	sadd.s32 $0x2980, s13;
	[sflag:s28] =	ssyncset.done $0x0  }
0x269: {  	[sflag:s28] =	ssyncadd.s32 $0xFFFFC000  }
0x26a: {  	[tilespmem:s9], [sflag:$0x4] =	stream.indirect.gather [hbm4b:s2+s30], $0x80, s16, s30, $0xb8;
	[tilespmem:$0x19000] =	vst v63  }
0x26b: {  	_ =	swait.ge [sflag:s3], $0x4000  }
0x26c: {  	s16 =	sadd.s32 $0xFFFFE800, s19;
	[sflag:s3] =	ssyncset.done $0x0  }
0x26d: {  	[sflag:s3] =	ssyncadd.s32 $0xFFFFC000  }
0x26e: {  	[hbm4b:s16+s4] =	stream.linear.scatter [tilespmem:s1], [sflag:$0x7], $0x4000, $0x38;
	[tilespmem:$0x19000] =	vst v63  }
0x26f: {  	_ =	swait.ge [sflag:s17], $0x4000  }
0x270: {  	s13 =	sadd.s32 $0x2A00, s13;
	[sflag:s17] =	ssyncset.done $0x0  }
0x271: {  	[sflag:s17] =	ssyncadd.s32 $0xFFFFC000  }
0x272: {  	[tilespmem:s11], [sflag:$0x5] =	stream.indirect.gather [hbm4b:s2+s30], $0x80, s13, s30, $0xb8;
	[tilespmem:$0x19000] =	vst v63  }
0x273: {  	_ =	swait.ge [sflag:s6], $0x4000  }
0x274: {  	p1 =	seq.s32 s12, $0x9600;
	s13 =	sadd.s32 $0xFFFFF000, s19;
	[sflag:s6] =	ssyncset.done $0x0  }
0x275: {  	s12 =	sshra.s32 @!p1 s12, $0x2;
	s16 =	simm.s32 @!p1 $0x6;
	[sflag:s6] =	ssyncadd.s32 $0xFFFFC000  }
0x276: {  	[hbm4b:s13+s4] =	stream.linear.scatter [tilespmem:s7], [sflag:$0x8], $0x4000, $0x38;
	[tilespmem:$0x19000] =	vst v63  }
0x277: {  	s13 =	sadd.s32 @!p1 $0x2A80, s12;
	s12 =	sadd.s32 @!p1 $0x2B00, s12;
	_ =	swait.ge @!p1 [sflag:s16], $0x4000  }
0x278: {  	s21 =	simm.s32 @!p1 $0x80;
	s22 =	simm.s32 @!p1 $0x5000;
	[sflag:s16] =	ssyncset.done @!p1 $0x0  }
0x279: {  	[sflag:s16] =	ssyncadd.s32 @!p1 $0xFFFFC000  }
0x27a: {  	[tilespmem:s22], [sflag:$0x1] =	stream.indirect.gather @!p1 [hbm4b:s2+s21], $0x80, s13, s21, $0xb8;
	[tilespmem:$0x19000] =	vst v63  }
0x27b: {  	_ =	swait.ge [sflag:s8], $0x4000  }
0x27c: {  	s13 =	sadd.s32 $0xFFFFF800, s19;
	[sflag:s8] =	ssyncset.done $0x0  }
0x27d: {  	s16 =	simm.s32 @!p1 $0x7;
	[sflag:s8] =	ssyncadd.s32 $0xFFFFC000  }
0x27e: {  	[hbm4b:s13+s4] =	stream.linear.scatter [tilespmem:s9], [sflag:$0x9], $0x4000, $0x38;
	[tilespmem:$0x19000] =	vst v63  }
0x27f: {  	_ =	swait.ge @!p1 [sflag:s16], $0x4000  }
.Ltmp5:
0x280: {  	s13 =	simm.s32 @!p1 $0x9000;
	[sflag:s16] =	ssyncset.done @!p1 $0x0;
	(pc) =	sbr.rel @p0 .LBB2_12-.Ltmp5, $4  }
0x281: {  	[sflag:s16] =	ssyncadd.s32 @!p1 $0xFFFFC000  }
0x282: {  	[tilespmem:s13], [sflag:$0x2] =	stream.indirect.gather @!p1 [hbm4b:s2+s21], $0x80, s12, s21, $0xb8;
	[tilespmem:$0x19000] =	vst v63  }
0x283: {  	_ =	swait.ge [sflag:s10], $0x4000  }
0x284: {  	[sflag:s10] =	ssyncset.done $0x0  }
0x285: {  	[sflag:s10] =	ssyncadd.s32 $0xFFFFC000  }
0x286: {  	[hbm4b:s20+s4] =	stream.linear.scatter [tilespmem:s11], [sflag:$0xA], $0x4000, $0x38;
	[tilespmem:$0x19000] =	vst v63  }
0x287: {  	_ =	swait.ge [sflag:s29], $0x2800  }
0x288: {  	[sflag:s29] =	ssyncset.done $0x0  }
0x289: {  	s12 =	simm.s32 $0x0;
	s13 =	rddreg [dreg:$0xc];
	[sflag:s29] =	ssyncadd.s32 $0xFFFFD800  }
0x28a: {  	[tilespmem:s23], [sflag:$0xC] =	stream.linear.gather [hbm4b:s13+s12], $0x2800, $0x38;
	[tilespmem:$0x19000] =	vst v63  }
0x28b: {  	_ =	swait.ge [sflag:s25], $0x4000  }
0x28c: {  	[sflag:s25] =	ssyncset.done $0x0  }
0x28d: {  	[sflag:s25] =	ssyncadd.s32 $0xFFFFC000  }
0x28e: {  	[tilespmem:s31], [sflag:$0x1] =	stream.indirect.gather [hbm4b:s2+s30], $0x80, s12, s30, $0xb8;
	[tilespmem:$0x19000] =	vst v63  }
0x28f: {  	_ =	swait.ge [sflag:s15], $0x4000  }
0x290: {  	[sflag:s15] =	ssyncset.done $0x0  }
0x291: {  	[sflag:s15] =	ssyncadd.s32 $0xFFFFC000  }
0x292: {  	[tilespmem:s1], [sflag:$0x2] =	stream.indirect.gather [hbm4b:s2+s30], $0x80, s30, s30, $0xb8;
	[tilespmem:$0x19000] =	vst v63  }
0x293: {  	_ =	swait.ge [sflag:s5], $0x4000  }
0x294: {  	[sflag:s5] =	ssyncset.done $0x0  }
0x295: {  	s22 =	simm.s32 $0x100;
	[sflag:s5] =	ssyncadd.s32 $0xFFFFC000  }
0x296: {  	[tilespmem:s7], [sflag:$0x3] =	stream.indirect.gather [hbm4b:s2+s30], $0x80, s22, s30, $0xb8;
	[tilespmem:$0x19000] =	vst v63  }
0x297: {  	_ =	swait.ge [sflag:s0], $0x4000  }
0x298: {  	[sflag:s0] =	ssyncset.done $0x0;
	s20 =	rddreg [dreg:$0x16]  }
0x299: {  	s13 =	sadd.s32 $0xFFFFE000, s20;
	[sflag:s0] =	ssyncadd.s32 $0xFFFFC000  }
0x29a: {  	[hbm4b:s13+s4] =	stream.linear.scatter [tilespmem:s31], [sflag:$0x6], $0x4000, $0x38;
	[tilespmem:$0x19000] =	vst v63  }
0x29b: {  	_ =	swait.ge [sflag:s28], $0x4000  }
0x29c: {  	[sflag:s28] =	ssyncset.done $0x0  }
0x29d: {  	s16 =	simm.s32 $0x180;
	[sflag:s28] =	ssyncadd.s32 $0xFFFFC000  }
0x29e: {  	[tilespmem:s9], [sflag:$0x4] =	stream.indirect.gather [hbm4b:s2+s30], $0x80, s16, s30, $0xb8;
	[tilespmem:$0x19000] =	vst v63  }
0x29f: {  	_ =	swait.ge [sflag:s3], $0x4000  }
0x2a0: {  	[sflag:s3] =	ssyncset.done $0x0  }
0x2a1: {  	s18 =	sadd.s32 $0xFFFFE800, s20;
	[sflag:s3] =	ssyncadd.s32 $0xFFFFC000  }
0x2a2: {  	[hbm4b:s18+s4] =	stream.linear.scatter [tilespmem:s1], [sflag:$0x7], $0x4000, $0x38;
	[tilespmem:$0x19000] =	vst v63  }
0x2a3: {  	_ =	swait.ge [sflag:s17], $0x4000  }
0x2a4: {  	[sflag:s17] =	ssyncset.done $0x0  }
0x2a5: {  	s19 =	simm.s32 $0x200;
	[sflag:s17] =	ssyncadd.s32 $0xFFFFC000  }
0x2a6: {  	[tilespmem:s11], [sflag:$0x5] =	stream.indirect.gather [hbm4b:s2+s30], $0x80, s19, s30, $0xb8;
	[tilespmem:$0x19000] =	vst v63  }
0x2a7: {  	_ =	swait.ge [sflag:s6], $0x4000  }
0x2a8: {  	p0 =	por $0x0, $0x0;
	[sflag:s6] =	ssyncset.done $0x0  }
0x2a9: {  	s21 =	sadd.s32 $0xFFFFF000, s20;
	s13 =	simm.s32 @!p0 $0x6;
	[sflag:s6] =	ssyncadd.s32 $0xFFFFC000  }
0x2aa: {  	[hbm4b:s21+s4] =	stream.linear.scatter [tilespmem:s7], [sflag:$0x8], $0x4000, $0x38;
	[tilespmem:$0x19000] =	vst v63  }
0x2ab: {  	_ =	swait.ge @!p0 [sflag:s13], $0x4000  }
0x2ac: {  	s12 =	simm.s32 @!p0 $0x280;
	[sflag:s13] =	ssyncset.done @!p0 $0x0  }
0x2ad: {  	s16 =	simm.s32 @!p0 $0x80;
	[sflag:s13] =	ssyncadd.s32 @!p0 $0xFFFFC000;
	s13 =	simm.s32 @!p0 $0x5000  }
0x2ae: {  	[tilespmem:s13], [sflag:$0x1] =	stream.indirect.gather @!p0 [hbm4b:s2+s16], $0x80, s12, s16, $0xb8;
	[tilespmem:$0x19000] =	vst v63  }
0x2af: {  	_ =	swait.ge [sflag:s8], $0x4000  }
0x2b0: {  	[sflag:s8] =	ssyncset.done $0x0  }
0x2b1: {  	s22 =	sadd.s32 $0xFFFFF800, s20;
	s13 =	simm.s32 @!p0 $0x7;
	[sflag:s8] =	ssyncadd.s32 $0xFFFFC000  }
0x2b2: {  	[hbm4b:s22+s4] =	stream.linear.scatter [tilespmem:s9], [sflag:$0x9], $0x4000, $0x38;
	[tilespmem:$0x19000] =	vst v63  }
0x2b3: {  	_ =	swait.ge @!p0 [sflag:s13], $0x4000  }
0x2b4: {  	[sflag:s13] =	ssyncset.done @!p0 $0x0  }
0x2b5: {  	s12 =	simm.s32 @!p0 $0x300;
	[sflag:s13] =	ssyncadd.s32 @!p0 $0xFFFFC000;
	s13 =	simm.s32 @!p0 $0x9000  }
0x2b6: {  	[tilespmem:s13], [sflag:$0x2] =	stream.indirect.gather @!p0 [hbm4b:s2+s16], $0x80, s12, s16, $0xb8;
	[tilespmem:$0x19000] =	vst v63  }
0x2b7: {  	_ =	swait.ge [sflag:s10], $0x4000  }
0x2b8: {  	s18 =	simm.s32 $0xA00;
	s19 =	smov.u32 s20;
	[sflag:s10] =	ssyncset.done $0x0  }
.LBB2_14:
0x2b9: {  	[sflag:s10] =	ssyncadd.s32 $0xFFFFC000  }
0x2ba: {  	s19 =	sadd.s32 $0x2800, s19;
	s12 =	smov.u32 s18;
	s18 =	sadd.s32 $0xA00, s18  }
0x2bb: {  	[hbm4b:s20+s4] =	stream.linear.scatter [tilespmem:s11], [sflag:$0xA], $0x4000, $0x38;
	[tilespmem:$0x19000] =	vst v63  }
0x2bc: {  	s13 =	sshra.s32 s12, $0x2;
	p0 =	sne.s32 s18, $0xA000;
	_ =	swait.ge [sflag:s5], $0x4000  }
0x2bd: {  	s20 =	smov.u32 s19;
	s16 =	sadd.s32 $0x100, s13;
	[sflag:s5] =	ssyncset.done $0x0  }
0x2be: {  	[sflag:s5] =	ssyncadd.s32 $0xFFFFC000  }
0x2bf: {  	[tilespmem:s7], [sflag:$0x3] =	stream.indirect.gather [hbm4b:s2+s30], $0x80, s16, s30, $0xb8;
	[tilespmem:$0x19000] =	vst v63  }
0x2c0: {  	_ =	swait.ge [sflag:s0], $0x4000  }
0x2c1: {  	s16 =	sadd.s32 $0xFFFFE000, s19;
	[sflag:s0] =	ssyncset.done $0x0  }
0x2c2: {  	[sflag:s0] =	ssyncadd.s32 $0xFFFFC000  }
0x2c3: {  	[hbm4b:s16+s4] =	stream.linear.scatter [tilespmem:s31], [sflag:$0x6], $0x4000, $0x38;
	[tilespmem:$0x19000] =	vst v63  }
0x2c4: {  	_ =	swait.ge [sflag:s28], $0x4000  }
0x2c5: {  	s16 =	sadd.s32 $0x180, s13;
	[sflag:s28] =	ssyncset.done $0x0  }
0x2c6: {  	[sflag:s28] =	ssyncadd.s32 $0xFFFFC000  }
0x2c7: {  	[tilespmem:s9], [sflag:$0x4] =	stream.indirect.gather [hbm4b:s2+s30], $0x80, s16, s30, $0xb8;
	[tilespmem:$0x19000] =	vst v63  }
0x2c8: {  	_ =	swait.ge [sflag:s3], $0x4000  }
0x2c9: {  	s16 =	sadd.s32 $0xFFFFE800, s19;
	[sflag:s3] =	ssyncset.done $0x0  }
0x2ca: {  	[sflag:s3] =	ssyncadd.s32 $0xFFFFC000  }
0x2cb: {  	[hbm4b:s16+s4] =	stream.linear.scatter [tilespmem:s1], [sflag:$0x7], $0x4000, $0x38;
	[tilespmem:$0x19000] =	vst v63  }
0x2cc: {  	_ =	swait.ge [sflag:s17], $0x4000  }
0x2cd: {  	s13 =	sadd.s32 $0x200, s13;
	[sflag:s17] =	ssyncset.done $0x0  }
0x2ce: {  	[sflag:s17] =	ssyncadd.s32 $0xFFFFC000  }
0x2cf: {  	[tilespmem:s11], [sflag:$0x5] =	stream.indirect.gather [hbm4b:s2+s30], $0x80, s13, s30, $0xb8;
	[tilespmem:$0x19000] =	vst v63  }
0x2d0: {  	_ =	swait.ge [sflag:s6], $0x4000  }
0x2d1: {  	p1 =	seq.s32 s12, $0x9600;
	s13 =	sadd.s32 $0xFFFFF000, s19;
	[sflag:s6] =	ssyncset.done $0x0  }
0x2d2: {  	s12 =	sshra.s32 @!p1 s12, $0x2;
	s16 =	simm.s32 @!p1 $0x6;
	[sflag:s6] =	ssyncadd.s32 $0xFFFFC000  }
0x2d3: {  	[hbm4b:s13+s4] =	stream.linear.scatter [tilespmem:s7], [sflag:$0x8], $0x4000, $0x38;
	[tilespmem:$0x19000] =	vst v63  }
0x2d4: {  	s13 =	sadd.s32 @!p1 $0x280, s12;
	s12 =	sadd.s32 @!p1 $0x300, s12;
	_ =	swait.ge @!p1 [sflag:s16], $0x4000  }
0x2d5: {  	s21 =	simm.s32 @!p1 $0x80;
	s22 =	simm.s32 @!p1 $0x5000;
	[sflag:s16] =	ssyncset.done @!p1 $0x0  }
0x2d6: {  	[sflag:s16] =	ssyncadd.s32 @!p1 $0xFFFFC000  }
0x2d7: {  	[tilespmem:s22], [sflag:$0x1] =	stream.indirect.gather @!p1 [hbm4b:s2+s21], $0x80, s13, s21, $0xb8;
	[tilespmem:$0x19000] =	vst v63  }
0x2d8: {  	_ =	swait.ge [sflag:s8], $0x4000  }
0x2d9: {  	s13 =	sadd.s32 $0xFFFFF800, s19;
	[sflag:s8] =	ssyncset.done $0x0  }
0x2da: {  	s16 =	simm.s32 @!p1 $0x7;
	[sflag:s8] =	ssyncadd.s32 $0xFFFFC000  }
0x2db: {  	[hbm4b:s13+s4] =	stream.linear.scatter [tilespmem:s9], [sflag:$0x9], $0x4000, $0x38;
	[tilespmem:$0x19000] =	vst v63  }
0x2dc: {  	_ =	swait.ge @!p1 [sflag:s16], $0x4000  }
.Ltmp6:
0x2dd: {  	s13 =	simm.s32 @!p1 $0x9000;
	[sflag:s16] =	ssyncset.done @!p1 $0x0;
	(pc) =	sbr.rel @p0 .LBB2_14-.Ltmp6, $4  }
0x2de: {  	[sflag:s16] =	ssyncadd.s32 @!p1 $0xFFFFC000  }
0x2df: {  	[tilespmem:s13], [sflag:$0x2] =	stream.indirect.gather @!p1 [hbm4b:s2+s21], $0x80, s12, s21, $0xb8;
	[tilespmem:$0x19000] =	vst v63  }
0x2e0: {  	_ =	swait.ge [sflag:s10], $0x4000  }
0x2e1: {  	[sflag:s10] =	ssyncset.done $0x0  }
0x2e2: {  	[sflag:s10] =	ssyncadd.s32 $0xFFFFC000  }
0x2e3: {  	[hbm4b:s20+s4] =	stream.linear.scatter [tilespmem:s11], [sflag:$0xA], $0x4000, $0x38;
	[tilespmem:$0x19000] =	vst v63  }
0x2e4: {  	_ =	swait.ge [sflag:s24], $0x2800  }
0x2e5: {  	[sflag:s24] =	ssyncset.done $0x0  }
0x2e6: {  	s12 =	simm.s32 $0x0;
	s13 =	rddreg [dreg:$0xd];
	[sflag:s24] =	ssyncadd.s32 $0xFFFFD800  }
0x2e7: {  	[tilespmem:s12], [sflag:$0xB] =	stream.linear.gather [hbm4b:s13+s12], $0x2800, $0x38;
	[tilespmem:$0x19000] =	vst v63  }
0x2e8: {  	_ =	swait.ge [sflag:s25], $0x4000  }
0x2e9: {  	[sflag:s25] =	ssyncset.done $0x0  }
0x2ea: {  	[sflag:s25] =	ssyncadd.s32 $0xFFFFC000  }
0x2eb: {  	[tilespmem:s31], [sflag:$0x1] =	stream.indirect.gather [hbm4b:s2+s30], $0x80, s23, s30, $0xb8;
	[tilespmem:$0x19000] =	vst v63  }
0x2ec: {  	_ =	swait.ge [sflag:s15], $0x4000  }
0x2ed: {  	[sflag:s15] =	ssyncset.done $0x0  }
0x2ee: {  	[sflag:s15] =	ssyncadd.s32 $0xFFFFC000  }
0x2ef: {  	[tilespmem:s1], [sflag:$0x2] =	stream.indirect.gather [hbm4b:s2+s30], $0x80, s26, s30, $0xb8;
	[tilespmem:$0x19000] =	vst v63  }
0x2f0: {  	_ =	swait.ge [sflag:s5], $0x4000  }
0x2f1: {  	[sflag:s5] =	ssyncset.done $0x0  }
0x2f2: {  	s22 =	simm.s32 $0x2900;
	[sflag:s5] =	ssyncadd.s32 $0xFFFFC000  }
0x2f3: {  	[tilespmem:s7], [sflag:$0x3] =	stream.indirect.gather [hbm4b:s2+s30], $0x80, s22, s30, $0xb8;
	[tilespmem:$0x19000] =	vst v63  }
0x2f4: {  	_ =	swait.ge [sflag:s0], $0x4000  }
0x2f5: {  	[sflag:s0] =	ssyncset.done $0x0;
	s20 =	rddreg [dreg:$0x17]  }
0x2f6: {  	s13 =	sadd.s32 $0xFFFFE000, s20;
	[sflag:s0] =	ssyncadd.s32 $0xFFFFC000  }
0x2f7: {  	[hbm4b:s13+s4] =	stream.linear.scatter [tilespmem:s31], [sflag:$0x6], $0x4000, $0x38;
	[tilespmem:$0x19000] =	vst v63  }
0x2f8: {  	_ =	swait.ge [sflag:s28], $0x4000  }
0x2f9: {  	[sflag:s28] =	ssyncset.done $0x0  }
0x2fa: {  	s16 =	simm.s32 $0x2980;
	[sflag:s28] =	ssyncadd.s32 $0xFFFFC000  }
0x2fb: {  	[tilespmem:s9], [sflag:$0x4] =	stream.indirect.gather [hbm4b:s2+s30], $0x80, s16, s30, $0xb8;
	[tilespmem:$0x19000] =	vst v63  }
0x2fc: {  	_ =	swait.ge [sflag:s3], $0x4000  }
0x2fd: {  	[sflag:s3] =	ssyncset.done $0x0  }
0x2fe: {  	s18 =	sadd.s32 $0xFFFFE800, s20;
	[sflag:s3] =	ssyncadd.s32 $0xFFFFC000  }
0x2ff: {  	[hbm4b:s18+s4] =	stream.linear.scatter [tilespmem:s1], [sflag:$0x7], $0x4000, $0x38;
	[tilespmem:$0x19000] =	vst v63  }
0x300: {  	_ =	swait.ge [sflag:s17], $0x4000  }
0x301: {  	[sflag:s17] =	ssyncset.done $0x0  }
0x302: {  	s19 =	simm.s32 $0x2A00;
	[sflag:s17] =	ssyncadd.s32 $0xFFFFC000  }
0x303: {  	[tilespmem:s11], [sflag:$0x5] =	stream.indirect.gather [hbm4b:s2+s30], $0x80, s19, s30, $0xb8;
	[tilespmem:$0x19000] =	vst v63  }
0x304: {  	_ =	swait.ge [sflag:s6], $0x4000  }
0x305: {  	p0 =	por $0x0, $0x0;
	[sflag:s6] =	ssyncset.done $0x0  }
0x306: {  	s21 =	sadd.s32 $0xFFFFF000, s20;
	s13 =	simm.s32 @!p0 $0x6;
	[sflag:s6] =	ssyncadd.s32 $0xFFFFC000  }
0x307: {  	[hbm4b:s21+s4] =	stream.linear.scatter [tilespmem:s7], [sflag:$0x8], $0x4000, $0x38;
	[tilespmem:$0x19000] =	vst v63  }
0x308: {  	_ =	swait.ge @!p0 [sflag:s13], $0x4000  }
0x309: {  	s12 =	simm.s32 @!p0 $0x2A80;
	[sflag:s13] =	ssyncset.done @!p0 $0x0  }
0x30a: {  	s16 =	simm.s32 @!p0 $0x80;
	[sflag:s13] =	ssyncadd.s32 @!p0 $0xFFFFC000;
	s13 =	simm.s32 @!p0 $0x5000  }
0x30b: {  	[tilespmem:s13], [sflag:$0x1] =	stream.indirect.gather @!p0 [hbm4b:s2+s16], $0x80, s12, s16, $0xb8;
	[tilespmem:$0x19000] =	vst v63  }
0x30c: {  	_ =	swait.ge [sflag:s8], $0x4000  }
0x30d: {  	[sflag:s8] =	ssyncset.done $0x0  }
0x30e: {  	s22 =	sadd.s32 $0xFFFFF800, s20;
	s13 =	simm.s32 @!p0 $0x7;
	[sflag:s8] =	ssyncadd.s32 $0xFFFFC000  }
0x30f: {  	[hbm4b:s22+s4] =	stream.linear.scatter [tilespmem:s9], [sflag:$0x9], $0x4000, $0x38;
	[tilespmem:$0x19000] =	vst v63  }
0x310: {  	_ =	swait.ge @!p0 [sflag:s13], $0x4000  }
0x311: {  	[sflag:s13] =	ssyncset.done @!p0 $0x0  }
0x312: {  	s12 =	simm.s32 @!p0 $0x2B00;
	[sflag:s13] =	ssyncadd.s32 @!p0 $0xFFFFC000;
	s13 =	simm.s32 @!p0 $0x9000  }
0x313: {  	[tilespmem:s13], [sflag:$0x2] =	stream.indirect.gather @!p0 [hbm4b:s2+s16], $0x80, s12, s16, $0xb8;
	[tilespmem:$0x19000] =	vst v63  }
0x314: {  	_ =	swait.ge [sflag:s10], $0x4000  }
0x315: {  	s18 =	simm.s32 $0xA00;
	s19 =	smov.u32 s20;
	[sflag:s10] =	ssyncset.done $0x0  }
.LBB2_16:
0x316: {  	[sflag:s10] =	ssyncadd.s32 $0xFFFFC000  }
0x317: {  	s19 =	sadd.s32 $0x2800, s19;
	s12 =	smov.u32 s18;
	s18 =	sadd.s32 $0xA00, s18  }
0x318: {  	[hbm4b:s20+s4] =	stream.linear.scatter [tilespmem:s11], [sflag:$0xA], $0x4000, $0x38;
	[tilespmem:$0x19000] =	vst v63  }
0x319: {  	s13 =	sshra.s32 s12, $0x2;
	p0 =	sne.s32 s18, $0xA000;
	_ =	swait.ge [sflag:s5], $0x4000  }
0x31a: {  	s20 =	smov.u32 s19;
	s16 =	sadd.s32 $0x2900, s13;
	[sflag:s5] =	ssyncset.done $0x0  }
0x31b: {  	[sflag:s5] =	ssyncadd.s32 $0xFFFFC000  }
0x31c: {  	[tilespmem:s7], [sflag:$0x3] =	stream.indirect.gather [hbm4b:s2+s30], $0x80, s16, s30, $0xb8;
	[tilespmem:$0x19000] =	vst v63  }
0x31d: {  	_ =	swait.ge [sflag:s0], $0x4000  }
0x31e: {  	s16 =	sadd.s32 $0xFFFFE000, s19;
	[sflag:s0] =	ssyncset.done $0x0  }
0x31f: {  	[sflag:s0] =	ssyncadd.s32 $0xFFFFC000  }
0x320: {  	[hbm4b:s16+s4] =	stream.linear.scatter [tilespmem:s31], [sflag:$0x6], $0x4000, $0x38;
	[tilespmem:$0x19000] =	vst v63  }
0x321: {  	_ =	swait.ge [sflag:s28], $0x4000  }
0x322: {  	s16 =	sadd.s32 $0x2980, s13;
	[sflag:s28] =	ssyncset.done $0x0  }
0x323: {  	[sflag:s28] =	ssyncadd.s32 $0xFFFFC000  }
0x324: {  	[tilespmem:s9], [sflag:$0x4] =	stream.indirect.gather [hbm4b:s2+s30], $0x80, s16, s30, $0xb8;
	[tilespmem:$0x19000] =	vst v63  }
0x325: {  	_ =	swait.ge [sflag:s3], $0x4000  }
0x326: {  	s16 =	sadd.s32 $0xFFFFE800, s19;
	[sflag:s3] =	ssyncset.done $0x0  }
0x327: {  	[sflag:s3] =	ssyncadd.s32 $0xFFFFC000  }
0x328: {  	[hbm4b:s16+s4] =	stream.linear.scatter [tilespmem:s1], [sflag:$0x7], $0x4000, $0x38;
	[tilespmem:$0x19000] =	vst v63  }
0x329: {  	_ =	swait.ge [sflag:s17], $0x4000  }
0x32a: {  	s13 =	sadd.s32 $0x2A00, s13;
	[sflag:s17] =	ssyncset.done $0x0  }
0x32b: {  	[sflag:s17] =	ssyncadd.s32 $0xFFFFC000  }
0x32c: {  	[tilespmem:s11], [sflag:$0x5] =	stream.indirect.gather [hbm4b:s2+s30], $0x80, s13, s30, $0xb8;
	[tilespmem:$0x19000] =	vst v63  }
0x32d: {  	_ =	swait.ge [sflag:s6], $0x4000  }
0x32e: {  	p1 =	seq.s32 s12, $0x9600;
	s13 =	sadd.s32 $0xFFFFF000, s19;
	[sflag:s6] =	ssyncset.done $0x0  }
0x32f: {  	s12 =	sshra.s32 @!p1 s12, $0x2;
	s16 =	simm.s32 @!p1 $0x6;
	[sflag:s6] =	ssyncadd.s32 $0xFFFFC000  }
0x330: {  	[hbm4b:s13+s4] =	stream.linear.scatter [tilespmem:s7], [sflag:$0x8], $0x4000, $0x38;
	[tilespmem:$0x19000] =	vst v63  }
0x331: {  	s13 =	sadd.s32 @!p1 $0x2A80, s12;
	s12 =	sadd.s32 @!p1 $0x2B00, s12;
	_ =	swait.ge @!p1 [sflag:s16], $0x4000  }
0x332: {  	s21 =	simm.s32 @!p1 $0x80;
	s22 =	simm.s32 @!p1 $0x5000;
	[sflag:s16] =	ssyncset.done @!p1 $0x0  }
0x333: {  	[sflag:s16] =	ssyncadd.s32 @!p1 $0xFFFFC000  }
0x334: {  	[tilespmem:s22], [sflag:$0x1] =	stream.indirect.gather @!p1 [hbm4b:s2+s21], $0x80, s13, s21, $0xb8;
	[tilespmem:$0x19000] =	vst v63  }
0x335: {  	_ =	swait.ge [sflag:s8], $0x4000  }
0x336: {  	s13 =	sadd.s32 $0xFFFFF800, s19;
	[sflag:s8] =	ssyncset.done $0x0  }
0x337: {  	s16 =	simm.s32 @!p1 $0x7;
	[sflag:s8] =	ssyncadd.s32 $0xFFFFC000  }
0x338: {  	[hbm4b:s13+s4] =	stream.linear.scatter [tilespmem:s9], [sflag:$0x9], $0x4000, $0x38;
	[tilespmem:$0x19000] =	vst v63  }
0x339: {  	_ =	swait.ge @!p1 [sflag:s16], $0x4000  }
.Ltmp7:
0x33a: {  	s13 =	simm.s32 @!p1 $0x9000;
	[sflag:s16] =	ssyncset.done @!p1 $0x0;
	(pc) =	sbr.rel @p0 .LBB2_16-.Ltmp7, $4  }
0x33b: {  	[sflag:s16] =	ssyncadd.s32 @!p1 $0xFFFFC000  }
0x33c: {  	[tilespmem:s13], [sflag:$0x2] =	stream.indirect.gather @!p1 [hbm4b:s2+s21], $0x80, s12, s21, $0xb8;
	[tilespmem:$0x19000] =	vst v63  }
0x33d: {  	_ =	swait.ge [sflag:s10], $0x4000  }
0x33e: {  	[sflag:s10] =	ssyncset.done $0x0  }
0x33f: {  	[sflag:s10] =	ssyncadd.s32 $0xFFFFC000  }
0x340: {  	[hbm4b:s20+s4] =	stream.linear.scatter [tilespmem:s11], [sflag:$0xA], $0x4000, $0x38;
	[tilespmem:$0x19000] =	vst v63  }
0x341: {  	_ =	swait.ge [sflag:s29], $0x2800  }
0x342: {  	[sflag:s29] =	ssyncset.done $0x0  }
0x343: {  	s12 =	simm.s32 $0x0;
	s13 =	rddreg [dreg:$0xe];
	[sflag:s29] =	ssyncadd.s32 $0xFFFFD800  }
0x344: {  	[tilespmem:s23], [sflag:$0xC] =	stream.linear.gather [hbm4b:s13+s12], $0x2800, $0x38;
	[tilespmem:$0x19000] =	vst v63  }
0x345: {  	_ =	swait.ge [sflag:s25], $0x4000  }
0x346: {  	[sflag:s25] =	ssyncset.done $0x0  }
0x347: {  	[sflag:s25] =	ssyncadd.s32 $0xFFFFC000  }
0x348: {  	[tilespmem:s31], [sflag:$0x1] =	stream.indirect.gather [hbm4b:s2+s30], $0x80, s12, s30, $0xb8;
	[tilespmem:$0x19000] =	vst v63  }
0x349: {  	_ =	swait.ge [sflag:s15], $0x4000  }
0x34a: {  	[sflag:s15] =	ssyncset.done $0x0  }
0x34b: {  	[sflag:s15] =	ssyncadd.s32 $0xFFFFC000  }
0x34c: {  	[tilespmem:s1], [sflag:$0x2] =	stream.indirect.gather [hbm4b:s2+s30], $0x80, s30, s30, $0xb8;
	[tilespmem:$0x19000] =	vst v63  }
0x34d: {  	_ =	swait.ge [sflag:s5], $0x4000  }
0x34e: {  	[sflag:s5] =	ssyncset.done $0x0  }
0x34f: {  	s13 =	simm.s32 $0x100;
	[sflag:s5] =	ssyncadd.s32 $0xFFFFC000  }
0x350: {  	[tilespmem:s7], [sflag:$0x3] =	stream.indirect.gather [hbm4b:s2+s30], $0x80, s13, s30, $0xb8;
	[tilespmem:$0x19000] =	vst v63  }
0x351: {  	_ =	swait.ge [sflag:s0], $0x4000  }
0x352: {  	[sflag:s0] =	ssyncset.done $0x0;
	s20 =	rddreg [dreg:$0x18]  }
0x353: {  	s16 =	sadd.s32 $0xFFFFE000, s20;
	[sflag:s0] =	ssyncadd.s32 $0xFFFFC000  }
0x354: {  	[hbm4b:s16+s4] =	stream.linear.scatter [tilespmem:s31], [sflag:$0x6], $0x4000, $0x38;
	[tilespmem:$0x19000] =	vst v63  }
0x355: {  	_ =	swait.ge [sflag:s28], $0x4000  }
0x356: {  	[sflag:s28] =	ssyncset.done $0x0  }
0x357: {  	s18 =	simm.s32 $0x180;
	[sflag:s28] =	ssyncadd.s32 $0xFFFFC000  }
0x358: {  	[tilespmem:s9], [sflag:$0x4] =	stream.indirect.gather [hbm4b:s2+s30], $0x80, s18, s30, $0xb8;
	[tilespmem:$0x19000] =	vst v63  }
0x359: {  	_ =	swait.ge [sflag:s3], $0x4000  }
0x35a: {  	[sflag:s3] =	ssyncset.done $0x0  }
0x35b: {  	s19 =	sadd.s32 $0xFFFFE800, s20;
	[sflag:s3] =	ssyncadd.s32 $0xFFFFC000  }
0x35c: {  	[hbm4b:s19+s4] =	stream.linear.scatter [tilespmem:s1], [sflag:$0x7], $0x4000, $0x38;
	[tilespmem:$0x19000] =	vst v63  }
0x35d: {  	_ =	swait.ge [sflag:s17], $0x4000  }
0x35e: {  	[sflag:s17] =	ssyncset.done $0x0  }
0x35f: {  	s21 =	simm.s32 $0x200;
	[sflag:s17] =	ssyncadd.s32 $0xFFFFC000  }
0x360: {  	[tilespmem:s11], [sflag:$0x5] =	stream.indirect.gather [hbm4b:s2+s30], $0x80, s21, s30, $0xb8;
	[tilespmem:$0x19000] =	vst v63  }
0x361: {  	_ =	swait.ge [sflag:s6], $0x4000  }
0x362: {  	p0 =	por $0x0, $0x0;
	[sflag:s6] =	ssyncset.done $0x0  }
0x363: {  	s13 =	simm.s32 @!p0 $0x6;
	s22 =	sadd.s32 $0xFFFFF000, s20;
	[sflag:s6] =	ssyncadd.s32 $0xFFFFC000  }
0x364: {  	[hbm4b:s22+s4] =	stream.linear.scatter [tilespmem:s7], [sflag:$0x8], $0x4000, $0x38;
	[tilespmem:$0x19000] =	vst v63  }
0x365: {  	_ =	swait.ge @!p0 [sflag:s13], $0x4000  }
0x366: {  	s12 =	simm.s32 @!p0 $0x280;
	[sflag:s13] =	ssyncset.done @!p0 $0x0  }
0x367: {  	s16 =	simm.s32 @!p0 $0x80;
	[sflag:s13] =	ssyncadd.s32 @!p0 $0xFFFFC000;
	s13 =	simm.s32 @!p0 $0x5000  }
0x368: {  	[tilespmem:s13], [sflag:$0x1] =	stream.indirect.gather @!p0 [hbm4b:s2+s16], $0x80, s12, s16, $0xb8;
	[tilespmem:$0x19000] =	vst v63  }
0x369: {  	_ =	swait.ge [sflag:s8], $0x4000  }
0x36a: {  	[sflag:s8] =	ssyncset.done $0x0  }
0x36b: {  	s29 =	sadd.s32 $0xFFFFF800, s20;
	s13 =	simm.s32 @!p0 $0x7;
	[sflag:s8] =	ssyncadd.s32 $0xFFFFC000  }
0x36c: {  	[hbm4b:s29+s4] =	stream.linear.scatter [tilespmem:s9], [sflag:$0x9], $0x4000, $0x38;
	[tilespmem:$0x19000] =	vst v63  }
0x36d: {  	_ =	swait.ge @!p0 [sflag:s13], $0x4000  }
0x36e: {  	[sflag:s13] =	ssyncset.done @!p0 $0x0  }
0x36f: {  	s12 =	simm.s32 @!p0 $0x300;
	[sflag:s13] =	ssyncadd.s32 @!p0 $0xFFFFC000;
	s13 =	simm.s32 @!p0 $0x9000  }
0x370: {  	[tilespmem:s13], [sflag:$0x2] =	stream.indirect.gather @!p0 [hbm4b:s2+s16], $0x80, s12, s16, $0xb8;
	[tilespmem:$0x19000] =	vst v63  }
0x371: {  	_ =	swait.ge [sflag:s10], $0x4000  }
0x372: {  	s18 =	simm.s32 $0xA00;
	s19 =	smov.u32 s20;
	[sflag:s10] =	ssyncset.done $0x0  }
.LBB2_18:
0x373: {  	[sflag:s10] =	ssyncadd.s32 $0xFFFFC000  }
0x374: {  	s19 =	sadd.s32 $0x2800, s19;
	s12 =	smov.u32 s18;
	s18 =	sadd.s32 $0xA00, s18  }
0x375: {  	[hbm4b:s20+s4] =	stream.linear.scatter [tilespmem:s11], [sflag:$0xA], $0x4000, $0x38;
	[tilespmem:$0x19000] =	vst v63  }
0x376: {  	s13 =	sshra.s32 s12, $0x2;
	p0 =	sne.s32 s18, $0xA000;
	_ =	swait.ge [sflag:s5], $0x4000  }
0x377: {  	s20 =	smov.u32 s19;
	s16 =	sadd.s32 $0x100, s13;
	[sflag:s5] =	ssyncset.done $0x0  }
0x378: {  	[sflag:s5] =	ssyncadd.s32 $0xFFFFC000  }
0x379: {  	[tilespmem:s7], [sflag:$0x3] =	stream.indirect.gather [hbm4b:s2+s30], $0x80, s16, s30, $0xb8;
	[tilespmem:$0x19000] =	vst v63  }
0x37a: {  	_ =	swait.ge [sflag:s0], $0x4000  }
0x37b: {  	s16 =	sadd.s32 $0xFFFFE000, s19;
	[sflag:s0] =	ssyncset.done $0x0  }
0x37c: {  	[sflag:s0] =	ssyncadd.s32 $0xFFFFC000  }
0x37d: {  	[hbm4b:s16+s4] =	stream.linear.scatter [tilespmem:s31], [sflag:$0x6], $0x4000, $0x38;
	[tilespmem:$0x19000] =	vst v63  }
0x37e: {  	_ =	swait.ge [sflag:s28], $0x4000  }
0x37f: {  	s16 =	sadd.s32 $0x180, s13;
	[sflag:s28] =	ssyncset.done $0x0  }
0x380: {  	[sflag:s28] =	ssyncadd.s32 $0xFFFFC000  }
0x381: {  	[tilespmem:s9], [sflag:$0x4] =	stream.indirect.gather [hbm4b:s2+s30], $0x80, s16, s30, $0xb8;
	[tilespmem:$0x19000] =	vst v63  }
0x382: {  	_ =	swait.ge [sflag:s3], $0x4000  }
0x383: {  	s16 =	sadd.s32 $0xFFFFE800, s19;
	[sflag:s3] =	ssyncset.done $0x0  }
0x384: {  	[sflag:s3] =	ssyncadd.s32 $0xFFFFC000  }
0x385: {  	[hbm4b:s16+s4] =	stream.linear.scatter [tilespmem:s1], [sflag:$0x7], $0x4000, $0x38;
	[tilespmem:$0x19000] =	vst v63  }
0x386: {  	_ =	swait.ge [sflag:s17], $0x4000  }
0x387: {  	s13 =	sadd.s32 $0x200, s13;
	[sflag:s17] =	ssyncset.done $0x0  }
0x388: {  	[sflag:s17] =	ssyncadd.s32 $0xFFFFC000  }
0x389: {  	[tilespmem:s11], [sflag:$0x5] =	stream.indirect.gather [hbm4b:s2+s30], $0x80, s13, s30, $0xb8;
	[tilespmem:$0x19000] =	vst v63  }
0x38a: {  	_ =	swait.ge [sflag:s6], $0x4000  }
0x38b: {  	p1 =	seq.s32 s12, $0x9600;
	s13 =	sadd.s32 $0xFFFFF000, s19;
	[sflag:s6] =	ssyncset.done $0x0  }
0x38c: {  	s12 =	sshra.s32 @!p1 s12, $0x2;
	s16 =	simm.s32 @!p1 $0x6;
	[sflag:s6] =	ssyncadd.s32 $0xFFFFC000  }
0x38d: {  	[hbm4b:s13+s4] =	stream.linear.scatter [tilespmem:s7], [sflag:$0x8], $0x4000, $0x38;
	[tilespmem:$0x19000] =	vst v63  }
0x38e: {  	s13 =	sadd.s32 @!p1 $0x280, s12;
	s12 =	sadd.s32 @!p1 $0x300, s12;
	_ =	swait.ge @!p1 [sflag:s16], $0x4000  }
0x38f: {  	s21 =	simm.s32 @!p1 $0x80;
	s22 =	simm.s32 @!p1 $0x5000;
	[sflag:s16] =	ssyncset.done @!p1 $0x0  }
0x390: {  	[sflag:s16] =	ssyncadd.s32 @!p1 $0xFFFFC000  }
0x391: {  	[tilespmem:s22], [sflag:$0x1] =	stream.indirect.gather @!p1 [hbm4b:s2+s21], $0x80, s13, s21, $0xb8;
	[tilespmem:$0x19000] =	vst v63  }
0x392: {  	_ =	swait.ge [sflag:s8], $0x4000  }
0x393: {  	s13 =	sadd.s32 $0xFFFFF800, s19;
	[sflag:s8] =	ssyncset.done $0x0  }
0x394: {  	s16 =	simm.s32 @!p1 $0x7;
	[sflag:s8] =	ssyncadd.s32 $0xFFFFC000  }
0x395: {  	[hbm4b:s13+s4] =	stream.linear.scatter [tilespmem:s9], [sflag:$0x9], $0x4000, $0x38;
	[tilespmem:$0x19000] =	vst v63  }
0x396: {  	_ =	swait.ge @!p1 [sflag:s16], $0x4000  }
.Ltmp8:
0x397: {  	s13 =	simm.s32 @!p1 $0x9000;
	[sflag:s16] =	ssyncset.done @!p1 $0x0;
	(pc) =	sbr.rel @p0 .LBB2_18-.Ltmp8, $4  }
0x398: {  	[sflag:s16] =	ssyncadd.s32 @!p1 $0xFFFFC000  }
0x399: {  	[tilespmem:s13], [sflag:$0x2] =	stream.indirect.gather @!p1 [hbm4b:s2+s21], $0x80, s12, s21, $0xb8;
	[tilespmem:$0x19000] =	vst v63  }
0x39a: {  	_ =	swait.ge [sflag:s10], $0x4000  }
0x39b: {  	[sflag:s10] =	ssyncset.done $0x0  }
0x39c: {  	[sflag:s10] =	ssyncadd.s32 $0xFFFFC000  }
0x39d: {  	[hbm4b:s20+s4] =	stream.linear.scatter [tilespmem:s11], [sflag:$0xA], $0x4000, $0x38;
	[tilespmem:$0x19000] =	vst v63  }
0x39e: {  	_ =	swait.ge [sflag:s24], $0x2800  }
0x39f: {  	[sflag:s24] =	ssyncset.done $0x0  }
0x3a0: {  	[sflag:s24] =	ssyncadd.s32 $0xFFFFD800  }
0x3a1: {  	_ =	swait.ge [sflag:s25], $0x4000  }
0x3a2: {  	[sflag:s25] =	ssyncset.done $0x0  }
0x3a3: {  	[sflag:s25] =	ssyncadd.s32 $0xFFFFC000  }
0x3a4: {  	[tilespmem:s31], [sflag:$0x1] =	stream.indirect.gather [hbm4b:s2+s30], $0x80, s23, s30, $0xb8;
	[tilespmem:$0x19000] =	vst v63  }
0x3a5: {  	_ =	swait.ge [sflag:s15], $0x4000  }
0x3a6: {  	[sflag:s15] =	ssyncset.done $0x0  }
0x3a7: {  	[sflag:s15] =	ssyncadd.s32 $0xFFFFC000  }
0x3a8: {  	[tilespmem:s1], [sflag:$0x2] =	stream.indirect.gather [hbm4b:s2+s30], $0x80, s26, s30, $0xb8;
	[tilespmem:$0x19000] =	vst v63  }
0x3a9: {  	_ =	swait.ge [sflag:s5], $0x4000  }
0x3aa: {  	[sflag:s5] =	ssyncset.done $0x0  }
0x3ab: {  	s12 =	simm.s32 $0x2900;
	[sflag:s5] =	ssyncadd.s32 $0xFFFFC000  }
0x3ac: {  	[tilespmem:s7], [sflag:$0x3] =	stream.indirect.gather [hbm4b:s2+s30], $0x80, s12, s30, $0xb8;
	[tilespmem:$0x19000] =	vst v63  }
0x3ad: {  	_ =	swait.ge [sflag:s0], $0x4000  }
0x3ae: {  	[sflag:s0] =	ssyncset.done $0x0;
	s20 =	rddreg [dreg:$0x19]  }
0x3af: {  	s19 =	sadd.s32 $0xFFFFE000, s20;
	[sflag:s0] =	ssyncadd.s32 $0xFFFFC000  }
0x3b0: {  	[hbm4b:s19+s4] =	stream.linear.scatter [tilespmem:s31], [sflag:$0x6], $0x4000, $0x38;
	[tilespmem:$0x19000] =	vst v63  }
0x3b1: {  	_ =	swait.ge [sflag:s28], $0x4000  }
0x3b2: {  	[sflag:s28] =	ssyncset.done $0x0  }
0x3b3: {  	s21 =	simm.s32 $0x2980;
	[sflag:s28] =	ssyncadd.s32 $0xFFFFC000  }
0x3b4: {  	[tilespmem:s9], [sflag:$0x4] =	stream.indirect.gather [hbm4b:s2+s30], $0x80, s21, s30, $0xb8;
	[tilespmem:$0x19000] =	vst v63  }
0x3b5: {  	_ =	swait.ge [sflag:s3], $0x4000  }
0x3b6: {  	[sflag:s3] =	ssyncset.done $0x0  }
0x3b7: {  	s22 =	sadd.s32 $0xFFFFE800, s20;
	[sflag:s3] =	ssyncadd.s32 $0xFFFFC000  }
0x3b8: {  	[hbm4b:s22+s4] =	stream.linear.scatter [tilespmem:s1], [sflag:$0x7], $0x4000, $0x38;
	[tilespmem:$0x19000] =	vst v63  }
0x3b9: {  	_ =	swait.ge [sflag:s17], $0x4000  }
0x3ba: {  	[sflag:s17] =	ssyncset.done $0x0  }
0x3bb: {  	s24 =	simm.s32 $0x2A00;
	[sflag:s17] =	ssyncadd.s32 $0xFFFFC000  }
0x3bc: {  	[tilespmem:s11], [sflag:$0x5] =	stream.indirect.gather [hbm4b:s2+s30], $0x80, s24, s30, $0xb8;
	[tilespmem:$0x19000] =	vst v63  }
0x3bd: {  	_ =	swait.ge [sflag:s6], $0x4000  }
0x3be: {  	p0 =	por $0x0, $0x0;
	[sflag:s6] =	ssyncset.done $0x0  }
0x3bf: {  	s13 =	simm.s32 @!p0 $0x6;
	s26 =	sadd.s32 $0xFFFFF000, s20;
	[sflag:s6] =	ssyncadd.s32 $0xFFFFC000  }
0x3c0: {  	[hbm4b:s26+s4] =	stream.linear.scatter [tilespmem:s7], [sflag:$0x8], $0x4000, $0x38;
	[tilespmem:$0x19000] =	vst v63  }
0x3c1: {  	_ =	swait.ge @!p0 [sflag:s13], $0x4000  }
0x3c2: {  	s16 =	simm.s32 @!p0 $0x80;
	[sflag:s13] =	ssyncset.done @!p0 $0x0  }
0x3c3: {  	s12 =	simm.s32 @!p0 $0x2A80;
	[sflag:s13] =	ssyncadd.s32 @!p0 $0xFFFFC000;
	s13 =	simm.s32 @!p0 $0x5000  }
0x3c4: {  	[tilespmem:s13], [sflag:$0x1] =	stream.indirect.gather @!p0 [hbm4b:s2+s16], $0x80, s12, s16, $0xb8;
	[tilespmem:$0x19000] =	vst v63  }
0x3c5: {  	_ =	swait.ge [sflag:s8], $0x4000  }
0x3c6: {  	[sflag:s8] =	ssyncset.done $0x0  }
0x3c7: {  	s29 =	sadd.s32 $0xFFFFF800, s20;
	s13 =	simm.s32 @!p0 $0x7;
	[sflag:s8] =	ssyncadd.s32 $0xFFFFC000  }
0x3c8: {  	[hbm4b:s29+s4] =	stream.linear.scatter [tilespmem:s9], [sflag:$0x9], $0x4000, $0x38;
	[tilespmem:$0x19000] =	vst v63  }
0x3c9: {  	_ =	swait.ge @!p0 [sflag:s13], $0x4000  }
0x3ca: {  	[sflag:s13] =	ssyncset.done @!p0 $0x0  }
0x3cb: {  	s12 =	simm.s32 @!p0 $0x2B00;
	[sflag:s13] =	ssyncadd.s32 @!p0 $0xFFFFC000;
	s13 =	simm.s32 @!p0 $0x9000  }
0x3cc: {  	[tilespmem:s13], [sflag:$0x2] =	stream.indirect.gather @!p0 [hbm4b:s2+s16], $0x80, s12, s16, $0xb8;
	[tilespmem:$0x19000] =	vst v63  }
0x3cd: {  	_ =	swait.ge [sflag:s10], $0x4000  }
0x3ce: {  	s18 =	simm.s32 $0xA00;
	s19 =	smov.u32 s20;
	[sflag:s10] =	ssyncset.done $0x0  }
.LBB2_20:
0x3cf: {  	[sflag:s10] =	ssyncadd.s32 $0xFFFFC000  }
0x3d0: {  	s19 =	sadd.s32 $0x2800, s19;
	s12 =	smov.u32 s18;
	s18 =	sadd.s32 $0xA00, s18  }
0x3d1: {  	[hbm4b:s20+s4] =	stream.linear.scatter [tilespmem:s11], [sflag:$0xA], $0x4000, $0x38;
	[tilespmem:$0x19000] =	vst v63  }
0x3d2: {  	s13 =	sshra.s32 s12, $0x2;
	p0 =	sne.s32 s18, $0xA000;
	_ =	swait.ge [sflag:s5], $0x4000  }
0x3d3: {  	s20 =	smov.u32 s19;
	s16 =	sadd.s32 $0x2900, s13;
	[sflag:s5] =	ssyncset.done $0x0  }
0x3d4: {  	[sflag:s5] =	ssyncadd.s32 $0xFFFFC000  }
0x3d5: {  	[tilespmem:s7], [sflag:$0x3] =	stream.indirect.gather [hbm4b:s2+s30], $0x80, s16, s30, $0xb8;
	[tilespmem:$0x19000] =	vst v63  }
0x3d6: {  	_ =	swait.ge [sflag:s0], $0x4000  }
0x3d7: {  	s16 =	sadd.s32 $0xFFFFE000, s19;
	[sflag:s0] =	ssyncset.done $0x0  }
0x3d8: {  	[sflag:s0] =	ssyncadd.s32 $0xFFFFC000  }
0x3d9: {  	[hbm4b:s16+s4] =	stream.linear.scatter [tilespmem:s31], [sflag:$0x6], $0x4000, $0x38;
	[tilespmem:$0x19000] =	vst v63  }
0x3da: {  	_ =	swait.ge [sflag:s28], $0x4000  }
0x3db: {  	s16 =	sadd.s32 $0x2980, s13;
	[sflag:s28] =	ssyncset.done $0x0  }
0x3dc: {  	[sflag:s28] =	ssyncadd.s32 $0xFFFFC000  }
0x3dd: {  	[tilespmem:s9], [sflag:$0x4] =	stream.indirect.gather [hbm4b:s2+s30], $0x80, s16, s30, $0xb8;
	[tilespmem:$0x19000] =	vst v63  }
0x3de: {  	_ =	swait.ge [sflag:s3], $0x4000  }
0x3df: {  	s16 =	sadd.s32 $0xFFFFE800, s19;
	[sflag:s3] =	ssyncset.done $0x0  }
0x3e0: {  	[sflag:s3] =	ssyncadd.s32 $0xFFFFC000  }
0x3e1: {  	[hbm4b:s16+s4] =	stream.linear.scatter [tilespmem:s1], [sflag:$0x7], $0x4000, $0x38;
	[tilespmem:$0x19000] =	vst v63  }
0x3e2: {  	_ =	swait.ge [sflag:s17], $0x4000  }
0x3e3: {  	s13 =	sadd.s32 $0x2A00, s13;
	[sflag:s17] =	ssyncset.done $0x0  }
0x3e4: {  	[sflag:s17] =	ssyncadd.s32 $0xFFFFC000  }
0x3e5: {  	[tilespmem:s11], [sflag:$0x5] =	stream.indirect.gather [hbm4b:s2+s30], $0x80, s13, s30, $0xb8;
	[tilespmem:$0x19000] =	vst v63  }
0x3e6: {  	_ =	swait.ge [sflag:s6], $0x4000  }
0x3e7: {  	p1 =	seq.s32 s12, $0x9600;
	s13 =	sadd.s32 $0xFFFFF000, s19;
	[sflag:s6] =	ssyncset.done $0x0  }
0x3e8: {  	s12 =	sshra.s32 @!p1 s12, $0x2;
	s16 =	simm.s32 @!p1 $0x6;
	[sflag:s6] =	ssyncadd.s32 $0xFFFFC000  }
0x3e9: {  	[hbm4b:s13+s4] =	stream.linear.scatter [tilespmem:s7], [sflag:$0x8], $0x4000, $0x38;
	[tilespmem:$0x19000] =	vst v63  }
0x3ea: {  	s13 =	sadd.s32 @!p1 $0x2A80, s12;
	s12 =	sadd.s32 @!p1 $0x2B00, s12;
	_ =	swait.ge @!p1 [sflag:s16], $0x4000  }
0x3eb: {  	s21 =	simm.s32 @!p1 $0x80;
	s22 =	simm.s32 @!p1 $0x5000;
	[sflag:s16] =	ssyncset.done @!p1 $0x0  }
0x3ec: {  	[sflag:s16] =	ssyncadd.s32 @!p1 $0xFFFFC000  }
0x3ed: {  	[tilespmem:s22], [sflag:$0x1] =	stream.indirect.gather @!p1 [hbm4b:s2+s21], $0x80, s13, s21, $0xb8;
	[tilespmem:$0x19000] =	vst v63  }
0x3ee: {  	_ =	swait.ge [sflag:s8], $0x4000  }
0x3ef: {  	s13 =	sadd.s32 $0xFFFFF800, s19;
	[sflag:s8] =	ssyncset.done $0x0  }
0x3f0: {  	s16 =	simm.s32 @!p1 $0x7;
	[sflag:s8] =	ssyncadd.s32 $0xFFFFC000  }
0x3f1: {  	[hbm4b:s13+s4] =	stream.linear.scatter [tilespmem:s9], [sflag:$0x9], $0x4000, $0x38;
	[tilespmem:$0x19000] =	vst v63  }
0x3f2: {  	_ =	swait.ge @!p1 [sflag:s16], $0x4000  }
.Ltmp9:
0x3f3: {  	s13 =	simm.s32 @!p1 $0x9000;
	[sflag:s16] =	ssyncset.done @!p1 $0x0;
	(pc) =	sbr.rel @p0 .LBB2_20-.Ltmp9, $4  }
0x3f4: {  	[sflag:s16] =	ssyncadd.s32 @!p1 $0xFFFFC000  }
0x3f5: {  	[tilespmem:s13], [sflag:$0x2] =	stream.indirect.gather @!p1 [hbm4b:s2+s21], $0x80, s12, s21, $0xb8;
	[tilespmem:$0x19000] =	vst v63  }
0x3f6: {  	_ =	swait.ge [sflag:s10], $0x4000  }
0x3f7: {  	[sflag:s10] =	ssyncset.done $0x0  }
0x3f8: {  	[sflag:s10] =	ssyncadd.s32 $0xFFFFC000  }
0x3f9: {  	[hbm4b:s20+s4] =	stream.linear.scatter [tilespmem:s11], [sflag:$0xA], $0x4000, $0x38;
	[tilespmem:$0x19000] =	vst v63  }
0x3fa: {  	_ =	swait.ge [sflag:s25], $0x4000  }
0x3fb: {  	[sflag:s25] =	ssyncset.done $0x0  }
0x3fc: {  	[sflag:s25] =	ssyncadd.s32 $0xFFFFC000  }
0x3fd: {  	_ =	swait.ge [sflag:s15], $0x4000  }
0x3fe: {  	[sflag:s15] =	ssyncset.done $0x0  }
0x3ff: {  	[sflag:s15] =	ssyncadd.s32 $0xFFFFC000  }
0x400: {  	_ =	swait.ge [sflag:s5], $0x4000  }
0x401: {  	[sflag:s5] =	ssyncset.done $0x0  }
0x402: {  	[sflag:s5] =	ssyncadd.s32 $0xFFFFC000  }
0x403: {  	_ =	swait.ge [sflag:s28], $0x4000  }
0x404: {  	[sflag:s28] =	ssyncset.done $0x0  }
0x405: {  	[sflag:s28] =	ssyncadd.s32 $0xFFFFC000  }
0x406: {  	_ =	swait.ge [sflag:s17], $0x4000  }
0x407: {  	s13 =	rddreg [dreg:$0x1a]  }
0x408: {  	s12 =	rddreg [dreg:$0x10];
	s13 =	sadd.s32 $0x1, s13  }
0x409: {  	p0 =	sne.s32 s13, s12  }
.Ltmp10:
0x40a: {  	_ = 	snop;
	(pc) =	sbr.rel @p0 .LBB2_1-.Ltmp10, $3  }
0x40b: {  	_ =	sdelay $0x1  }
0x40c: {  	[sflag:s17] =	ssyncset.done $0x0  }
0x40d: {  	[sflag:s17] =	ssyncadd.s32 $0xFFFFC000  }
0x40e: {  	_ =	sfence.sel $0x180000  }
0x40f: {  	[bflag:$0x0] =	sbarrier.arrive $0xFFFF  }
0x410: {  	_ =	strace $0x90000047  }
0x411: {  	s0 =	stileid.u32;
	[bflag:$0x2] =	sbarrier.arrive $0xFFFF  }
0x412: {  	p0 =	sne.s32 s0, $0x0;
	s0 =	rddreg [dreg:$0x3]  }
0x413: {  	s0 =	sadd.s32 @!p0 $0x100000, s0  }
0x414: {  	[sflag:s0] =	ssyncadd.tile.s32 @!p0 $0x1;
	_ =	shalt  }
.Lfunc_end2:
_tile_overlayer_lowered:
.L_overlay_start_2:
0x415: {  	(tag) =	ssettag $0x2  }
0x416: {  	s0 =	rddreg [dreg:$0x0];
	s2 =	stileid.u32  }
0x417: {  	s1 =	rddreg [dreg:$0x1];
	p0 =	sne.s32 s2, $0x0  }
0x418: {  	s3 =	rddreg [dreg:$0x2];
	[bflag:$0x3] =	sbarrier.arrive $0xFFFF;
	s2 =	simm.s32 @!p0 $0x1C0D  }
0x419: {  	[timem:s3], [sflag:s2] =	dma.local @!p0 [hbm:s0], s1  }
0x41a: {  	s0 =	simm.s32 @!p0 $0xD  }
0x41b: {  	_ =	swait.ge @!p0 [sflag:s0], s1  }
0x41c: {  	s1 =	ssub.s32 @!p0 $0x0, s1;
	[sflag:s0] =	ssyncset.done @!p0 $0x0  }
0x41d: {  	[sflag:s0] =	ssyncadd.s32 @!p0 s1  }
0x41e: {  	[bflag:$0x3] =	sbarrier.arrive $0xFFFF  }
0x41f: {  	_ =	shalt  }

</sc_bundles>
